<compile_context>
chip_gen: v7x
topology: tpu7x:2x2x1
jax: 0.10.2.dev20260603
libtpu: 0.0.44.dev20260713+nightly
codegen_flags: <defaults>
</compile_context>

<pallas_src>
import jax
import jax.numpy as jnp
import numpy as np
from jax import lax
from jax.experimental import pallas as pl
from jax.experimental.pallas import tpu as pltpu
from jax.experimental.pallas import tpu_sc as plsc

N_LEVELS = 16
LOG2_T = 19
T = 1 << LOG2_T
TMASK = T - 1
BASE_RES = 16
PER_LEVEL_SCALE = 1.4472692012786865
N_PTS = 524288

RES = [int(np.floor(BASE_RES * PER_LEVEL_SCALE ** l)) for l in range(N_LEVELS)]
P1 = int(np.uint32(2654435761).astype(np.int64)) - (1 << 32)
P2 = 805459861


_MLP_BLK = 4096


def _mlp_body(x4_ref, w0_ref, w1_ref, w2_ref, o_ref):
    xb = x4_ref[...]
    x3 = xb[0:3, :]
    t1 = xb[3:4, :]
    ang_x = jnp.concatenate([x3 * (2.0 ** d) for d in range(4)], axis=0)
    ang_t = jnp.concatenate([t1 * (2.0 ** d) for d in range(4)], axis=0)
    h = jnp.concatenate(
        [jnp.sin(ang_x), jnp.cos(ang_x), jnp.sin(ang_t), jnp.cos(ang_t)], axis=0
    )
    dn = (((0,), (0,)), ((), ()))
    z0 = jnp.maximum(
        lax.dot_general(w0_ref[...], h, dn, preferred_element_type=jnp.float32), 0.0)
    z1 = jnp.maximum(
        lax.dot_general(w1_ref[...], z0, dn, preferred_element_type=jnp.float32), 0.0)
    dx = lax.dot_general(w2_ref[...], z1, dn, preferred_element_type=jnp.float32)
    o_ref[...] = x3 + dx


def _mlp_call(x4, W0, W1, W2):
    n = x4.shape[1]
    return pl.pallas_call(
        _mlp_body,
        grid=(n // _MLP_BLK,),
        in_specs=[
            pl.BlockSpec((4, _MLP_BLK), lambda i: (0, i)),
            pl.BlockSpec((32, 64), lambda i: (0, 0)),
            pl.BlockSpec((64, 64), lambda i: (0, 0)),
            pl.BlockSpec((64, 3), lambda i: (0, 0)),
        ],
        out_specs=pl.BlockSpec((3, _MLP_BLK), lambda i: (0, i)),
        out_shape=jax.ShapeDtypeStruct((3, n), jnp.float32),
    )(x4, W0, W1, W2)



NC = 2
NS = 16
NW = NC * NS
LANES = 16
PTS_PER_TILE = N_PTS // NW
C = 512
CHUNKS = PTS_PER_TILE // C
PAIRS = (CHUNKS - 2) // 2
RS = T // NS


def _sc_body(xdefT, tbl, out,
             sh0, sh1, xva, xvb, idxa, idxb, wva, wvb,
             r0a, r1a, r0b, r1b, oa, ob,
             sga, sgb, sx, soa, sob):
    cid = lax.axis_index("c")
    sid = lax.axis_index("s")
    wid = sid * NC + cid
    base0 = wid * PTS_PER_TILE

    def load_x(ch, xv):
        pltpu.async_copy(xdefT.at[:, pl.ds(base0 + ch * C, C)], xv, sx)

    def wait_x(ch, xv):
        pltpu.make_async_copy(
            xdefT.at[:, pl.ds(base0 + ch * C, C)], xv, sx).wait()

    def pass_a(res, xv, idxv, wv):
        @plsc.parallel_loop(0, C // LANES, unroll=2)
        def body(s):
            off = s * LANES
            x0 = xv[0, pl.ds(off, LANES)]
            x1 = xv[1, pl.ds(off, LANES)]
            x2 = xv[2, pl.ds(off, LANES)]

            def cellify(xj):
                pos = xj * res
                ci = pos.astype(jnp.int32)
                cf = ci.astype(jnp.float32)
                neg = cf > pos
                ci = jnp.where(neg, ci - 1, ci)
                cf = jnp.where(neg, cf - 1.0, cf)
                return ci, pos - cf

            c0, f0 = cellify(x0)
            c1, f1 = cellify(x1)
            c2, f2 = cellify(x2)
            m1 = c1 * P1
            m2 = c2 * P2
            m1b = m1 + P1
            m2b = m2 + P2
            c0b = c0 + 1
            a00 = lax.bitwise_xor(c0, m1)
            a01 = lax.bitwise_xor(c0b, m1)
            a10 = lax.bitwise_xor(c0, m1b)
            a11 = lax.bitwise_xor(c0b, m1b)
            g0 = 1.0 - f0
            g1 = 1.0 - f1
            g2 = 1.0 - f2
            w00 = g0 * g1
            w01 = f0 * g1
            w10 = g0 * f1
            w11 = f0 * f1
            corners = (
                (a00, m2, w00 * g2), (a01, m2, w01 * g2),
                (a10, m2, w10 * g2), (a11, m2, w11 * g2),
                (a00, m2b, w00 * f2), (a01, m2b, w01 * f2),
                (a10, m2b, w10 * f2), (a11, m2b, w11 * f2),
            )
            for c, (axy, mz, w) in enumerate(corners):
                idx = lax.bitwise_and(lax.bitwise_xor(axy, mz), TMASK)
                idxv[pl.ds(C * c + off, LANES)] = idx
                wv[c, pl.ds(off, LANES)] = w

    def fire_gather(idxv, r0, r1, sem):
        pltpu.async_copy(sh0.at[idxv], r0, sem)
        pltpu.async_copy(sh1.at[idxv], r1, sem)

    def wait_gather(idxv, r0, r1, sem):
        pltpu.make_async_copy(sh0.at[idxv], r0, sem).wait()
        pltpu.make_async_copy(sh1.at[idxv], r1, sem).wait()

    def pass_b(wv, r0, r1, outv2):
        @plsc.parallel_loop(0, C // LANES, unroll=2)
        def body(s):
            off = s * LANES
            acc0 = jnp.zeros((LANES,), jnp.float32)
            acc1 = jnp.zeros((LANES,), jnp.float32)
            for c in range(8):
                w = wv[c, pl.ds(off, LANES)]
                v0 = r0[pl.ds(C * c + off, LANES)]
                v1 = r1[pl.ds(C * c + off, LANES)]
                acc0 = acc0 + w * v0
                acc1 = acc1 + w * v1
            outv2[0, pl.ds(off, LANES)] = acc0
            outv2[1, pl.ds(off, LANES)] = acc1

    def out_dst(l, ch):
        return out.at[pl.ds(2 * l, 2), pl.ds(base0 + ch * C, C)]

    def fire_out(l, ch, outv2, sem):
        pltpu.async_copy(outv2, out_dst(l, ch), sem)

    def wait_out(l, ch, outv2, sem):
        pltpu.make_async_copy(outv2, out_dst(l, ch), sem).wait()

    def level_body(l, _):
        res = 0.0
        for i in range(N_LEVELS):
            res = jnp.where(l == i, float(RES[i]), res)
        pltpu.sync_copy(tbl.at[2 * l, pl.ds(sid * RS, RS)],
                        sh0.at[pl.ds(sid * RS, RS)])
        pltpu.sync_copy(tbl.at[2 * l + 1, pl.ds(sid * RS, RS)],
                        sh1.at[pl.ds(sid * RS, RS)])
        plsc.subcore_barrier()

        load_x(0, xva)
        wait_x(0, xva)
        load_x(1, xvb)
        pass_a(res, xva, idxa, wva)
        fire_gather(idxa, r0a, r1a, sga)

        def pair_body(k, _):
            chb = 2 * k + 1
            cha = 2 * k + 2
            wait_x(chb, xvb)
            pass_a(res, xvb, idxb, wvb)
            fire_gather(idxb, r0b, r1b, sgb)
            load_x(cha, xva)

            @pl.when(k > 0)
            def _():
                wait_out(l, cha - 4, oa, soa)
            wait_gather(idxa, r0a, r1a, sga)
            pass_b(wva, r0a, r1a, oa)
            fire_out(l, cha - 2, oa, soa)

            wait_x(cha, xva)
            pass_a(res, xva, idxa, wva)
            fire_gather(idxa, r0a, r1a, sga)
            load_x(cha + 1, xvb)

            @pl.when(k > 0)
            def _():
                wait_out(l, chb - 2, ob, sob)
            wait_gather(idxb, r0b, r1b, sgb)
            pass_b(wvb, r0b, r1b, ob)
            fire_out(l, chb, ob, sob)
            return 0

        lax.fori_loop(0, PAIRS, pair_body, 0)

        last = CHUNKS - 1
        wait_x(last, xvb)
        pass_a(res, xvb, idxb, wvb)
        fire_gather(idxb, r0b, r1b, sgb)

        wait_out(l, last - 3, oa, soa)
        wait_gather(idxa, r0a, r1a, sga)
        pass_b(wva, r0a, r1a, oa)
        fire_out(l, last - 1, oa, soa)

        wait_out(l, last - 2, ob, sob)
        wait_gather(idxb, r0b, r1b, sgb)
        pass_b(wvb, r0b, r1b, ob)
        fire_out(l, last, ob, sob)

        wait_out(l, last - 1, oa, soa)
        wait_out(l, last, ob, sob)
        plsc.subcore_barrier()
        return 0

    lax.fori_loop(0, N_LEVELS, level_body, 0)


def _sc_call(xdefT, tbl_planes):
    mesh = plsc.VectorSubcoreMesh(core_axis_name="c", subcore_axis_name="s")
    f = pl.kernel(
        _sc_body,
        out_type=jax.ShapeDtypeStruct((2 * N_LEVELS, N_PTS), jnp.float32),
        mesh=mesh,
        scratch_types=[
            pltpu.VMEM_SHARED((T,), jnp.float32),
            pltpu.VMEM_SHARED((T,), jnp.float32),
            pltpu.VMEM((3, C), jnp.float32),
            pltpu.VMEM((3, C), jnp.float32),
            pltpu.VMEM((8 * C,), jnp.int32),
            pltpu.VMEM((8 * C,), jnp.int32),
            pltpu.VMEM((8, C), jnp.float32),
            pltpu.VMEM((8, C), jnp.float32),
            pltpu.VMEM((8 * C,), jnp.float32),
            pltpu.VMEM((8 * C,), jnp.float32),
            pltpu.VMEM((8 * C,), jnp.float32),
            pltpu.VMEM((8 * C,), jnp.float32),
            pltpu.VMEM((2, C), jnp.float32),
            pltpu.VMEM((2, C), jnp.float32),
            pltpu.SemaphoreType.DMA,
            pltpu.SemaphoreType.DMA,
            pltpu.SemaphoreType.DMA,
            pltpu.SemaphoreType.DMA,
            pltpu.SemaphoreType.DMA,
        ],
    )
    return f(xdefT, tbl_planes)


def kernel(x, frame_time, table, W0, W1, W2):
    n = x.shape[0]
    xT = x.T
    t_row = jnp.broadcast_to(frame_time.reshape(1, 1), (1, n))
    x4 = jnp.concatenate([xT, t_row], axis=0)
    xdefT = _mlp_call(x4, W0, W1, W2)
    tbl_planes = table.transpose(0, 2, 1).reshape(2 * N_LEVELS, T)
    out32 = _sc_call(xdefT, tbl_planes)
    return out32.T

# --- scband reference (transcript-rebuilt; emitter-appended) ---
"""Pipeline reference for scband-tcnnencoding-spatial-time-deform-59863254172350 (READ-ONLY COPY).

The authoritative reference and input builder live on the scoring server;
editing this copy changes nothing except your own understanding.
"""

import jax, jax.numpy as jnp
import numpy as np

N_LEVELS = 16
F = 2
LOG2_T = 19
T = 1 << LOG2_T
BASE_RES = 16
PER_LEVEL_SCALE = 1.4472692012786865
N_PTS = 524288


def pe(x, min_deg=0, max_deg=4):
    # PEEncoder: sin/cos positional encoding
    scales = jnp.array([2.0 ** i for i in range(min_deg, max_deg)], dtype=jnp.float32)
    xb = (x[..., None, :] * scales[:, None]).reshape(x.shape[:-1] + ((max_deg - min_deg) * x.shape[-1],))
    return jnp.concatenate([jnp.sin(xb), jnp.cos(xb)], axis=-1)


def hash_encode(x, table):
    # Multi-resolution hash grid (tcnn HashGrid), trilinear interpolation.
    # x: [N,3] float32, table: [L, T, F] float32
    p0 = jnp.uint32(1)
    p1 = jnp.uint32(2654435761)
    p2 = jnp.uint32(805459861)
    outs = []
    for l in range(N_LEVELS):
        res = int(np.floor(BASE_RES * PER_LEVEL_SCALE ** l))
        pos = x * res
        cell = jnp.floor(pos)
        frac = pos - cell
        cell_u = cell.astype(jnp.int32).astype(jnp.uint32)
        out = jnp.zeros((x.shape[0], F), dtype=jnp.float32)
        for corner in range(8):
            o0 = (corner >> 0) & 1
            o1 = (corner >> 1) & 1
            o2 = (corner >> 2) & 1
            c0 = cell_u[:, 0] + jnp.uint32(o0)
            c1 = cell_u[:, 1] + jnp.uint32(o1)
            c2 = cell_u[:, 2] + jnp.uint32(o2)
            h = (c0 * p0) ^ (c1 * p1) ^ (c2 * p2)
            idx = (h % jnp.uint32(T)).astype(jnp.int32)
            w0 = frac[:, 0] if o0 else (1.0 - frac[:, 0])
            w1 = frac[:, 1] if o1 else (1.0 - frac[:, 1])
            w2 = frac[:, 2] if o2 else (1.0 - frac[:, 2])
            w = w0 * w1 * w2
            out = out + jnp.take(table[l], idx, axis=0) * w[:, None]
        outs.append(out)
    return jnp.concatenate(outs, axis=-1)


def setup_inputs(seed: int = 0) -> dict:
    key = jax.random.key(seed)
    ks = jax.random.split(key, 6)
    x = jax.random.uniform(ks[0], (N_PTS, 3), dtype=jnp.float32)
    frame_time = jax.random.uniform(ks[1], (1,), dtype=jnp.float32)
    table = (jax.random.uniform(ks[2], (N_LEVELS, T, F), dtype=jnp.float32) * 2.0 - 1.0) * 1e-4
    W0 = jax.random.normal(ks[3], (32, 64), dtype=jnp.float32) * (1.0 / np.sqrt(32))
    W1 = jax.random.normal(ks[4], (64, 64), dtype=jnp.float32) * (1.0 / np.sqrt(64))
    W2 = jax.random.normal(ks[5], (64, 3), dtype=jnp.float32) * (1.0 / np.sqrt(64))
    return {"x": x, "frame_time": frame_time, "table": table, "W0": W0, "W1": W1, "W2": W2}


def reference(x, frame_time, table, W0, W1, W2):
    # Deformation network: PE(xyz) + PE(t) -> VanillaMLP (bias=False, ReLU) -> dxyz
    t = jnp.broadcast_to(frame_time.reshape(1, 1), (x.shape[0], 1))
    h = jnp.concatenate([pe(x), pe(t)], axis=-1)  # [N, 32]
    h = jax.nn.relu(h @ W0)
    h = jax.nn.relu(h @ W1)
    dx = h @ W2
    x_def = x + dx
    # HashGrid encoding of deformed points
    return hash_encode(x_def, table)

if __name__ == "__main__":
    import jax
    _d = setup_inputs()
    print(jax.jit(kernel)(*tuple(_d.values())))

</pallas_src>

<mosaic_0001>
#map = affine_map<(d0, d1) -> (0, 0)>
module attributes {stable_mosaic.version = 14 : i64} {
  func.func @_sc_body(%arg0: i32, %arg1: i32, %arg2: memref<3x524288xf32, #tpu.memory_space<hbm>>, %arg3: memref<32x524288xf32, #tpu.memory_space<hbm>>, %arg4: memref<32x524288xf32, #tpu.memory_space<hbm>>, %arg5: memref<524288xf32, #tpu.memory_space<vmem_shared>>, %arg6: memref<524288xf32, #tpu.memory_space<vmem_shared>>, %arg7: memref<3x512xf32, #tpu.memory_space<vmem>>, %arg8: memref<3x512xf32, #tpu.memory_space<vmem>>, %arg9: memref<4096xi32, #tpu.memory_space<vmem>>, %arg10: memref<4096xi32, #tpu.memory_space<vmem>>, %arg11: memref<8x512xf32, #tpu.memory_space<vmem>>, %arg12: memref<8x512xf32, #tpu.memory_space<vmem>>, %arg13: memref<4096xf32, #tpu.memory_space<vmem>>, %arg14: memref<4096xf32, #tpu.memory_space<vmem>>, %arg15: memref<4096xf32, #tpu.memory_space<vmem>>, %arg16: memref<4096xf32, #tpu.memory_space<vmem>>, %arg17: memref<2x512xf32, #tpu.memory_space<vmem>>, %arg18: memref<2x512xf32, #tpu.memory_space<vmem>>, %arg19: memref<!tpu.dma_semaphore, #tpu.memory_space<semaphore_mem>>, %arg20: memref<!tpu.dma_semaphore, #tpu.memory_space<semaphore_mem>>, %arg21: memref<!tpu.dma_semaphore, #tpu.memory_space<semaphore_mem>>, %arg22: memref<!tpu.dma_semaphore, #tpu.memory_space<semaphore_mem>>, %arg23: memref<!tpu.dma_semaphore, #tpu.memory_space<semaphore_mem>>) attributes {dimension_semantics = [#tpu.dimension_semantics<core_parallel>, #tpu.dimension_semantics<subcore_parallel>], iteration_bounds = array<i64: 2, 16>, scalar_prefetch = 0 : i64, scratch_operands = 19 : i64, tpu.core_type = #tpu.core_type<sc_vector_subcore>, window_params = [{transform_indices = #map}, {transform_indices = #map}, {transform_indices = #map}]} {
    %mul3A = arith.constant 2 : i32
    %mul3A_0 = arith.muli %arg1, %mul3A : i32
    %add3A = arith.addi %mul3A_0, %arg0 : i32
    %mul3A_1 = arith.constant 16384 : i32
    %mul3A_2 = arith.muli %add3A, %mul3A_1 : i32
    %scan3A = arith.constant 0 : i32
    %scan3A_3 = arith.constant 0 : i32
    %scan3A_4 = arith.constant 16 : i32
    %scan3A_5 = arith.addi %scan3A_3, %scan3A_4 : i32
    %scan3A_6 = arith.constant 1 : i32
    %scan3A_7 = scf.for %scan3A_9 = %scan3A_3 to %scan3A_5 step %scan3A_6 iter_args(%scan3A_10 = %scan3A) -> (i32)  : i32 {
      %eq3A = arith.constant 0 : i32
      %eq3A_11 = arith.cmpi eq, %scan3A_9, %eq3A : i32
      %jit3A = arith.constant 1.600000e+01 : f32
      %jit3A_12 = arith.constant 0.000000e+00 : f32
      %select_n3A = arith.select %eq3A_11, %jit3A, %jit3A_12 : f32
      %eq3A_13 = arith.constant 1 : i32
      %eq3A_14 = arith.cmpi eq, %scan3A_9, %eq3A_13 : i32
      %jit3A_15 = arith.constant 2.300000e+01 : f32
      %select_n3A_16 = arith.select %eq3A_14, %jit3A_15, %select_n3A : f32
      %eq3A_17 = arith.constant 2 : i32
      %eq3A_18 = arith.cmpi eq, %scan3A_9, %eq3A_17 : i32
      %jit3A_19 = arith.constant 3.300000e+01 : f32
      %select_n3A_20 = arith.select %eq3A_18, %jit3A_19, %select_n3A_16 : f32
      %eq3A_21 = arith.constant 3 : i32
      %eq3A_22 = arith.cmpi eq, %scan3A_9, %eq3A_21 : i32
      %jit3A_23 = arith.constant 4.800000e+01 : f32
      %select_n3A_24 = arith.select %eq3A_22, %jit3A_23, %select_n3A_20 : f32
      %eq3A_25 = arith.constant 4 : i32
      %eq3A_26 = arith.cmpi eq, %scan3A_9, %eq3A_25 : i32
      %jit3A_27 = arith.constant 7.000000e+01 : f32
      %select_n3A_28 = arith.select %eq3A_26, %jit3A_27, %select_n3A_24 : f32
      %eq3A_29 = arith.constant 5 : i32
      %eq3A_30 = arith.cmpi eq, %scan3A_9, %eq3A_29 : i32
      %jit3A_31 = arith.constant 1.010000e+02 : f32
      %select_n3A_32 = arith.select %eq3A_30, %jit3A_31, %select_n3A_28 : f32
      %eq3A_33 = arith.constant 6 : i32
      %eq3A_34 = arith.cmpi eq, %scan3A_9, %eq3A_33 : i32
      %jit3A_35 = arith.constant 1.470000e+02 : f32
      %select_n3A_36 = arith.select %eq3A_34, %jit3A_35, %select_n3A_32 : f32
      %eq3A_37 = arith.constant 7 : i32
      %eq3A_38 = arith.cmpi eq, %scan3A_9, %eq3A_37 : i32
      %jit3A_39 = arith.constant 2.120000e+02 : f32
      %select_n3A_40 = arith.select %eq3A_38, %jit3A_39, %select_n3A_36 : f32
      %eq3A_41 = arith.constant 8 : i32
      %eq3A_42 = arith.cmpi eq, %scan3A_9, %eq3A_41 : i32
      %jit3A_43 = arith.constant 3.070000e+02 : f32
      %select_n3A_44 = arith.select %eq3A_42, %jit3A_43, %select_n3A_40 : f32
      %eq3A_45 = arith.constant 9 : i32
      %eq3A_46 = arith.cmpi eq, %scan3A_9, %eq3A_45 : i32
      %jit3A_47 = arith.constant 4.450000e+02 : f32
      %select_n3A_48 = arith.select %eq3A_46, %jit3A_47, %select_n3A_44 : f32
      %eq3A_49 = arith.constant 10 : i32
      %eq3A_50 = arith.cmpi eq, %scan3A_9, %eq3A_49 : i32
      %jit3A_51 = arith.constant 6.450000e+02 : f32
      %select_n3A_52 = arith.select %eq3A_50, %jit3A_51, %select_n3A_48 : f32
      %eq3A_53 = arith.constant 11 : i32
      %eq3A_54 = arith.cmpi eq, %scan3A_9, %eq3A_53 : i32
      %jit3A_55 = arith.constant 9.330000e+02 : f32
      %select_n3A_56 = arith.select %eq3A_54, %jit3A_55, %select_n3A_52 : f32
      %eq3A_57 = arith.constant 12 : i32
      %eq3A_58 = arith.cmpi eq, %scan3A_9, %eq3A_57 : i32
      %jit3A_59 = arith.constant 1.351000e+03 : f32
      %select_n3A_60 = arith.select %eq3A_58, %jit3A_59, %select_n3A_56 : f32
      %eq3A_61 = arith.constant 13 : i32
      %eq3A_62 = arith.cmpi eq, %scan3A_9, %eq3A_61 : i32
      %jit3A_63 = arith.constant 1.955000e+03 : f32
      %select_n3A_64 = arith.select %eq3A_62, %jit3A_63, %select_n3A_60 : f32
      %eq3A_65 = arith.constant 14 : i32
      %eq3A_66 = arith.cmpi eq, %scan3A_9, %eq3A_65 : i32
      %jit3A_67 = arith.constant 2.830000e+03 : f32
      %select_n3A_68 = arith.select %eq3A_66, %jit3A_67, %select_n3A_64 : f32
      %eq3A_69 = arith.constant 15 : i32
      %eq3A_70 = arith.cmpi eq, %scan3A_9, %eq3A_69 : i32
      %jit3A_71 = arith.constant 4.095000e+03 : f32
      %select_n3A_72 = arith.select %eq3A_70, %jit3A_71, %select_n3A_68 : f32
      %mul3A_73 = arith.constant 2 : i32
      %mul3A_74 = arith.muli %mul3A_73, %scan3A_9 : i32
      %mul3A_75 = arith.constant 32768 : i32
      %mul3A_76 = arith.muli %arg1, %mul3A_75 : i32
      %mul3A_77 = arith.constant 32768 : i32
      %mul3A_78 = arith.muli %arg1, %mul3A_77 : i32
      "tpu.region"() ({
        %run_scoped3A = tpu.sem_alloc : memref<!tpu.dma_semaphore, #tpu.memory_space<semaphore_mem>>
        %dma_start3A_181 = tpu.memref_slice %arg5[%mul3A_78] : memref<524288xf32, #tpu.memory_space<vmem_shared>> -> memref<32768xf32, #tpu.memory_space<vmem_shared>>
        %dma_start3A_182 = tpu.memref_slice %arg3[%mul3A_74, %mul3A_76] : memref<32x524288xf32, #tpu.memory_space<hbm>> -> memref<1x32768xf32, #tpu.memory_space<hbm>>
        %dma_start3A_183 = tpu.memref_squeeze %dma_start3A_182 : memref<1x32768xf32, #tpu.memory_space<hbm>> -> memref<32768xf32, #tpu.memory_space<hbm>>
        tpu.enqueue_dma source(%dma_start3A_183 : memref<32768xf32, #tpu.memory_space<hbm>>) target(%dma_start3A_181 : memref<32768xf32, #tpu.memory_space<vmem_shared>>) target_semaphore(%run_scoped3A : memref<!tpu.dma_semaphore, #tpu.memory_space<semaphore_mem>>)
        %dma_wait3A_184 = tpu.memref_slice %arg5[%mul3A_78] : memref<524288xf32, #tpu.memory_space<vmem_shared>> -> memref<32768xf32, #tpu.memory_space<vmem_shared>>
        %dma_wait3A_185 = tpu.memref_slice %arg3[%mul3A_74, %mul3A_76] : memref<32x524288xf32, #tpu.memory_space<hbm>> -> memref<1x32768xf32, #tpu.memory_space<hbm>>
        %dma_wait3A_186 = tpu.memref_squeeze %dma_wait3A_185 : memref<1x32768xf32, #tpu.memory_space<hbm>> -> memref<32768xf32, #tpu.memory_space<hbm>>
        tpu.wait_dma2 semaphore(%run_scoped3A : memref<!tpu.dma_semaphore, #tpu.memory_space<semaphore_mem>>) src(%dma_wait3A_186 : memref<32768xf32, #tpu.memory_space<hbm>>) dst(%dma_wait3A_184 : memref<32768xf32, #tpu.memory_space<vmem_shared>>)
        tpu.yield
      }) : () -> ()
      %mul3A_79 = arith.constant 2 : i32
      %mul3A_80 = arith.muli %mul3A_79, %scan3A_9 : i32
      %add3A_81 = arith.constant 1 : i32
      %add3A_82 = arith.addi %mul3A_80, %add3A_81 : i32
      %mul3A_83 = arith.constant 32768 : i32
      %mul3A_84 = arith.muli %arg1, %mul3A_83 : i32
      %mul3A_85 = arith.constant 32768 : i32
      %mul3A_86 = arith.muli %arg1, %mul3A_85 : i32
      "tpu.region"() ({
        %run_scoped3A = tpu.sem_alloc : memref<!tpu.dma_semaphore, #tpu.memory_space<semaphore_mem>>
        %dma_start3A_181 = tpu.memref_slice %arg6[%mul3A_86] : memref<524288xf32, #tpu.memory_space<vmem_shared>> -> memref<32768xf32, #tpu.memory_space<vmem_shared>>
        %dma_start3A_182 = tpu.memref_slice %arg3[%add3A_82, %mul3A_84] : memref<32x524288xf32, #tpu.memory_space<hbm>> -> memref<1x32768xf32, #tpu.memory_space<hbm>>
        %dma_start3A_183 = tpu.memref_squeeze %dma_start3A_182 : memref<1x32768xf32, #tpu.memory_space<hbm>> -> memref<32768xf32, #tpu.memory_space<hbm>>
        tpu.enqueue_dma source(%dma_start3A_183 : memref<32768xf32, #tpu.memory_space<hbm>>) target(%dma_start3A_181 : memref<32768xf32, #tpu.memory_space<vmem_shared>>) target_semaphore(%run_scoped3A : memref<!tpu.dma_semaphore, #tpu.memory_space<semaphore_mem>>)
        %dma_wait3A_184 = tpu.memref_slice %arg6[%mul3A_86] : memref<524288xf32, #tpu.memory_space<vmem_shared>> -> memref<32768xf32, #tpu.memory_space<vmem_shared>>
        %dma_wait3A_185 = tpu.memref_slice %arg3[%add3A_82, %mul3A_84] : memref<32x524288xf32, #tpu.memory_space<hbm>> -> memref<1x32768xf32, #tpu.memory_space<hbm>>
        %dma_wait3A_186 = tpu.memref_squeeze %dma_wait3A_185 : memref<1x32768xf32, #tpu.memory_space<hbm>> -> memref<32768xf32, #tpu.memory_space<hbm>>
        tpu.wait_dma2 semaphore(%run_scoped3A : memref<!tpu.dma_semaphore, #tpu.memory_space<semaphore_mem>>) src(%dma_wait3A_186 : memref<32768xf32, #tpu.memory_space<hbm>>) dst(%dma_wait3A_184 : memref<32768xf32, #tpu.memory_space<vmem_shared>>)
        tpu.yield
      }) : () -> ()
      %barrier3A = arith.constant 0 : index
      tpu.barrier barrier_id(%barrier3A)
      %add3A_87 = arith.constant 0 : i32
      %add3A_88 = arith.addi %mul3A_2, %add3A_87 : i32
      %dma_start3A = arith.constant 0 : i32
      %dma_start3A_89 = tpu.memref_slice %arg2[%dma_start3A, %add3A_88] : memref<3x524288xf32, #tpu.memory_space<hbm>> -> memref<3x512xf32, #tpu.memory_space<hbm>>
      %dma_start3A_90 = arith.constant 0 : i32
      %dma_start3A_91 = tpu.memref_slice %arg2[%dma_start3A_90, %add3A_88] : memref<3x524288xf32, #tpu.memory_space<hbm>> -> memref<3x512xf32, #tpu.memory_space<hbm>>
      tpu.enqueue_dma source(%dma_start3A_91 : memref<3x512xf32, #tpu.memory_space<hbm>>) target(%arg7 : memref<3x512xf32, #tpu.memory_space<vmem>>) target_semaphore(%arg21 : memref<!tpu.dma_semaphore, #tpu.memory_space<semaphore_mem>>)
      %add3A_92 = arith.constant 0 : i32
      %add3A_93 = arith.addi %mul3A_2, %add3A_92 : i32
      %dma_wait3A = arith.constant 0 : i32
      %dma_wait3A_94 = tpu.memref_slice %arg2[%dma_wait3A, %add3A_93] : memref<3x524288xf32, #tpu.memory_space<hbm>> -> memref<3x512xf32, #tpu.memory_space<hbm>>
      %dma_wait3A_95 = arith.constant 0 : i32
      %dma_wait3A_96 = tpu.memref_slice %arg2[%dma_wait3A_95, %add3A_93] : memref<3x524288xf32, #tpu.memory_space<hbm>> -> memref<3x512xf32, #tpu.memory_space<hbm>>
      tpu.wait_dma2 semaphore(%arg21 : memref<!tpu.dma_semaphore, #tpu.memory_space<semaphore_mem>>) src(%dma_wait3A_96 : memref<3x512xf32, #tpu.memory_space<hbm>>) dst(%arg7 : memref<3x512xf32, #tpu.memory_space<vmem>>)
      %add3A_97 = arith.constant 512 : i32
      %add3A_98 = arith.addi %mul3A_2, %add3A_97 : i32
      %dma_start3A_99 = arith.constant 0 : i32
      %dma_start3A_100 = tpu.memref_slice %arg2[%dma_start3A_99, %add3A_98] : memref<3x524288xf32, #tpu.memory_space<hbm>> -> memref<3x512xf32, #tpu.memory_space<hbm>>
      %dma_start3A_101 = arith.constant 0 : i32
      %dma_start3A_102 = tpu.memref_slice %arg2[%dma_start3A_101, %add3A_98] : memref<3x524288xf32, #tpu.memory_space<hbm>> -> memref<3x512xf32, #tpu.memory_space<hbm>>
      tpu.enqueue_dma source(%dma_start3A_102 : memref<3x512xf32, #tpu.memory_space<hbm>>) target(%arg8 : memref<3x512xf32, #tpu.memory_space<vmem>>) target_semaphore(%arg21 : memref<!tpu.dma_semaphore, #tpu.memory_space<semaphore_mem>>)
      %parallel_loop3A = arith.constant 0 : i32
      %parallel_loop3A_103 = arith.constant 32 : i32
      %parallel_loop3A_104 = arith.constant 1 : i32
      scf.for %parallel_loop3A_181 = %parallel_loop3A to %parallel_loop3A_103 step %parallel_loop3A_104  : i32 {
        %parallel_loop3A_182 = arith.constant 16 : i32
        %parallel_loop3A_183 = arith.muli %parallel_loop3A_181, %parallel_loop3A_182 : i32
        %parallel_loop3A_184 = arith.constant 0 : i32
        %parallel_loop3A_185 = arith.index_cast %parallel_loop3A_184 : i32 to index
        %parallel_loop3A_186 = arith.index_cast %parallel_loop3A_183 : i32 to index
        %parallel_loop3A_187 = tpu.vector_load %arg7[%parallel_loop3A_185, %parallel_loop3A_186] {strides = array<i32>} : memref<3x512xf32, #tpu.memory_space<vmem>>, vector<1x16xf32>,
        %parallel_loop3A_188 = vector.shape_cast %parallel_loop3A_187 : vector<1x16xf32> to vector<16xf32>
        %parallel_loop3A_189 = arith.constant 1 : i32
        %parallel_loop3A_190 = arith.index_cast %parallel_loop3A_189 : i32 to index
        %parallel_loop3A_191 = arith.index_cast %parallel_loop3A_183 : i32 to index
        %parallel_loop3A_192 = tpu.vector_load %arg7[%parallel_loop3A_190, %parallel_loop3A_191] {strides = array<i32>} : memref<3x512xf32, #tpu.memory_space<vmem>>, vector<1x16xf32>,
        %parallel_loop3A_193 = vector.shape_cast %parallel_loop3A_192 : vector<1x16xf32> to vector<16xf32>
        %parallel_loop3A_194 = arith.constant 2 : i32
        %parallel_loop3A_195 = arith.index_cast %parallel_loop3A_194 : i32 to index
        %parallel_loop3A_196 = arith.index_cast %parallel_loop3A_183 : i32 to index
        %parallel_loop3A_197 = tpu.vector_load %arg7[%parallel_loop3A_195, %parallel_loop3A_196] {strides = array<i32>} : memref<3x512xf32, #tpu.memory_space<vmem>>, vector<1x16xf32>,
        %parallel_loop3A_198 = vector.shape_cast %parallel_loop3A_197 : vector<1x16xf32> to vector<16xf32>
        %parallel_loop3A_199 = vector.broadcast %select_n3A_72 : f32 to vector<16xf32>
        %parallel_loop3A_200 = arith.mulf %parallel_loop3A_188, %parallel_loop3A_199 : vector<16xf32>
        %parallel_loop3A_201 = arith.fptosi %parallel_loop3A_200 : vector<16xf32> to vector<16xi32>
        %parallel_loop3A_202 = arith.sitofp %parallel_loop3A_201 : vector<16xi32> to vector<16xf32>
        %parallel_loop3A_203 = arith.cmpf ogt, %parallel_loop3A_202, %parallel_loop3A_200 : vector<16xf32>
        %parallel_loop3A_204 = arith.constant 1 : i32
        %parallel_loop3A_205 = vector.broadcast %parallel_loop3A_204 : i32 to vector<16xi32>
        %parallel_loop3A_206 = arith.subi %parallel_loop3A_201, %parallel_loop3A_205 : vector<16xi32>
        %parallel_loop3A_207 = arith.select %parallel_loop3A_203, %parallel_loop3A_206, %parallel_loop3A_201 : vector<16xi1>, vector<16xi32>
        %parallel_loop3A_208 = arith.constant 1.000000e+00 : f32
        %parallel_loop3A_209 = vector.broadcast %parallel_loop3A_208 : f32 to vector<16xf32>
        %parallel_loop3A_210 = arith.subf %parallel_loop3A_202, %parallel_loop3A_209 : vector<16xf32>
        %parallel_loop3A_211 = arith.select %parallel_loop3A_203, %parallel_loop3A_210, %parallel_loop3A_202 : vector<16xi1>, vector<16xf32>
        %parallel_loop3A_212 = arith.subf %parallel_loop3A_200, %parallel_loop3A_211 : vector<16xf32>
        %parallel_loop3A_213 = vector.broadcast %select_n3A_72 : f32 to vector<16xf32>
        %parallel_loop3A_214 = arith.mulf %parallel_loop3A_193, %parallel_loop3A_213 : vector<16xf32>
        %parallel_loop3A_215 = arith.fptosi %parallel_loop3A_214 : vector<16xf32> to vector<16xi32>
        %parallel_loop3A_216 = arith.sitofp %parallel_loop3A_215 : vector<16xi32> to vector<16xf32>
        %parallel_loop3A_217 = arith.cmpf ogt, %parallel_loop3A_216, %parallel_loop3A_214 : vector<16xf32>
        %parallel_loop3A_218 = arith.constant 1 : i32
        %parallel_loop3A_219 = vector.broadcast %parallel_loop3A_218 : i32 to vector<16xi32>
        %parallel_loop3A_220 = arith.subi %parallel_loop3A_215, %parallel_loop3A_219 : vector<16xi32>
        %parallel_loop3A_221 = arith.select %parallel_loop3A_217, %parallel_loop3A_220, %parallel_loop3A_215 : vector<16xi1>, vector<16xi32>
        %parallel_loop3A_222 = arith.constant 1.000000e+00 : f32
        %parallel_loop3A_223 = vector.broadcast %parallel_loop3A_222 : f32 to vector<16xf32>
        %parallel_loop3A_224 = arith.subf %parallel_loop3A_216, %parallel_loop3A_223 : vector<16xf32>
        %parallel_loop3A_225 = arith.select %parallel_loop3A_217, %parallel_loop3A_224, %parallel_loop3A_216 : vector<16xi1>, vector<16xf32>
        %parallel_loop3A_226 = arith.subf %parallel_loop3A_214, %parallel_loop3A_225 : vector<16xf32>
        %parallel_loop3A_227 = vector.broadcast %select_n3A_72 : f32 to vector<16xf32>
        %parallel_loop3A_228 = arith.mulf %parallel_loop3A_198, %parallel_loop3A_227 : vector<16xf32>
        %parallel_loop3A_229 = arith.fptosi %parallel_loop3A_228 : vector<16xf32> to vector<16xi32>
        %parallel_loop3A_230 = arith.sitofp %parallel_loop3A_229 : vector<16xi32> to vector<16xf32>
        %parallel_loop3A_231 = arith.cmpf ogt, %parallel_loop3A_230, %parallel_loop3A_228 : vector<16xf32>
        %parallel_loop3A_232 = arith.constant 1 : i32
        %parallel_loop3A_233 = vector.broadcast %parallel_loop3A_232 : i32 to vector<16xi32>
        %parallel_loop3A_234 = arith.subi %parallel_loop3A_229, %parallel_loop3A_233 : vector<16xi32>
        %parallel_loop3A_235 = arith.select %parallel_loop3A_231, %parallel_loop3A_234, %parallel_loop3A_229 : vector<16xi1>, vector<16xi32>
        %parallel_loop3A_236 = arith.constant 1.000000e+00 : f32
        %parallel_loop3A_237 = vector.broadcast %parallel_loop3A_236 : f32 to vector<16xf32>
        %parallel_loop3A_238 = arith.subf %parallel_loop3A_230, %parallel_loop3A_237 : vector<16xf32>
        %parallel_loop3A_239 = arith.select %parallel_loop3A_231, %parallel_loop3A_238, %parallel_loop3A_230 : vector<16xi1>, vector<16xf32>
        %parallel_loop3A_240 = arith.subf %parallel_loop3A_228, %parallel_loop3A_239 : vector<16xf32>
        %parallel_loop3A_241 = arith.constant -1640531535 : i32
        %parallel_loop3A_242 = vector.broadcast %parallel_loop3A_241 : i32 to vector<16xi32>
        %parallel_loop3A_243 = arith.muli %parallel_loop3A_221, %parallel_loop3A_242 : vector<16xi32>
        %parallel_loop3A_244 = arith.constant 805459861 : i32
        %parallel_loop3A_245 = vector.broadcast %parallel_loop3A_244 : i32 to vector<16xi32>
        %parallel_loop3A_246 = arith.muli %parallel_loop3A_235, %parallel_loop3A_245 : vector<16xi32>
        %parallel_loop3A_247 = arith.constant -1640531535 : i32
        %parallel_loop3A_248 = vector.broadcast %parallel_loop3A_247 : i32 to vector<16xi32>
        %parallel_loop3A_249 = arith.addi %parallel_loop3A_243, %parallel_loop3A_248 : vector<16xi32>
        %parallel_loop3A_250 = arith.constant 805459861 : i32
        %parallel_loop3A_251 = vector.broadcast %parallel_loop3A_250 : i32 to vector<16xi32>
        %parallel_loop3A_252 = arith.addi %parallel_loop3A_246, %parallel_loop3A_251 : vector<16xi32>
        %parallel_loop3A_253 = arith.constant 1 : i32
        %parallel_loop3A_254 = vector.broadcast %parallel_loop3A_253 : i32 to vector<16xi32>
        %parallel_loop3A_255 = arith.addi %parallel_loop3A_207, %parallel_loop3A_254 : vector<16xi32>
        %parallel_loop3A_256 = arith.xori %parallel_loop3A_207, %parallel_loop3A_243 : vector<16xi32>
        %parallel_loop3A_257 = arith.xori %parallel_loop3A_255, %parallel_loop3A_243 : vector<16xi32>
        %parallel_loop3A_258 = arith.xori %parallel_loop3A_207, %parallel_loop3A_249 : vector<16xi32>
        %parallel_loop3A_259 = arith.xori %parallel_loop3A_255, %parallel_loop3A_249 : vector<16xi32>
        %parallel_loop3A_260 = arith.constant 1.000000e+00 : f32
        %parallel_loop3A_261 = vector.broadcast %parallel_loop3A_260 : f32 to vector<16xf32>
        %parallel_loop3A_262 = arith.subf %parallel_loop3A_261, %parallel_loop3A_212 : vector<16xf32>
        %parallel_loop3A_263 = arith.constant 1.000000e+00 : f32
        %parallel_loop3A_264 = vector.broadcast %parallel_loop3A_263 : f32 to vector<16xf32>
        %parallel_loop3A_265 = arith.subf %parallel_loop3A_264, %parallel_loop3A_226 : vector<16xf32>
        %parallel_loop3A_266 = arith.constant 1.000000e+00 : f32
        %parallel_loop3A_267 = vector.broadcast %parallel_loop3A_266 : f32 to vector<16xf32>
        %parallel_loop3A_268 = arith.subf %parallel_loop3A_267, %parallel_loop3A_240 : vector<16xf32>
        %parallel_loop3A_269 = arith.mulf %parallel_loop3A_262, %parallel_loop3A_265 : vector<16xf32>
        %parallel_loop3A_270 = arith.mulf %parallel_loop3A_212, %parallel_loop3A_265 : vector<16xf32>
        %parallel_loop3A_271 = arith.mulf %parallel_loop3A_262, %parallel_loop3A_226 : vector<16xf32>
        %parallel_loop3A_272 = arith.mulf %parallel_loop3A_212, %parallel_loop3A_226 : vector<16xf32>
        %parallel_loop3A_273 = arith.mulf %parallel_loop3A_269, %parallel_loop3A_268 : vector<16xf32>
        %parallel_loop3A_274 = arith.mulf %parallel_loop3A_270, %parallel_loop3A_268 : vector<16xf32>
        %parallel_loop3A_275 = arith.mulf %parallel_loop3A_271, %parallel_loop3A_268 : vector<16xf32>
        %parallel_loop3A_276 = arith.mulf %parallel_loop3A_272, %parallel_loop3A_268 : vector<16xf32>
        %parallel_loop3A_277 = arith.mulf %parallel_loop3A_269, %parallel_loop3A_240 : vector<16xf32>
        %parallel_loop3A_278 = arith.mulf %parallel_loop3A_270, %parallel_loop3A_240 : vector<16xf32>
        %parallel_loop3A_279 = arith.mulf %parallel_loop3A_271, %parallel_loop3A_240 : vector<16xf32>
        %parallel_loop3A_280 = arith.mulf %parallel_loop3A_272, %parallel_loop3A_240 : vector<16xf32>
        %parallel_loop3A_281 = arith.xori %parallel_loop3A_256, %parallel_loop3A_246 : vector<16xi32>
        %parallel_loop3A_282 = arith.constant 524287 : i32
        %parallel_loop3A_283 = vector.broadcast %parallel_loop3A_282 : i32 to vector<16xi32>
        %parallel_loop3A_284 = arith.andi %parallel_loop3A_281, %parallel_loop3A_283 : vector<16xi32>
        %parallel_loop3A_285 = arith.constant 0 : i32
        %parallel_loop3A_286 = arith.addi %parallel_loop3A_285, %parallel_loop3A_183 : i32
        %parallel_loop3A_287 = arith.index_cast %parallel_loop3A_286 : i32 to index
        %parallel_loop3A_288 = tpu.vector_load %arg9[%parallel_loop3A_287] {strides = array<i32>} : memref<4096xi32, #tpu.memory_space<vmem>>, vector<16xi32>,
        %parallel_loop3A_289 = vector.shape_cast %parallel_loop3A_288 : vector<16xi32> to vector<16xi32>
        %parallel_loop3A_290 = vector.shape_cast %parallel_loop3A_284 : vector<16xi32> to vector<16xi32>
        tpu.vector_store %arg9[%parallel_loop3A_287], %parallel_loop3A_290 {strides = array<i32>} : memref<4096xi32, #tpu.memory_space<vmem>>, vector<16xi32>,
        %parallel_loop3A_291 = arith.constant 0 : i32
        %parallel_loop3A_292 = arith.index_cast %parallel_loop3A_291 : i32 to index
        %parallel_loop3A_293 = arith.index_cast %parallel_loop3A_183 : i32 to index
        %parallel_loop3A_294 = tpu.vector_load %arg11[%parallel_loop3A_292, %parallel_loop3A_293] {strides = array<i32>} : memref<8x512xf32, #tpu.memory_space<vmem>>, vector<1x16xf32>,
        %parallel_loop3A_295 = vector.shape_cast %parallel_loop3A_294 : vector<1x16xf32> to vector<16xf32>
        %parallel_loop3A_296 = vector.shape_cast %parallel_loop3A_273 : vector<16xf32> to vector<1x16xf32>
        tpu.vector_store %arg11[%parallel_loop3A_292, %parallel_loop3A_293], %parallel_loop3A_296 {strides = array<i32>} : memref<8x512xf32, #tpu.memory_space<vmem>>, vector<1x16xf32>,
        %parallel_loop3A_297 = arith.xori %parallel_loop3A_257, %parallel_loop3A_246 : vector<16xi32>
        %parallel_loop3A_298 = arith.constant 524287 : i32
        %parallel_loop3A_299 = vector.broadcast %parallel_loop3A_298 : i32 to vector<16xi32>
        %parallel_loop3A_300 = arith.andi %parallel_loop3A_297, %parallel_loop3A_299 : vector<16xi32>
        %parallel_loop3A_301 = arith.constant 512 : i32
        %parallel_loop3A_302 = arith.addi %parallel_loop3A_301, %parallel_loop3A_183 : i32
        %parallel_loop3A_303 = arith.index_cast %parallel_loop3A_302 : i32 to index
        %parallel_loop3A_304 = tpu.vector_load %arg9[%parallel_loop3A_303] {strides = array<i32>} : memref<4096xi32, #tpu.memory_space<vmem>>, vector<16xi32>,
        %parallel_loop3A_305 = vector.shape_cast %parallel_loop3A_304 : vector<16xi32> to vector<16xi32>
        %parallel_loop3A_306 = vector.shape_cast %parallel_loop3A_300 : vector<16xi32> to vector<16xi32>
        tpu.vector_store %arg9[%parallel_loop3A_303], %parallel_loop3A_306 {strides = array<i32>} : memref<4096xi32, #tpu.memory_space<vmem>>, vector<16xi32>,
        %parallel_loop3A_307 = arith.constant 1 : i32
        %parallel_loop3A_308 = arith.index_cast %parallel_loop3A_307 : i32 to index
        %parallel_loop3A_309 = arith.index_cast %parallel_loop3A_183 : i32 to index
        %parallel_loop3A_310 = tpu.vector_load %arg11[%parallel_loop3A_308, %parallel_loop3A_309] {strides = array<i32>} : memref<8x512xf32, #tpu.memory_space<vmem>>, vector<1x16xf32>,
        %parallel_loop3A_311 = vector.shape_cast %parallel_loop3A_310 : vector<1x16xf32> to vector<16xf32>
        %parallel_loop3A_312 = vector.shape_cast %parallel_loop3A_274 : vector<16xf32> to vector<1x16xf32>
        tpu.vector_store %arg11[%parallel_loop3A_308, %parallel_loop3A_309], %parallel_loop3A_312 {strides = array<i32>} : memref<8x512xf32, #tpu.memory_space<vmem>>, vector<1x16xf32>,
        %parallel_loop3A_313 = arith.xori %parallel_loop3A_258, %parallel_loop3A_246 : vector<16xi32>
        %parallel_loop3A_314 = arith.constant 524287 : i32
        %parallel_loop3A_315 = vector.broadcast %parallel_loop3A_314 : i32 to vector<16xi32>
        %parallel_loop3A_316 = arith.andi %parallel_loop3A_313, %parallel_loop3A_315 : vector<16xi32>
        %parallel_loop3A_317 = arith.constant 1024 : i32
        %parallel_loop3A_318 = arith.addi %parallel_loop3A_317, %parallel_loop3A_183 : i32
        %parallel_loop3A_319 = arith.index_cast %parallel_loop3A_318 : i32 to index
        %parallel_loop3A_320 = tpu.vector_load %arg9[%parallel_loop3A_319] {strides = array<i32>} : memref<4096xi32, #tpu.memory_space<vmem>>, vector<16xi32>,
        %parallel_loop3A_321 = vector.shape_cast %parallel_loop3A_320 : vector<16xi32> to vector<16xi32>
        %parallel_loop3A_322 = vector.shape_cast %parallel_loop3A_316 : vector<16xi32> to vector<16xi32>
        tpu.vector_store %arg9[%parallel_loop3A_319], %parallel_loop3A_322 {strides = array<i32>} : memref<4096xi32, #tpu.memory_space<vmem>>, vector<16xi32>,
        %parallel_loop3A_323 = arith.constant 2 : i32
        %parallel_loop3A_324 = arith.index_cast %parallel_loop3A_323 : i32 to index
        %parallel_loop3A_325 = arith.index_cast %parallel_loop3A_183 : i32 to index
        %parallel_loop3A_326 = tpu.vector_load %arg11[%parallel_loop3A_324, %parallel_loop3A_325] {strides = array<i32>} : memref<8x512xf32, #tpu.memory_space<vmem>>, vector<1x16xf32>,
        %parallel_loop3A_327 = vector.shape_cast %parallel_loop3A_326 : vector<1x16xf32> to vector<16xf32>
        %parallel_loop3A_328 = vector.shape_cast %parallel_loop3A_275 : vector<16xf32> to vector<1x16xf32>
        tpu.vector_store %arg11[%parallel_loop3A_324, %parallel_loop3A_325], %parallel_loop3A_328 {strides = array<i32>} : memref<8x512xf32, #tpu.memory_space<vmem>>, vector<1x16xf32>,
        %parallel_loop3A_329 = arith.xori %parallel_loop3A_259, %parallel_loop3A_246 : vector<16xi32>
        %parallel_loop3A_330 = arith.constant 524287 : i32
        %parallel_loop3A_331 = vector.broadcast %parallel_loop3A_330 : i32 to vector<16xi32>
        %parallel_loop3A_332 = arith.andi %parallel_loop3A_329, %parallel_loop3A_331 : vector<16xi32>
        %parallel_loop3A_333 = arith.constant 1536 : i32
        %parallel_loop3A_334 = arith.addi %parallel_loop3A_333, %parallel_loop3A_183 : i32
        %parallel_loop3A_335 = arith.index_cast %parallel_loop3A_334 : i32 to index
        %parallel_loop3A_336 = tpu.vector_load %arg9[%parallel_loop3A_335] {strides = array<i32>} : memref<4096xi32, #tpu.memory_space<vmem>>, vector<16xi32>,
        %parallel_loop3A_337 = vector.shape_cast %parallel_loop3A_336 : vector<16xi32> to vector<16xi32>
        %parallel_loop3A_338 = vector.shape_cast %parallel_loop3A_332 : vector<16xi32> to vector<16xi32>
        tpu.vector_store %arg9[%parallel_loop3A_335], %parallel_loop3A_338 {strides = array<i32>} : memref<4096xi32, #tpu.memory_space<vmem>>, vector<16xi32>,
        %parallel_loop3A_339 = arith.constant 3 : i32
        %parallel_loop3A_340 = arith.index_cast %parallel_loop3A_339 : i32 to index
        %parallel_loop3A_341 = arith.index_cast %parallel_loop3A_183 : i32 to index
        %parallel_loop3A_342 = tpu.vector_load %arg11[%parallel_loop3A_340, %parallel_loop3A_341] {strides = array<i32>} : memref<8x512xf32, #tpu.memory_space<vmem>>, vector<1x16xf32>,
        %parallel_loop3A_343 = vector.shape_cast %parallel_loop3A_342 : vector<1x16xf32> to vector<16xf32>
        %parallel_loop3A_344 = vector.shape_cast %parallel_loop3A_276 : vector<16xf32> to vector<1x16xf32>
        tpu.vector_store %arg11[%parallel_loop3A_340, %parallel_loop3A_341], %parallel_loop3A_344 {strides = array<i32>} : memref<8x512xf32, #tpu.memory_space<vmem>>, vector<1x16xf32>,
        %parallel_loop3A_345 = arith.xori %parallel_loop3A_256, %parallel_loop3A_252 : vector<16xi32>
        %parallel_loop3A_346 = arith.constant 524287 : i32
        %parallel_loop3A_347 = vector.broadcast %parallel_loop3A_346 : i32 to vector<16xi32>
        %parallel_loop3A_348 = arith.andi %parallel_loop3A_345, %parallel_loop3A_347 : vector<16xi32>
        %parallel_loop3A_349 = arith.constant 2048 : i32
        %parallel_loop3A_350 = arith.addi %parallel_loop3A_349, %parallel_loop3A_183 : i32
        %parallel_loop3A_351 = arith.index_cast %parallel_loop3A_350 : i32 to index
        %parallel_loop3A_352 = tpu.vector_load %arg9[%parallel_loop3A_351] {strides = array<i32>} : memref<4096xi32, #tpu.memory_space<vmem>>, vector<16xi32>,
        %parallel_loop3A_353 = vector.shape_cast %parallel_loop3A_352 : vector<16xi32> to vector<16xi32>
        %parallel_loop3A_354 = vector.shape_cast %parallel_loop3A_348 : vector<16xi32> to vector<16xi32>
        tpu.vector_store %arg9[%parallel_loop3A_351], %parallel_loop3A_354 {strides = array<i32>} : memref<4096xi32, #tpu.memory_space<vmem>>, vector<16xi32>,
        %parallel_loop3A_355 = arith.constant 4 : i32
        %parallel_loop3A_356 = arith.index_cast %parallel_loop3A_355 : i32 to index
        %parallel_loop3A_357 = arith.index_cast %parallel_loop3A_183 : i32 to index
        %parallel_loop3A_358 = tpu.vector_load %arg11[%parallel_loop3A_356, %parallel_loop3A_357] {strides = array<i32>} : memref<8x512xf32, #tpu.memory_space<vmem>>, vector<1x16xf32>,
        %parallel_loop3A_359 = vector.shape_cast %parallel_loop3A_358 : vector<1x16xf32> to vector<16xf32>
        %parallel_loop3A_360 = vector.shape_cast %parallel_loop3A_277 : vector<16xf32> to vector<1x16xf32>
        tpu.vector_store %arg11[%parallel_loop3A_356, %parallel_loop3A_357], %parallel_loop3A_360 {strides = array<i32>} : memref<8x512xf32, #tpu.memory_space<vmem>>, vector<1x16xf32>,
        %parallel_loop3A_361 = arith.xori %parallel_loop3A_257, %parallel_loop3A_252 : vector<16xi32>
        %parallel_loop3A_362 = arith.constant 524287 : i32
        %parallel_loop3A_363 = vector.broadcast %parallel_loop3A_362 : i32 to vector<16xi32>
        %parallel_loop3A_364 = arith.andi %parallel_loop3A_361, %parallel_loop3A_363 : vector<16xi32>
        %parallel_loop3A_365 = arith.constant 2560 : i32
        %parallel_loop3A_366 = arith.addi %parallel_loop3A_365, %parallel_loop3A_183 : i32
        %parallel_loop3A_367 = arith.index_cast %parallel_loop3A_366 : i32 to index
        %parallel_loop3A_368 = tpu.vector_load %arg9[%parallel_loop3A_367] {strides = array<i32>} : memref<4096xi32, #tpu.memory_space<vmem>>, vector<16xi32>,
        %parallel_loop3A_369 = vector.shape_cast %parallel_loop3A_368 : vector<16xi32> to vector<16xi32>
        %parallel_loop3A_370 = vector.shape_cast %parallel_loop3A_364 : vector<16xi32> to vector<16xi32>
        tpu.vector_store %arg9[%parallel_loop3A_367], %parallel_loop3A_370 {strides = array<i32>} : memref<4096xi32, #tpu.memory_space<vmem>>, vector<16xi32>,
        %parallel_loop3A_371 = arith.constant 5 : i32
        %parallel_loop3A_372 = arith.index_cast %parallel_loop3A_371 : i32 to index
        %parallel_loop3A_373 = arith.index_cast %parallel_loop3A_183 : i32 to index
        %parallel_loop3A_374 = tpu.vector_load %arg11[%parallel_loop3A_372, %parallel_loop3A_373] {strides = array<i32>} : memref<8x512xf32, #tpu.memory_space<vmem>>, vector<1x16xf32>,
        %parallel_loop3A_375 = vector.shape_cast %parallel_loop3A_374 : vector<1x16xf32> to vector<16xf32>
        %parallel_loop3A_376 = vector.shape_cast %parallel_loop3A_278 : vector<16xf32> to vector<1x16xf32>
        tpu.vector_store %arg11[%parallel_loop3A_372, %parallel_loop3A_373], %parallel_loop3A_376 {strides = array<i32>} : memref<8x512xf32, #tpu.memory_space<vmem>>, vector<1x16xf32>,
        %parallel_loop3A_377 = arith.xori %parallel_loop3A_258, %parallel_loop3A_252 : vector<16xi32>
        %parallel_loop3A_378 = arith.constant 524287 : i32
        %parallel_loop3A_379 = vector.broadcast %parallel_loop3A_378 : i32 to vector<16xi32>
        %parallel_loop3A_380 = arith.andi %parallel_loop3A_377, %parallel_loop3A_379 : vector<16xi32>
        %parallel_loop3A_381 = arith.constant 3072 : i32
        %parallel_loop3A_382 = arith.addi %parallel_loop3A_381, %parallel_loop3A_183 : i32
        %parallel_loop3A_383 = arith.index_cast %parallel_loop3A_382 : i32 to index
        %parallel_loop3A_384 = tpu.vector_load %arg9[%parallel_loop3A_383] {strides = array<i32>} : memref<4096xi32, #tpu.memory_space<vmem>>, vector<16xi32>,
        %parallel_loop3A_385 = vector.shape_cast %parallel_loop3A_384 : vector<16xi32> to vector<16xi32>
        %parallel_loop3A_386 = vector.shape_cast %parallel_loop3A_380 : vector<16xi32> to vector<16xi32>
        tpu.vector_store %arg9[%parallel_loop3A_383], %parallel_loop3A_386 {strides = array<i32>} : memref<4096xi32, #tpu.memory_space<vmem>>, vector<16xi32>,
        %parallel_loop3A_387 = arith.constant 6 : i32
        %parallel_loop3A_388 = arith.index_cast %parallel_loop3A_387 : i32 to index
        %parallel_loop3A_389 = arith.index_cast %parallel_loop3A_183 : i32 to index
        %parallel_loop3A_390 = tpu.vector_load %arg11[%parallel_loop3A_388, %parallel_loop3A_389] {strides = array<i32>} : memref<8x512xf32, #tpu.memory_space<vmem>>, vector<1x16xf32>,
        %parallel_loop3A_391 = vector.shape_cast %parallel_loop3A_390 : vector<1x16xf32> to vector<16xf32>
        %parallel_loop3A_392 = vector.shape_cast %parallel_loop3A_279 : vector<16xf32> to vector<1x16xf32>
        tpu.vector_store %arg11[%parallel_loop3A_388, %parallel_loop3A_389], %parallel_loop3A_392 {strides = array<i32>} : memref<8x512xf32, #tpu.memory_space<vmem>>, vector<1x16xf32>,
        %parallel_loop3A_393 = arith.xori %parallel_loop3A_259, %parallel_loop3A_252 : vector<16xi32>
        %parallel_loop3A_394 = arith.constant 524287 : i32
        %parallel_loop3A_395 = vector.broadcast %parallel_loop3A_394 : i32 to vector<16xi32>
        %parallel_loop3A_396 = arith.andi %parallel_loop3A_393, %parallel_loop3A_395 : vector<16xi32>
        %parallel_loop3A_397 = arith.constant 3584 : i32
        %parallel_loop3A_398 = arith.addi %parallel_loop3A_397, %parallel_loop3A_183 : i32
        %parallel_loop3A_399 = arith.index_cast %parallel_loop3A_398 : i32 to index
        %parallel_loop3A_400 = tpu.vector_load %arg9[%parallel_loop3A_399] {strides = array<i32>} : memref<4096xi32, #tpu.memory_space<vmem>>, vector<16xi32>,
        %parallel_loop3A_401 = vector.shape_cast %parallel_loop3A_400 : vector<16xi32> to vector<16xi32>
        %parallel_loop3A_402 = vector.shape_cast %parallel_loop3A_396 : vector<16xi32> to vector<16xi32>
        tpu.vector_store %arg9[%parallel_loop3A_399], %parallel_loop3A_402 {strides = array<i32>} : memref<4096xi32, #tpu.memory_space<vmem>>, vector<16xi32>,
        %parallel_loop3A_403 = arith.constant 7 : i32
        %parallel_loop3A_404 = arith.index_cast %parallel_loop3A_403 : i32 to index
        %parallel_loop3A_405 = arith.index_cast %parallel_loop3A_183 : i32 to index
        %parallel_loop3A_406 = tpu.vector_load %arg11[%parallel_loop3A_404, %parallel_loop3A_405] {strides = array<i32>} : memref<8x512xf32, #tpu.memory_space<vmem>>, vector<1x16xf32>,
        %parallel_loop3A_407 = vector.shape_cast %parallel_loop3A_406 : vector<1x16xf32> to vector<16xf32>
        %parallel_loop3A_408 = vector.shape_cast %parallel_loop3A_280 : vector<16xf32> to vector<1x16xf32>
        tpu.vector_store %arg11[%parallel_loop3A_404, %parallel_loop3A_405], %parallel_loop3A_408 {strides = array<i32>} : memref<8x512xf32, #tpu.memory_space<vmem>>, vector<1x16xf32>,
      } {sc.loop_unroll_factor = 2 : i64, sc.parallel_access}
      %dma_start3A_105 = arith.constant 0 : i32
      %dma_start3A_106 = tpu.memref_slice %arg5[%dma_start3A_105] : memref<524288xf32, #tpu.memory_space<vmem_shared>> -> memref<524288xf32, #tpu.memory_space<vmem_shared>>
      tpu.enqueue_indirect_dma source(%dma_start3A_106 : memref<524288xf32, #tpu.memory_space<vmem_shared>>) target(%arg13 : memref<4096xf32, #tpu.memory_space<vmem>>) offsets(%arg9 : memref<4096xi32, #tpu.memory_space<vmem>>) semaphore(%arg19 : memref<!tpu.dma_semaphore, #tpu.memory_space<semaphore_mem>>)
      %dma_start3A_107 = arith.constant 0 : i32
      %dma_start3A_108 = tpu.memref_slice %arg6[%dma_start3A_107] : memref<524288xf32, #tpu.memory_space<vmem_shared>> -> memref<524288xf32, #tpu.memory_space<vmem_shared>>
      tpu.enqueue_indirect_dma source(%dma_start3A_108 : memref<524288xf32, #tpu.memory_space<vmem_shared>>) target(%arg14 : memref<4096xf32, #tpu.memory_space<vmem>>) offsets(%arg9 : memref<4096xi32, #tpu.memory_space<vmem>>) semaphore(%arg19 : memref<!tpu.dma_semaphore, #tpu.memory_space<semaphore_mem>>)
      %scan3A_109 = arith.constant 0 : i32
      %scan3A_110 = arith.constant 0 : i32
      %scan3A_111 = arith.constant 15 : i32
      %scan3A_112 = arith.addi %scan3A_110, %scan3A_111 : i32
      %scan3A_113 = arith.constant 1 : i32
      %scan3A_114 = scf.for %scan3A_181 = %scan3A_110 to %scan3A_112 step %scan3A_113 iter_args(%scan3A_182 = %scan3A_109) -> (i32)  : i32 {
        %mul3A_183 = arith.constant 2 : i32
        %mul3A_184 = arith.muli %mul3A_183, %scan3A_181 : i32
        %add3A_185 = arith.constant 1 : i32
        %add3A_186 = arith.addi %mul3A_184, %add3A_185 : i32
        %mul3A_187 = arith.constant 2 : i32
        %mul3A_188 = arith.muli %mul3A_187, %scan3A_181 : i32
        %add3A_189 = arith.constant 2 : i32
        %add3A_190 = arith.addi %mul3A_188, %add3A_189 : i32
        %mul3A_191 = arith.constant 512 : i32
        %mul3A_192 = arith.muli %add3A_186, %mul3A_191 : i32
        %add3A_193 = arith.addi %mul3A_2, %mul3A_192 : i32
        %dma_wait3A_194 = arith.constant 0 : i32
        %dma_wait3A_195 = tpu.memref_slice %arg2[%dma_wait3A_194, %add3A_193] : memref<3x524288xf32, #tpu.memory_space<hbm>> -> memref<3x512xf32, #tpu.memory_space<hbm>>
        %dma_wait3A_196 = arith.constant 0 : i32
        %dma_wait3A_197 = tpu.memref_slice %arg2[%dma_wait3A_196, %add3A_193] : memref<3x524288xf32, #tpu.memory_space<hbm>> -> memref<3x512xf32, #tpu.memory_space<hbm>>
        tpu.wait_dma2 semaphore(%arg21 : memref<!tpu.dma_semaphore, #tpu.memory_space<semaphore_mem>>) src(%dma_wait3A_197 : memref<3x512xf32, #tpu.memory_space<hbm>>) dst(%arg8 : memref<3x512xf32, #tpu.memory_space<vmem>>)
        %parallel_loop3A_198 = arith.constant 0 : i32
        %parallel_loop3A_199 = arith.constant 32 : i32
        %parallel_loop3A_200 = arith.constant 1 : i32
        scf.for %parallel_loop3A_272 = %parallel_loop3A_198 to %parallel_loop3A_199 step %parallel_loop3A_200  : i32 {
          %parallel_loop3A_273 = arith.constant 16 : i32
          %parallel_loop3A_274 = arith.muli %parallel_loop3A_272, %parallel_loop3A_273 : i32
          %parallel_loop3A_275 = arith.constant 0 : i32
          %parallel_loop3A_276 = arith.index_cast %parallel_loop3A_275 : i32 to index
          %parallel_loop3A_277 = arith.index_cast %parallel_loop3A_274 : i32 to index
          %parallel_loop3A_278 = tpu.vector_load %arg8[%parallel_loop3A_276, %parallel_loop3A_277] {strides = array<i32>} : memref<3x512xf32, #tpu.memory_space<vmem>>, vector<1x16xf32>,
          %parallel_loop3A_279 = vector.shape_cast %parallel_loop3A_278 : vector<1x16xf32> to vector<16xf32>
          %parallel_loop3A_280 = arith.constant 1 : i32
          %parallel_loop3A_281 = arith.index_cast %parallel_loop3A_280 : i32 to index
          %parallel_loop3A_282 = arith.index_cast %parallel_loop3A_274 : i32 to index
          %parallel_loop3A_283 = tpu.vector_load %arg8[%parallel_loop3A_281, %parallel_loop3A_282] {strides = array<i32>} : memref<3x512xf32, #tpu.memory_space<vmem>>, vector<1x16xf32>,
          %parallel_loop3A_284 = vector.shape_cast %parallel_loop3A_283 : vector<1x16xf32> to vector<16xf32>
          %parallel_loop3A_285 = arith.constant 2 : i32
          %parallel_loop3A_286 = arith.index_cast %parallel_loop3A_285 : i32 to index
          %parallel_loop3A_287 = arith.index_cast %parallel_loop3A_274 : i32 to index
          %parallel_loop3A_288 = tpu.vector_load %arg8[%parallel_loop3A_286, %parallel_loop3A_287] {strides = array<i32>} : memref<3x512xf32, #tpu.memory_space<vmem>>, vector<1x16xf32>,
          %parallel_loop3A_289 = vector.shape_cast %parallel_loop3A_288 : vector<1x16xf32> to vector<16xf32>
          %parallel_loop3A_290 = vector.broadcast %select_n3A_72 : f32 to vector<16xf32>
          %parallel_loop3A_291 = arith.mulf %parallel_loop3A_279, %parallel_loop3A_290 : vector<16xf32>
          %parallel_loop3A_292 = arith.fptosi %parallel_loop3A_291 : vector<16xf32> to vector<16xi32>
          %parallel_loop3A_293 = arith.sitofp %parallel_loop3A_292 : vector<16xi32> to vector<16xf32>
          %parallel_loop3A_294 = arith.cmpf ogt, %parallel_loop3A_293, %parallel_loop3A_291 : vector<16xf32>
          %parallel_loop3A_295 = arith.constant 1 : i32
          %parallel_loop3A_296 = vector.broadcast %parallel_loop3A_295 : i32 to vector<16xi32>
          %parallel_loop3A_297 = arith.subi %parallel_loop3A_292, %parallel_loop3A_296 : vector<16xi32>
          %parallel_loop3A_298 = arith.select %parallel_loop3A_294, %parallel_loop3A_297, %parallel_loop3A_292 : vector<16xi1>, vector<16xi32>
          %parallel_loop3A_299 = arith.constant 1.000000e+00 : f32
          %parallel_loop3A_300 = vector.broadcast %parallel_loop3A_299 : f32 to vector<16xf32>
          %parallel_loop3A_301 = arith.subf %parallel_loop3A_293, %parallel_loop3A_300 : vector<16xf32>
          %parallel_loop3A_302 = arith.select %parallel_loop3A_294, %parallel_loop3A_301, %parallel_loop3A_293 : vector<16xi1>, vector<16xf32>
          %parallel_loop3A_303 = arith.subf %parallel_loop3A_291, %parallel_loop3A_302 : vector<16xf32>
          %parallel_loop3A_304 = vector.broadcast %select_n3A_72 : f32 to vector<16xf32>
          %parallel_loop3A_305 = arith.mulf %parallel_loop3A_284, %parallel_loop3A_304 : vector<16xf32>
          %parallel_loop3A_306 = arith.fptosi %parallel_loop3A_305 : vector<16xf32> to vector<16xi32>
          %parallel_loop3A_307 = arith.sitofp %parallel_loop3A_306 : vector<16xi32> to vector<16xf32>
          %parallel_loop3A_308 = arith.cmpf ogt, %parallel_loop3A_307, %parallel_loop3A_305 : vector<16xf32>
          %parallel_loop3A_309 = arith.constant 1 : i32
          %parallel_loop3A_310 = vector.broadcast %parallel_loop3A_309 : i32 to vector<16xi32>
          %parallel_loop3A_311 = arith.subi %parallel_loop3A_306, %parallel_loop3A_310 : vector<16xi32>
          %parallel_loop3A_312 = arith.select %parallel_loop3A_308, %parallel_loop3A_311, %parallel_loop3A_306 : vector<16xi1>, vector<16xi32>
          %parallel_loop3A_313 = arith.constant 1.000000e+00 : f32
          %parallel_loop3A_314 = vector.broadcast %parallel_loop3A_313 : f32 to vector<16xf32>
          %parallel_loop3A_315 = arith.subf %parallel_loop3A_307, %parallel_loop3A_314 : vector<16xf32>
          %parallel_loop3A_316 = arith.select %parallel_loop3A_308, %parallel_loop3A_315, %parallel_loop3A_307 : vector<16xi1>, vector<16xf32>
          %parallel_loop3A_317 = arith.subf %parallel_loop3A_305, %parallel_loop3A_316 : vector<16xf32>
          %parallel_loop3A_318 = vector.broadcast %select_n3A_72 : f32 to vector<16xf32>
          %parallel_loop3A_319 = arith.mulf %parallel_loop3A_289, %parallel_loop3A_318 : vector<16xf32>
          %parallel_loop3A_320 = arith.fptosi %parallel_loop3A_319 : vector<16xf32> to vector<16xi32>
          %parallel_loop3A_321 = arith.sitofp %parallel_loop3A_320 : vector<16xi32> to vector<16xf32>
          %parallel_loop3A_322 = arith.cmpf ogt, %parallel_loop3A_321, %parallel_loop3A_319 : vector<16xf32>
          %parallel_loop3A_323 = arith.constant 1 : i32
          %parallel_loop3A_324 = vector.broadcast %parallel_loop3A_323 : i32 to vector<16xi32>
          %parallel_loop3A_325 = arith.subi %parallel_loop3A_320, %parallel_loop3A_324 : vector<16xi32>
          %parallel_loop3A_326 = arith.select %parallel_loop3A_322, %parallel_loop3A_325, %parallel_loop3A_320 : vector<16xi1>, vector<16xi32>
          %parallel_loop3A_327 = arith.constant 1.000000e+00 : f32
          %parallel_loop3A_328 = vector.broadcast %parallel_loop3A_327 : f32 to vector<16xf32>
          %parallel_loop3A_329 = arith.subf %parallel_loop3A_321, %parallel_loop3A_328 : vector<16xf32>
          %parallel_loop3A_330 = arith.select %parallel_loop3A_322, %parallel_loop3A_329, %parallel_loop3A_321 : vector<16xi1>, vector<16xf32>
          %parallel_loop3A_331 = arith.subf %parallel_loop3A_319, %parallel_loop3A_330 : vector<16xf32>
          %parallel_loop3A_332 = arith.constant -1640531535 : i32
          %parallel_loop3A_333 = vector.broadcast %parallel_loop3A_332 : i32 to vector<16xi32>
          %parallel_loop3A_334 = arith.muli %parallel_loop3A_312, %parallel_loop3A_333 : vector<16xi32>
          %parallel_loop3A_335 = arith.constant 805459861 : i32
          %parallel_loop3A_336 = vector.broadcast %parallel_loop3A_335 : i32 to vector<16xi32>
          %parallel_loop3A_337 = arith.muli %parallel_loop3A_326, %parallel_loop3A_336 : vector<16xi32>
          %parallel_loop3A_338 = arith.constant -1640531535 : i32
          %parallel_loop3A_339 = vector.broadcast %parallel_loop3A_338 : i32 to vector<16xi32>
          %parallel_loop3A_340 = arith.addi %parallel_loop3A_334, %parallel_loop3A_339 : vector<16xi32>
          %parallel_loop3A_341 = arith.constant 805459861 : i32
          %parallel_loop3A_342 = vector.broadcast %parallel_loop3A_341 : i32 to vector<16xi32>
          %parallel_loop3A_343 = arith.addi %parallel_loop3A_337, %parallel_loop3A_342 : vector<16xi32>
          %parallel_loop3A_344 = arith.constant 1 : i32
          %parallel_loop3A_345 = vector.broadcast %parallel_loop3A_344 : i32 to vector<16xi32>
          %parallel_loop3A_346 = arith.addi %parallel_loop3A_298, %parallel_loop3A_345 : vector<16xi32>
          %parallel_loop3A_347 = arith.xori %parallel_loop3A_298, %parallel_loop3A_334 : vector<16xi32>
          %parallel_loop3A_348 = arith.xori %parallel_loop3A_346, %parallel_loop3A_334 : vector<16xi32>
          %parallel_loop3A_349 = arith.xori %parallel_loop3A_298, %parallel_loop3A_340 : vector<16xi32>
          %parallel_loop3A_350 = arith.xori %parallel_loop3A_346, %parallel_loop3A_340 : vector<16xi32>
          %parallel_loop3A_351 = arith.constant 1.000000e+00 : f32
          %parallel_loop3A_352 = vector.broadcast %parallel_loop3A_351 : f32 to vector<16xf32>
          %parallel_loop3A_353 = arith.subf %parallel_loop3A_352, %parallel_loop3A_303 : vector<16xf32>
          %parallel_loop3A_354 = arith.constant 1.000000e+00 : f32
          %parallel_loop3A_355 = vector.broadcast %parallel_loop3A_354 : f32 to vector<16xf32>
          %parallel_loop3A_356 = arith.subf %parallel_loop3A_355, %parallel_loop3A_317 : vector<16xf32>
          %parallel_loop3A_357 = arith.constant 1.000000e+00 : f32
          %parallel_loop3A_358 = vector.broadcast %parallel_loop3A_357 : f32 to vector<16xf32>
          %parallel_loop3A_359 = arith.subf %parallel_loop3A_358, %parallel_loop3A_331 : vector<16xf32>
          %parallel_loop3A_360 = arith.mulf %parallel_loop3A_353, %parallel_loop3A_356 : vector<16xf32>
          %parallel_loop3A_361 = arith.mulf %parallel_loop3A_303, %parallel_loop3A_356 : vector<16xf32>
          %parallel_loop3A_362 = arith.mulf %parallel_loop3A_353, %parallel_loop3A_317 : vector<16xf32>
          %parallel_loop3A_363 = arith.mulf %parallel_loop3A_303, %parallel_loop3A_317 : vector<16xf32>
          %parallel_loop3A_364 = arith.mulf %parallel_loop3A_360, %parallel_loop3A_359 : vector<16xf32>
          %parallel_loop3A_365 = arith.mulf %parallel_loop3A_361, %parallel_loop3A_359 : vector<16xf32>
          %parallel_loop3A_366 = arith.mulf %parallel_loop3A_362, %parallel_loop3A_359 : vector<16xf32>
          %parallel_loop3A_367 = arith.mulf %parallel_loop3A_363, %parallel_loop3A_359 : vector<16xf32>
          %parallel_loop3A_368 = arith.mulf %parallel_loop3A_360, %parallel_loop3A_331 : vector<16xf32>
          %parallel_loop3A_369 = arith.mulf %parallel_loop3A_361, %parallel_loop3A_331 : vector<16xf32>
          %parallel_loop3A_370 = arith.mulf %parallel_loop3A_362, %parallel_loop3A_331 : vector<16xf32>
          %parallel_loop3A_371 = arith.mulf %parallel_loop3A_363, %parallel_loop3A_331 : vector<16xf32>
          %parallel_loop3A_372 = arith.xori %parallel_loop3A_347, %parallel_loop3A_337 : vector<16xi32>
          %parallel_loop3A_373 = arith.constant 524287 : i32
          %parallel_loop3A_374 = vector.broadcast %parallel_loop3A_373 : i32 to vector<16xi32>
          %parallel_loop3A_375 = arith.andi %parallel_loop3A_372, %parallel_loop3A_374 : vector<16xi32>
          %parallel_loop3A_376 = arith.constant 0 : i32
          %parallel_loop3A_377 = arith.addi %parallel_loop3A_376, %parallel_loop3A_274 : i32
          %parallel_loop3A_378 = arith.index_cast %parallel_loop3A_377 : i32 to index
          %parallel_loop3A_379 = tpu.vector_load %arg10[%parallel_loop3A_378] {strides = array<i32>} : memref<4096xi32, #tpu.memory_space<vmem>>, vector<16xi32>,
          %parallel_loop3A_380 = vector.shape_cast %parallel_loop3A_379 : vector<16xi32> to vector<16xi32>
          %parallel_loop3A_381 = vector.shape_cast %parallel_loop3A_375 : vector<16xi32> to vector<16xi32>
          tpu.vector_store %arg10[%parallel_loop3A_378], %parallel_loop3A_381 {strides = array<i32>} : memref<4096xi32, #tpu.memory_space<vmem>>, vector<16xi32>,
          %parallel_loop3A_382 = arith.constant 0 : i32
          %parallel_loop3A_383 = arith.index_cast %parallel_loop3A_382 : i32 to index
          %parallel_loop3A_384 = arith.index_cast %parallel_loop3A_274 : i32 to index
          %parallel_loop3A_385 = tpu.vector_load %arg12[%parallel_loop3A_383, %parallel_loop3A_384] {strides = array<i32>} : memref<8x512xf32, #tpu.memory_space<vmem>>, vector<1x16xf32>,
          %parallel_loop3A_386 = vector.shape_cast %parallel_loop3A_385 : vector<1x16xf32> to vector<16xf32>
          %parallel_loop3A_387 = vector.shape_cast %parallel_loop3A_364 : vector<16xf32> to vector<1x16xf32>
          tpu.vector_store %arg12[%parallel_loop3A_383, %parallel_loop3A_384], %parallel_loop3A_387 {strides = array<i32>} : memref<8x512xf32, #tpu.memory_space<vmem>>, vector<1x16xf32>,
          %parallel_loop3A_388 = arith.xori %parallel_loop3A_348, %parallel_loop3A_337 : vector<16xi32>
          %parallel_loop3A_389 = arith.constant 524287 : i32
          %parallel_loop3A_390 = vector.broadcast %parallel_loop3A_389 : i32 to vector<16xi32>
          %parallel_loop3A_391 = arith.andi %parallel_loop3A_388, %parallel_loop3A_390 : vector<16xi32>
          %parallel_loop3A_392 = arith.constant 512 : i32
          %parallel_loop3A_393 = arith.addi %parallel_loop3A_392, %parallel_loop3A_274 : i32
          %parallel_loop3A_394 = arith.index_cast %parallel_loop3A_393 : i32 to index
          %parallel_loop3A_395 = tpu.vector_load %arg10[%parallel_loop3A_394] {strides = array<i32>} : memref<4096xi32, #tpu.memory_space<vmem>>, vector<16xi32>,
          %parallel_loop3A_396 = vector.shape_cast %parallel_loop3A_395 : vector<16xi32> to vector<16xi32>
          %parallel_loop3A_397 = vector.shape_cast %parallel_loop3A_391 : vector<16xi32> to vector<16xi32>
          tpu.vector_store %arg10[%parallel_loop3A_394], %parallel_loop3A_397 {strides = array<i32>} : memref<4096xi32, #tpu.memory_space<vmem>>, vector<16xi32>,
          %parallel_loop3A_398 = arith.constant 1 : i32
          %parallel_loop3A_399 = arith.index_cast %parallel_loop3A_398 : i32 to index
          %parallel_loop3A_400 = arith.index_cast %parallel_loop3A_274 : i32 to index
          %parallel_loop3A_401 = tpu.vector_load %arg12[%parallel_loop3A_399, %parallel_loop3A_400] {strides = array<i32>} : memref<8x512xf32, #tpu.memory_space<vmem>>, vector<1x16xf32>,
          %parallel_loop3A_402 = vector.shape_cast %parallel_loop3A_401 : vector<1x16xf32> to vector<16xf32>
          %parallel_loop3A_403 = vector.shape_cast %parallel_loop3A_365 : vector<16xf32> to vector<1x16xf32>
          tpu.vector_store %arg12[%parallel_loop3A_399, %parallel_loop3A_400], %parallel_loop3A_403 {strides = array<i32>} : memref<8x512xf32, #tpu.memory_space<vmem>>, vector<1x16xf32>,
          %parallel_loop3A_404 = arith.xori %parallel_loop3A_349, %parallel_loop3A_337 : vector<16xi32>
          %parallel_loop3A_405 = arith.constant 524287 : i32
          %parallel_loop3A_406 = vector.broadcast %parallel_loop3A_405 : i32 to vector<16xi32>
          %parallel_loop3A_407 = arith.andi %parallel_loop3A_404, %parallel_loop3A_406 : vector<16xi32>
          %parallel_loop3A_408 = arith.constant 1024 : i32
          %parallel_loop3A_409 = arith.addi %parallel_loop3A_408, %parallel_loop3A_274 : i32
          %parallel_loop3A_410 = arith.index_cast %parallel_loop3A_409 : i32 to index
          %parallel_loop3A_411 = tpu.vector_load %arg10[%parallel_loop3A_410] {strides = array<i32>} : memref<4096xi32, #tpu.memory_space<vmem>>, vector<16xi32>,
          %parallel_loop3A_412 = vector.shape_cast %parallel_loop3A_411 : vector<16xi32> to vector<16xi32>
          %parallel_loop3A_413 = vector.shape_cast %parallel_loop3A_407 : vector<16xi32> to vector<16xi32>
          tpu.vector_store %arg10[%parallel_loop3A_410], %parallel_loop3A_413 {strides = array<i32>} : memref<4096xi32, #tpu.memory_space<vmem>>, vector<16xi32>,
          %parallel_loop3A_414 = arith.constant 2 : i32
          %parallel_loop3A_415 = arith.index_cast %parallel_loop3A_414 : i32 to index
          %parallel_loop3A_416 = arith.index_cast %parallel_loop3A_274 : i32 to index
          %parallel_loop3A_417 = tpu.vector_load %arg12[%parallel_loop3A_415, %parallel_loop3A_416] {strides = array<i32>} : memref<8x512xf32, #tpu.memory_space<vmem>>, vector<1x16xf32>,
          %parallel_loop3A_418 = vector.shape_cast %parallel_loop3A_417 : vector<1x16xf32> to vector<16xf32>
          %parallel_loop3A_419 = vector.shape_cast %parallel_loop3A_366 : vector<16xf32> to vector<1x16xf32>
          tpu.vector_store %arg12[%parallel_loop3A_415, %parallel_loop3A_416], %parallel_loop3A_419 {strides = array<i32>} : memref<8x512xf32, #tpu.memory_space<vmem>>, vector<1x16xf32>,
          %parallel_loop3A_420 = arith.xori %parallel_loop3A_350, %parallel_loop3A_337 : vector<16xi32>
          %parallel_loop3A_421 = arith.constant 524287 : i32
          %parallel_loop3A_422 = vector.broadcast %parallel_loop3A_421 : i32 to vector<16xi32>
          %parallel_loop3A_423 = arith.andi %parallel_loop3A_420, %parallel_loop3A_422 : vector<16xi32>
          %parallel_loop3A_424 = arith.constant 1536 : i32
          %parallel_loop3A_425 = arith.addi %parallel_loop3A_424, %parallel_loop3A_274 : i32
          %parallel_loop3A_426 = arith.index_cast %parallel_loop3A_425 : i32 to index
          %parallel_loop3A_427 = tpu.vector_load %arg10[%parallel_loop3A_426] {strides = array<i32>} : memref<4096xi32, #tpu.memory_space<vmem>>, vector<16xi32>,
          %parallel_loop3A_428 = vector.shape_cast %parallel_loop3A_427 : vector<16xi32> to vector<16xi32>
          %parallel_loop3A_429 = vector.shape_cast %parallel_loop3A_423 : vector<16xi32> to vector<16xi32>
          tpu.vector_store %arg10[%parallel_loop3A_426], %parallel_loop3A_429 {strides = array<i32>} : memref<4096xi32, #tpu.memory_space<vmem>>, vector<16xi32>,
          %parallel_loop3A_430 = arith.constant 3 : i32
          %parallel_loop3A_431 = arith.index_cast %parallel_loop3A_430 : i32 to index
          %parallel_loop3A_432 = arith.index_cast %parallel_loop3A_274 : i32 to index
          %parallel_loop3A_433 = tpu.vector_load %arg12[%parallel_loop3A_431, %parallel_loop3A_432] {strides = array<i32>} : memref<8x512xf32, #tpu.memory_space<vmem>>, vector<1x16xf32>,
          %parallel_loop3A_434 = vector.shape_cast %parallel_loop3A_433 : vector<1x16xf32> to vector<16xf32>
          %parallel_loop3A_435 = vector.shape_cast %parallel_loop3A_367 : vector<16xf32> to vector<1x16xf32>
          tpu.vector_store %arg12[%parallel_loop3A_431, %parallel_loop3A_432], %parallel_loop3A_435 {strides = array<i32>} : memref<8x512xf32, #tpu.memory_space<vmem>>, vector<1x16xf32>,
          %parallel_loop3A_436 = arith.xori %parallel_loop3A_347, %parallel_loop3A_343 : vector<16xi32>
          %parallel_loop3A_437 = arith.constant 524287 : i32
          %parallel_loop3A_438 = vector.broadcast %parallel_loop3A_437 : i32 to vector<16xi32>
          %parallel_loop3A_439 = arith.andi %parallel_loop3A_436, %parallel_loop3A_438 : vector<16xi32>
          %parallel_loop3A_440 = arith.constant 2048 : i32
          %parallel_loop3A_441 = arith.addi %parallel_loop3A_440, %parallel_loop3A_274 : i32
          %parallel_loop3A_442 = arith.index_cast %parallel_loop3A_441 : i32 to index
          %parallel_loop3A_443 = tpu.vector_load %arg10[%parallel_loop3A_442] {strides = array<i32>} : memref<4096xi32, #tpu.memory_space<vmem>>, vector<16xi32>,
          %parallel_loop3A_444 = vector.shape_cast %parallel_loop3A_443 : vector<16xi32> to vector<16xi32>
          %parallel_loop3A_445 = vector.shape_cast %parallel_loop3A_439 : vector<16xi32> to vector<16xi32>
          tpu.vector_store %arg10[%parallel_loop3A_442], %parallel_loop3A_445 {strides = array<i32>} : memref<4096xi32, #tpu.memory_space<vmem>>, vector<16xi32>,
          %parallel_loop3A_446 = arith.constant 4 : i32
          %parallel_loop3A_447 = arith.index_cast %parallel_loop3A_446 : i32 to index
          %parallel_loop3A_448 = arith.index_cast %parallel_loop3A_274 : i32 to index
          %parallel_loop3A_449 = tpu.vector_load %arg12[%parallel_loop3A_447, %parallel_loop3A_448] {strides = array<i32>} : memref<8x512xf32, #tpu.memory_space<vmem>>, vector<1x16xf32>,
          %parallel_loop3A_450 = vector.shape_cast %parallel_loop3A_449 : vector<1x16xf32> to vector<16xf32>
          %parallel_loop3A_451 = vector.shape_cast %parallel_loop3A_368 : vector<16xf32> to vector<1x16xf32>
          tpu.vector_store %arg12[%parallel_loop3A_447, %parallel_loop3A_448], %parallel_loop3A_451 {strides = array<i32>} : memref<8x512xf32, #tpu.memory_space<vmem>>, vector<1x16xf32>,
          %parallel_loop3A_452 = arith.xori %parallel_loop3A_348, %parallel_loop3A_343 : vector<16xi32>
          %parallel_loop3A_453 = arith.constant 524287 : i32
          %parallel_loop3A_454 = vector.broadcast %parallel_loop3A_453 : i32 to vector<16xi32>
          %parallel_loop3A_455 = arith.andi %parallel_loop3A_452, %parallel_loop3A_454 : vector<16xi32>
          %parallel_loop3A_456 = arith.constant 2560 : i32
          %parallel_loop3A_457 = arith.addi %parallel_loop3A_456, %parallel_loop3A_274 : i32
          %parallel_loop3A_458 = arith.index_cast %parallel_loop3A_457 : i32 to index
          %parallel_loop3A_459 = tpu.vector_load %arg10[%parallel_loop3A_458] {strides = array<i32>} : memref<4096xi32, #tpu.memory_space<vmem>>, vector<16xi32>,
          %parallel_loop3A_460 = vector.shape_cast %parallel_loop3A_459 : vector<16xi32> to vector<16xi32>
          %parallel_loop3A_461 = vector.shape_cast %parallel_loop3A_455 : vector<16xi32> to vector<16xi32>
          tpu.vector_store %arg10[%parallel_loop3A_458], %parallel_loop3A_461 {strides = array<i32>} : memref<4096xi32, #tpu.memory_space<vmem>>, vector<16xi32>,
          %parallel_loop3A_462 = arith.constant 5 : i32
          %parallel_loop3A_463 = arith.index_cast %parallel_loop3A_462 : i32 to index
          %parallel_loop3A_464 = arith.index_cast %parallel_loop3A_274 : i32 to index
          %parallel_loop3A_465 = tpu.vector_load %arg12[%parallel_loop3A_463, %parallel_loop3A_464] {strides = array<i32>} : memref<8x512xf32, #tpu.memory_space<vmem>>, vector<1x16xf32>,
          %parallel_loop3A_466 = vector.shape_cast %parallel_loop3A_465 : vector<1x16xf32> to vector<16xf32>
          %parallel_loop3A_467 = vector.shape_cast %parallel_loop3A_369 : vector<16xf32> to vector<1x16xf32>
          tpu.vector_store %arg12[%parallel_loop3A_463, %parallel_loop3A_464], %parallel_loop3A_467 {strides = array<i32>} : memref<8x512xf32, #tpu.memory_space<vmem>>, vector<1x16xf32>,
          %parallel_loop3A_468 = arith.xori %parallel_loop3A_349, %parallel_loop3A_343 : vector<16xi32>
          %parallel_loop3A_469 = arith.constant 524287 : i32
          %parallel_loop3A_470 = vector.broadcast %parallel_loop3A_469 : i32 to vector<16xi32>
          %parallel_loop3A_471 = arith.andi %parallel_loop3A_468, %parallel_loop3A_470 : vector<16xi32>
          %parallel_loop3A_472 = arith.constant 3072 : i32
          %parallel_loop3A_473 = arith.addi %parallel_loop3A_472, %parallel_loop3A_274 : i32
          %parallel_loop3A_474 = arith.index_cast %parallel_loop3A_473 : i32 to index
          %parallel_loop3A_475 = tpu.vector_load %arg10[%parallel_loop3A_474] {strides = array<i32>} : memref<4096xi32, #tpu.memory_space<vmem>>, vector<16xi32>,
          %parallel_loop3A_476 = vector.shape_cast %parallel_loop3A_475 : vector<16xi32> to vector<16xi32>
          %parallel_loop3A_477 = vector.shape_cast %parallel_loop3A_471 : vector<16xi32> to vector<16xi32>
          tpu.vector_store %arg10[%parallel_loop3A_474], %parallel_loop3A_477 {strides = array<i32>} : memref<4096xi32, #tpu.memory_space<vmem>>, vector<16xi32>,
          %parallel_loop3A_478 = arith.constant 6 : i32
          %parallel_loop3A_479 = arith.index_cast %parallel_loop3A_478 : i32 to index
          %parallel_loop3A_480 = arith.index_cast %parallel_loop3A_274 : i32 to index
          %parallel_loop3A_481 = tpu.vector_load %arg12[%parallel_loop3A_479, %parallel_loop3A_480] {strides = array<i32>} : memref<8x512xf32, #tpu.memory_space<vmem>>, vector<1x16xf32>,
          %parallel_loop3A_482 = vector.shape_cast %parallel_loop3A_481 : vector<1x16xf32> to vector<16xf32>
          %parallel_loop3A_483 = vector.shape_cast %parallel_loop3A_370 : vector<16xf32> to vector<1x16xf32>
          tpu.vector_store %arg12[%parallel_loop3A_479, %parallel_loop3A_480], %parallel_loop3A_483 {strides = array<i32>} : memref<8x512xf32, #tpu.memory_space<vmem>>, vector<1x16xf32>,
          %parallel_loop3A_484 = arith.xori %parallel_loop3A_350, %parallel_loop3A_343 : vector<16xi32>
          %parallel_loop3A_485 = arith.constant 524287 : i32
          %parallel_loop3A_486 = vector.broadcast %parallel_loop3A_485 : i32 to vector<16xi32>
          %parallel_loop3A_487 = arith.andi %parallel_loop3A_484, %parallel_loop3A_486 : vector<16xi32>
          %parallel_loop3A_488 = arith.constant 3584 : i32
          %parallel_loop3A_489 = arith.addi %parallel_loop3A_488, %parallel_loop3A_274 : i32
          %parallel_loop3A_490 = arith.index_cast %parallel_loop3A_489 : i32 to index
          %parallel_loop3A_491 = tpu.vector_load %arg10[%parallel_loop3A_490] {strides = array<i32>} : memref<4096xi32, #tpu.memory_space<vmem>>, vector<16xi32>,
          %parallel_loop3A_492 = vector.shape_cast %parallel_loop3A_491 : vector<16xi32> to vector<16xi32>
          %parallel_loop3A_493 = vector.shape_cast %parallel_loop3A_487 : vector<16xi32> to vector<16xi32>
          tpu.vector_store %arg10[%parallel_loop3A_490], %parallel_loop3A_493 {strides = array<i32>} : memref<4096xi32, #tpu.memory_space<vmem>>, vector<16xi32>,
          %parallel_loop3A_494 = arith.constant 7 : i32
          %parallel_loop3A_495 = arith.index_cast %parallel_loop3A_494 : i32 to index
          %parallel_loop3A_496 = arith.index_cast %parallel_loop3A_274 : i32 to index
          %parallel_loop3A_497 = tpu.vector_load %arg12[%parallel_loop3A_495, %parallel_loop3A_496] {strides = array<i32>} : memref<8x512xf32, #tpu.memory_space<vmem>>, vector<1x16xf32>,
          %parallel_loop3A_498 = vector.shape_cast %parallel_loop3A_497 : vector<1x16xf32> to vector<16xf32>
          %parallel_loop3A_499 = vector.shape_cast %parallel_loop3A_371 : vector<16xf32> to vector<1x16xf32>
          tpu.vector_store %arg12[%parallel_loop3A_495, %parallel_loop3A_496], %parallel_loop3A_499 {strides = array<i32>} : memref<8x512xf32, #tpu.memory_space<vmem>>, vector<1x16xf32>,
        } {sc.loop_unroll_factor = 2 : i64, sc.parallel_access}
        %dma_start3A_201 = arith.constant 0 : i32
        %dma_start3A_202 = tpu.memref_slice %arg5[%dma_start3A_201] : memref<524288xf32, #tpu.memory_space<vmem_shared>> -> memref<524288xf32, #tpu.memory_space<vmem_shared>>
        tpu.enqueue_indirect_dma source(%dma_start3A_202 : memref<524288xf32, #tpu.memory_space<vmem_shared>>) target(%arg15 : memref<4096xf32, #tpu.memory_space<vmem>>) offsets(%arg10 : memref<4096xi32, #tpu.memory_space<vmem>>) semaphore(%arg20 : memref<!tpu.dma_semaphore, #tpu.memory_space<semaphore_mem>>)
        %dma_start3A_203 = arith.constant 0 : i32
        %dma_start3A_204 = tpu.memref_slice %arg6[%dma_start3A_203] : memref<524288xf32, #tpu.memory_space<vmem_shared>> -> memref<524288xf32, #tpu.memory_space<vmem_shared>>
        tpu.enqueue_indirect_dma source(%dma_start3A_204 : memref<524288xf32, #tpu.memory_space<vmem_shared>>) target(%arg16 : memref<4096xf32, #tpu.memory_space<vmem>>) offsets(%arg10 : memref<4096xi32, #tpu.memory_space<vmem>>) semaphore(%arg20 : memref<!tpu.dma_semaphore, #tpu.memory_space<semaphore_mem>>)
        %mul3A_205 = arith.constant 512 : i32
        %mul3A_206 = arith.muli %add3A_190, %mul3A_205 : i32
        %add3A_207 = arith.addi %mul3A_2, %mul3A_206 : i32
        %dma_start3A_208 = arith.constant 0 : i32
        %dma_start3A_209 = tpu.memref_slice %arg2[%dma_start3A_208, %add3A_207] : memref<3x524288xf32, #tpu.memory_space<hbm>> -> memref<3x512xf32, #tpu.memory_space<hbm>>
        %dma_start3A_210 = arith.constant 0 : i32
        %dma_start3A_211 = tpu.memref_slice %arg2[%dma_start3A_210, %add3A_207] : memref<3x524288xf32, #tpu.memory_space<hbm>> -> memref<3x512xf32, #tpu.memory_space<hbm>>
        tpu.enqueue_dma source(%dma_start3A_211 : memref<3x512xf32, #tpu.memory_space<hbm>>) target(%arg7 : memref<3x512xf32, #tpu.memory_space<vmem>>) target_semaphore(%arg21 : memref<!tpu.dma_semaphore, #tpu.memory_space<semaphore_mem>>)
        %gt3A = arith.constant 0 : i32
        %gt3A_212 = arith.cmpi sgt, %scan3A_181, %gt3A : i32
        %convert_element_type3A = arith.extui %gt3A_212 : i1 to i32
        %cond3A = arith.constant 0 : i32
        %cond3A_213 = arith.cmpi ne, %convert_element_type3A, %cond3A : i32
        scf.if %cond3A_213 {
          %sub3A_272 = arith.constant 4 : i32
          %sub3A_273 = arith.subi %add3A_190, %sub3A_272 : i32
          %mul3A_274 = arith.constant 2 : i32
          %mul3A_275 = arith.muli %mul3A_274, %scan3A_9 : i32
          %mul3A_276 = arith.constant 512 : i32
          %mul3A_277 = arith.muli %sub3A_273, %mul3A_276 : i32
          %add3A_278 = arith.addi %mul3A_2, %mul3A_277 : i32
          %dma_wait3A_279 = tpu.memref_slice %arg4[%mul3A_275, %add3A_278] : memref<32x524288xf32, #tpu.memory_space<hbm>> -> memref<2x512xf32, #tpu.memory_space<hbm>>
          %dma_wait3A_280 = tpu.memref_slice %arg4[%mul3A_275, %add3A_278] : memref<32x524288xf32, #tpu.memory_space<hbm>> -> memref<2x512xf32, #tpu.memory_space<hbm>>
          tpu.wait_dma2 semaphore(%arg22 : memref<!tpu.dma_semaphore, #tpu.memory_space<semaphore_mem>>) src(%arg17 : memref<2x512xf32, #tpu.memory_space<vmem>>) dst(%dma_wait3A_280 : memref<2x512xf32, #tpu.memory_space<hbm>>)
        } else {
        }
        %dma_wait3A_214 = arith.constant 0 : i32
        %dma_wait3A_215 = tpu.memref_slice %arg5[%dma_wait3A_214] : memref<524288xf32, #tpu.memory_space<vmem_shared>> -> memref<524288xf32, #tpu.memory_space<vmem_shared>>
        tpu.wait_indirect_dma semaphore(%arg19 : memref<!tpu.dma_semaphore, #tpu.memory_space<semaphore_mem>>) src(%dma_wait3A_215 : memref<524288xf32, #tpu.memory_space<vmem_shared>>) dst(%arg13 : memref<4096xf32, #tpu.memory_space<vmem>>)
        %dma_wait3A_216 = arith.constant 0 : i32
        %dma_wait3A_217 = tpu.memref_slice %arg6[%dma_wait3A_216] : memref<524288xf32, #tpu.memory_space<vmem_shared>> -> memref<524288xf32, #tpu.memory_space<vmem_shared>>
        tpu.wait_indirect_dma semaphore(%arg19 : memref<!tpu.dma_semaphore, #tpu.memory_space<semaphore_mem>>) src(%dma_wait3A_217 : memref<524288xf32, #tpu.memory_space<vmem_shared>>) dst(%arg14 : memref<4096xf32, #tpu.memory_space<vmem>>)
        %parallel_loop3A_218 = arith.constant 0 : i32
        %parallel_loop3A_219 = arith.constant 32 : i32
        %parallel_loop3A_220 = arith.constant 1 : i32
        scf.for %parallel_loop3A_272 = %parallel_loop3A_218 to %parallel_loop3A_219 step %parallel_loop3A_220  : i32 {
          %parallel_loop3A_273 = arith.constant 16 : i32
          %parallel_loop3A_274 = arith.muli %parallel_loop3A_272, %parallel_loop3A_273 : i32
          %parallel_loop3A_275 = arith.constant 0.000000e+00 : f32
          %parallel_loop3A_276 = vector.broadcast %parallel_loop3A_275 : f32 to vector<16xf32>
          %parallel_loop3A_277 = arith.constant 0.000000e+00 : f32
          %parallel_loop3A_278 = vector.broadcast %parallel_loop3A_277 : f32 to vector<16xf32>
          %parallel_loop3A_279 = arith.constant 0 : i32
          %parallel_loop3A_280 = arith.index_cast %parallel_loop3A_279 : i32 to index
          %parallel_loop3A_281 = arith.index_cast %parallel_loop3A_274 : i32 to index
          %parallel_loop3A_282 = tpu.vector_load %arg11[%parallel_loop3A_280, %parallel_loop3A_281] {strides = array<i32>} : memref<8x512xf32, #tpu.memory_space<vmem>>, vector<1x16xf32>,
          %parallel_loop3A_283 = vector.shape_cast %parallel_loop3A_282 : vector<1x16xf32> to vector<16xf32>
          %parallel_loop3A_284 = arith.constant 0 : i32
          %parallel_loop3A_285 = arith.addi %parallel_loop3A_284, %parallel_loop3A_274 : i32
          %parallel_loop3A_286 = arith.index_cast %parallel_loop3A_285 : i32 to index
          %parallel_loop3A_287 = tpu.vector_load %arg13[%parallel_loop3A_286] {strides = array<i32>} : memref<4096xf32, #tpu.memory_space<vmem>>, vector<16xf32>,
          %parallel_loop3A_288 = vector.shape_cast %parallel_loop3A_287 : vector<16xf32> to vector<16xf32>
          %parallel_loop3A_289 = arith.constant 0 : i32
          %parallel_loop3A_290 = arith.addi %parallel_loop3A_289, %parallel_loop3A_274 : i32
          %parallel_loop3A_291 = arith.index_cast %parallel_loop3A_290 : i32 to index
          %parallel_loop3A_292 = tpu.vector_load %arg14[%parallel_loop3A_291] {strides = array<i32>} : memref<4096xf32, #tpu.memory_space<vmem>>, vector<16xf32>,
          %parallel_loop3A_293 = vector.shape_cast %parallel_loop3A_292 : vector<16xf32> to vector<16xf32>
          %parallel_loop3A_294 = arith.mulf %parallel_loop3A_283, %parallel_loop3A_288 : vector<16xf32>
          %parallel_loop3A_295 = arith.addf %parallel_loop3A_276, %parallel_loop3A_294 : vector<16xf32>
          %parallel_loop3A_296 = arith.mulf %parallel_loop3A_283, %parallel_loop3A_293 : vector<16xf32>
          %parallel_loop3A_297 = arith.addf %parallel_loop3A_278, %parallel_loop3A_296 : vector<16xf32>
          %parallel_loop3A_298 = arith.constant 1 : i32
          %parallel_loop3A_299 = arith.index_cast %parallel_loop3A_298 : i32 to index
          %parallel_loop3A_300 = arith.index_cast %parallel_loop3A_274 : i32 to index
          %parallel_loop3A_301 = tpu.vector_load %arg11[%parallel_loop3A_299, %parallel_loop3A_300] {strides = array<i32>} : memref<8x512xf32, #tpu.memory_space<vmem>>, vector<1x16xf32>,
          %parallel_loop3A_302 = vector.shape_cast %parallel_loop3A_301 : vector<1x16xf32> to vector<16xf32>
          %parallel_loop3A_303 = arith.constant 512 : i32
          %parallel_loop3A_304 = arith.addi %parallel_loop3A_303, %parallel_loop3A_274 : i32
          %parallel_loop3A_305 = arith.index_cast %parallel_loop3A_304 : i32 to index
          %parallel_loop3A_306 = tpu.vector_load %arg13[%parallel_loop3A_305] {strides = array<i32>} : memref<4096xf32, #tpu.memory_space<vmem>>, vector<16xf32>,
          %parallel_loop3A_307 = vector.shape_cast %parallel_loop3A_306 : vector<16xf32> to vector<16xf32>
          %parallel_loop3A_308 = arith.constant 512 : i32
          %parallel_loop3A_309 = arith.addi %parallel_loop3A_308, %parallel_loop3A_274 : i32
          %parallel_loop3A_310 = arith.index_cast %parallel_loop3A_309 : i32 to index
          %parallel_loop3A_311 = tpu.vector_load %arg14[%parallel_loop3A_310] {strides = array<i32>} : memref<4096xf32, #tpu.memory_space<vmem>>, vector<16xf32>,
          %parallel_loop3A_312 = vector.shape_cast %parallel_loop3A_311 : vector<16xf32> to vector<16xf32>
          %parallel_loop3A_313 = arith.mulf %parallel_loop3A_302, %parallel_loop3A_307 : vector<16xf32>
          %parallel_loop3A_314 = arith.addf %parallel_loop3A_295, %parallel_loop3A_313 : vector<16xf32>
          %parallel_loop3A_315 = arith.mulf %parallel_loop3A_302, %parallel_loop3A_312 : vector<16xf32>
          %parallel_loop3A_316 = arith.addf %parallel_loop3A_297, %parallel_loop3A_315 : vector<16xf32>
          %parallel_loop3A_317 = arith.constant 2 : i32
          %parallel_loop3A_318 = arith.index_cast %parallel_loop3A_317 : i32 to index
          %parallel_loop3A_319 = arith.index_cast %parallel_loop3A_274 : i32 to index
          %parallel_loop3A_320 = tpu.vector_load %arg11[%parallel_loop3A_318, %parallel_loop3A_319] {strides = array<i32>} : memref<8x512xf32, #tpu.memory_space<vmem>>, vector<1x16xf32>,
          %parallel_loop3A_321 = vector.shape_cast %parallel_loop3A_320 : vector<1x16xf32> to vector<16xf32>
          %parallel_loop3A_322 = arith.constant 1024 : i32
          %parallel_loop3A_323 = arith.addi %parallel_loop3A_322, %parallel_loop3A_274 : i32
          %parallel_loop3A_324 = arith.index_cast %parallel_loop3A_323 : i32 to index
          %parallel_loop3A_325 = tpu.vector_load %arg13[%parallel_loop3A_324] {strides = array<i32>} : memref<4096xf32, #tpu.memory_space<vmem>>, vector<16xf32>,
          %parallel_loop3A_326 = vector.shape_cast %parallel_loop3A_325 : vector<16xf32> to vector<16xf32>
          %parallel_loop3A_327 = arith.constant 1024 : i32
          %parallel_loop3A_328 = arith.addi %parallel_loop3A_327, %parallel_loop3A_274 : i32
          %parallel_loop3A_329 = arith.index_cast %parallel_loop3A_328 : i32 to index
          %parallel_loop3A_330 = tpu.vector_load %arg14[%parallel_loop3A_329] {strides = array<i32>} : memref<4096xf32, #tpu.memory_space<vmem>>, vector<16xf32>,
          %parallel_loop3A_331 = vector.shape_cast %parallel_loop3A_330 : vector<16xf32> to vector<16xf32>
          %parallel_loop3A_332 = arith.mulf %parallel_loop3A_321, %parallel_loop3A_326 : vector<16xf32>
          %parallel_loop3A_333 = arith.addf %parallel_loop3A_314, %parallel_loop3A_332 : vector<16xf32>
          %parallel_loop3A_334 = arith.mulf %parallel_loop3A_321, %parallel_loop3A_331 : vector<16xf32>
          %parallel_loop3A_335 = arith.addf %parallel_loop3A_316, %parallel_loop3A_334 : vector<16xf32>
          %parallel_loop3A_336 = arith.constant 3 : i32
          %parallel_loop3A_337 = arith.index_cast %parallel_loop3A_336 : i32 to index
          %parallel_loop3A_338 = arith.index_cast %parallel_loop3A_274 : i32 to index
          %parallel_loop3A_339 = tpu.vector_load %arg11[%parallel_loop3A_337, %parallel_loop3A_338] {strides = array<i32>} : memref<8x512xf32, #tpu.memory_space<vmem>>, vector<1x16xf32>,
          %parallel_loop3A_340 = vector.shape_cast %parallel_loop3A_339 : vector<1x16xf32> to vector<16xf32>
          %parallel_loop3A_341 = arith.constant 1536 : i32
          %parallel_loop3A_342 = arith.addi %parallel_loop3A_341, %parallel_loop3A_274 : i32
          %parallel_loop3A_343 = arith.index_cast %parallel_loop3A_342 : i32 to index
          %parallel_loop3A_344 = tpu.vector_load %arg13[%parallel_loop3A_343] {strides = array<i32>} : memref<4096xf32, #tpu.memory_space<vmem>>, vector<16xf32>,
          %parallel_loop3A_345 = vector.shape_cast %parallel_loop3A_344 : vector<16xf32> to vector<16xf32>
          %parallel_loop3A_346 = arith.constant 1536 : i32
          %parallel_loop3A_347 = arith.addi %parallel_loop3A_346, %parallel_loop3A_274 : i32
          %parallel_loop3A_348 = arith.index_cast %parallel_loop3A_347 : i32 to index
          %parallel_loop3A_349 = tpu.vector_load %arg14[%parallel_loop3A_348] {strides = array<i32>} : memref<4096xf32, #tpu.memory_space<vmem>>, vector<16xf32>,
          %parallel_loop3A_350 = vector.shape_cast %parallel_loop3A_349 : vector<16xf32> to vector<16xf32>
          %parallel_loop3A_351 = arith.mulf %parallel_loop3A_340, %parallel_loop3A_345 : vector<16xf32>
          %parallel_loop3A_352 = arith.addf %parallel_loop3A_333, %parallel_loop3A_351 : vector<16xf32>
          %parallel_loop3A_353 = arith.mulf %parallel_loop3A_340, %parallel_loop3A_350 : vector<16xf32>
          %parallel_loop3A_354 = arith.addf %parallel_loop3A_335, %parallel_loop3A_353 : vector<16xf32>
          %parallel_loop3A_355 = arith.constant 4 : i32
          %parallel_loop3A_356 = arith.index_cast %parallel_loop3A_355 : i32 to index
          %parallel_loop3A_357 = arith.index_cast %parallel_loop3A_274 : i32 to index
          %parallel_loop3A_358 = tpu.vector_load %arg11[%parallel_loop3A_356, %parallel_loop3A_357] {strides = array<i32>} : memref<8x512xf32, #tpu.memory_space<vmem>>, vector<1x16xf32>,
          %parallel_loop3A_359 = vector.shape_cast %parallel_loop3A_358 : vector<1x16xf32> to vector<16xf32>
          %parallel_loop3A_360 = arith.constant 2048 : i32
          %parallel_loop3A_361 = arith.addi %parallel_loop3A_360, %parallel_loop3A_274 : i32
          %parallel_loop3A_362 = arith.index_cast %parallel_loop3A_361 : i32 to index
          %parallel_loop3A_363 = tpu.vector_load %arg13[%parallel_loop3A_362] {strides = array<i32>} : memref<4096xf32, #tpu.memory_space<vmem>>, vector<16xf32>,
          %parallel_loop3A_364 = vector.shape_cast %parallel_loop3A_363 : vector<16xf32> to vector<16xf32>
          %parallel_loop3A_365 = arith.constant 2048 : i32
          %parallel_loop3A_366 = arith.addi %parallel_loop3A_365, %parallel_loop3A_274 : i32
          %parallel_loop3A_367 = arith.index_cast %parallel_loop3A_366 : i32 to index
          %parallel_loop3A_368 = tpu.vector_load %arg14[%parallel_loop3A_367] {strides = array<i32>} : memref<4096xf32, #tpu.memory_space<vmem>>, vector<16xf32>,
          %parallel_loop3A_369 = vector.shape_cast %parallel_loop3A_368 : vector<16xf32> to vector<16xf32>
          %parallel_loop3A_370 = arith.mulf %parallel_loop3A_359, %parallel_loop3A_364 : vector<16xf32>
          %parallel_loop3A_371 = arith.addf %parallel_loop3A_352, %parallel_loop3A_370 : vector<16xf32>
          %parallel_loop3A_372 = arith.mulf %parallel_loop3A_359, %parallel_loop3A_369 : vector<16xf32>
          %parallel_loop3A_373 = arith.addf %parallel_loop3A_354, %parallel_loop3A_372 : vector<16xf32>
          %parallel_loop3A_374 = arith.constant 5 : i32
          %parallel_loop3A_375 = arith.index_cast %parallel_loop3A_374 : i32 to index
          %parallel_loop3A_376 = arith.index_cast %parallel_loop3A_274 : i32 to index
          %parallel_loop3A_377 = tpu.vector_load %arg11[%parallel_loop3A_375, %parallel_loop3A_376] {strides = array<i32>} : memref<8x512xf32, #tpu.memory_space<vmem>>, vector<1x16xf32>,
          %parallel_loop3A_378 = vector.shape_cast %parallel_loop3A_377 : vector<1x16xf32> to vector<16xf32>
          %parallel_loop3A_379 = arith.constant 2560 : i32
          %parallel_loop3A_380 = arith.addi %parallel_loop3A_379, %parallel_loop3A_274 : i32
          %parallel_loop3A_381 = arith.index_cast %parallel_loop3A_380 : i32 to index
          %parallel_loop3A_382 = tpu.vector_load %arg13[%parallel_loop3A_381] {strides = array<i32>} : memref<4096xf32, #tpu.memory_space<vmem>>, vector<16xf32>,
          %parallel_loop3A_383 = vector.shape_cast %parallel_loop3A_382 : vector<16xf32> to vector<16xf32>
          %parallel_loop3A_384 = arith.constant 2560 : i32
          %parallel_loop3A_385 = arith.addi %parallel_loop3A_384, %parallel_loop3A_274 : i32
          %parallel_loop3A_386 = arith.index_cast %parallel_loop3A_385 : i32 to index
          %parallel_loop3A_387 = tpu.vector_load %arg14[%parallel_loop3A_386] {strides = array<i32>} : memref<4096xf32, #tpu.memory_space<vmem>>, vector<16xf32>,
          %parallel_loop3A_388 = vector.shape_cast %parallel_loop3A_387 : vector<16xf32> to vector<16xf32>
          %parallel_loop3A_389 = arith.mulf %parallel_loop3A_378, %parallel_loop3A_383 : vector<16xf32>
          %parallel_loop3A_390 = arith.addf %parallel_loop3A_371, %parallel_loop3A_389 : vector<16xf32>
          %parallel_loop3A_391 = arith.mulf %parallel_loop3A_378, %parallel_loop3A_388 : vector<16xf32>
          %parallel_loop3A_392 = arith.addf %parallel_loop3A_373, %parallel_loop3A_391 : vector<16xf32>
          %parallel_loop3A_393 = arith.constant 6 : i32
          %parallel_loop3A_394 = arith.index_cast %parallel_loop3A_393 : i32 to index
          %parallel_loop3A_395 = arith.index_cast %parallel_loop3A_274 : i32 to index
          %parallel_loop3A_396 = tpu.vector_load %arg11[%parallel_loop3A_394, %parallel_loop3A_395] {strides = array<i32>} : memref<8x512xf32, #tpu.memory_space<vmem>>, vector<1x16xf32>,
          %parallel_loop3A_397 = vector.shape_cast %parallel_loop3A_396 : vector<1x16xf32> to vector<16xf32>
          %parallel_loop3A_398 = arith.constant 3072 : i32
          %parallel_loop3A_399 = arith.addi %parallel_loop3A_398, %parallel_loop3A_274 : i32
          %parallel_loop3A_400 = arith.index_cast %parallel_loop3A_399 : i32 to index
          %parallel_loop3A_401 = tpu.vector_load %arg13[%parallel_loop3A_400] {strides = array<i32>} : memref<4096xf32, #tpu.memory_space<vmem>>, vector<16xf32>,
          %parallel_loop3A_402 = vector.shape_cast %parallel_loop3A_401 : vector<16xf32> to vector<16xf32>
          %parallel_loop3A_403 = arith.constant 3072 : i32
          %parallel_loop3A_404 = arith.addi %parallel_loop3A_403, %parallel_loop3A_274 : i32
          %parallel_loop3A_405 = arith.index_cast %parallel_loop3A_404 : i32 to index
          %parallel_loop3A_406 = tpu.vector_load %arg14[%parallel_loop3A_405] {strides = array<i32>} : memref<4096xf32, #tpu.memory_space<vmem>>, vector<16xf32>,
          %parallel_loop3A_407 = vector.shape_cast %parallel_loop3A_406 : vector<16xf32> to vector<16xf32>
          %parallel_loop3A_408 = arith.mulf %parallel_loop3A_397, %parallel_loop3A_402 : vector<16xf32>
          %parallel_loop3A_409 = arith.addf %parallel_loop3A_390, %parallel_loop3A_408 : vector<16xf32>
          %parallel_loop3A_410 = arith.mulf %parallel_loop3A_397, %parallel_loop3A_407 : vector<16xf32>
          %parallel_loop3A_411 = arith.addf %parallel_loop3A_392, %parallel_loop3A_410 : vector<16xf32>
          %parallel_loop3A_412 = arith.constant 7 : i32
          %parallel_loop3A_413 = arith.index_cast %parallel_loop3A_412 : i32 to index
          %parallel_loop3A_414 = arith.index_cast %parallel_loop3A_274 : i32 to index
          %parallel_loop3A_415 = tpu.vector_load %arg11[%parallel_loop3A_413, %parallel_loop3A_414] {strides = array<i32>} : memref<8x512xf32, #tpu.memory_space<vmem>>, vector<1x16xf32>,
          %parallel_loop3A_416 = vector.shape_cast %parallel_loop3A_415 : vector<1x16xf32> to vector<16xf32>
          %parallel_loop3A_417 = arith.constant 3584 : i32
          %parallel_loop3A_418 = arith.addi %parallel_loop3A_417, %parallel_loop3A_274 : i32
          %parallel_loop3A_419 = arith.index_cast %parallel_loop3A_418 : i32 to index
          %parallel_loop3A_420 = tpu.vector_load %arg13[%parallel_loop3A_419] {strides = array<i32>} : memref<4096xf32, #tpu.memory_space<vmem>>, vector<16xf32>,
          %parallel_loop3A_421 = vector.shape_cast %parallel_loop3A_420 : vector<16xf32> to vector<16xf32>
          %parallel_loop3A_422 = arith.constant 3584 : i32
          %parallel_loop3A_423 = arith.addi %parallel_loop3A_422, %parallel_loop3A_274 : i32
          %parallel_loop3A_424 = arith.index_cast %parallel_loop3A_423 : i32 to index
          %parallel_loop3A_425 = tpu.vector_load %arg14[%parallel_loop3A_424] {strides = array<i32>} : memref<4096xf32, #tpu.memory_space<vmem>>, vector<16xf32>,
          %parallel_loop3A_426 = vector.shape_cast %parallel_loop3A_425 : vector<16xf32> to vector<16xf32>
          %parallel_loop3A_427 = arith.mulf %parallel_loop3A_416, %parallel_loop3A_421 : vector<16xf32>
          %parallel_loop3A_428 = arith.addf %parallel_loop3A_409, %parallel_loop3A_427 : vector<16xf32>
          %parallel_loop3A_429 = arith.mulf %parallel_loop3A_416, %parallel_loop3A_426 : vector<16xf32>
          %parallel_loop3A_430 = arith.addf %parallel_loop3A_411, %parallel_loop3A_429 : vector<16xf32>
          %parallel_loop3A_431 = arith.constant 0 : i32
          %parallel_loop3A_432 = arith.index_cast %parallel_loop3A_431 : i32 to index
          %parallel_loop3A_433 = arith.index_cast %parallel_loop3A_274 : i32 to index
          %parallel_loop3A_434 = tpu.vector_load %arg17[%parallel_loop3A_432, %parallel_loop3A_433] {strides = array<i32>} : memref<2x512xf32, #tpu.memory_space<vmem>>, vector<1x16xf32>,
          %parallel_loop3A_435 = vector.shape_cast %parallel_loop3A_434 : vector<1x16xf32> to vector<16xf32>
          %parallel_loop3A_436 = vector.shape_cast %parallel_loop3A_428 : vector<16xf32> to vector<1x16xf32>
          tpu.vector_store %arg17[%parallel_loop3A_432, %parallel_loop3A_433], %parallel_loop3A_436 {strides = array<i32>} : memref<2x512xf32, #tpu.memory_space<vmem>>, vector<1x16xf32>,
          %parallel_loop3A_437 = arith.constant 1 : i32
          %parallel_loop3A_438 = arith.index_cast %parallel_loop3A_437 : i32 to index
          %parallel_loop3A_439 = arith.index_cast %parallel_loop3A_274 : i32 to index
          %parallel_loop3A_440 = tpu.vector_load %arg17[%parallel_loop3A_438, %parallel_loop3A_439] {strides = array<i32>} : memref<2x512xf32, #tpu.memory_space<vmem>>, vector<1x16xf32>,
          %parallel_loop3A_441 = vector.shape_cast %parallel_loop3A_440 : vector<1x16xf32> to vector<16xf32>
          %parallel_loop3A_442 = vector.shape_cast %parallel_loop3A_430 : vector<16xf32> to vector<1x16xf32>
          tpu.vector_store %arg17[%parallel_loop3A_438, %parallel_loop3A_439], %parallel_loop3A_442 {strides = array<i32>} : memref<2x512xf32, #tpu.memory_space<vmem>>, vector<1x16xf32>,
        } {sc.loop_unroll_factor = 2 : i64, sc.parallel_access}
        %sub3A = arith.constant 2 : i32
        %sub3A_221 = arith.subi %add3A_190, %sub3A : i32
        %mul3A_222 = arith.constant 2 : i32
        %mul3A_223 = arith.muli %mul3A_222, %scan3A_9 : i32
        %mul3A_224 = arith.constant 512 : i32
        %mul3A_225 = arith.muli %sub3A_221, %mul3A_224 : i32
        %add3A_226 = arith.addi %mul3A_2, %mul3A_225 : i32
        %dma_start3A_227 = tpu.memref_slice %arg4[%mul3A_223, %add3A_226] : memref<32x524288xf32, #tpu.memory_space<hbm>> -> memref<2x512xf32, #tpu.memory_space<hbm>>
        %dma_start3A_228 = tpu.memref_slice %arg4[%mul3A_223, %add3A_226] : memref<32x524288xf32, #tpu.memory_space<hbm>> -> memref<2x512xf32, #tpu.memory_space<hbm>>
        tpu.enqueue_dma source(%arg17 : memref<2x512xf32, #tpu.memory_space<vmem>>) target(%dma_start3A_228 : memref<2x512xf32, #tpu.memory_space<hbm>>) target_semaphore(%arg22 : memref<!tpu.dma_semaphore, #tpu.memory_space<semaphore_mem>>)
        %mul3A_229 = arith.constant 512 : i32
        %mul3A_230 = arith.muli %add3A_190, %mul3A_229 : i32
        %add3A_231 = arith.addi %mul3A_2, %mul3A_230 : i32
        %dma_wait3A_232 = arith.constant 0 : i32
        %dma_wait3A_233 = tpu.memref_slice %arg2[%dma_wait3A_232, %add3A_231] : memref<3x524288xf32, #tpu.memory_space<hbm>> -> memref<3x512xf32, #tpu.memory_space<hbm>>
        %dma_wait3A_234 = arith.constant 0 : i32
        %dma_wait3A_235 = tpu.memref_slice %arg2[%dma_wait3A_234, %add3A_231] : memref<3x524288xf32, #tpu.memory_space<hbm>> -> memref<3x512xf32, #tpu.memory_space<hbm>>
        tpu.wait_dma2 semaphore(%arg21 : memref<!tpu.dma_semaphore, #tpu.memory_space<semaphore_mem>>) src(%dma_wait3A_235 : memref<3x512xf32, #tpu.memory_space<hbm>>) dst(%arg7 : memref<3x512xf32, #tpu.memory_space<vmem>>)
        %parallel_loop3A_236 = arith.constant 0 : i32
        %parallel_loop3A_237 = arith.constant 32 : i32
        %parallel_loop3A_238 = arith.constant 1 : i32
        scf.for %parallel_loop3A_272 = %parallel_loop3A_236 to %parallel_loop3A_237 step %parallel_loop3A_238  : i32 {
          %parallel_loop3A_273 = arith.constant 16 : i32
          %parallel_loop3A_274 = arith.muli %parallel_loop3A_272, %parallel_loop3A_273 : i32
          %parallel_loop3A_275 = arith.constant 0 : i32
          %parallel_loop3A_276 = arith.index_cast %parallel_loop3A_275 : i32 to index
          %parallel_loop3A_277 = arith.index_cast %parallel_loop3A_274 : i32 to index
          %parallel_loop3A_278 = tpu.vector_load %arg7[%parallel_loop3A_276, %parallel_loop3A_277] {strides = array<i32>} : memref<3x512xf32, #tpu.memory_space<vmem>>, vector<1x16xf32>,
          %parallel_loop3A_279 = vector.shape_cast %parallel_loop3A_278 : vector<1x16xf32> to vector<16xf32>
          %parallel_loop3A_280 = arith.constant 1 : i32
          %parallel_loop3A_281 = arith.index_cast %parallel_loop3A_280 : i32 to index
          %parallel_loop3A_282 = arith.index_cast %parallel_loop3A_274 : i32 to index
          %parallel_loop3A_283 = tpu.vector_load %arg7[%parallel_loop3A_281, %parallel_loop3A_282] {strides = array<i32>} : memref<3x512xf32, #tpu.memory_space<vmem>>, vector<1x16xf32>,
          %parallel_loop3A_284 = vector.shape_cast %parallel_loop3A_283 : vector<1x16xf32> to vector<16xf32>
          %parallel_loop3A_285 = arith.constant 2 : i32
          %parallel_loop3A_286 = arith.index_cast %parallel_loop3A_285 : i32 to index
          %parallel_loop3A_287 = arith.index_cast %parallel_loop3A_274 : i32 to index
          %parallel_loop3A_288 = tpu.vector_load %arg7[%parallel_loop3A_286, %parallel_loop3A_287] {strides = array<i32>} : memref<3x512xf32, #tpu.memory_space<vmem>>, vector<1x16xf32>,
          %parallel_loop3A_289 = vector.shape_cast %parallel_loop3A_288 : vector<1x16xf32> to vector<16xf32>
          %parallel_loop3A_290 = vector.broadcast %select_n3A_72 : f32 to vector<16xf32>
          %parallel_loop3A_291 = arith.mulf %parallel_loop3A_279, %parallel_loop3A_290 : vector<16xf32>
          %parallel_loop3A_292 = arith.fptosi %parallel_loop3A_291 : vector<16xf32> to vector<16xi32>
          %parallel_loop3A_293 = arith.sitofp %parallel_loop3A_292 : vector<16xi32> to vector<16xf32>
          %parallel_loop3A_294 = arith.cmpf ogt, %parallel_loop3A_293, %parallel_loop3A_291 : vector<16xf32>
          %parallel_loop3A_295 = arith.constant 1 : i32
          %parallel_loop3A_296 = vector.broadcast %parallel_loop3A_295 : i32 to vector<16xi32>
          %parallel_loop3A_297 = arith.subi %parallel_loop3A_292, %parallel_loop3A_296 : vector<16xi32>
          %parallel_loop3A_298 = arith.select %parallel_loop3A_294, %parallel_loop3A_297, %parallel_loop3A_292 : vector<16xi1>, vector<16xi32>
          %parallel_loop3A_299 = arith.constant 1.000000e+00 : f32
          %parallel_loop3A_300 = vector.broadcast %parallel_loop3A_299 : f32 to vector<16xf32>
          %parallel_loop3A_301 = arith.subf %parallel_loop3A_293, %parallel_loop3A_300 : vector<16xf32>
          %parallel_loop3A_302 = arith.select %parallel_loop3A_294, %parallel_loop3A_301, %parallel_loop3A_293 : vector<16xi1>, vector<16xf32>
          %parallel_loop3A_303 = arith.subf %parallel_loop3A_291, %parallel_loop3A_302 : vector<16xf32>
          %parallel_loop3A_304 = vector.broadcast %select_n3A_72 : f32 to vector<16xf32>
          %parallel_loop3A_305 = arith.mulf %parallel_loop3A_284, %parallel_loop3A_304 : vector<16xf32>
          %parallel_loop3A_306 = arith.fptosi %parallel_loop3A_305 : vector<16xf32> to vector<16xi32>
          %parallel_loop3A_307 = arith.sitofp %parallel_loop3A_306 : vector<16xi32> to vector<16xf32>
          %parallel_loop3A_308 = arith.cmpf ogt, %parallel_loop3A_307, %parallel_loop3A_305 : vector<16xf32>
          %parallel_loop3A_309 = arith.constant 1 : i32
          %parallel_loop3A_310 = vector.broadcast %parallel_loop3A_309 : i32 to vector<16xi32>
          %parallel_loop3A_311 = arith.subi %parallel_loop3A_306, %parallel_loop3A_310 : vector<16xi32>
          %parallel_loop3A_312 = arith.select %parallel_loop3A_308, %parallel_loop3A_311, %parallel_loop3A_306 : vector<16xi1>, vector<16xi32>
          %parallel_loop3A_313 = arith.constant 1.000000e+00 : f32
          %parallel_loop3A_314 = vector.broadcast %parallel_loop3A_313 : f32 to vector<16xf32>
          %parallel_loop3A_315 = arith.subf %parallel_loop3A_307, %parallel_loop3A_314 : vector<16xf32>
          %parallel_loop3A_316 = arith.select %parallel_loop3A_308, %parallel_loop3A_315, %parallel_loop3A_307 : vector<16xi1>, vector<16xf32>
          %parallel_loop3A_317 = arith.subf %parallel_loop3A_305, %parallel_loop3A_316 : vector<16xf32>
          %parallel_loop3A_318 = vector.broadcast %select_n3A_72 : f32 to vector<16xf32>
          %parallel_loop3A_319 = arith.mulf %parallel_loop3A_289, %parallel_loop3A_318 : vector<16xf32>
          %parallel_loop3A_320 = arith.fptosi %parallel_loop3A_319 : vector<16xf32> to vector<16xi32>
          %parallel_loop3A_321 = arith.sitofp %parallel_loop3A_320 : vector<16xi32> to vector<16xf32>
          %parallel_loop3A_322 = arith.cmpf ogt, %parallel_loop3A_321, %parallel_loop3A_319 : vector<16xf32>
          %parallel_loop3A_323 = arith.constant 1 : i32
          %parallel_loop3A_324 = vector.broadcast %parallel_loop3A_323 : i32 to vector<16xi32>
          %parallel_loop3A_325 = arith.subi %parallel_loop3A_320, %parallel_loop3A_324 : vector<16xi32>
          %parallel_loop3A_326 = arith.select %parallel_loop3A_322, %parallel_loop3A_325, %parallel_loop3A_320 : vector<16xi1>, vector<16xi32>
          %parallel_loop3A_327 = arith.constant 1.000000e+00 : f32
          %parallel_loop3A_328 = vector.broadcast %parallel_loop3A_327 : f32 to vector<16xf32>
          %parallel_loop3A_329 = arith.subf %parallel_loop3A_321, %parallel_loop3A_328 : vector<16xf32>
          %parallel_loop3A_330 = arith.select %parallel_loop3A_322, %parallel_loop3A_329, %parallel_loop3A_321 : vector<16xi1>, vector<16xf32>
          %parallel_loop3A_331 = arith.subf %parallel_loop3A_319, %parallel_loop3A_330 : vector<16xf32>
          %parallel_loop3A_332 = arith.constant -1640531535 : i32
          %parallel_loop3A_333 = vector.broadcast %parallel_loop3A_332 : i32 to vector<16xi32>
          %parallel_loop3A_334 = arith.muli %parallel_loop3A_312, %parallel_loop3A_333 : vector<16xi32>
          %parallel_loop3A_335 = arith.constant 805459861 : i32
          %parallel_loop3A_336 = vector.broadcast %parallel_loop3A_335 : i32 to vector<16xi32>
          %parallel_loop3A_337 = arith.muli %parallel_loop3A_326, %parallel_loop3A_336 : vector<16xi32>
          %parallel_loop3A_338 = arith.constant -1640531535 : i32
          %parallel_loop3A_339 = vector.broadcast %parallel_loop3A_338 : i32 to vector<16xi32>
          %parallel_loop3A_340 = arith.addi %parallel_loop3A_334, %parallel_loop3A_339 : vector<16xi32>
          %parallel_loop3A_341 = arith.constant 805459861 : i32
          %parallel_loop3A_342 = vector.broadcast %parallel_loop3A_341 : i32 to vector<16xi32>
          %parallel_loop3A_343 = arith.addi %parallel_loop3A_337, %parallel_loop3A_342 : vector<16xi32>
          %parallel_loop3A_344 = arith.constant 1 : i32
          %parallel_loop3A_345 = vector.broadcast %parallel_loop3A_344 : i32 to vector<16xi32>
          %parallel_loop3A_346 = arith.addi %parallel_loop3A_298, %parallel_loop3A_345 : vector<16xi32>
          %parallel_loop3A_347 = arith.xori %parallel_loop3A_298, %parallel_loop3A_334 : vector<16xi32>
          %parallel_loop3A_348 = arith.xori %parallel_loop3A_346, %parallel_loop3A_334 : vector<16xi32>
          %parallel_loop3A_349 = arith.xori %parallel_loop3A_298, %parallel_loop3A_340 : vector<16xi32>
          %parallel_loop3A_350 = arith.xori %parallel_loop3A_346, %parallel_loop3A_340 : vector<16xi32>
          %parallel_loop3A_351 = arith.constant 1.000000e+00 : f32
          %parallel_loop3A_352 = vector.broadcast %parallel_loop3A_351 : f32 to vector<16xf32>
          %parallel_loop3A_353 = arith.subf %parallel_loop3A_352, %parallel_loop3A_303 : vector<16xf32>
          %parallel_loop3A_354 = arith.constant 1.000000e+00 : f32
          %parallel_loop3A_355 = vector.broadcast %parallel_loop3A_354 : f32 to vector<16xf32>
          %parallel_loop3A_356 = arith.subf %parallel_loop3A_355, %parallel_loop3A_317 : vector<16xf32>
          %parallel_loop3A_357 = arith.constant 1.000000e+00 : f32
          %parallel_loop3A_358 = vector.broadcast %parallel_loop3A_357 : f32 to vector<16xf32>
          %parallel_loop3A_359 = arith.subf %parallel_loop3A_358, %parallel_loop3A_331 : vector<16xf32>
          %parallel_loop3A_360 = arith.mulf %parallel_loop3A_353, %parallel_loop3A_356 : vector<16xf32>
          %parallel_loop3A_361 = arith.mulf %parallel_loop3A_303, %parallel_loop3A_356 : vector<16xf32>
          %parallel_loop3A_362 = arith.mulf %parallel_loop3A_353, %parallel_loop3A_317 : vector<16xf32>
          %parallel_loop3A_363 = arith.mulf %parallel_loop3A_303, %parallel_loop3A_317 : vector<16xf32>
          %parallel_loop3A_364 = arith.mulf %parallel_loop3A_360, %parallel_loop3A_359 : vector<16xf32>
          %parallel_loop3A_365 = arith.mulf %parallel_loop3A_361, %parallel_loop3A_359 : vector<16xf32>
          %parallel_loop3A_366 = arith.mulf %parallel_loop3A_362, %parallel_loop3A_359 : vector<16xf32>
          %parallel_loop3A_367 = arith.mulf %parallel_loop3A_363, %parallel_loop3A_359 : vector<16xf32>
          %parallel_loop3A_368 = arith.mulf %parallel_loop3A_360, %parallel_loop3A_331 : vector<16xf32>
          %parallel_loop3A_369 = arith.mulf %parallel_loop3A_361, %parallel_loop3A_331 : vector<16xf32>
          %parallel_loop3A_370 = arith.mulf %parallel_loop3A_362, %parallel_loop3A_331 : vector<16xf32>
          %parallel_loop3A_371 = arith.mulf %parallel_loop3A_363, %parallel_loop3A_331 : vector<16xf32>
          %parallel_loop3A_372 = arith.xori %parallel_loop3A_347, %parallel_loop3A_337 : vector<16xi32>
          %parallel_loop3A_373 = arith.constant 524287 : i32
          %parallel_loop3A_374 = vector.broadcast %parallel_loop3A_373 : i32 to vector<16xi32>
          %parallel_loop3A_375 = arith.andi %parallel_loop3A_372, %parallel_loop3A_374 : vector<16xi32>
          %parallel_loop3A_376 = arith.constant 0 : i32
          %parallel_loop3A_377 = arith.addi %parallel_loop3A_376, %parallel_loop3A_274 : i32
          %parallel_loop3A_378 = arith.index_cast %parallel_loop3A_377 : i32 to index
          %parallel_loop3A_379 = tpu.vector_load %arg9[%parallel_loop3A_378] {strides = array<i32>} : memref<4096xi32, #tpu.memory_space<vmem>>, vector<16xi32>,
          %parallel_loop3A_380 = vector.shape_cast %parallel_loop3A_379 : vector<16xi32> to vector<16xi32>
          %parallel_loop3A_381 = vector.shape_cast %parallel_loop3A_375 : vector<16xi32> to vector<16xi32>
          tpu.vector_store %arg9[%parallel_loop3A_378], %parallel_loop3A_381 {strides = array<i32>} : memref<4096xi32, #tpu.memory_space<vmem>>, vector<16xi32>,
          %parallel_loop3A_382 = arith.constant 0 : i32
          %parallel_loop3A_383 = arith.index_cast %parallel_loop3A_382 : i32 to index
          %parallel_loop3A_384 = arith.index_cast %parallel_loop3A_274 : i32 to index
          %parallel_loop3A_385 = tpu.vector_load %arg11[%parallel_loop3A_383, %parallel_loop3A_384] {strides = array<i32>} : memref<8x512xf32, #tpu.memory_space<vmem>>, vector<1x16xf32>,
          %parallel_loop3A_386 = vector.shape_cast %parallel_loop3A_385 : vector<1x16xf32> to vector<16xf32>
          %parallel_loop3A_387 = vector.shape_cast %parallel_loop3A_364 : vector<16xf32> to vector<1x16xf32>
          tpu.vector_store %arg11[%parallel_loop3A_383, %parallel_loop3A_384], %parallel_loop3A_387 {strides = array<i32>} : memref<8x512xf32, #tpu.memory_space<vmem>>, vector<1x16xf32>,
          %parallel_loop3A_388 = arith.xori %parallel_loop3A_348, %parallel_loop3A_337 : vector<16xi32>
          %parallel_loop3A_389 = arith.constant 524287 : i32
          %parallel_loop3A_390 = vector.broadcast %parallel_loop3A_389 : i32 to vector<16xi32>
          %parallel_loop3A_391 = arith.andi %parallel_loop3A_388, %parallel_loop3A_390 : vector<16xi32>
          %parallel_loop3A_392 = arith.constant 512 : i32
          %parallel_loop3A_393 = arith.addi %parallel_loop3A_392, %parallel_loop3A_274 : i32
          %parallel_loop3A_394 = arith.index_cast %parallel_loop3A_393 : i32 to index
          %parallel_loop3A_395 = tpu.vector_load %arg9[%parallel_loop3A_394] {strides = array<i32>} : memref<4096xi32, #tpu.memory_space<vmem>>, vector<16xi32>,
          %parallel_loop3A_396 = vector.shape_cast %parallel_loop3A_395 : vector<16xi32> to vector<16xi32>
          %parallel_loop3A_397 = vector.shape_cast %parallel_loop3A_391 : vector<16xi32> to vector<16xi32>
          tpu.vector_store %arg9[%parallel_loop3A_394], %parallel_loop3A_397 {strides = array<i32>} : memref<4096xi32, #tpu.memory_space<vmem>>, vector<16xi32>,
          %parallel_loop3A_398 = arith.constant 1 : i32
          %parallel_loop3A_399 = arith.index_cast %parallel_loop3A_398 : i32 to index
          %parallel_loop3A_400 = arith.index_cast %parallel_loop3A_274 : i32 to index
          %parallel_loop3A_401 = tpu.vector_load %arg11[%parallel_loop3A_399, %parallel_loop3A_400] {strides = array<i32>} : memref<8x512xf32, #tpu.memory_space<vmem>>, vector<1x16xf32>,
          %parallel_loop3A_402 = vector.shape_cast %parallel_loop3A_401 : vector<1x16xf32> to vector<16xf32>
          %parallel_loop3A_403 = vector.shape_cast %parallel_loop3A_365 : vector<16xf32> to vector<1x16xf32>
          tpu.vector_store %arg11[%parallel_loop3A_399, %parallel_loop3A_400], %parallel_loop3A_403 {strides = array<i32>} : memref<8x512xf32, #tpu.memory_space<vmem>>, vector<1x16xf32>,
          %parallel_loop3A_404 = arith.xori %parallel_loop3A_349, %parallel_loop3A_337 : vector<16xi32>
          %parallel_loop3A_405 = arith.constant 524287 : i32
          %parallel_loop3A_406 = vector.broadcast %parallel_loop3A_405 : i32 to vector<16xi32>
          %parallel_loop3A_407 = arith.andi %parallel_loop3A_404, %parallel_loop3A_406 : vector<16xi32>
          %parallel_loop3A_408 = arith.constant 1024 : i32
          %parallel_loop3A_409 = arith.addi %parallel_loop3A_408, %parallel_loop3A_274 : i32
          %parallel_loop3A_410 = arith.index_cast %parallel_loop3A_409 : i32 to index
          %parallel_loop3A_411 = tpu.vector_load %arg9[%parallel_loop3A_410] {strides = array<i32>} : memref<4096xi32, #tpu.memory_space<vmem>>, vector<16xi32>,
          %parallel_loop3A_412 = vector.shape_cast %parallel_loop3A_411 : vector<16xi32> to vector<16xi32>
          %parallel_loop3A_413 = vector.shape_cast %parallel_loop3A_407 : vector<16xi32> to vector<16xi32>
          tpu.vector_store %arg9[%parallel_loop3A_410], %parallel_loop3A_413 {strides = array<i32>} : memref<4096xi32, #tpu.memory_space<vmem>>, vector<16xi32>,
          %parallel_loop3A_414 = arith.constant 2 : i32
          %parallel_loop3A_415 = arith.index_cast %parallel_loop3A_414 : i32 to index
          %parallel_loop3A_416 = arith.index_cast %parallel_loop3A_274 : i32 to index
          %parallel_loop3A_417 = tpu.vector_load %arg11[%parallel_loop3A_415, %parallel_loop3A_416] {strides = array<i32>} : memref<8x512xf32, #tpu.memory_space<vmem>>, vector<1x16xf32>,
          %parallel_loop3A_418 = vector.shape_cast %parallel_loop3A_417 : vector<1x16xf32> to vector<16xf32>
          %parallel_loop3A_419 = vector.shape_cast %parallel_loop3A_366 : vector<16xf32> to vector<1x16xf32>
          tpu.vector_store %arg11[%parallel_loop3A_415, %parallel_loop3A_416], %parallel_loop3A_419 {strides = array<i32>} : memref<8x512xf32, #tpu.memory_space<vmem>>, vector<1x16xf32>,
          %parallel_loop3A_420 = arith.xori %parallel_loop3A_350, %parallel_loop3A_337 : vector<16xi32>
          %parallel_loop3A_421 = arith.constant 524287 : i32
          %parallel_loop3A_422 = vector.broadcast %parallel_loop3A_421 : i32 to vector<16xi32>
          %parallel_loop3A_423 = arith.andi %parallel_loop3A_420, %parallel_loop3A_422 : vector<16xi32>
          %parallel_loop3A_424 = arith.constant 1536 : i32
          %parallel_loop3A_425 = arith.addi %parallel_loop3A_424, %parallel_loop3A_274 : i32
          %parallel_loop3A_426 = arith.index_cast %parallel_loop3A_425 : i32 to index
          %parallel_loop3A_427 = tpu.vector_load %arg9[%parallel_loop3A_426] {strides = array<i32>} : memref<4096xi32, #tpu.memory_space<vmem>>, vector<16xi32>,
          %parallel_loop3A_428 = vector.shape_cast %parallel_loop3A_427 : vector<16xi32> to vector<16xi32>
          %parallel_loop3A_429 = vector.shape_cast %parallel_loop3A_423 : vector<16xi32> to vector<16xi32>
          tpu.vector_store %arg9[%parallel_loop3A_426], %parallel_loop3A_429 {strides = array<i32>} : memref<4096xi32, #tpu.memory_space<vmem>>, vector<16xi32>,
          %parallel_loop3A_430 = arith.constant 3 : i32
          %parallel_loop3A_431 = arith.index_cast %parallel_loop3A_430 : i32 to index
          %parallel_loop3A_432 = arith.index_cast %parallel_loop3A_274 : i32 to index
          %parallel_loop3A_433 = tpu.vector_load %arg11[%parallel_loop3A_431, %parallel_loop3A_432] {strides = array<i32>} : memref<8x512xf32, #tpu.memory_space<vmem>>, vector<1x16xf32>,
          %parallel_loop3A_434 = vector.shape_cast %parallel_loop3A_433 : vector<1x16xf32> to vector<16xf32>
          %parallel_loop3A_435 = vector.shape_cast %parallel_loop3A_367 : vector<16xf32> to vector<1x16xf32>
          tpu.vector_store %arg11[%parallel_loop3A_431, %parallel_loop3A_432], %parallel_loop3A_435 {strides = array<i32>} : memref<8x512xf32, #tpu.memory_space<vmem>>, vector<1x16xf32>,
          %parallel_loop3A_436 = arith.xori %parallel_loop3A_347, %parallel_loop3A_343 : vector<16xi32>
          %parallel_loop3A_437 = arith.constant 524287 : i32
          %parallel_loop3A_438 = vector.broadcast %parallel_loop3A_437 : i32 to vector<16xi32>
          %parallel_loop3A_439 = arith.andi %parallel_loop3A_436, %parallel_loop3A_438 : vector<16xi32>
          %parallel_loop3A_440 = arith.constant 2048 : i32
          %parallel_loop3A_441 = arith.addi %parallel_loop3A_440, %parallel_loop3A_274 : i32
          %parallel_loop3A_442 = arith.index_cast %parallel_loop3A_441 : i32 to index
          %parallel_loop3A_443 = tpu.vector_load %arg9[%parallel_loop3A_442] {strides = array<i32>} : memref<4096xi32, #tpu.memory_space<vmem>>, vector<16xi32>,
          %parallel_loop3A_444 = vector.shape_cast %parallel_loop3A_443 : vector<16xi32> to vector<16xi32>
          %parallel_loop3A_445 = vector.shape_cast %parallel_loop3A_439 : vector<16xi32> to vector<16xi32>
          tpu.vector_store %arg9[%parallel_loop3A_442], %parallel_loop3A_445 {strides = array<i32>} : memref<4096xi32, #tpu.memory_space<vmem>>, vector<16xi32>,
          %parallel_loop3A_446 = arith.constant 4 : i32
          %parallel_loop3A_447 = arith.index_cast %parallel_loop3A_446 : i32 to index
          %parallel_loop3A_448 = arith.index_cast %parallel_loop3A_274 : i32 to index
          %parallel_loop3A_449 = tpu.vector_load %arg11[%parallel_loop3A_447, %parallel_loop3A_448] {strides = array<i32>} : memref<8x512xf32, #tpu.memory_space<vmem>>, vector<1x16xf32>,
          %parallel_loop3A_450 = vector.shape_cast %parallel_loop3A_449 : vector<1x16xf32> to vector<16xf32>
          %parallel_loop3A_451 = vector.shape_cast %parallel_loop3A_368 : vector<16xf32> to vector<1x16xf32>
          tpu.vector_store %arg11[%parallel_loop3A_447, %parallel_loop3A_448], %parallel_loop3A_451 {strides = array<i32>} : memref<8x512xf32, #tpu.memory_space<vmem>>, vector<1x16xf32>,
          %parallel_loop3A_452 = arith.xori %parallel_loop3A_348, %parallel_loop3A_343 : vector<16xi32>
          %parallel_loop3A_453 = arith.constant 524287 : i32
          %parallel_loop3A_454 = vector.broadcast %parallel_loop3A_453 : i32 to vector<16xi32>
          %parallel_loop3A_455 = arith.andi %parallel_loop3A_452, %parallel_loop3A_454 : vector<16xi32>
          %parallel_loop3A_456 = arith.constant 2560 : i32
          %parallel_loop3A_457 = arith.addi %parallel_loop3A_456, %parallel_loop3A_274 : i32
          %parallel_loop3A_458 = arith.index_cast %parallel_loop3A_457 : i32 to index
          %parallel_loop3A_459 = tpu.vector_load %arg9[%parallel_loop3A_458] {strides = array<i32>} : memref<4096xi32, #tpu.memory_space<vmem>>, vector<16xi32>,
          %parallel_loop3A_460 = vector.shape_cast %parallel_loop3A_459 : vector<16xi32> to vector<16xi32>
          %parallel_loop3A_461 = vector.shape_cast %parallel_loop3A_455 : vector<16xi32> to vector<16xi32>
          tpu.vector_store %arg9[%parallel_loop3A_458], %parallel_loop3A_461 {strides = array<i32>} : memref<4096xi32, #tpu.memory_space<vmem>>, vector<16xi32>,
          %parallel_loop3A_462 = arith.constant 5 : i32
          %parallel_loop3A_463 = arith.index_cast %parallel_loop3A_462 : i32 to index
          %parallel_loop3A_464 = arith.index_cast %parallel_loop3A_274 : i32 to index
          %parallel_loop3A_465 = tpu.vector_load %arg11[%parallel_loop3A_463, %parallel_loop3A_464] {strides = array<i32>} : memref<8x512xf32, #tpu.memory_space<vmem>>, vector<1x16xf32>,
          %parallel_loop3A_466 = vector.shape_cast %parallel_loop3A_465 : vector<1x16xf32> to vector<16xf32>
          %parallel_loop3A_467 = vector.shape_cast %parallel_loop3A_369 : vector<16xf32> to vector<1x16xf32>
          tpu.vector_store %arg11[%parallel_loop3A_463, %parallel_loop3A_464], %parallel_loop3A_467 {strides = array<i32>} : memref<8x512xf32, #tpu.memory_space<vmem>>, vector<1x16xf32>,
          %parallel_loop3A_468 = arith.xori %parallel_loop3A_349, %parallel_loop3A_343 : vector<16xi32>
          %parallel_loop3A_469 = arith.constant 524287 : i32
          %parallel_loop3A_470 = vector.broadcast %parallel_loop3A_469 : i32 to vector<16xi32>
          %parallel_loop3A_471 = arith.andi %parallel_loop3A_468, %parallel_loop3A_470 : vector<16xi32>
          %parallel_loop3A_472 = arith.constant 3072 : i32
          %parallel_loop3A_473 = arith.addi %parallel_loop3A_472, %parallel_loop3A_274 : i32
          %parallel_loop3A_474 = arith.index_cast %parallel_loop3A_473 : i32 to index
          %parallel_loop3A_475 = tpu.vector_load %arg9[%parallel_loop3A_474] {strides = array<i32>} : memref<4096xi32, #tpu.memory_space<vmem>>, vector<16xi32>,
          %parallel_loop3A_476 = vector.shape_cast %parallel_loop3A_475 : vector<16xi32> to vector<16xi32>
          %parallel_loop3A_477 = vector.shape_cast %parallel_loop3A_471 : vector<16xi32> to vector<16xi32>
          tpu.vector_store %arg9[%parallel_loop3A_474], %parallel_loop3A_477 {strides = array<i32>} : memref<4096xi32, #tpu.memory_space<vmem>>, vector<16xi32>,
          %parallel_loop3A_478 = arith.constant 6 : i32
          %parallel_loop3A_479 = arith.index_cast %parallel_loop3A_478 : i32 to index
          %parallel_loop3A_480 = arith.index_cast %parallel_loop3A_274 : i32 to index
          %parallel_loop3A_481 = tpu.vector_load %arg11[%parallel_loop3A_479, %parallel_loop3A_480] {strides = array<i32>} : memref<8x512xf32, #tpu.memory_space<vmem>>, vector<1x16xf32>,
          %parallel_loop3A_482 = vector.shape_cast %parallel_loop3A_481 : vector<1x16xf32> to vector<16xf32>
          %parallel_loop3A_483 = vector.shape_cast %parallel_loop3A_370 : vector<16xf32> to vector<1x16xf32>
          tpu.vector_store %arg11[%parallel_loop3A_479, %parallel_loop3A_480], %parallel_loop3A_483 {strides = array<i32>} : memref<8x512xf32, #tpu.memory_space<vmem>>, vector<1x16xf32>,
          %parallel_loop3A_484 = arith.xori %parallel_loop3A_350, %parallel_loop3A_343 : vector<16xi32>
          %parallel_loop3A_485 = arith.constant 524287 : i32
          %parallel_loop3A_486 = vector.broadcast %parallel_loop3A_485 : i32 to vector<16xi32>
          %parallel_loop3A_487 = arith.andi %parallel_loop3A_484, %parallel_loop3A_486 : vector<16xi32>
          %parallel_loop3A_488 = arith.constant 3584 : i32
          %parallel_loop3A_489 = arith.addi %parallel_loop3A_488, %parallel_loop3A_274 : i32
          %parallel_loop3A_490 = arith.index_cast %parallel_loop3A_489 : i32 to index
          %parallel_loop3A_491 = tpu.vector_load %arg9[%parallel_loop3A_490] {strides = array<i32>} : memref<4096xi32, #tpu.memory_space<vmem>>, vector<16xi32>,
          %parallel_loop3A_492 = vector.shape_cast %parallel_loop3A_491 : vector<16xi32> to vector<16xi32>
          %parallel_loop3A_493 = vector.shape_cast %parallel_loop3A_487 : vector<16xi32> to vector<16xi32>
          tpu.vector_store %arg9[%parallel_loop3A_490], %parallel_loop3A_493 {strides = array<i32>} : memref<4096xi32, #tpu.memory_space<vmem>>, vector<16xi32>,
          %parallel_loop3A_494 = arith.constant 7 : i32
          %parallel_loop3A_495 = arith.index_cast %parallel_loop3A_494 : i32 to index
          %parallel_loop3A_496 = arith.index_cast %parallel_loop3A_274 : i32 to index
          %parallel_loop3A_497 = tpu.vector_load %arg11[%parallel_loop3A_495, %parallel_loop3A_496] {strides = array<i32>} : memref<8x512xf32, #tpu.memory_space<vmem>>, vector<1x16xf32>,
          %parallel_loop3A_498 = vector.shape_cast %parallel_loop3A_497 : vector<1x16xf32> to vector<16xf32>
          %parallel_loop3A_499 = vector.shape_cast %parallel_loop3A_371 : vector<16xf32> to vector<1x16xf32>
          tpu.vector_store %arg11[%parallel_loop3A_495, %parallel_loop3A_496], %parallel_loop3A_499 {strides = array<i32>} : memref<8x512xf32, #tpu.memory_space<vmem>>, vector<1x16xf32>,
        } {sc.loop_unroll_factor = 2 : i64, sc.parallel_access}
        %dma_start3A_239 = arith.constant 0 : i32
        %dma_start3A_240 = tpu.memref_slice %arg5[%dma_start3A_239] : memref<524288xf32, #tpu.memory_space<vmem_shared>> -> memref<524288xf32, #tpu.memory_space<vmem_shared>>
        tpu.enqueue_indirect_dma source(%dma_start3A_240 : memref<524288xf32, #tpu.memory_space<vmem_shared>>) target(%arg13 : memref<4096xf32, #tpu.memory_space<vmem>>) offsets(%arg9 : memref<4096xi32, #tpu.memory_space<vmem>>) semaphore(%arg19 : memref<!tpu.dma_semaphore, #tpu.memory_space<semaphore_mem>>)
        %dma_start3A_241 = arith.constant 0 : i32
        %dma_start3A_242 = tpu.memref_slice %arg6[%dma_start3A_241] : memref<524288xf32, #tpu.memory_space<vmem_shared>> -> memref<524288xf32, #tpu.memory_space<vmem_shared>>
        tpu.enqueue_indirect_dma source(%dma_start3A_242 : memref<524288xf32, #tpu.memory_space<vmem_shared>>) target(%arg14 : memref<4096xf32, #tpu.memory_space<vmem>>) offsets(%arg9 : memref<4096xi32, #tpu.memory_space<vmem>>) semaphore(%arg19 : memref<!tpu.dma_semaphore, #tpu.memory_space<semaphore_mem>>)
        %add3A_243 = arith.constant 1 : i32
        %add3A_244 = arith.addi %add3A_190, %add3A_243 : i32
        %mul3A_245 = arith.constant 512 : i32
        %mul3A_246 = arith.muli %add3A_244, %mul3A_245 : i32
        %add3A_247 = arith.addi %mul3A_2, %mul3A_246 : i32
        %dma_start3A_248 = arith.constant 0 : i32
        %dma_start3A_249 = tpu.memref_slice %arg2[%dma_start3A_248, %add3A_247] : memref<3x524288xf32, #tpu.memory_space<hbm>> -> memref<3x512xf32, #tpu.memory_space<hbm>>
        %dma_start3A_250 = arith.constant 0 : i32
        %dma_start3A_251 = tpu.memref_slice %arg2[%dma_start3A_250, %add3A_247] : memref<3x524288xf32, #tpu.memory_space<hbm>> -> memref<3x512xf32, #tpu.memory_space<hbm>>
        tpu.enqueue_dma source(%dma_start3A_251 : memref<3x512xf32, #tpu.memory_space<hbm>>) target(%arg8 : memref<3x512xf32, #tpu.memory_space<vmem>>) target_semaphore(%arg21 : memref<!tpu.dma_semaphore, #tpu.memory_space<semaphore_mem>>)
        %gt3A_252 = arith.constant 0 : i32
        %gt3A_253 = arith.cmpi sgt, %scan3A_181, %gt3A_252 : i32
        %convert_element_type3A_254 = arith.extui %gt3A_253 : i1 to i32
        %cond3A_255 = arith.constant 0 : i32
        %cond3A_256 = arith.cmpi ne, %convert_element_type3A_254, %cond3A_255 : i32
        scf.if %cond3A_256 {
          %sub3A_272 = arith.constant 2 : i32
          %sub3A_273 = arith.subi %add3A_186, %sub3A_272 : i32
          %mul3A_274 = arith.constant 2 : i32
          %mul3A_275 = arith.muli %mul3A_274, %scan3A_9 : i32
          %mul3A_276 = arith.constant 512 : i32
          %mul3A_277 = arith.muli %sub3A_273, %mul3A_276 : i32
          %add3A_278 = arith.addi %mul3A_2, %mul3A_277 : i32
          %dma_wait3A_279 = tpu.memref_slice %arg4[%mul3A_275, %add3A_278] : memref<32x524288xf32, #tpu.memory_space<hbm>> -> memref<2x512xf32, #tpu.memory_space<hbm>>
          %dma_wait3A_280 = tpu.memref_slice %arg4[%mul3A_275, %add3A_278] : memref<32x524288xf32, #tpu.memory_space<hbm>> -> memref<2x512xf32, #tpu.memory_space<hbm>>
          tpu.wait_dma2 semaphore(%arg23 : memref<!tpu.dma_semaphore, #tpu.memory_space<semaphore_mem>>) src(%arg18 : memref<2x512xf32, #tpu.memory_space<vmem>>) dst(%dma_wait3A_280 : memref<2x512xf32, #tpu.memory_space<hbm>>)
        } else {
        }
        %dma_wait3A_257 = arith.constant 0 : i32
        %dma_wait3A_258 = tpu.memref_slice %arg5[%dma_wait3A_257] : memref<524288xf32, #tpu.memory_space<vmem_shared>> -> memref<524288xf32, #tpu.memory_space<vmem_shared>>
        tpu.wait_indirect_dma semaphore(%arg20 : memref<!tpu.dma_semaphore, #tpu.memory_space<semaphore_mem>>) src(%dma_wait3A_258 : memref<524288xf32, #tpu.memory_space<vmem_shared>>) dst(%arg15 : memref<4096xf32, #tpu.memory_space<vmem>>)
        %dma_wait3A_259 = arith.constant 0 : i32
        %dma_wait3A_260 = tpu.memref_slice %arg6[%dma_wait3A_259] : memref<524288xf32, #tpu.memory_space<vmem_shared>> -> memref<524288xf32, #tpu.memory_space<vmem_shared>>
        tpu.wait_indirect_dma semaphore(%arg20 : memref<!tpu.dma_semaphore, #tpu.memory_space<semaphore_mem>>) src(%dma_wait3A_260 : memref<524288xf32, #tpu.memory_space<vmem_shared>>) dst(%arg16 : memref<4096xf32, #tpu.memory_space<vmem>>)
        %parallel_loop3A_261 = arith.constant 0 : i32
        %parallel_loop3A_262 = arith.constant 32 : i32
        %parallel_loop3A_263 = arith.constant 1 : i32
        scf.for %parallel_loop3A_272 = %parallel_loop3A_261 to %parallel_loop3A_262 step %parallel_loop3A_263  : i32 {
          %parallel_loop3A_273 = arith.constant 16 : i32
          %parallel_loop3A_274 = arith.muli %parallel_loop3A_272, %parallel_loop3A_273 : i32
          %parallel_loop3A_275 = arith.constant 0.000000e+00 : f32
          %parallel_loop3A_276 = vector.broadcast %parallel_loop3A_275 : f32 to vector<16xf32>
          %parallel_loop3A_277 = arith.constant 0.000000e+00 : f32
          %parallel_loop3A_278 = vector.broadcast %parallel_loop3A_277 : f32 to vector<16xf32>
          %parallel_loop3A_279 = arith.constant 0 : i32
          %parallel_loop3A_280 = arith.index_cast %parallel_loop3A_279 : i32 to index
          %parallel_loop3A_281 = arith.index_cast %parallel_loop3A_274 : i32 to index
          %parallel_loop3A_282 = tpu.vector_load %arg12[%parallel_loop3A_280, %parallel_loop3A_281] {strides = array<i32>} : memref<8x512xf32, #tpu.memory_space<vmem>>, vector<1x16xf32>,
          %parallel_loop3A_283 = vector.shape_cast %parallel_loop3A_282 : vector<1x16xf32> to vector<16xf32>
          %parallel_loop3A_284 = arith.constant 0 : i32
          %parallel_loop3A_285 = arith.addi %parallel_loop3A_284, %parallel_loop3A_274 : i32
          %parallel_loop3A_286 = arith.index_cast %parallel_loop3A_285 : i32 to index
          %parallel_loop3A_287 = tpu.vector_load %arg15[%parallel_loop3A_286] {strides = array<i32>} : memref<4096xf32, #tpu.memory_space<vmem>>, vector<16xf32>,
          %parallel_loop3A_288 = vector.shape_cast %parallel_loop3A_287 : vector<16xf32> to vector<16xf32>
          %parallel_loop3A_289 = arith.constant 0 : i32
          %parallel_loop3A_290 = arith.addi %parallel_loop3A_289, %parallel_loop3A_274 : i32
          %parallel_loop3A_291 = arith.index_cast %parallel_loop3A_290 : i32 to index
          %parallel_loop3A_292 = tpu.vector_load %arg16[%parallel_loop3A_291] {strides = array<i32>} : memref<4096xf32, #tpu.memory_space<vmem>>, vector<16xf32>,
          %parallel_loop3A_293 = vector.shape_cast %parallel_loop3A_292 : vector<16xf32> to vector<16xf32>
          %parallel_loop3A_294 = arith.mulf %parallel_loop3A_283, %parallel_loop3A_288 : vector<16xf32>
          %parallel_loop3A_295 = arith.addf %parallel_loop3A_276, %parallel_loop3A_294 : vector<16xf32>
          %parallel_loop3A_296 = arith.mulf %parallel_loop3A_283, %parallel_loop3A_293 : vector<16xf32>
          %parallel_loop3A_297 = arith.addf %parallel_loop3A_278, %parallel_loop3A_296 : vector<16xf32>
          %parallel_loop3A_298 = arith.constant 1 : i32
          %parallel_loop3A_299 = arith.index_cast %parallel_loop3A_298 : i32 to index
          %parallel_loop3A_300 = arith.index_cast %parallel_loop3A_274 : i32 to index
          %parallel_loop3A_301 = tpu.vector_load %arg12[%parallel_loop3A_299, %parallel_loop3A_300] {strides = array<i32>} : memref<8x512xf32, #tpu.memory_space<vmem>>, vector<1x16xf32>,
          %parallel_loop3A_302 = vector.shape_cast %parallel_loop3A_301 : vector<1x16xf32> to vector<16xf32>
          %parallel_loop3A_303 = arith.constant 512 : i32
          %parallel_loop3A_304 = arith.addi %parallel_loop3A_303, %parallel_loop3A_274 : i32
          %parallel_loop3A_305 = arith.index_cast %parallel_loop3A_304 : i32 to index
          %parallel_loop3A_306 = tpu.vector_load %arg15[%parallel_loop3A_305] {strides = array<i32>} : memref<4096xf32, #tpu.memory_space<vmem>>, vector<16xf32>,
          %parallel_loop3A_307 = vector.shape_cast %parallel_loop3A_306 : vector<16xf32> to vector<16xf32>
          %parallel_loop3A_308 = arith.constant 512 : i32
          %parallel_loop3A_309 = arith.addi %parallel_loop3A_308, %parallel_loop3A_274 : i32
          %parallel_loop3A_310 = arith.index_cast %parallel_loop3A_309 : i32 to index
          %parallel_loop3A_311 = tpu.vector_load %arg16[%parallel_loop3A_310] {strides = array<i32>} : memref<4096xf32, #tpu.memory_space<vmem>>, vector<16xf32>,
          %parallel_loop3A_312 = vector.shape_cast %parallel_loop3A_311 : vector<16xf32> to vector<16xf32>
          %parallel_loop3A_313 = arith.mulf %parallel_loop3A_302, %parallel_loop3A_307 : vector<16xf32>
          %parallel_loop3A_314 = arith.addf %parallel_loop3A_295, %parallel_loop3A_313 : vector<16xf32>
          %parallel_loop3A_315 = arith.mulf %parallel_loop3A_302, %parallel_loop3A_312 : vector<16xf32>
          %parallel_loop3A_316 = arith.addf %parallel_loop3A_297, %parallel_loop3A_315 : vector<16xf32>
          %parallel_loop3A_317 = arith.constant 2 : i32
          %parallel_loop3A_318 = arith.index_cast %parallel_loop3A_317 : i32 to index
          %parallel_loop3A_319 = arith.index_cast %parallel_loop3A_274 : i32 to index
          %parallel_loop3A_320 = tpu.vector_load %arg12[%parallel_loop3A_318, %parallel_loop3A_319] {strides = array<i32>} : memref<8x512xf32, #tpu.memory_space<vmem>>, vector<1x16xf32>,
          %parallel_loop3A_321 = vector.shape_cast %parallel_loop3A_320 : vector<1x16xf32> to vector<16xf32>
          %parallel_loop3A_322 = arith.constant 1024 : i32
          %parallel_loop3A_323 = arith.addi %parallel_loop3A_322, %parallel_loop3A_274 : i32
          %parallel_loop3A_324 = arith.index_cast %parallel_loop3A_323 : i32 to index
          %parallel_loop3A_325 = tpu.vector_load %arg15[%parallel_loop3A_324] {strides = array<i32>} : memref<4096xf32, #tpu.memory_space<vmem>>, vector<16xf32>,
          %parallel_loop3A_326 = vector.shape_cast %parallel_loop3A_325 : vector<16xf32> to vector<16xf32>
          %parallel_loop3A_327 = arith.constant 1024 : i32
          %parallel_loop3A_328 = arith.addi %parallel_loop3A_327, %parallel_loop3A_274 : i32
          %parallel_loop3A_329 = arith.index_cast %parallel_loop3A_328 : i32 to index
          %parallel_loop3A_330 = tpu.vector_load %arg16[%parallel_loop3A_329] {strides = array<i32>} : memref<4096xf32, #tpu.memory_space<vmem>>, vector<16xf32>,
          %parallel_loop3A_331 = vector.shape_cast %parallel_loop3A_330 : vector<16xf32> to vector<16xf32>
          %parallel_loop3A_332 = arith.mulf %parallel_loop3A_321, %parallel_loop3A_326 : vector<16xf32>
          %parallel_loop3A_333 = arith.addf %parallel_loop3A_314, %parallel_loop3A_332 : vector<16xf32>
          %parallel_loop3A_334 = arith.mulf %parallel_loop3A_321, %parallel_loop3A_331 : vector<16xf32>
          %parallel_loop3A_335 = arith.addf %parallel_loop3A_316, %parallel_loop3A_334 : vector<16xf32>
          %parallel_loop3A_336 = arith.constant 3 : i32
          %parallel_loop3A_337 = arith.index_cast %parallel_loop3A_336 : i32 to index
          %parallel_loop3A_338 = arith.index_cast %parallel_loop3A_274 : i32 to index
          %parallel_loop3A_339 = tpu.vector_load %arg12[%parallel_loop3A_337, %parallel_loop3A_338] {strides = array<i32>} : memref<8x512xf32, #tpu.memory_space<vmem>>, vector<1x16xf32>,
          %parallel_loop3A_340 = vector.shape_cast %parallel_loop3A_339 : vector<1x16xf32> to vector<16xf32>
          %parallel_loop3A_341 = arith.constant 1536 : i32
          %parallel_loop3A_342 = arith.addi %parallel_loop3A_341, %parallel_loop3A_274 : i32
          %parallel_loop3A_343 = arith.index_cast %parallel_loop3A_342 : i32 to index
          %parallel_loop3A_344 = tpu.vector_load %arg15[%parallel_loop3A_343] {strides = array<i32>} : memref<4096xf32, #tpu.memory_space<vmem>>, vector<16xf32>,
          %parallel_loop3A_345 = vector.shape_cast %parallel_loop3A_344 : vector<16xf32> to vector<16xf32>
          %parallel_loop3A_346 = arith.constant 1536 : i32
          %parallel_loop3A_347 = arith.addi %parallel_loop3A_346, %parallel_loop3A_274 : i32
          %parallel_loop3A_348 = arith.index_cast %parallel_loop3A_347 : i32 to index
          %parallel_loop3A_349 = tpu.vector_load %arg16[%parallel_loop3A_348] {strides = array<i32>} : memref<4096xf32, #tpu.memory_space<vmem>>, vector<16xf32>,
          %parallel_loop3A_350 = vector.shape_cast %parallel_loop3A_349 : vector<16xf32> to vector<16xf32>
          %parallel_loop3A_351 = arith.mulf %parallel_loop3A_340, %parallel_loop3A_345 : vector<16xf32>
          %parallel_loop3A_352 = arith.addf %parallel_loop3A_333, %parallel_loop3A_351 : vector<16xf32>
          %parallel_loop3A_353 = arith.mulf %parallel_loop3A_340, %parallel_loop3A_350 : vector<16xf32>
          %parallel_loop3A_354 = arith.addf %parallel_loop3A_335, %parallel_loop3A_353 : vector<16xf32>
          %parallel_loop3A_355 = arith.constant 4 : i32
          %parallel_loop3A_356 = arith.index_cast %parallel_loop3A_355 : i32 to index
          %parallel_loop3A_357 = arith.index_cast %parallel_loop3A_274 : i32 to index
          %parallel_loop3A_358 = tpu.vector_load %arg12[%parallel_loop3A_356, %parallel_loop3A_357] {strides = array<i32>} : memref<8x512xf32, #tpu.memory_space<vmem>>, vector<1x16xf32>,
          %parallel_loop3A_359 = vector.shape_cast %parallel_loop3A_358 : vector<1x16xf32> to vector<16xf32>
          %parallel_loop3A_360 = arith.constant 2048 : i32
          %parallel_loop3A_361 = arith.addi %parallel_loop3A_360, %parallel_loop3A_274 : i32
          %parallel_loop3A_362 = arith.index_cast %parallel_loop3A_361 : i32 to index
          %parallel_loop3A_363 = tpu.vector_load %arg15[%parallel_loop3A_362] {strides = array<i32>} : memref<4096xf32, #tpu.memory_space<vmem>>, vector<16xf32>,
          %parallel_loop3A_364 = vector.shape_cast %parallel_loop3A_363 : vector<16xf32> to vector<16xf32>
          %parallel_loop3A_365 = arith.constant 2048 : i32
          %parallel_loop3A_366 = arith.addi %parallel_loop3A_365, %parallel_loop3A_274 : i32
          %parallel_loop3A_367 = arith.index_cast %parallel_loop3A_366 : i32 to index
          %parallel_loop3A_368 = tpu.vector_load %arg16[%parallel_loop3A_367] {strides = array<i32>} : memref<4096xf32, #tpu.memory_space<vmem>>, vector<16xf32>,
          %parallel_loop3A_369 = vector.shape_cast %parallel_loop3A_368 : vector<16xf32> to vector<16xf32>
          %parallel_loop3A_370 = arith.mulf %parallel_loop3A_359, %parallel_loop3A_364 : vector<16xf32>
          %parallel_loop3A_371 = arith.addf %parallel_loop3A_352, %parallel_loop3A_370 : vector<16xf32>
          %parallel_loop3A_372 = arith.mulf %parallel_loop3A_359, %parallel_loop3A_369 : vector<16xf32>
          %parallel_loop3A_373 = arith.addf %parallel_loop3A_354, %parallel_loop3A_372 : vector<16xf32>
          %parallel_loop3A_374 = arith.constant 5 : i32
          %parallel_loop3A_375 = arith.index_cast %parallel_loop3A_374 : i32 to index
          %parallel_loop3A_376 = arith.index_cast %parallel_loop3A_274 : i32 to index
          %parallel_loop3A_377 = tpu.vector_load %arg12[%parallel_loop3A_375, %parallel_loop3A_376] {strides = array<i32>} : memref<8x512xf32, #tpu.memory_space<vmem>>, vector<1x16xf32>,
          %parallel_loop3A_378 = vector.shape_cast %parallel_loop3A_377 : vector<1x16xf32> to vector<16xf32>
          %parallel_loop3A_379 = arith.constant 2560 : i32
          %parallel_loop3A_380 = arith.addi %parallel_loop3A_379, %parallel_loop3A_274 : i32
          %parallel_loop3A_381 = arith.index_cast %parallel_loop3A_380 : i32 to index
          %parallel_loop3A_382 = tpu.vector_load %arg15[%parallel_loop3A_381] {strides = array<i32>} : memref<4096xf32, #tpu.memory_space<vmem>>, vector<16xf32>,
          %parallel_loop3A_383 = vector.shape_cast %parallel_loop3A_382 : vector<16xf32> to vector<16xf32>
          %parallel_loop3A_384 = arith.constant 2560 : i32
          %parallel_loop3A_385 = arith.addi %parallel_loop3A_384, %parallel_loop3A_274 : i32
          %parallel_loop3A_386 = arith.index_cast %parallel_loop3A_385 : i32 to index
          %parallel_loop3A_387 = tpu.vector_load %arg16[%parallel_loop3A_386] {strides = array<i32>} : memref<4096xf32, #tpu.memory_space<vmem>>, vector<16xf32>,
          %parallel_loop3A_388 = vector.shape_cast %parallel_loop3A_387 : vector<16xf32> to vector<16xf32>
          %parallel_loop3A_389 = arith.mulf %parallel_loop3A_378, %parallel_loop3A_383 : vector<16xf32>
          %parallel_loop3A_390 = arith.addf %parallel_loop3A_371, %parallel_loop3A_389 : vector<16xf32>
          %parallel_loop3A_391 = arith.mulf %parallel_loop3A_378, %parallel_loop3A_388 : vector<16xf32>
          %parallel_loop3A_392 = arith.addf %parallel_loop3A_373, %parallel_loop3A_391 : vector<16xf32>
          %parallel_loop3A_393 = arith.constant 6 : i32
          %parallel_loop3A_394 = arith.index_cast %parallel_loop3A_393 : i32 to index
          %parallel_loop3A_395 = arith.index_cast %parallel_loop3A_274 : i32 to index
          %parallel_loop3A_396 = tpu.vector_load %arg12[%parallel_loop3A_394, %parallel_loop3A_395] {strides = array<i32>} : memref<8x512xf32, #tpu.memory_space<vmem>>, vector<1x16xf32>,
          %parallel_loop3A_397 = vector.shape_cast %parallel_loop3A_396 : vector<1x16xf32> to vector<16xf32>
          %parallel_loop3A_398 = arith.constant 3072 : i32
          %parallel_loop3A_399 = arith.addi %parallel_loop3A_398, %parallel_loop3A_274 : i32
          %parallel_loop3A_400 = arith.index_cast %parallel_loop3A_399 : i32 to index
          %parallel_loop3A_401 = tpu.vector_load %arg15[%parallel_loop3A_400] {strides = array<i32>} : memref<4096xf32, #tpu.memory_space<vmem>>, vector<16xf32>,
          %parallel_loop3A_402 = vector.shape_cast %parallel_loop3A_401 : vector<16xf32> to vector<16xf32>
          %parallel_loop3A_403 = arith.constant 3072 : i32
          %parallel_loop3A_404 = arith.addi %parallel_loop3A_403, %parallel_loop3A_274 : i32
          %parallel_loop3A_405 = arith.index_cast %parallel_loop3A_404 : i32 to index
          %parallel_loop3A_406 = tpu.vector_load %arg16[%parallel_loop3A_405] {strides = array<i32>} : memref<4096xf32, #tpu.memory_space<vmem>>, vector<16xf32>,
          %parallel_loop3A_407 = vector.shape_cast %parallel_loop3A_406 : vector<16xf32> to vector<16xf32>
          %parallel_loop3A_408 = arith.mulf %parallel_loop3A_397, %parallel_loop3A_402 : vector<16xf32>
          %parallel_loop3A_409 = arith.addf %parallel_loop3A_390, %parallel_loop3A_408 : vector<16xf32>
          %parallel_loop3A_410 = arith.mulf %parallel_loop3A_397, %parallel_loop3A_407 : vector<16xf32>
          %parallel_loop3A_411 = arith.addf %parallel_loop3A_392, %parallel_loop3A_410 : vector<16xf32>
          %parallel_loop3A_412 = arith.constant 7 : i32
          %parallel_loop3A_413 = arith.index_cast %parallel_loop3A_412 : i32 to index
          %parallel_loop3A_414 = arith.index_cast %parallel_loop3A_274 : i32 to index
          %parallel_loop3A_415 = tpu.vector_load %arg12[%parallel_loop3A_413, %parallel_loop3A_414] {strides = array<i32>} : memref<8x512xf32, #tpu.memory_space<vmem>>, vector<1x16xf32>,
          %parallel_loop3A_416 = vector.shape_cast %parallel_loop3A_415 : vector<1x16xf32> to vector<16xf32>
          %parallel_loop3A_417 = arith.constant 3584 : i32
          %parallel_loop3A_418 = arith.addi %parallel_loop3A_417, %parallel_loop3A_274 : i32
          %parallel_loop3A_419 = arith.index_cast %parallel_loop3A_418 : i32 to index
          %parallel_loop3A_420 = tpu.vector_load %arg15[%parallel_loop3A_419] {strides = array<i32>} : memref<4096xf32, #tpu.memory_space<vmem>>, vector<16xf32>,
          %parallel_loop3A_421 = vector.shape_cast %parallel_loop3A_420 : vector<16xf32> to vector<16xf32>
          %parallel_loop3A_422 = arith.constant 3584 : i32
          %parallel_loop3A_423 = arith.addi %parallel_loop3A_422, %parallel_loop3A_274 : i32
          %parallel_loop3A_424 = arith.index_cast %parallel_loop3A_423 : i32 to index
          %parallel_loop3A_425 = tpu.vector_load %arg16[%parallel_loop3A_424] {strides = array<i32>} : memref<4096xf32, #tpu.memory_space<vmem>>, vector<16xf32>,
          %parallel_loop3A_426 = vector.shape_cast %parallel_loop3A_425 : vector<16xf32> to vector<16xf32>
          %parallel_loop3A_427 = arith.mulf %parallel_loop3A_416, %parallel_loop3A_421 : vector<16xf32>
          %parallel_loop3A_428 = arith.addf %parallel_loop3A_409, %parallel_loop3A_427 : vector<16xf32>
          %parallel_loop3A_429 = arith.mulf %parallel_loop3A_416, %parallel_loop3A_426 : vector<16xf32>
          %parallel_loop3A_430 = arith.addf %parallel_loop3A_411, %parallel_loop3A_429 : vector<16xf32>
          %parallel_loop3A_431 = arith.constant 0 : i32
          %parallel_loop3A_432 = arith.index_cast %parallel_loop3A_431 : i32 to index
          %parallel_loop3A_433 = arith.index_cast %parallel_loop3A_274 : i32 to index
          %parallel_loop3A_434 = tpu.vector_load %arg18[%parallel_loop3A_432, %parallel_loop3A_433] {strides = array<i32>} : memref<2x512xf32, #tpu.memory_space<vmem>>, vector<1x16xf32>,
          %parallel_loop3A_435 = vector.shape_cast %parallel_loop3A_434 : vector<1x16xf32> to vector<16xf32>
          %parallel_loop3A_436 = vector.shape_cast %parallel_loop3A_428 : vector<16xf32> to vector<1x16xf32>
          tpu.vector_store %arg18[%parallel_loop3A_432, %parallel_loop3A_433], %parallel_loop3A_436 {strides = array<i32>} : memref<2x512xf32, #tpu.memory_space<vmem>>, vector<1x16xf32>,
          %parallel_loop3A_437 = arith.constant 1 : i32
          %parallel_loop3A_438 = arith.index_cast %parallel_loop3A_437 : i32 to index
          %parallel_loop3A_439 = arith.index_cast %parallel_loop3A_274 : i32 to index
          %parallel_loop3A_440 = tpu.vector_load %arg18[%parallel_loop3A_438, %parallel_loop3A_439] {strides = array<i32>} : memref<2x512xf32, #tpu.memory_space<vmem>>, vector<1x16xf32>,
          %parallel_loop3A_441 = vector.shape_cast %parallel_loop3A_440 : vector<1x16xf32> to vector<16xf32>
          %parallel_loop3A_442 = vector.shape_cast %parallel_loop3A_430 : vector<16xf32> to vector<1x16xf32>
          tpu.vector_store %arg18[%parallel_loop3A_438, %parallel_loop3A_439], %parallel_loop3A_442 {strides = array<i32>} : memref<2x512xf32, #tpu.memory_space<vmem>>, vector<1x16xf32>,
        } {sc.loop_unroll_factor = 2 : i64, sc.parallel_access}
        %mul3A_264 = arith.constant 2 : i32
        %mul3A_265 = arith.muli %mul3A_264, %scan3A_9 : i32
        %mul3A_266 = arith.constant 512 : i32
        %mul3A_267 = arith.muli %add3A_186, %mul3A_266 : i32
        %add3A_268 = arith.addi %mul3A_2, %mul3A_267 : i32
        %dma_start3A_269 = tpu.memref_slice %arg4[%mul3A_265, %add3A_268] : memref<32x524288xf32, #tpu.memory_space<hbm>> -> memref<2x512xf32, #tpu.memory_space<hbm>>
        %dma_start3A_270 = tpu.memref_slice %arg4[%mul3A_265, %add3A_268] : memref<32x524288xf32, #tpu.memory_space<hbm>> -> memref<2x512xf32, #tpu.memory_space<hbm>>
        tpu.enqueue_dma source(%arg18 : memref<2x512xf32, #tpu.memory_space<vmem>>) target(%dma_start3A_270 : memref<2x512xf32, #tpu.memory_space<hbm>>) target_semaphore(%arg23 : memref<!tpu.dma_semaphore, #tpu.memory_space<semaphore_mem>>)
        %scan3A_271 = arith.constant 0 : i32
        scf.yield %scan3A_271 : i32
      }
      %scan3A_115 = arith.constant 15 : i32
      %add3A_116 = arith.constant 15872 : i32
      %add3A_117 = arith.addi %mul3A_2, %add3A_116 : i32
      %dma_wait3A_118 = arith.constant 0 : i32
      %dma_wait3A_119 = tpu.memref_slice %arg2[%dma_wait3A_118, %add3A_117] : memref<3x524288xf32, #tpu.memory_space<hbm>> -> memref<3x512xf32, #tpu.memory_space<hbm>>
      %dma_wait3A_120 = arith.constant 0 : i32
      %dma_wait3A_121 = tpu.memref_slice %arg2[%dma_wait3A_120, %add3A_117] : memref<3x524288xf32, #tpu.memory_space<hbm>> -> memref<3x512xf32, #tpu.memory_space<hbm>>
      tpu.wait_dma2 semaphore(%arg21 : memref<!tpu.dma_semaphore, #tpu.memory_space<semaphore_mem>>) src(%dma_wait3A_121 : memref<3x512xf32, #tpu.memory_space<hbm>>) dst(%arg8 : memref<3x512xf32, #tpu.memory_space<vmem>>)
      %parallel_loop3A_122 = arith.constant 0 : i32
      %parallel_loop3A_123 = arith.constant 32 : i32
      %parallel_loop3A_124 = arith.constant 1 : i32
      scf.for %parallel_loop3A_181 = %parallel_loop3A_122 to %parallel_loop3A_123 step %parallel_loop3A_124  : i32 {
        %parallel_loop3A_182 = arith.constant 16 : i32
        %parallel_loop3A_183 = arith.muli %parallel_loop3A_181, %parallel_loop3A_182 : i32
        %parallel_loop3A_184 = arith.constant 0 : i32
        %parallel_loop3A_185 = arith.index_cast %parallel_loop3A_184 : i32 to index
        %parallel_loop3A_186 = arith.index_cast %parallel_loop3A_183 : i32 to index
        %parallel_loop3A_187 = tpu.vector_load %arg8[%parallel_loop3A_185, %parallel_loop3A_186] {strides = array<i32>} : memref<3x512xf32, #tpu.memory_space<vmem>>, vector<1x16xf32>,
        %parallel_loop3A_188 = vector.shape_cast %parallel_loop3A_187 : vector<1x16xf32> to vector<16xf32>
        %parallel_loop3A_189 = arith.constant 1 : i32
        %parallel_loop3A_190 = arith.index_cast %parallel_loop3A_189 : i32 to index
        %parallel_loop3A_191 = arith.index_cast %parallel_loop3A_183 : i32 to index
        %parallel_loop3A_192 = tpu.vector_load %arg8[%parallel_loop3A_190, %parallel_loop3A_191] {strides = array<i32>} : memref<3x512xf32, #tpu.memory_space<vmem>>, vector<1x16xf32>,
        %parallel_loop3A_193 = vector.shape_cast %parallel_loop3A_192 : vector<1x16xf32> to vector<16xf32>
        %parallel_loop3A_194 = arith.constant 2 : i32
        %parallel_loop3A_195 = arith.index_cast %parallel_loop3A_194 : i32 to index
        %parallel_loop3A_196 = arith.index_cast %parallel_loop3A_183 : i32 to index
        %parallel_loop3A_197 = tpu.vector_load %arg8[%parallel_loop3A_195, %parallel_loop3A_196] {strides = array<i32>} : memref<3x512xf32, #tpu.memory_space<vmem>>, vector<1x16xf32>,
        %parallel_loop3A_198 = vector.shape_cast %parallel_loop3A_197 : vector<1x16xf32> to vector<16xf32>
        %parallel_loop3A_199 = vector.broadcast %select_n3A_72 : f32 to vector<16xf32>
        %parallel_loop3A_200 = arith.mulf %parallel_loop3A_188, %parallel_loop3A_199 : vector<16xf32>
        %parallel_loop3A_201 = arith.fptosi %parallel_loop3A_200 : vector<16xf32> to vector<16xi32>
        %parallel_loop3A_202 = arith.sitofp %parallel_loop3A_201 : vector<16xi32> to vector<16xf32>
        %parallel_loop3A_203 = arith.cmpf ogt, %parallel_loop3A_202, %parallel_loop3A_200 : vector<16xf32>
        %parallel_loop3A_204 = arith.constant 1 : i32
        %parallel_loop3A_205 = vector.broadcast %parallel_loop3A_204 : i32 to vector<16xi32>
        %parallel_loop3A_206 = arith.subi %parallel_loop3A_201, %parallel_loop3A_205 : vector<16xi32>
        %parallel_loop3A_207 = arith.select %parallel_loop3A_203, %parallel_loop3A_206, %parallel_loop3A_201 : vector<16xi1>, vector<16xi32>
        %parallel_loop3A_208 = arith.constant 1.000000e+00 : f32
        %parallel_loop3A_209 = vector.broadcast %parallel_loop3A_208 : f32 to vector<16xf32>
        %parallel_loop3A_210 = arith.subf %parallel_loop3A_202, %parallel_loop3A_209 : vector<16xf32>
        %parallel_loop3A_211 = arith.select %parallel_loop3A_203, %parallel_loop3A_210, %parallel_loop3A_202 : vector<16xi1>, vector<16xf32>
        %parallel_loop3A_212 = arith.subf %parallel_loop3A_200, %parallel_loop3A_211 : vector<16xf32>
        %parallel_loop3A_213 = vector.broadcast %select_n3A_72 : f32 to vector<16xf32>
        %parallel_loop3A_214 = arith.mulf %parallel_loop3A_193, %parallel_loop3A_213 : vector<16xf32>
        %parallel_loop3A_215 = arith.fptosi %parallel_loop3A_214 : vector<16xf32> to vector<16xi32>
        %parallel_loop3A_216 = arith.sitofp %parallel_loop3A_215 : vector<16xi32> to vector<16xf32>
        %parallel_loop3A_217 = arith.cmpf ogt, %parallel_loop3A_216, %parallel_loop3A_214 : vector<16xf32>
        %parallel_loop3A_218 = arith.constant 1 : i32
        %parallel_loop3A_219 = vector.broadcast %parallel_loop3A_218 : i32 to vector<16xi32>
        %parallel_loop3A_220 = arith.subi %parallel_loop3A_215, %parallel_loop3A_219 : vector<16xi32>
        %parallel_loop3A_221 = arith.select %parallel_loop3A_217, %parallel_loop3A_220, %parallel_loop3A_215 : vector<16xi1>, vector<16xi32>
        %parallel_loop3A_222 = arith.constant 1.000000e+00 : f32
        %parallel_loop3A_223 = vector.broadcast %parallel_loop3A_222 : f32 to vector<16xf32>
        %parallel_loop3A_224 = arith.subf %parallel_loop3A_216, %parallel_loop3A_223 : vector<16xf32>
        %parallel_loop3A_225 = arith.select %parallel_loop3A_217, %parallel_loop3A_224, %parallel_loop3A_216 : vector<16xi1>, vector<16xf32>
        %parallel_loop3A_226 = arith.subf %parallel_loop3A_214, %parallel_loop3A_225 : vector<16xf32>
        %parallel_loop3A_227 = vector.broadcast %select_n3A_72 : f32 to vector<16xf32>
        %parallel_loop3A_228 = arith.mulf %parallel_loop3A_198, %parallel_loop3A_227 : vector<16xf32>
        %parallel_loop3A_229 = arith.fptosi %parallel_loop3A_228 : vector<16xf32> to vector<16xi32>
        %parallel_loop3A_230 = arith.sitofp %parallel_loop3A_229 : vector<16xi32> to vector<16xf32>
        %parallel_loop3A_231 = arith.cmpf ogt, %parallel_loop3A_230, %parallel_loop3A_228 : vector<16xf32>
        %parallel_loop3A_232 = arith.constant 1 : i32
        %parallel_loop3A_233 = vector.broadcast %parallel_loop3A_232 : i32 to vector<16xi32>
        %parallel_loop3A_234 = arith.subi %parallel_loop3A_229, %parallel_loop3A_233 : vector<16xi32>
        %parallel_loop3A_235 = arith.select %parallel_loop3A_231, %parallel_loop3A_234, %parallel_loop3A_229 : vector<16xi1>, vector<16xi32>
        %parallel_loop3A_236 = arith.constant 1.000000e+00 : f32
        %parallel_loop3A_237 = vector.broadcast %parallel_loop3A_236 : f32 to vector<16xf32>
        %parallel_loop3A_238 = arith.subf %parallel_loop3A_230, %parallel_loop3A_237 : vector<16xf32>
        %parallel_loop3A_239 = arith.select %parallel_loop3A_231, %parallel_loop3A_238, %parallel_loop3A_230 : vector<16xi1>, vector<16xf32>
        %parallel_loop3A_240 = arith.subf %parallel_loop3A_228, %parallel_loop3A_239 : vector<16xf32>
        %parallel_loop3A_241 = arith.constant -1640531535 : i32
        %parallel_loop3A_242 = vector.broadcast %parallel_loop3A_241 : i32 to vector<16xi32>
        %parallel_loop3A_243 = arith.muli %parallel_loop3A_221, %parallel_loop3A_242 : vector<16xi32>
        %parallel_loop3A_244 = arith.constant 805459861 : i32
        %parallel_loop3A_245 = vector.broadcast %parallel_loop3A_244 : i32 to vector<16xi32>
        %parallel_loop3A_246 = arith.muli %parallel_loop3A_235, %parallel_loop3A_245 : vector<16xi32>
        %parallel_loop3A_247 = arith.constant -1640531535 : i32
        %parallel_loop3A_248 = vector.broadcast %parallel_loop3A_247 : i32 to vector<16xi32>
        %parallel_loop3A_249 = arith.addi %parallel_loop3A_243, %parallel_loop3A_248 : vector<16xi32>
        %parallel_loop3A_250 = arith.constant 805459861 : i32
        %parallel_loop3A_251 = vector.broadcast %parallel_loop3A_250 : i32 to vector<16xi32>
        %parallel_loop3A_252 = arith.addi %parallel_loop3A_246, %parallel_loop3A_251 : vector<16xi32>
        %parallel_loop3A_253 = arith.constant 1 : i32
        %parallel_loop3A_254 = vector.broadcast %parallel_loop3A_253 : i32 to vector<16xi32>
        %parallel_loop3A_255 = arith.addi %parallel_loop3A_207, %parallel_loop3A_254 : vector<16xi32>
        %parallel_loop3A_256 = arith.xori %parallel_loop3A_207, %parallel_loop3A_243 : vector<16xi32>
        %parallel_loop3A_257 = arith.xori %parallel_loop3A_255, %parallel_loop3A_243 : vector<16xi32>
        %parallel_loop3A_258 = arith.xori %parallel_loop3A_207, %parallel_loop3A_249 : vector<16xi32>
        %parallel_loop3A_259 = arith.xori %parallel_loop3A_255, %parallel_loop3A_249 : vector<16xi32>
        %parallel_loop3A_260 = arith.constant 1.000000e+00 : f32
        %parallel_loop3A_261 = vector.broadcast %parallel_loop3A_260 : f32 to vector<16xf32>
        %parallel_loop3A_262 = arith.subf %parallel_loop3A_261, %parallel_loop3A_212 : vector<16xf32>
        %parallel_loop3A_263 = arith.constant 1.000000e+00 : f32
        %parallel_loop3A_264 = vector.broadcast %parallel_loop3A_263 : f32 to vector<16xf32>
        %parallel_loop3A_265 = arith.subf %parallel_loop3A_264, %parallel_loop3A_226 : vector<16xf32>
        %parallel_loop3A_266 = arith.constant 1.000000e+00 : f32
        %parallel_loop3A_267 = vector.broadcast %parallel_loop3A_266 : f32 to vector<16xf32>
        %parallel_loop3A_268 = arith.subf %parallel_loop3A_267, %parallel_loop3A_240 : vector<16xf32>
        %parallel_loop3A_269 = arith.mulf %parallel_loop3A_262, %parallel_loop3A_265 : vector<16xf32>
        %parallel_loop3A_270 = arith.mulf %parallel_loop3A_212, %parallel_loop3A_265 : vector<16xf32>
        %parallel_loop3A_271 = arith.mulf %parallel_loop3A_262, %parallel_loop3A_226 : vector<16xf32>
        %parallel_loop3A_272 = arith.mulf %parallel_loop3A_212, %parallel_loop3A_226 : vector<16xf32>
        %parallel_loop3A_273 = arith.mulf %parallel_loop3A_269, %parallel_loop3A_268 : vector<16xf32>
        %parallel_loop3A_274 = arith.mulf %parallel_loop3A_270, %parallel_loop3A_268 : vector<16xf32>
        %parallel_loop3A_275 = arith.mulf %parallel_loop3A_271, %parallel_loop3A_268 : vector<16xf32>
        %parallel_loop3A_276 = arith.mulf %parallel_loop3A_272, %parallel_loop3A_268 : vector<16xf32>
        %parallel_loop3A_277 = arith.mulf %parallel_loop3A_269, %parallel_loop3A_240 : vector<16xf32>
        %parallel_loop3A_278 = arith.mulf %parallel_loop3A_270, %parallel_loop3A_240 : vector<16xf32>
        %parallel_loop3A_279 = arith.mulf %parallel_loop3A_271, %parallel_loop3A_240 : vector<16xf32>
        %parallel_loop3A_280 = arith.mulf %parallel_loop3A_272, %parallel_loop3A_240 : vector<16xf32>
        %parallel_loop3A_281 = arith.xori %parallel_loop3A_256, %parallel_loop3A_246 : vector<16xi32>
        %parallel_loop3A_282 = arith.constant 524287 : i32
        %parallel_loop3A_283 = vector.broadcast %parallel_loop3A_282 : i32 to vector<16xi32>
        %parallel_loop3A_284 = arith.andi %parallel_loop3A_281, %parallel_loop3A_283 : vector<16xi32>
        %parallel_loop3A_285 = arith.constant 0 : i32
        %parallel_loop3A_286 = arith.addi %parallel_loop3A_285, %parallel_loop3A_183 : i32
        %parallel_loop3A_287 = arith.index_cast %parallel_loop3A_286 : i32 to index
        %parallel_loop3A_288 = tpu.vector_load %arg10[%parallel_loop3A_287] {strides = array<i32>} : memref<4096xi32, #tpu.memory_space<vmem>>, vector<16xi32>,
        %parallel_loop3A_289 = vector.shape_cast %parallel_loop3A_288 : vector<16xi32> to vector<16xi32>
        %parallel_loop3A_290 = vector.shape_cast %parallel_loop3A_284 : vector<16xi32> to vector<16xi32>
        tpu.vector_store %arg10[%parallel_loop3A_287], %parallel_loop3A_290 {strides = array<i32>} : memref<4096xi32, #tpu.memory_space<vmem>>, vector<16xi32>,
        %parallel_loop3A_291 = arith.constant 0 : i32
        %parallel_loop3A_292 = arith.index_cast %parallel_loop3A_291 : i32 to index
        %parallel_loop3A_293 = arith.index_cast %parallel_loop3A_183 : i32 to index
        %parallel_loop3A_294 = tpu.vector_load %arg12[%parallel_loop3A_292, %parallel_loop3A_293] {strides = array<i32>} : memref<8x512xf32, #tpu.memory_space<vmem>>, vector<1x16xf32>,
        %parallel_loop3A_295 = vector.shape_cast %parallel_loop3A_294 : vector<1x16xf32> to vector<16xf32>
        %parallel_loop3A_296 = vector.shape_cast %parallel_loop3A_273 : vector<16xf32> to vector<1x16xf32>
        tpu.vector_store %arg12[%parallel_loop3A_292, %parallel_loop3A_293], %parallel_loop3A_296 {strides = array<i32>} : memref<8x512xf32, #tpu.memory_space<vmem>>, vector<1x16xf32>,
        %parallel_loop3A_297 = arith.xori %parallel_loop3A_257, %parallel_loop3A_246 : vector<16xi32>
        %parallel_loop3A_298 = arith.constant 524287 : i32
        %parallel_loop3A_299 = vector.broadcast %parallel_loop3A_298 : i32 to vector<16xi32>
        %parallel_loop3A_300 = arith.andi %parallel_loop3A_297, %parallel_loop3A_299 : vector<16xi32>
        %parallel_loop3A_301 = arith.constant 512 : i32
        %parallel_loop3A_302 = arith.addi %parallel_loop3A_301, %parallel_loop3A_183 : i32
        %parallel_loop3A_303 = arith.index_cast %parallel_loop3A_302 : i32 to index
        %parallel_loop3A_304 = tpu.vector_load %arg10[%parallel_loop3A_303] {strides = array<i32>} : memref<4096xi32, #tpu.memory_space<vmem>>, vector<16xi32>,
        %parallel_loop3A_305 = vector.shape_cast %parallel_loop3A_304 : vector<16xi32> to vector<16xi32>
        %parallel_loop3A_306 = vector.shape_cast %parallel_loop3A_300 : vector<16xi32> to vector<16xi32>
        tpu.vector_store %arg10[%parallel_loop3A_303], %parallel_loop3A_306 {strides = array<i32>} : memref<4096xi32, #tpu.memory_space<vmem>>, vector<16xi32>,
        %parallel_loop3A_307 = arith.constant 1 : i32
        %parallel_loop3A_308 = arith.index_cast %parallel_loop3A_307 : i32 to index
        %parallel_loop3A_309 = arith.index_cast %parallel_loop3A_183 : i32 to index
        %parallel_loop3A_310 = tpu.vector_load %arg12[%parallel_loop3A_308, %parallel_loop3A_309] {strides = array<i32>} : memref<8x512xf32, #tpu.memory_space<vmem>>, vector<1x16xf32>,
        %parallel_loop3A_311 = vector.shape_cast %parallel_loop3A_310 : vector<1x16xf32> to vector<16xf32>
        %parallel_loop3A_312 = vector.shape_cast %parallel_loop3A_274 : vector<16xf32> to vector<1x16xf32>
        tpu.vector_store %arg12[%parallel_loop3A_308, %parallel_loop3A_309], %parallel_loop3A_312 {strides = array<i32>} : memref<8x512xf32, #tpu.memory_space<vmem>>, vector<1x16xf32>,
        %parallel_loop3A_313 = arith.xori %parallel_loop3A_258, %parallel_loop3A_246 : vector<16xi32>
        %parallel_loop3A_314 = arith.constant 524287 : i32
        %parallel_loop3A_315 = vector.broadcast %parallel_loop3A_314 : i32 to vector<16xi32>
        %parallel_loop3A_316 = arith.andi %parallel_loop3A_313, %parallel_loop3A_315 : vector<16xi32>
        %parallel_loop3A_317 = arith.constant 1024 : i32
        %parallel_loop3A_318 = arith.addi %parallel_loop3A_317, %parallel_loop3A_183 : i32
        %parallel_loop3A_319 = arith.index_cast %parallel_loop3A_318 : i32 to index
        %parallel_loop3A_320 = tpu.vector_load %arg10[%parallel_loop3A_319] {strides = array<i32>} : memref<4096xi32, #tpu.memory_space<vmem>>, vector<16xi32>,
        %parallel_loop3A_321 = vector.shape_cast %parallel_loop3A_320 : vector<16xi32> to vector<16xi32>
        %parallel_loop3A_322 = vector.shape_cast %parallel_loop3A_316 : vector<16xi32> to vector<16xi32>
        tpu.vector_store %arg10[%parallel_loop3A_319], %parallel_loop3A_322 {strides = array<i32>} : memref<4096xi32, #tpu.memory_space<vmem>>, vector<16xi32>,
        %parallel_loop3A_323 = arith.constant 2 : i32
        %parallel_loop3A_324 = arith.index_cast %parallel_loop3A_323 : i32 to index
        %parallel_loop3A_325 = arith.index_cast %parallel_loop3A_183 : i32 to index
        %parallel_loop3A_326 = tpu.vector_load %arg12[%parallel_loop3A_324, %parallel_loop3A_325] {strides = array<i32>} : memref<8x512xf32, #tpu.memory_space<vmem>>, vector<1x16xf32>,
        %parallel_loop3A_327 = vector.shape_cast %parallel_loop3A_326 : vector<1x16xf32> to vector<16xf32>
        %parallel_loop3A_328 = vector.shape_cast %parallel_loop3A_275 : vector<16xf32> to vector<1x16xf32>
        tpu.vector_store %arg12[%parallel_loop3A_324, %parallel_loop3A_325], %parallel_loop3A_328 {strides = array<i32>} : memref<8x512xf32, #tpu.memory_space<vmem>>, vector<1x16xf32>,
        %parallel_loop3A_329 = arith.xori %parallel_loop3A_259, %parallel_loop3A_246 : vector<16xi32>
        %parallel_loop3A_330 = arith.constant 524287 : i32
        %parallel_loop3A_331 = vector.broadcast %parallel_loop3A_330 : i32 to vector<16xi32>
        %parallel_loop3A_332 = arith.andi %parallel_loop3A_329, %parallel_loop3A_331 : vector<16xi32>
        %parallel_loop3A_333 = arith.constant 1536 : i32
        %parallel_loop3A_334 = arith.addi %parallel_loop3A_333, %parallel_loop3A_183 : i32
        %parallel_loop3A_335 = arith.index_cast %parallel_loop3A_334 : i32 to index
        %parallel_loop3A_336 = tpu.vector_load %arg10[%parallel_loop3A_335] {strides = array<i32>} : memref<4096xi32, #tpu.memory_space<vmem>>, vector<16xi32>,
        %parallel_loop3A_337 = vector.shape_cast %parallel_loop3A_336 : vector<16xi32> to vector<16xi32>
        %parallel_loop3A_338 = vector.shape_cast %parallel_loop3A_332 : vector<16xi32> to vector<16xi32>
        tpu.vector_store %arg10[%parallel_loop3A_335], %parallel_loop3A_338 {strides = array<i32>} : memref<4096xi32, #tpu.memory_space<vmem>>, vector<16xi32>,
        %parallel_loop3A_339 = arith.constant 3 : i32
        %parallel_loop3A_340 = arith.index_cast %parallel_loop3A_339 : i32 to index
        %parallel_loop3A_341 = arith.index_cast %parallel_loop3A_183 : i32 to index
        %parallel_loop3A_342 = tpu.vector_load %arg12[%parallel_loop3A_340, %parallel_loop3A_341] {strides = array<i32>} : memref<8x512xf32, #tpu.memory_space<vmem>>, vector<1x16xf32>,
        %parallel_loop3A_343 = vector.shape_cast %parallel_loop3A_342 : vector<1x16xf32> to vector<16xf32>
        %parallel_loop3A_344 = vector.shape_cast %parallel_loop3A_276 : vector<16xf32> to vector<1x16xf32>
        tpu.vector_store %arg12[%parallel_loop3A_340, %parallel_loop3A_341], %parallel_loop3A_344 {strides = array<i32>} : memref<8x512xf32, #tpu.memory_space<vmem>>, vector<1x16xf32>,
        %parallel_loop3A_345 = arith.xori %parallel_loop3A_256, %parallel_loop3A_252 : vector<16xi32>
        %parallel_loop3A_346 = arith.constant 524287 : i32
        %parallel_loop3A_347 = vector.broadcast %parallel_loop3A_346 : i32 to vector<16xi32>
        %parallel_loop3A_348 = arith.andi %parallel_loop3A_345, %parallel_loop3A_347 : vector<16xi32>
        %parallel_loop3A_349 = arith.constant 2048 : i32
        %parallel_loop3A_350 = arith.addi %parallel_loop3A_349, %parallel_loop3A_183 : i32
        %parallel_loop3A_351 = arith.index_cast %parallel_loop3A_350 : i32 to index
        %parallel_loop3A_352 = tpu.vector_load %arg10[%parallel_loop3A_351] {strides = array<i32>} : memref<4096xi32, #tpu.memory_space<vmem>>, vector<16xi32>,
        %parallel_loop3A_353 = vector.shape_cast %parallel_loop3A_352 : vector<16xi32> to vector<16xi32>
        %parallel_loop3A_354 = vector.shape_cast %parallel_loop3A_348 : vector<16xi32> to vector<16xi32>
        tpu.vector_store %arg10[%parallel_loop3A_351], %parallel_loop3A_354 {strides = array<i32>} : memref<4096xi32, #tpu.memory_space<vmem>>, vector<16xi32>,
        %parallel_loop3A_355 = arith.constant 4 : i32
        %parallel_loop3A_356 = arith.index_cast %parallel_loop3A_355 : i32 to index
        %parallel_loop3A_357 = arith.index_cast %parallel_loop3A_183 : i32 to index
        %parallel_loop3A_358 = tpu.vector_load %arg12[%parallel_loop3A_356, %parallel_loop3A_357] {strides = array<i32>} : memref<8x512xf32, #tpu.memory_space<vmem>>, vector<1x16xf32>,
        %parallel_loop3A_359 = vector.shape_cast %parallel_loop3A_358 : vector<1x16xf32> to vector<16xf32>
        %parallel_loop3A_360 = vector.shape_cast %parallel_loop3A_277 : vector<16xf32> to vector<1x16xf32>
        tpu.vector_store %arg12[%parallel_loop3A_356, %parallel_loop3A_357], %parallel_loop3A_360 {strides = array<i32>} : memref<8x512xf32, #tpu.memory_space<vmem>>, vector<1x16xf32>,
        %parallel_loop3A_361 = arith.xori %parallel_loop3A_257, %parallel_loop3A_252 : vector<16xi32>
        %parallel_loop3A_362 = arith.constant 524287 : i32
        %parallel_loop3A_363 = vector.broadcast %parallel_loop3A_362 : i32 to vector<16xi32>
        %parallel_loop3A_364 = arith.andi %parallel_loop3A_361, %parallel_loop3A_363 : vector<16xi32>
        %parallel_loop3A_365 = arith.constant 2560 : i32
        %parallel_loop3A_366 = arith.addi %parallel_loop3A_365, %parallel_loop3A_183 : i32
        %parallel_loop3A_367 = arith.index_cast %parallel_loop3A_366 : i32 to index
        %parallel_loop3A_368 = tpu.vector_load %arg10[%parallel_loop3A_367] {strides = array<i32>} : memref<4096xi32, #tpu.memory_space<vmem>>, vector<16xi32>,
        %parallel_loop3A_369 = vector.shape_cast %parallel_loop3A_368 : vector<16xi32> to vector<16xi32>
        %parallel_loop3A_370 = vector.shape_cast %parallel_loop3A_364 : vector<16xi32> to vector<16xi32>
        tpu.vector_store %arg10[%parallel_loop3A_367], %parallel_loop3A_370 {strides = array<i32>} : memref<4096xi32, #tpu.memory_space<vmem>>, vector<16xi32>,
        %parallel_loop3A_371 = arith.constant 5 : i32
        %parallel_loop3A_372 = arith.index_cast %parallel_loop3A_371 : i32 to index
        %parallel_loop3A_373 = arith.index_cast %parallel_loop3A_183 : i32 to index
        %parallel_loop3A_374 = tpu.vector_load %arg12[%parallel_loop3A_372, %parallel_loop3A_373] {strides = array<i32>} : memref<8x512xf32, #tpu.memory_space<vmem>>, vector<1x16xf32>,
        %parallel_loop3A_375 = vector.shape_cast %parallel_loop3A_374 : vector<1x16xf32> to vector<16xf32>
        %parallel_loop3A_376 = vector.shape_cast %parallel_loop3A_278 : vector<16xf32> to vector<1x16xf32>
        tpu.vector_store %arg12[%parallel_loop3A_372, %parallel_loop3A_373], %parallel_loop3A_376 {strides = array<i32>} : memref<8x512xf32, #tpu.memory_space<vmem>>, vector<1x16xf32>,
        %parallel_loop3A_377 = arith.xori %parallel_loop3A_258, %parallel_loop3A_252 : vector<16xi32>
        %parallel_loop3A_378 = arith.constant 524287 : i32
        %parallel_loop3A_379 = vector.broadcast %parallel_loop3A_378 : i32 to vector<16xi32>
        %parallel_loop3A_380 = arith.andi %parallel_loop3A_377, %parallel_loop3A_379 : vector<16xi32>
        %parallel_loop3A_381 = arith.constant 3072 : i32
        %parallel_loop3A_382 = arith.addi %parallel_loop3A_381, %parallel_loop3A_183 : i32
        %parallel_loop3A_383 = arith.index_cast %parallel_loop3A_382 : i32 to index
        %parallel_loop3A_384 = tpu.vector_load %arg10[%parallel_loop3A_383] {strides = array<i32>} : memref<4096xi32, #tpu.memory_space<vmem>>, vector<16xi32>,
        %parallel_loop3A_385 = vector.shape_cast %parallel_loop3A_384 : vector<16xi32> to vector<16xi32>
        %parallel_loop3A_386 = vector.shape_cast %parallel_loop3A_380 : vector<16xi32> to vector<16xi32>
        tpu.vector_store %arg10[%parallel_loop3A_383], %parallel_loop3A_386 {strides = array<i32>} : memref<4096xi32, #tpu.memory_space<vmem>>, vector<16xi32>,
        %parallel_loop3A_387 = arith.constant 6 : i32
        %parallel_loop3A_388 = arith.index_cast %parallel_loop3A_387 : i32 to index
        %parallel_loop3A_389 = arith.index_cast %parallel_loop3A_183 : i32 to index
        %parallel_loop3A_390 = tpu.vector_load %arg12[%parallel_loop3A_388, %parallel_loop3A_389] {strides = array<i32>} : memref<8x512xf32, #tpu.memory_space<vmem>>, vector<1x16xf32>,
        %parallel_loop3A_391 = vector.shape_cast %parallel_loop3A_390 : vector<1x16xf32> to vector<16xf32>
        %parallel_loop3A_392 = vector.shape_cast %parallel_loop3A_279 : vector<16xf32> to vector<1x16xf32>
        tpu.vector_store %arg12[%parallel_loop3A_388, %parallel_loop3A_389], %parallel_loop3A_392 {strides = array<i32>} : memref<8x512xf32, #tpu.memory_space<vmem>>, vector<1x16xf32>,
        %parallel_loop3A_393 = arith.xori %parallel_loop3A_259, %parallel_loop3A_252 : vector<16xi32>
        %parallel_loop3A_394 = arith.constant 524287 : i32
        %parallel_loop3A_395 = vector.broadcast %parallel_loop3A_394 : i32 to vector<16xi32>
        %parallel_loop3A_396 = arith.andi %parallel_loop3A_393, %parallel_loop3A_395 : vector<16xi32>
        %parallel_loop3A_397 = arith.constant 3584 : i32
        %parallel_loop3A_398 = arith.addi %parallel_loop3A_397, %parallel_loop3A_183 : i32
        %parallel_loop3A_399 = arith.index_cast %parallel_loop3A_398 : i32 to index
        %parallel_loop3A_400 = tpu.vector_load %arg10[%parallel_loop3A_399] {strides = array<i32>} : memref<4096xi32, #tpu.memory_space<vmem>>, vector<16xi32>,
        %parallel_loop3A_401 = vector.shape_cast %parallel_loop3A_400 : vector<16xi32> to vector<16xi32>
        %parallel_loop3A_402 = vector.shape_cast %parallel_loop3A_396 : vector<16xi32> to vector<16xi32>
        tpu.vector_store %arg10[%parallel_loop3A_399], %parallel_loop3A_402 {strides = array<i32>} : memref<4096xi32, #tpu.memory_space<vmem>>, vector<16xi32>,
        %parallel_loop3A_403 = arith.constant 7 : i32
        %parallel_loop3A_404 = arith.index_cast %parallel_loop3A_403 : i32 to index
        %parallel_loop3A_405 = arith.index_cast %parallel_loop3A_183 : i32 to index
        %parallel_loop3A_406 = tpu.vector_load %arg12[%parallel_loop3A_404, %parallel_loop3A_405] {strides = array<i32>} : memref<8x512xf32, #tpu.memory_space<vmem>>, vector<1x16xf32>,
        %parallel_loop3A_407 = vector.shape_cast %parallel_loop3A_406 : vector<1x16xf32> to vector<16xf32>
        %parallel_loop3A_408 = vector.shape_cast %parallel_loop3A_280 : vector<16xf32> to vector<1x16xf32>
        tpu.vector_store %arg12[%parallel_loop3A_404, %parallel_loop3A_405], %parallel_loop3A_408 {strides = array<i32>} : memref<8x512xf32, #tpu.memory_space<vmem>>, vector<1x16xf32>,
      } {sc.loop_unroll_factor = 2 : i64, sc.parallel_access}
      %dma_start3A_125 = arith.constant 0 : i32
      %dma_start3A_126 = tpu.memref_slice %arg5[%dma_start3A_125] : memref<524288xf32, #tpu.memory_space<vmem_shared>> -> memref<524288xf32, #tpu.memory_space<vmem_shared>>
      tpu.enqueue_indirect_dma source(%dma_start3A_126 : memref<524288xf32, #tpu.memory_space<vmem_shared>>) target(%arg15 : memref<4096xf32, #tpu.memory_space<vmem>>) offsets(%arg10 : memref<4096xi32, #tpu.memory_space<vmem>>) semaphore(%arg20 : memref<!tpu.dma_semaphore, #tpu.memory_space<semaphore_mem>>)
      %dma_start3A_127 = arith.constant 0 : i32
      %dma_start3A_128 = tpu.memref_slice %arg6[%dma_start3A_127] : memref<524288xf32, #tpu.memory_space<vmem_shared>> -> memref<524288xf32, #tpu.memory_space<vmem_shared>>
      tpu.enqueue_indirect_dma source(%dma_start3A_128 : memref<524288xf32, #tpu.memory_space<vmem_shared>>) target(%arg16 : memref<4096xf32, #tpu.memory_space<vmem>>) offsets(%arg10 : memref<4096xi32, #tpu.memory_space<vmem>>) semaphore(%arg20 : memref<!tpu.dma_semaphore, #tpu.memory_space<semaphore_mem>>)
      %mul3A_129 = arith.constant 2 : i32
      %mul3A_130 = arith.muli %mul3A_129, %scan3A_9 : i32
      %add3A_131 = arith.constant 14336 : i32
      %add3A_132 = arith.addi %mul3A_2, %add3A_131 : i32
      %dma_wait3A_133 = tpu.memref_slice %arg4[%mul3A_130, %add3A_132] : memref<32x524288xf32, #tpu.memory_space<hbm>> -> memref<2x512xf32, #tpu.memory_space<hbm>>
      %dma_wait3A_134 = tpu.memref_slice %arg4[%mul3A_130, %add3A_132] : memref<32x524288xf32, #tpu.memory_space<hbm>> -> memref<2x512xf32, #tpu.memory_space<hbm>>
      tpu.wait_dma2 semaphore(%arg22 : memref<!tpu.dma_semaphore, #tpu.memory_space<semaphore_mem>>) src(%arg17 : memref<2x512xf32, #tpu.memory_space<vmem>>) dst(%dma_wait3A_134 : memref<2x512xf32, #tpu.memory_space<hbm>>)
      %dma_wait3A_135 = arith.constant 0 : i32
      %dma_wait3A_136 = tpu.memref_slice %arg5[%dma_wait3A_135] : memref<524288xf32, #tpu.memory_space<vmem_shared>> -> memref<524288xf32, #tpu.memory_space<vmem_shared>>
      tpu.wait_indirect_dma semaphore(%arg19 : memref<!tpu.dma_semaphore, #tpu.memory_space<semaphore_mem>>) src(%dma_wait3A_136 : memref<524288xf32, #tpu.memory_space<vmem_shared>>) dst(%arg13 : memref<4096xf32, #tpu.memory_space<vmem>>)
      %dma_wait3A_137 = arith.constant 0 : i32
      %dma_wait3A_138 = tpu.memref_slice %arg6[%dma_wait3A_137] : memref<524288xf32, #tpu.memory_space<vmem_shared>> -> memref<524288xf32, #tpu.memory_space<vmem_shared>>
      tpu.wait_indirect_dma semaphore(%arg19 : memref<!tpu.dma_semaphore, #tpu.memory_space<semaphore_mem>>) src(%dma_wait3A_138 : memref<524288xf32, #tpu.memory_space<vmem_shared>>) dst(%arg14 : memref<4096xf32, #tpu.memory_space<vmem>>)
      %parallel_loop3A_139 = arith.constant 0 : i32
      %parallel_loop3A_140 = arith.constant 32 : i32
      %parallel_loop3A_141 = arith.constant 1 : i32
      scf.for %parallel_loop3A_181 = %parallel_loop3A_139 to %parallel_loop3A_140 step %parallel_loop3A_141  : i32 {
        %parallel_loop3A_182 = arith.constant 16 : i32
        %parallel_loop3A_183 = arith.muli %parallel_loop3A_181, %parallel_loop3A_182 : i32
        %parallel_loop3A_184 = arith.constant 0.000000e+00 : f32
        %parallel_loop3A_185 = vector.broadcast %parallel_loop3A_184 : f32 to vector<16xf32>
        %parallel_loop3A_186 = arith.constant 0.000000e+00 : f32
        %parallel_loop3A_187 = vector.broadcast %parallel_loop3A_186 : f32 to vector<16xf32>
        %parallel_loop3A_188 = arith.constant 0 : i32
        %parallel_loop3A_189 = arith.index_cast %parallel_loop3A_188 : i32 to index
        %parallel_loop3A_190 = arith.index_cast %parallel_loop3A_183 : i32 to index
        %parallel_loop3A_191 = tpu.vector_load %arg11[%parallel_loop3A_189, %parallel_loop3A_190] {strides = array<i32>} : memref<8x512xf32, #tpu.memory_space<vmem>>, vector<1x16xf32>,
        %parallel_loop3A_192 = vector.shape_cast %parallel_loop3A_191 : vector<1x16xf32> to vector<16xf32>
        %parallel_loop3A_193 = arith.constant 0 : i32
        %parallel_loop3A_194 = arith.addi %parallel_loop3A_193, %parallel_loop3A_183 : i32
        %parallel_loop3A_195 = arith.index_cast %parallel_loop3A_194 : i32 to index
        %parallel_loop3A_196 = tpu.vector_load %arg13[%parallel_loop3A_195] {strides = array<i32>} : memref<4096xf32, #tpu.memory_space<vmem>>, vector<16xf32>,
        %parallel_loop3A_197 = vector.shape_cast %parallel_loop3A_196 : vector<16xf32> to vector<16xf32>
        %parallel_loop3A_198 = arith.constant 0 : i32
        %parallel_loop3A_199 = arith.addi %parallel_loop3A_198, %parallel_loop3A_183 : i32
        %parallel_loop3A_200 = arith.index_cast %parallel_loop3A_199 : i32 to index
        %parallel_loop3A_201 = tpu.vector_load %arg14[%parallel_loop3A_200] {strides = array<i32>} : memref<4096xf32, #tpu.memory_space<vmem>>, vector<16xf32>,
        %parallel_loop3A_202 = vector.shape_cast %parallel_loop3A_201 : vector<16xf32> to vector<16xf32>
        %parallel_loop3A_203 = arith.mulf %parallel_loop3A_192, %parallel_loop3A_197 : vector<16xf32>
        %parallel_loop3A_204 = arith.addf %parallel_loop3A_185, %parallel_loop3A_203 : vector<16xf32>
        %parallel_loop3A_205 = arith.mulf %parallel_loop3A_192, %parallel_loop3A_202 : vector<16xf32>
        %parallel_loop3A_206 = arith.addf %parallel_loop3A_187, %parallel_loop3A_205 : vector<16xf32>
        %parallel_loop3A_207 = arith.constant 1 : i32
        %parallel_loop3A_208 = arith.index_cast %parallel_loop3A_207 : i32 to index
        %parallel_loop3A_209 = arith.index_cast %parallel_loop3A_183 : i32 to index
        %parallel_loop3A_210 = tpu.vector_load %arg11[%parallel_loop3A_208, %parallel_loop3A_209] {strides = array<i32>} : memref<8x512xf32, #tpu.memory_space<vmem>>, vector<1x16xf32>,
        %parallel_loop3A_211 = vector.shape_cast %parallel_loop3A_210 : vector<1x16xf32> to vector<16xf32>
        %parallel_loop3A_212 = arith.constant 512 : i32
        %parallel_loop3A_213 = arith.addi %parallel_loop3A_212, %parallel_loop3A_183 : i32
        %parallel_loop3A_214 = arith.index_cast %parallel_loop3A_213 : i32 to index
        %parallel_loop3A_215 = tpu.vector_load %arg13[%parallel_loop3A_214] {strides = array<i32>} : memref<4096xf32, #tpu.memory_space<vmem>>, vector<16xf32>,
        %parallel_loop3A_216 = vector.shape_cast %parallel_loop3A_215 : vector<16xf32> to vector<16xf32>
        %parallel_loop3A_217 = arith.constant 512 : i32
        %parallel_loop3A_218 = arith.addi %parallel_loop3A_217, %parallel_loop3A_183 : i32
        %parallel_loop3A_219 = arith.index_cast %parallel_loop3A_218 : i32 to index
        %parallel_loop3A_220 = tpu.vector_load %arg14[%parallel_loop3A_219] {strides = array<i32>} : memref<4096xf32, #tpu.memory_space<vmem>>, vector<16xf32>,
        %parallel_loop3A_221 = vector.shape_cast %parallel_loop3A_220 : vector<16xf32> to vector<16xf32>
        %parallel_loop3A_222 = arith.mulf %parallel_loop3A_211, %parallel_loop3A_216 : vector<16xf32>
        %parallel_loop3A_223 = arith.addf %parallel_loop3A_204, %parallel_loop3A_222 : vector<16xf32>
        %parallel_loop3A_224 = arith.mulf %parallel_loop3A_211, %parallel_loop3A_221 : vector<16xf32>
        %parallel_loop3A_225 = arith.addf %parallel_loop3A_206, %parallel_loop3A_224 : vector<16xf32>
        %parallel_loop3A_226 = arith.constant 2 : i32
        %parallel_loop3A_227 = arith.index_cast %parallel_loop3A_226 : i32 to index
        %parallel_loop3A_228 = arith.index_cast %parallel_loop3A_183 : i32 to index
        %parallel_loop3A_229 = tpu.vector_load %arg11[%parallel_loop3A_227, %parallel_loop3A_228] {strides = array<i32>} : memref<8x512xf32, #tpu.memory_space<vmem>>, vector<1x16xf32>,
        %parallel_loop3A_230 = vector.shape_cast %parallel_loop3A_229 : vector<1x16xf32> to vector<16xf32>
        %parallel_loop3A_231 = arith.constant 1024 : i32
        %parallel_loop3A_232 = arith.addi %parallel_loop3A_231, %parallel_loop3A_183 : i32
        %parallel_loop3A_233 = arith.index_cast %parallel_loop3A_232 : i32 to index
        %parallel_loop3A_234 = tpu.vector_load %arg13[%parallel_loop3A_233] {strides = array<i32>} : memref<4096xf32, #tpu.memory_space<vmem>>, vector<16xf32>,
        %parallel_loop3A_235 = vector.shape_cast %parallel_loop3A_234 : vector<16xf32> to vector<16xf32>
        %parallel_loop3A_236 = arith.constant 1024 : i32
        %parallel_loop3A_237 = arith.addi %parallel_loop3A_236, %parallel_loop3A_183 : i32
        %parallel_loop3A_238 = arith.index_cast %parallel_loop3A_237 : i32 to index
        %parallel_loop3A_239 = tpu.vector_load %arg14[%parallel_loop3A_238] {strides = array<i32>} : memref<4096xf32, #tpu.memory_space<vmem>>, vector<16xf32>,
        %parallel_loop3A_240 = vector.shape_cast %parallel_loop3A_239 : vector<16xf32> to vector<16xf32>
        %parallel_loop3A_241 = arith.mulf %parallel_loop3A_230, %parallel_loop3A_235 : vector<16xf32>
        %parallel_loop3A_242 = arith.addf %parallel_loop3A_223, %parallel_loop3A_241 : vector<16xf32>
        %parallel_loop3A_243 = arith.mulf %parallel_loop3A_230, %parallel_loop3A_240 : vector<16xf32>
        %parallel_loop3A_244 = arith.addf %parallel_loop3A_225, %parallel_loop3A_243 : vector<16xf32>
        %parallel_loop3A_245 = arith.constant 3 : i32
        %parallel_loop3A_246 = arith.index_cast %parallel_loop3A_245 : i32 to index
        %parallel_loop3A_247 = arith.index_cast %parallel_loop3A_183 : i32 to index
        %parallel_loop3A_248 = tpu.vector_load %arg11[%parallel_loop3A_246, %parallel_loop3A_247] {strides = array<i32>} : memref<8x512xf32, #tpu.memory_space<vmem>>, vector<1x16xf32>,
        %parallel_loop3A_249 = vector.shape_cast %parallel_loop3A_248 : vector<1x16xf32> to vector<16xf32>
        %parallel_loop3A_250 = arith.constant 1536 : i32
        %parallel_loop3A_251 = arith.addi %parallel_loop3A_250, %parallel_loop3A_183 : i32
        %parallel_loop3A_252 = arith.index_cast %parallel_loop3A_251 : i32 to index
        %parallel_loop3A_253 = tpu.vector_load %arg13[%parallel_loop3A_252] {strides = array<i32>} : memref<4096xf32, #tpu.memory_space<vmem>>, vector<16xf32>,
        %parallel_loop3A_254 = vector.shape_cast %parallel_loop3A_253 : vector<16xf32> to vector<16xf32>
        %parallel_loop3A_255 = arith.constant 1536 : i32
        %parallel_loop3A_256 = arith.addi %parallel_loop3A_255, %parallel_loop3A_183 : i32
        %parallel_loop3A_257 = arith.index_cast %parallel_loop3A_256 : i32 to index
        %parallel_loop3A_258 = tpu.vector_load %arg14[%parallel_loop3A_257] {strides = array<i32>} : memref<4096xf32, #tpu.memory_space<vmem>>, vector<16xf32>,
        %parallel_loop3A_259 = vector.shape_cast %parallel_loop3A_258 : vector<16xf32> to vector<16xf32>
        %parallel_loop3A_260 = arith.mulf %parallel_loop3A_249, %parallel_loop3A_254 : vector<16xf32>
        %parallel_loop3A_261 = arith.addf %parallel_loop3A_242, %parallel_loop3A_260 : vector<16xf32>
        %parallel_loop3A_262 = arith.mulf %parallel_loop3A_249, %parallel_loop3A_259 : vector<16xf32>
        %parallel_loop3A_263 = arith.addf %parallel_loop3A_244, %parallel_loop3A_262 : vector<16xf32>
        %parallel_loop3A_264 = arith.constant 4 : i32
        %parallel_loop3A_265 = arith.index_cast %parallel_loop3A_264 : i32 to index
        %parallel_loop3A_266 = arith.index_cast %parallel_loop3A_183 : i32 to index
        %parallel_loop3A_267 = tpu.vector_load %arg11[%parallel_loop3A_265, %parallel_loop3A_266] {strides = array<i32>} : memref<8x512xf32, #tpu.memory_space<vmem>>, vector<1x16xf32>,
        %parallel_loop3A_268 = vector.shape_cast %parallel_loop3A_267 : vector<1x16xf32> to vector<16xf32>
        %parallel_loop3A_269 = arith.constant 2048 : i32
        %parallel_loop3A_270 = arith.addi %parallel_loop3A_269, %parallel_loop3A_183 : i32
        %parallel_loop3A_271 = arith.index_cast %parallel_loop3A_270 : i32 to index
        %parallel_loop3A_272 = tpu.vector_load %arg13[%parallel_loop3A_271] {strides = array<i32>} : memref<4096xf32, #tpu.memory_space<vmem>>, vector<16xf32>,
        %parallel_loop3A_273 = vector.shape_cast %parallel_loop3A_272 : vector<16xf32> to vector<16xf32>
        %parallel_loop3A_274 = arith.constant 2048 : i32
        %parallel_loop3A_275 = arith.addi %parallel_loop3A_274, %parallel_loop3A_183 : i32
        %parallel_loop3A_276 = arith.index_cast %parallel_loop3A_275 : i32 to index
        %parallel_loop3A_277 = tpu.vector_load %arg14[%parallel_loop3A_276] {strides = array<i32>} : memref<4096xf32, #tpu.memory_space<vmem>>, vector<16xf32>,
        %parallel_loop3A_278 = vector.shape_cast %parallel_loop3A_277 : vector<16xf32> to vector<16xf32>
        %parallel_loop3A_279 = arith.mulf %parallel_loop3A_268, %parallel_loop3A_273 : vector<16xf32>
        %parallel_loop3A_280 = arith.addf %parallel_loop3A_261, %parallel_loop3A_279 : vector<16xf32>
        %parallel_loop3A_281 = arith.mulf %parallel_loop3A_268, %parallel_loop3A_278 : vector<16xf32>
        %parallel_loop3A_282 = arith.addf %parallel_loop3A_263, %parallel_loop3A_281 : vector<16xf32>
        %parallel_loop3A_283 = arith.constant 5 : i32
        %parallel_loop3A_284 = arith.index_cast %parallel_loop3A_283 : i32 to index
        %parallel_loop3A_285 = arith.index_cast %parallel_loop3A_183 : i32 to index
        %parallel_loop3A_286 = tpu.vector_load %arg11[%parallel_loop3A_284, %parallel_loop3A_285] {strides = array<i32>} : memref<8x512xf32, #tpu.memory_space<vmem>>, vector<1x16xf32>,
        %parallel_loop3A_287 = vector.shape_cast %parallel_loop3A_286 : vector<1x16xf32> to vector<16xf32>
        %parallel_loop3A_288 = arith.constant 2560 : i32
        %parallel_loop3A_289 = arith.addi %parallel_loop3A_288, %parallel_loop3A_183 : i32
        %parallel_loop3A_290 = arith.index_cast %parallel_loop3A_289 : i32 to index
        %parallel_loop3A_291 = tpu.vector_load %arg13[%parallel_loop3A_290] {strides = array<i32>} : memref<4096xf32, #tpu.memory_space<vmem>>, vector<16xf32>,
        %parallel_loop3A_292 = vector.shape_cast %parallel_loop3A_291 : vector<16xf32> to vector<16xf32>
        %parallel_loop3A_293 = arith.constant 2560 : i32
        %parallel_loop3A_294 = arith.addi %parallel_loop3A_293, %parallel_loop3A_183 : i32
        %parallel_loop3A_295 = arith.index_cast %parallel_loop3A_294 : i32 to index
        %parallel_loop3A_296 = tpu.vector_load %arg14[%parallel_loop3A_295] {strides = array<i32>} : memref<4096xf32, #tpu.memory_space<vmem>>, vector<16xf32>,
        %parallel_loop3A_297 = vector.shape_cast %parallel_loop3A_296 : vector<16xf32> to vector<16xf32>
        %parallel_loop3A_298 = arith.mulf %parallel_loop3A_287, %parallel_loop3A_292 : vector<16xf32>
        %parallel_loop3A_299 = arith.addf %parallel_loop3A_280, %parallel_loop3A_298 : vector<16xf32>
        %parallel_loop3A_300 = arith.mulf %parallel_loop3A_287, %parallel_loop3A_297 : vector<16xf32>
        %parallel_loop3A_301 = arith.addf %parallel_loop3A_282, %parallel_loop3A_300 : vector<16xf32>
        %parallel_loop3A_302 = arith.constant 6 : i32
        %parallel_loop3A_303 = arith.index_cast %parallel_loop3A_302 : i32 to index
        %parallel_loop3A_304 = arith.index_cast %parallel_loop3A_183 : i32 to index
        %parallel_loop3A_305 = tpu.vector_load %arg11[%parallel_loop3A_303, %parallel_loop3A_304] {strides = array<i32>} : memref<8x512xf32, #tpu.memory_space<vmem>>, vector<1x16xf32>,
        %parallel_loop3A_306 = vector.shape_cast %parallel_loop3A_305 : vector<1x16xf32> to vector<16xf32>
        %parallel_loop3A_307 = arith.constant 3072 : i32
        %parallel_loop3A_308 = arith.addi %parallel_loop3A_307, %parallel_loop3A_183 : i32
        %parallel_loop3A_309 = arith.index_cast %parallel_loop3A_308 : i32 to index
        %parallel_loop3A_310 = tpu.vector_load %arg13[%parallel_loop3A_309] {strides = array<i32>} : memref<4096xf32, #tpu.memory_space<vmem>>, vector<16xf32>,
        %parallel_loop3A_311 = vector.shape_cast %parallel_loop3A_310 : vector<16xf32> to vector<16xf32>
        %parallel_loop3A_312 = arith.constant 3072 : i32
        %parallel_loop3A_313 = arith.addi %parallel_loop3A_312, %parallel_loop3A_183 : i32
        %parallel_loop3A_314 = arith.index_cast %parallel_loop3A_313 : i32 to index
        %parallel_loop3A_315 = tpu.vector_load %arg14[%parallel_loop3A_314] {strides = array<i32>} : memref<4096xf32, #tpu.memory_space<vmem>>, vector<16xf32>,
        %parallel_loop3A_316 = vector.shape_cast %parallel_loop3A_315 : vector<16xf32> to vector<16xf32>
        %parallel_loop3A_317 = arith.mulf %parallel_loop3A_306, %parallel_loop3A_311 : vector<16xf32>
        %parallel_loop3A_318 = arith.addf %parallel_loop3A_299, %parallel_loop3A_317 : vector<16xf32>
        %parallel_loop3A_319 = arith.mulf %parallel_loop3A_306, %parallel_loop3A_316 : vector<16xf32>
        %parallel_loop3A_320 = arith.addf %parallel_loop3A_301, %parallel_loop3A_319 : vector<16xf32>
        %parallel_loop3A_321 = arith.constant 7 : i32
        %parallel_loop3A_322 = arith.index_cast %parallel_loop3A_321 : i32 to index
        %parallel_loop3A_323 = arith.index_cast %parallel_loop3A_183 : i32 to index
        %parallel_loop3A_324 = tpu.vector_load %arg11[%parallel_loop3A_322, %parallel_loop3A_323] {strides = array<i32>} : memref<8x512xf32, #tpu.memory_space<vmem>>, vector<1x16xf32>,
        %parallel_loop3A_325 = vector.shape_cast %parallel_loop3A_324 : vector<1x16xf32> to vector<16xf32>
        %parallel_loop3A_326 = arith.constant 3584 : i32
        %parallel_loop3A_327 = arith.addi %parallel_loop3A_326, %parallel_loop3A_183 : i32
        %parallel_loop3A_328 = arith.index_cast %parallel_loop3A_327 : i32 to index
        %parallel_loop3A_329 = tpu.vector_load %arg13[%parallel_loop3A_328] {strides = array<i32>} : memref<4096xf32, #tpu.memory_space<vmem>>, vector<16xf32>,
        %parallel_loop3A_330 = vector.shape_cast %parallel_loop3A_329 : vector<16xf32> to vector<16xf32>
        %parallel_loop3A_331 = arith.constant 3584 : i32
        %parallel_loop3A_332 = arith.addi %parallel_loop3A_331, %parallel_loop3A_183 : i32
        %parallel_loop3A_333 = arith.index_cast %parallel_loop3A_332 : i32 to index
        %parallel_loop3A_334 = tpu.vector_load %arg14[%parallel_loop3A_333] {strides = array<i32>} : memref<4096xf32, #tpu.memory_space<vmem>>, vector<16xf32>,
        %parallel_loop3A_335 = vector.shape_cast %parallel_loop3A_334 : vector<16xf32> to vector<16xf32>
        %parallel_loop3A_336 = arith.mulf %parallel_loop3A_325, %parallel_loop3A_330 : vector<16xf32>
        %parallel_loop3A_337 = arith.addf %parallel_loop3A_318, %parallel_loop3A_336 : vector<16xf32>
        %parallel_loop3A_338 = arith.mulf %parallel_loop3A_325, %parallel_loop3A_335 : vector<16xf32>
        %parallel_loop3A_339 = arith.addf %parallel_loop3A_320, %parallel_loop3A_338 : vector<16xf32>
        %parallel_loop3A_340 = arith.constant 0 : i32
        %parallel_loop3A_341 = arith.index_cast %parallel_loop3A_340 : i32 to index
        %parallel_loop3A_342 = arith.index_cast %parallel_loop3A_183 : i32 to index
        %parallel_loop3A_343 = tpu.vector_load %arg17[%parallel_loop3A_341, %parallel_loop3A_342] {strides = array<i32>} : memref<2x512xf32, #tpu.memory_space<vmem>>, vector<1x16xf32>,
        %parallel_loop3A_344 = vector.shape_cast %parallel_loop3A_343 : vector<1x16xf32> to vector<16xf32>
        %parallel_loop3A_345 = vector.shape_cast %parallel_loop3A_337 : vector<16xf32> to vector<1x16xf32>
        tpu.vector_store %arg17[%parallel_loop3A_341, %parallel_loop3A_342], %parallel_loop3A_345 {strides = array<i32>} : memref<2x512xf32, #tpu.memory_space<vmem>>, vector<1x16xf32>,
        %parallel_loop3A_346 = arith.constant 1 : i32
        %parallel_loop3A_347 = arith.index_cast %parallel_loop3A_346 : i32 to index
        %parallel_loop3A_348 = arith.index_cast %parallel_loop3A_183 : i32 to index
        %parallel_loop3A_349 = tpu.vector_load %arg17[%parallel_loop3A_347, %parallel_loop3A_348] {strides = array<i32>} : memref<2x512xf32, #tpu.memory_space<vmem>>, vector<1x16xf32>,
        %parallel_loop3A_350 = vector.shape_cast %parallel_loop3A_349 : vector<1x16xf32> to vector<16xf32>
        %parallel_loop3A_351 = vector.shape_cast %parallel_loop3A_339 : vector<16xf32> to vector<1x16xf32>
        tpu.vector_store %arg17[%parallel_loop3A_347, %parallel_loop3A_348], %parallel_loop3A_351 {strides = array<i32>} : memref<2x512xf32, #tpu.memory_space<vmem>>, vector<1x16xf32>,
      } {sc.loop_unroll_factor = 2 : i64, sc.parallel_access}
      %mul3A_142 = arith.constant 2 : i32
      %mul3A_143 = arith.muli %mul3A_142, %scan3A_9 : i32
      %add3A_144 = arith.constant 15360 : i32
      %add3A_145 = arith.addi %mul3A_2, %add3A_144 : i32
      %dma_start3A_146 = tpu.memref_slice %arg4[%mul3A_143, %add3A_145] : memref<32x524288xf32, #tpu.memory_space<hbm>> -> memref<2x512xf32, #tpu.memory_space<hbm>>
      %dma_start3A_147 = tpu.memref_slice %arg4[%mul3A_143, %add3A_145] : memref<32x524288xf32, #tpu.memory_space<hbm>> -> memref<2x512xf32, #tpu.memory_space<hbm>>
      tpu.enqueue_dma source(%arg17 : memref<2x512xf32, #tpu.memory_space<vmem>>) target(%dma_start3A_147 : memref<2x512xf32, #tpu.memory_space<hbm>>) target_semaphore(%arg22 : memref<!tpu.dma_semaphore, #tpu.memory_space<semaphore_mem>>)
      %mul3A_148 = arith.constant 2 : i32
      %mul3A_149 = arith.muli %mul3A_148, %scan3A_9 : i32
      %add3A_150 = arith.constant 14848 : i32
      %add3A_151 = arith.addi %mul3A_2, %add3A_150 : i32
      %dma_wait3A_152 = tpu.memref_slice %arg4[%mul3A_149, %add3A_151] : memref<32x524288xf32, #tpu.memory_space<hbm>> -> memref<2x512xf32, #tpu.memory_space<hbm>>
      %dma_wait3A_153 = tpu.memref_slice %arg4[%mul3A_149, %add3A_151] : memref<32x524288xf32, #tpu.memory_space<hbm>> -> memref<2x512xf32, #tpu.memory_space<hbm>>
      tpu.wait_dma2 semaphore(%arg23 : memref<!tpu.dma_semaphore, #tpu.memory_space<semaphore_mem>>) src(%arg18 : memref<2x512xf32, #tpu.memory_space<vmem>>) dst(%dma_wait3A_153 : memref<2x512xf32, #tpu.memory_space<hbm>>)
      %dma_wait3A_154 = arith.constant 0 : i32
      %dma_wait3A_155 = tpu.memref_slice %arg5[%dma_wait3A_154] : memref<524288xf32, #tpu.memory_space<vmem_shared>> -> memref<524288xf32, #tpu.memory_space<vmem_shared>>
      tpu.wait_indirect_dma semaphore(%arg20 : memref<!tpu.dma_semaphore, #tpu.memory_space<semaphore_mem>>) src(%dma_wait3A_155 : memref<524288xf32, #tpu.memory_space<vmem_shared>>) dst(%arg15 : memref<4096xf32, #tpu.memory_space<vmem>>)
      %dma_wait3A_156 = arith.constant 0 : i32
      %dma_wait3A_157 = tpu.memref_slice %arg6[%dma_wait3A_156] : memref<524288xf32, #tpu.memory_space<vmem_shared>> -> memref<524288xf32, #tpu.memory_space<vmem_shared>>
      tpu.wait_indirect_dma semaphore(%arg20 : memref<!tpu.dma_semaphore, #tpu.memory_space<semaphore_mem>>) src(%dma_wait3A_157 : memref<524288xf32, #tpu.memory_space<vmem_shared>>) dst(%arg16 : memref<4096xf32, #tpu.memory_space<vmem>>)
      %parallel_loop3A_158 = arith.constant 0 : i32
      %parallel_loop3A_159 = arith.constant 32 : i32
      %parallel_loop3A_160 = arith.constant 1 : i32
      scf.for %parallel_loop3A_181 = %parallel_loop3A_158 to %parallel_loop3A_159 step %parallel_loop3A_160  : i32 {
        %parallel_loop3A_182 = arith.constant 16 : i32
        %parallel_loop3A_183 = arith.muli %parallel_loop3A_181, %parallel_loop3A_182 : i32
        %parallel_loop3A_184 = arith.constant 0.000000e+00 : f32
        %parallel_loop3A_185 = vector.broadcast %parallel_loop3A_184 : f32 to vector<16xf32>
        %parallel_loop3A_186 = arith.constant 0.000000e+00 : f32
        %parallel_loop3A_187 = vector.broadcast %parallel_loop3A_186 : f32 to vector<16xf32>
        %parallel_loop3A_188 = arith.constant 0 : i32
        %parallel_loop3A_189 = arith.index_cast %parallel_loop3A_188 : i32 to index
        %parallel_loop3A_190 = arith.index_cast %parallel_loop3A_183 : i32 to index
        %parallel_loop3A_191 = tpu.vector_load %arg12[%parallel_loop3A_189, %parallel_loop3A_190] {strides = array<i32>} : memref<8x512xf32, #tpu.memory_space<vmem>>, vector<1x16xf32>,
        %parallel_loop3A_192 = vector.shape_cast %parallel_loop3A_191 : vector<1x16xf32> to vector<16xf32>
        %parallel_loop3A_193 = arith.constant 0 : i32
        %parallel_loop3A_194 = arith.addi %parallel_loop3A_193, %parallel_loop3A_183 : i32
        %parallel_loop3A_195 = arith.index_cast %parallel_loop3A_194 : i32 to index
        %parallel_loop3A_196 = tpu.vector_load %arg15[%parallel_loop3A_195] {strides = array<i32>} : memref<4096xf32, #tpu.memory_space<vmem>>, vector<16xf32>,
        %parallel_loop3A_197 = vector.shape_cast %parallel_loop3A_196 : vector<16xf32> to vector<16xf32>
        %parallel_loop3A_198 = arith.constant 0 : i32
        %parallel_loop3A_199 = arith.addi %parallel_loop3A_198, %parallel_loop3A_183 : i32
        %parallel_loop3A_200 = arith.index_cast %parallel_loop3A_199 : i32 to index
        %parallel_loop3A_201 = tpu.vector_load %arg16[%parallel_loop3A_200] {strides = array<i32>} : memref<4096xf32, #tpu.memory_space<vmem>>, vector<16xf32>,
        %parallel_loop3A_202 = vector.shape_cast %parallel_loop3A_201 : vector<16xf32> to vector<16xf32>
        %parallel_loop3A_203 = arith.mulf %parallel_loop3A_192, %parallel_loop3A_197 : vector<16xf32>
        %parallel_loop3A_204 = arith.addf %parallel_loop3A_185, %parallel_loop3A_203 : vector<16xf32>
        %parallel_loop3A_205 = arith.mulf %parallel_loop3A_192, %parallel_loop3A_202 : vector<16xf32>
        %parallel_loop3A_206 = arith.addf %parallel_loop3A_187, %parallel_loop3A_205 : vector<16xf32>
        %parallel_loop3A_207 = arith.constant 1 : i32
        %parallel_loop3A_208 = arith.index_cast %parallel_loop3A_207 : i32 to index
        %parallel_loop3A_209 = arith.index_cast %parallel_loop3A_183 : i32 to index
        %parallel_loop3A_210 = tpu.vector_load %arg12[%parallel_loop3A_208, %parallel_loop3A_209] {strides = array<i32>} : memref<8x512xf32, #tpu.memory_space<vmem>>, vector<1x16xf32>,
        %parallel_loop3A_211 = vector.shape_cast %parallel_loop3A_210 : vector<1x16xf32> to vector<16xf32>
        %parallel_loop3A_212 = arith.constant 512 : i32
        %parallel_loop3A_213 = arith.addi %parallel_loop3A_212, %parallel_loop3A_183 : i32
        %parallel_loop3A_214 = arith.index_cast %parallel_loop3A_213 : i32 to index
        %parallel_loop3A_215 = tpu.vector_load %arg15[%parallel_loop3A_214] {strides = array<i32>} : memref<4096xf32, #tpu.memory_space<vmem>>, vector<16xf32>,
        %parallel_loop3A_216 = vector.shape_cast %parallel_loop3A_215 : vector<16xf32> to vector<16xf32>
        %parallel_loop3A_217 = arith.constant 512 : i32
        %parallel_loop3A_218 = arith.addi %parallel_loop3A_217, %parallel_loop3A_183 : i32
        %parallel_loop3A_219 = arith.index_cast %parallel_loop3A_218 : i32 to index
        %parallel_loop3A_220 = tpu.vector_load %arg16[%parallel_loop3A_219] {strides = array<i32>} : memref<4096xf32, #tpu.memory_space<vmem>>, vector<16xf32>,
        %parallel_loop3A_221 = vector.shape_cast %parallel_loop3A_220 : vector<16xf32> to vector<16xf32>
        %parallel_loop3A_222 = arith.mulf %parallel_loop3A_211, %parallel_loop3A_216 : vector<16xf32>
        %parallel_loop3A_223 = arith.addf %parallel_loop3A_204, %parallel_loop3A_222 : vector<16xf32>
        %parallel_loop3A_224 = arith.mulf %parallel_loop3A_211, %parallel_loop3A_221 : vector<16xf32>
        %parallel_loop3A_225 = arith.addf %parallel_loop3A_206, %parallel_loop3A_224 : vector<16xf32>
        %parallel_loop3A_226 = arith.constant 2 : i32
        %parallel_loop3A_227 = arith.index_cast %parallel_loop3A_226 : i32 to index
        %parallel_loop3A_228 = arith.index_cast %parallel_loop3A_183 : i32 to index
        %parallel_loop3A_229 = tpu.vector_load %arg12[%parallel_loop3A_227, %parallel_loop3A_228] {strides = array<i32>} : memref<8x512xf32, #tpu.memory_space<vmem>>, vector<1x16xf32>,
        %parallel_loop3A_230 = vector.shape_cast %parallel_loop3A_229 : vector<1x16xf32> to vector<16xf32>
        %parallel_loop3A_231 = arith.constant 1024 : i32
        %parallel_loop3A_232 = arith.addi %parallel_loop3A_231, %parallel_loop3A_183 : i32
        %parallel_loop3A_233 = arith.index_cast %parallel_loop3A_232 : i32 to index
        %parallel_loop3A_234 = tpu.vector_load %arg15[%parallel_loop3A_233] {strides = array<i32>} : memref<4096xf32, #tpu.memory_space<vmem>>, vector<16xf32>,
        %parallel_loop3A_235 = vector.shape_cast %parallel_loop3A_234 : vector<16xf32> to vector<16xf32>
        %parallel_loop3A_236 = arith.constant 1024 : i32
        %parallel_loop3A_237 = arith.addi %parallel_loop3A_236, %parallel_loop3A_183 : i32
        %parallel_loop3A_238 = arith.index_cast %parallel_loop3A_237 : i32 to index
        %parallel_loop3A_239 = tpu.vector_load %arg16[%parallel_loop3A_238] {strides = array<i32>} : memref<4096xf32, #tpu.memory_space<vmem>>, vector<16xf32>,
        %parallel_loop3A_240 = vector.shape_cast %parallel_loop3A_239 : vector<16xf32> to vector<16xf32>
        %parallel_loop3A_241 = arith.mulf %parallel_loop3A_230, %parallel_loop3A_235 : vector<16xf32>
        %parallel_loop3A_242 = arith.addf %parallel_loop3A_223, %parallel_loop3A_241 : vector<16xf32>
        %parallel_loop3A_243 = arith.mulf %parallel_loop3A_230, %parallel_loop3A_240 : vector<16xf32>
        %parallel_loop3A_244 = arith.addf %parallel_loop3A_225, %parallel_loop3A_243 : vector<16xf32>
        %parallel_loop3A_245 = arith.constant 3 : i32
        %parallel_loop3A_246 = arith.index_cast %parallel_loop3A_245 : i32 to index
        %parallel_loop3A_247 = arith.index_cast %parallel_loop3A_183 : i32 to index
        %parallel_loop3A_248 = tpu.vector_load %arg12[%parallel_loop3A_246, %parallel_loop3A_247] {strides = array<i32>} : memref<8x512xf32, #tpu.memory_space<vmem>>, vector<1x16xf32>,
        %parallel_loop3A_249 = vector.shape_cast %parallel_loop3A_248 : vector<1x16xf32> to vector<16xf32>
        %parallel_loop3A_250 = arith.constant 1536 : i32
        %parallel_loop3A_251 = arith.addi %parallel_loop3A_250, %parallel_loop3A_183 : i32
        %parallel_loop3A_252 = arith.index_cast %parallel_loop3A_251 : i32 to index
        %parallel_loop3A_253 = tpu.vector_load %arg15[%parallel_loop3A_252] {strides = array<i32>} : memref<4096xf32, #tpu.memory_space<vmem>>, vector<16xf32>,
        %parallel_loop3A_254 = vector.shape_cast %parallel_loop3A_253 : vector<16xf32> to vector<16xf32>
        %parallel_loop3A_255 = arith.constant 1536 : i32
        %parallel_loop3A_256 = arith.addi %parallel_loop3A_255, %parallel_loop3A_183 : i32
        %parallel_loop3A_257 = arith.index_cast %parallel_loop3A_256 : i32 to index
        %parallel_loop3A_258 = tpu.vector_load %arg16[%parallel_loop3A_257] {strides = array<i32>} : memref<4096xf32, #tpu.memory_space<vmem>>, vector<16xf32>,
        %parallel_loop3A_259 = vector.shape_cast %parallel_loop3A_258 : vector<16xf32> to vector<16xf32>
        %parallel_loop3A_260 = arith.mulf %parallel_loop3A_249, %parallel_loop3A_254 : vector<16xf32>
        %parallel_loop3A_261 = arith.addf %parallel_loop3A_242, %parallel_loop3A_260 : vector<16xf32>
        %parallel_loop3A_262 = arith.mulf %parallel_loop3A_249, %parallel_loop3A_259 : vector<16xf32>
        %parallel_loop3A_263 = arith.addf %parallel_loop3A_244, %parallel_loop3A_262 : vector<16xf32>
        %parallel_loop3A_264 = arith.constant 4 : i32
        %parallel_loop3A_265 = arith.index_cast %parallel_loop3A_264 : i32 to index
        %parallel_loop3A_266 = arith.index_cast %parallel_loop3A_183 : i32 to index
        %parallel_loop3A_267 = tpu.vector_load %arg12[%parallel_loop3A_265, %parallel_loop3A_266] {strides = array<i32>} : memref<8x512xf32, #tpu.memory_space<vmem>>, vector<1x16xf32>,
        %parallel_loop3A_268 = vector.shape_cast %parallel_loop3A_267 : vector<1x16xf32> to vector<16xf32>
        %parallel_loop3A_269 = arith.constant 2048 : i32
        %parallel_loop3A_270 = arith.addi %parallel_loop3A_269, %parallel_loop3A_183 : i32
        %parallel_loop3A_271 = arith.index_cast %parallel_loop3A_270 : i32 to index
        %parallel_loop3A_272 = tpu.vector_load %arg15[%parallel_loop3A_271] {strides = array<i32>} : memref<4096xf32, #tpu.memory_space<vmem>>, vector<16xf32>,
        %parallel_loop3A_273 = vector.shape_cast %parallel_loop3A_272 : vector<16xf32> to vector<16xf32>
        %parallel_loop3A_274 = arith.constant 2048 : i32
        %parallel_loop3A_275 = arith.addi %parallel_loop3A_274, %parallel_loop3A_183 : i32
        %parallel_loop3A_276 = arith.index_cast %parallel_loop3A_275 : i32 to index
        %parallel_loop3A_277 = tpu.vector_load %arg16[%parallel_loop3A_276] {strides = array<i32>} : memref<4096xf32, #tpu.memory_space<vmem>>, vector<16xf32>,
        %parallel_loop3A_278 = vector.shape_cast %parallel_loop3A_277 : vector<16xf32> to vector<16xf32>
        %parallel_loop3A_279 = arith.mulf %parallel_loop3A_268, %parallel_loop3A_273 : vector<16xf32>
        %parallel_loop3A_280 = arith.addf %parallel_loop3A_261, %parallel_loop3A_279 : vector<16xf32>
        %parallel_loop3A_281 = arith.mulf %parallel_loop3A_268, %parallel_loop3A_278 : vector<16xf32>
        %parallel_loop3A_282 = arith.addf %parallel_loop3A_263, %parallel_loop3A_281 : vector<16xf32>
        %parallel_loop3A_283 = arith.constant 5 : i32
        %parallel_loop3A_284 = arith.index_cast %parallel_loop3A_283 : i32 to index
        %parallel_loop3A_285 = arith.index_cast %parallel_loop3A_183 : i32 to index
        %parallel_loop3A_286 = tpu.vector_load %arg12[%parallel_loop3A_284, %parallel_loop3A_285] {strides = array<i32>} : memref<8x512xf32, #tpu.memory_space<vmem>>, vector<1x16xf32>,
        %parallel_loop3A_287 = vector.shape_cast %parallel_loop3A_286 : vector<1x16xf32> to vector<16xf32>
        %parallel_loop3A_288 = arith.constant 2560 : i32
        %parallel_loop3A_289 = arith.addi %parallel_loop3A_288, %parallel_loop3A_183 : i32
        %parallel_loop3A_290 = arith.index_cast %parallel_loop3A_289 : i32 to index
        %parallel_loop3A_291 = tpu.vector_load %arg15[%parallel_loop3A_290] {strides = array<i32>} : memref<4096xf32, #tpu.memory_space<vmem>>, vector<16xf32>,
        %parallel_loop3A_292 = vector.shape_cast %parallel_loop3A_291 : vector<16xf32> to vector<16xf32>
        %parallel_loop3A_293 = arith.constant 2560 : i32
        %parallel_loop3A_294 = arith.addi %parallel_loop3A_293, %parallel_loop3A_183 : i32
        %parallel_loop3A_295 = arith.index_cast %parallel_loop3A_294 : i32 to index
        %parallel_loop3A_296 = tpu.vector_load %arg16[%parallel_loop3A_295] {strides = array<i32>} : memref<4096xf32, #tpu.memory_space<vmem>>, vector<16xf32>,
        %parallel_loop3A_297 = vector.shape_cast %parallel_loop3A_296 : vector<16xf32> to vector<16xf32>
        %parallel_loop3A_298 = arith.mulf %parallel_loop3A_287, %parallel_loop3A_292 : vector<16xf32>
        %parallel_loop3A_299 = arith.addf %parallel_loop3A_280, %parallel_loop3A_298 : vector<16xf32>
        %parallel_loop3A_300 = arith.mulf %parallel_loop3A_287, %parallel_loop3A_297 : vector<16xf32>
        %parallel_loop3A_301 = arith.addf %parallel_loop3A_282, %parallel_loop3A_300 : vector<16xf32>
        %parallel_loop3A_302 = arith.constant 6 : i32
        %parallel_loop3A_303 = arith.index_cast %parallel_loop3A_302 : i32 to index
        %parallel_loop3A_304 = arith.index_cast %parallel_loop3A_183 : i32 to index
        %parallel_loop3A_305 = tpu.vector_load %arg12[%parallel_loop3A_303, %parallel_loop3A_304] {strides = array<i32>} : memref<8x512xf32, #tpu.memory_space<vmem>>, vector<1x16xf32>,
        %parallel_loop3A_306 = vector.shape_cast %parallel_loop3A_305 : vector<1x16xf32> to vector<16xf32>
        %parallel_loop3A_307 = arith.constant 3072 : i32
        %parallel_loop3A_308 = arith.addi %parallel_loop3A_307, %parallel_loop3A_183 : i32
        %parallel_loop3A_309 = arith.index_cast %parallel_loop3A_308 : i32 to index
        %parallel_loop3A_310 = tpu.vector_load %arg15[%parallel_loop3A_309] {strides = array<i32>} : memref<4096xf32, #tpu.memory_space<vmem>>, vector<16xf32>,
        %parallel_loop3A_311 = vector.shape_cast %parallel_loop3A_310 : vector<16xf32> to vector<16xf32>
        %parallel_loop3A_312 = arith.constant 3072 : i32
        %parallel_loop3A_313 = arith.addi %parallel_loop3A_312, %parallel_loop3A_183 : i32
        %parallel_loop3A_314 = arith.index_cast %parallel_loop3A_313 : i32 to index
        %parallel_loop3A_315 = tpu.vector_load %arg16[%parallel_loop3A_314] {strides = array<i32>} : memref<4096xf32, #tpu.memory_space<vmem>>, vector<16xf32>,
        %parallel_loop3A_316 = vector.shape_cast %parallel_loop3A_315 : vector<16xf32> to vector<16xf32>
        %parallel_loop3A_317 = arith.mulf %parallel_loop3A_306, %parallel_loop3A_311 : vector<16xf32>
        %parallel_loop3A_318 = arith.addf %parallel_loop3A_299, %parallel_loop3A_317 : vector<16xf32>
        %parallel_loop3A_319 = arith.mulf %parallel_loop3A_306, %parallel_loop3A_316 : vector<16xf32>
        %parallel_loop3A_320 = arith.addf %parallel_loop3A_301, %parallel_loop3A_319 : vector<16xf32>
        %parallel_loop3A_321 = arith.constant 7 : i32
        %parallel_loop3A_322 = arith.index_cast %parallel_loop3A_321 : i32 to index
        %parallel_loop3A_323 = arith.index_cast %parallel_loop3A_183 : i32 to index
        %parallel_loop3A_324 = tpu.vector_load %arg12[%parallel_loop3A_322, %parallel_loop3A_323] {strides = array<i32>} : memref<8x512xf32, #tpu.memory_space<vmem>>, vector<1x16xf32>,
        %parallel_loop3A_325 = vector.shape_cast %parallel_loop3A_324 : vector<1x16xf32> to vector<16xf32>
        %parallel_loop3A_326 = arith.constant 3584 : i32
        %parallel_loop3A_327 = arith.addi %parallel_loop3A_326, %parallel_loop3A_183 : i32
        %parallel_loop3A_328 = arith.index_cast %parallel_loop3A_327 : i32 to index
        %parallel_loop3A_329 = tpu.vector_load %arg15[%parallel_loop3A_328] {strides = array<i32>} : memref<4096xf32, #tpu.memory_space<vmem>>, vector<16xf32>,
        %parallel_loop3A_330 = vector.shape_cast %parallel_loop3A_329 : vector<16xf32> to vector<16xf32>
        %parallel_loop3A_331 = arith.constant 3584 : i32
        %parallel_loop3A_332 = arith.addi %parallel_loop3A_331, %parallel_loop3A_183 : i32
        %parallel_loop3A_333 = arith.index_cast %parallel_loop3A_332 : i32 to index
        %parallel_loop3A_334 = tpu.vector_load %arg16[%parallel_loop3A_333] {strides = array<i32>} : memref<4096xf32, #tpu.memory_space<vmem>>, vector<16xf32>,
        %parallel_loop3A_335 = vector.shape_cast %parallel_loop3A_334 : vector<16xf32> to vector<16xf32>
        %parallel_loop3A_336 = arith.mulf %parallel_loop3A_325, %parallel_loop3A_330 : vector<16xf32>
        %parallel_loop3A_337 = arith.addf %parallel_loop3A_318, %parallel_loop3A_336 : vector<16xf32>
        %parallel_loop3A_338 = arith.mulf %parallel_loop3A_325, %parallel_loop3A_335 : vector<16xf32>
        %parallel_loop3A_339 = arith.addf %parallel_loop3A_320, %parallel_loop3A_338 : vector<16xf32>
        %parallel_loop3A_340 = arith.constant 0 : i32
        %parallel_loop3A_341 = arith.index_cast %parallel_loop3A_340 : i32 to index
        %parallel_loop3A_342 = arith.index_cast %parallel_loop3A_183 : i32 to index
        %parallel_loop3A_343 = tpu.vector_load %arg18[%parallel_loop3A_341, %parallel_loop3A_342] {strides = array<i32>} : memref<2x512xf32, #tpu.memory_space<vmem>>, vector<1x16xf32>,
        %parallel_loop3A_344 = vector.shape_cast %parallel_loop3A_343 : vector<1x16xf32> to vector<16xf32>
        %parallel_loop3A_345 = vector.shape_cast %parallel_loop3A_337 : vector<16xf32> to vector<1x16xf32>
        tpu.vector_store %arg18[%parallel_loop3A_341, %parallel_loop3A_342], %parallel_loop3A_345 {strides = array<i32>} : memref<2x512xf32, #tpu.memory_space<vmem>>, vector<1x16xf32>,
        %parallel_loop3A_346 = arith.constant 1 : i32
        %parallel_loop3A_347 = arith.index_cast %parallel_loop3A_346 : i32 to index
        %parallel_loop3A_348 = arith.index_cast %parallel_loop3A_183 : i32 to index
        %parallel_loop3A_349 = tpu.vector_load %arg18[%parallel_loop3A_347, %parallel_loop3A_348] {strides = array<i32>} : memref<2x512xf32, #tpu.memory_space<vmem>>, vector<1x16xf32>,
        %parallel_loop3A_350 = vector.shape_cast %parallel_loop3A_349 : vector<1x16xf32> to vector<16xf32>
        %parallel_loop3A_351 = vector.shape_cast %parallel_loop3A_339 : vector<16xf32> to vector<1x16xf32>
        tpu.vector_store %arg18[%parallel_loop3A_347, %parallel_loop3A_348], %parallel_loop3A_351 {strides = array<i32>} : memref<2x512xf32, #tpu.memory_space<vmem>>, vector<1x16xf32>,
      } {sc.loop_unroll_factor = 2 : i64, sc.parallel_access}
      %mul3A_161 = arith.constant 2 : i32
      %mul3A_162 = arith.muli %mul3A_161, %scan3A_9 : i32
      %add3A_163 = arith.constant 15872 : i32
      %add3A_164 = arith.addi %mul3A_2, %add3A_163 : i32
      %dma_start3A_165 = tpu.memref_slice %arg4[%mul3A_162, %add3A_164] : memref<32x524288xf32, #tpu.memory_space<hbm>> -> memref<2x512xf32, #tpu.memory_space<hbm>>
      %dma_start3A_166 = tpu.memref_slice %arg4[%mul3A_162, %add3A_164] : memref<32x524288xf32, #tpu.memory_space<hbm>> -> memref<2x512xf32, #tpu.memory_space<hbm>>
      tpu.enqueue_dma source(%arg18 : memref<2x512xf32, #tpu.memory_space<vmem>>) target(%dma_start3A_166 : memref<2x512xf32, #tpu.memory_space<hbm>>) target_semaphore(%arg23 : memref<!tpu.dma_semaphore, #tpu.memory_space<semaphore_mem>>)
      %mul3A_167 = arith.constant 2 : i32
      %mul3A_168 = arith.muli %mul3A_167, %scan3A_9 : i32
      %add3A_169 = arith.constant 15360 : i32
      %add3A_170 = arith.addi %mul3A_2, %add3A_169 : i32
      %dma_wait3A_171 = tpu.memref_slice %arg4[%mul3A_168, %add3A_170] : memref<32x524288xf32, #tpu.memory_space<hbm>> -> memref<2x512xf32, #tpu.memory_space<hbm>>
      %dma_wait3A_172 = tpu.memref_slice %arg4[%mul3A_168, %add3A_170] : memref<32x524288xf32, #tpu.memory_space<hbm>> -> memref<2x512xf32, #tpu.memory_space<hbm>>
      tpu.wait_dma2 semaphore(%arg22 : memref<!tpu.dma_semaphore, #tpu.memory_space<semaphore_mem>>) src(%arg17 : memref<2x512xf32, #tpu.memory_space<vmem>>) dst(%dma_wait3A_172 : memref<2x512xf32, #tpu.memory_space<hbm>>)
      %mul3A_173 = arith.constant 2 : i32
      %mul3A_174 = arith.muli %mul3A_173, %scan3A_9 : i32
      %add3A_175 = arith.constant 15872 : i32
      %add3A_176 = arith.addi %mul3A_2, %add3A_175 : i32
      %dma_wait3A_177 = tpu.memref_slice %arg4[%mul3A_174, %add3A_176] : memref<32x524288xf32, #tpu.memory_space<hbm>> -> memref<2x512xf32, #tpu.memory_space<hbm>>
      %dma_wait3A_178 = tpu.memref_slice %arg4[%mul3A_174, %add3A_176] : memref<32x524288xf32, #tpu.memory_space<hbm>> -> memref<2x512xf32, #tpu.memory_space<hbm>>
      tpu.wait_dma2 semaphore(%arg23 : memref<!tpu.dma_semaphore, #tpu.memory_space<semaphore_mem>>) src(%arg18 : memref<2x512xf32, #tpu.memory_space<vmem>>) dst(%dma_wait3A_178 : memref<2x512xf32, #tpu.memory_space<hbm>>)
      %barrier3A_179 = arith.constant 0 : index
      tpu.barrier barrier_id(%barrier3A_179)
      %scan3A_180 = arith.constant 0 : i32
      scf.yield %scan3A_180 : i32
    }
    %scan3A_8 = arith.constant 16 : i32
    return
  }
}

module attributes {stable_mosaic.version = 14 : i64} {
  func.func @_mlp_body(%arg0: i32, %arg1: memref<4x4096xf32, #tpu.memory_space<vmem>>, %arg2: memref<32x64xf32, #tpu.memory_space<vmem>>, %arg3: memref<64x64xf32, #tpu.memory_space<vmem>>, %arg4: memref<64x3xf32, #tpu.memory_space<vmem>>, %arg5: memref<3x4096xf32, #tpu.memory_space<vmem>>) attributes {dimension_semantics = [#tpu.dimension_semantics<arbitrary>], iteration_bounds = array<i64: 128>, scalar_prefetch = 0 : i64, scratch_operands = 0 : i64, tpu.core_type = #tpu.core_type<tc>, window_params = [{transform_indices = @transform_0, window_bounds = array<i64: 4, 4096>}, {pipeline_mode = #tpu.pipeline_mode<synchronous>, transform_indices = @transform_1, window_bounds = array<i64: 32, 64>}, {pipeline_mode = #tpu.pipeline_mode<synchronous>, transform_indices = @transform_2, window_bounds = array<i64: 64, 64>}, {pipeline_mode = #tpu.pipeline_mode<synchronous>, transform_indices = @transform_3, window_bounds = array<i64: 64, 3>}, {transform_indices = @transform_4, window_bounds = array<i64: 3, 4096>}]} {
    %get3A = arith.constant 0 : index
    %get3A_0 = arith.constant 0 : index
    %get3A_1 = vector.load %arg1[%get3A, %get3A_0] : memref<4x4096xf32, #tpu.memory_space<vmem>>, vector<4x4096xf32>
    %slice3A = vector.extract_strided_slice %get3A_1 {offsets = [0, 0], sizes = [3, 4096], strides = [1, 1]} : vector<4x4096xf32> to vector<3x4096xf32>
    %slice3A_2 = vector.extract_strided_slice %get3A_1 {offsets = [3, 0], sizes = [1, 4096], strides = [1, 1]} : vector<4x4096xf32> to vector<1x4096xf32>
    %mul3A = arith.constant 1.000000e+00 : f32
    %mul3A_3 = vector.broadcast %mul3A : f32 to vector<3x4096xf32>
    %mul3A_4 = arith.mulf %slice3A, %mul3A_3 : vector<3x4096xf32>
    %mul3A_5 = arith.constant 2.000000e+00 : f32
    %mul3A_6 = vector.broadcast %mul3A_5 : f32 to vector<3x4096xf32>
    %mul3A_7 = arith.mulf %slice3A, %mul3A_6 : vector<3x4096xf32>
    %mul3A_8 = arith.constant 4.000000e+00 : f32
    %mul3A_9 = vector.broadcast %mul3A_8 : f32 to vector<3x4096xf32>
    %mul3A_10 = arith.mulf %slice3A, %mul3A_9 : vector<3x4096xf32>
    %mul3A_11 = arith.constant 8.000000e+00 : f32
    %mul3A_12 = vector.broadcast %mul3A_11 : f32 to vector<3x4096xf32>
    %mul3A_13 = arith.mulf %slice3A, %mul3A_12 : vector<3x4096xf32>
    %concatenate3A = tpu.concatenate %mul3A_4, %mul3A_7, %mul3A_10, %mul3A_13 in 0 : vector<3x4096xf32>, vector<3x4096xf32>, vector<3x4096xf32>, vector<3x4096xf32> -> vector<12x4096xf32>
    %mul3A_14 = arith.constant 1.000000e+00 : f32
    %mul3A_15 = vector.broadcast %mul3A_14 : f32 to vector<1x4096xf32>
    %mul3A_16 = arith.mulf %slice3A_2, %mul3A_15 : vector<1x4096xf32>
    %mul3A_17 = arith.constant 2.000000e+00 : f32
    %mul3A_18 = vector.broadcast %mul3A_17 : f32 to vector<1x4096xf32>
    %mul3A_19 = arith.mulf %slice3A_2, %mul3A_18 : vector<1x4096xf32>
    %mul3A_20 = arith.constant 4.000000e+00 : f32
    %mul3A_21 = vector.broadcast %mul3A_20 : f32 to vector<1x4096xf32>
    %mul3A_22 = arith.mulf %slice3A_2, %mul3A_21 : vector<1x4096xf32>
    %mul3A_23 = arith.constant 8.000000e+00 : f32
    %mul3A_24 = vector.broadcast %mul3A_23 : f32 to vector<1x4096xf32>
    %mul3A_25 = arith.mulf %slice3A_2, %mul3A_24 : vector<1x4096xf32>
    %concatenate3A_26 = tpu.concatenate %mul3A_16, %mul3A_19, %mul3A_22, %mul3A_25 in 0 : vector<1x4096xf32>, vector<1x4096xf32>, vector<1x4096xf32>, vector<1x4096xf32> -> vector<4x4096xf32>
    %sin3A = math.sin %concatenate3A : vector<12x4096xf32>
    %cos3A = math.cos %concatenate3A : vector<12x4096xf32>
    %sin3A_27 = math.sin %concatenate3A_26 : vector<4x4096xf32>
    %cos3A_28 = math.cos %concatenate3A_26 : vector<4x4096xf32>
    %concatenate3A_29 = tpu.concatenate %sin3A, %cos3A, %sin3A_27, %cos3A_28 in 0 : vector<12x4096xf32>, vector<12x4096xf32>, vector<4x4096xf32>, vector<4x4096xf32> -> vector<32x4096xf32>
    %get3A_30 = arith.constant 0 : index
    %get3A_31 = arith.constant 0 : index
    %get3A_32 = vector.load %arg2[%get3A_30, %get3A_31] : memref<32x64xf32, #tpu.memory_space<vmem>>, vector<32x64xf32>
    %dot_general3A = arith.constant dense<0.000000e+00> : vector<64x4096xf32>
    %dot_general3A_33 = tpu.matmul %get3A_32, %concatenate3A_29, %dot_general3A {dimension_numbers = #tpu.dot_dimension_numbers<[0], [0], [1], [1], [0, 1, 1, 1], [], []>, transpose_lhs_hint = false} : vector<32x64xf32>, vector<32x4096xf32>, vector<64x4096xf32> -> vector<64x4096xf32>
    %max3A = arith.constant 0.000000e+00 : f32
    %max3A_34 = vector.broadcast %max3A : f32 to vector<64x4096xf32>
    %max3A_35 = arith.maximumf %dot_general3A_33, %max3A_34 : vector<64x4096xf32>
    %get3A_36 = arith.constant 0 : index
    %get3A_37 = arith.constant 0 : index
    %get3A_38 = vector.load %arg3[%get3A_36, %get3A_37] : memref<64x64xf32, #tpu.memory_space<vmem>>, vector<64x64xf32>
    %dot_general3A_39 = arith.constant dense<0.000000e+00> : vector<64x4096xf32>
    %dot_general3A_40 = tpu.matmul %get3A_38, %max3A_35, %dot_general3A_39 {dimension_numbers = #tpu.dot_dimension_numbers<[0], [0], [1], [1], [0, 1, 1, 1], [], []>, transpose_lhs_hint = false} : vector<64x64xf32>, vector<64x4096xf32>, vector<64x4096xf32> -> vector<64x4096xf32>
    %max3A_41 = arith.constant 0.000000e+00 : f32
    %max3A_42 = vector.broadcast %max3A_41 : f32 to vector<64x4096xf32>
    %max3A_43 = arith.maximumf %dot_general3A_40, %max3A_42 : vector<64x4096xf32>
    %get3A_44 = arith.constant 0 : index
    %get3A_45 = arith.constant 0 : index
    %get3A_46 = vector.load %arg4[%get3A_44, %get3A_45] : memref<64x3xf32, #tpu.memory_space<vmem>>, vector<64x3xf32>
    %dot_general3A_47 = arith.constant dense<0.000000e+00> : vector<3x4096xf32>
    %dot_general3A_48 = tpu.matmul %get3A_46, %max3A_43, %dot_general3A_47 {dimension_numbers = #tpu.dot_dimension_numbers<[0], [0], [1], [1], [0, 1, 1, 1], [], []>, transpose_lhs_hint = false} : vector<64x3xf32>, vector<64x4096xf32>, vector<3x4096xf32> -> vector<3x4096xf32>
    %add3A = arith.addf %slice3A, %dot_general3A_48 : vector<3x4096xf32>
    %swap3A = arith.constant 0 : index
    %swap3A_49 = arith.constant 0 : index
    %swap3A_50 = vector.load %arg5[%swap3A, %swap3A_49] : memref<3x4096xf32, #tpu.memory_space<vmem>>, vector<3x4096xf32>
    tpu.vector_store %arg5[%swap3A, %swap3A_49], %add3A {strides = array<i32>} : memref<3x4096xf32, #tpu.memory_space<vmem>>, vector<3x4096xf32>,
    return
  }
  func.func @transform_0(%arg0: i32) -> (i32, i32) {
    %c0_i32 = arith.constant 0 : i32
    %c0_i32_0 = arith.constant 0 : i32
    return %c0_i32, %arg0 : i32, i32
  }
  func.func @transform_1(%arg0: i32) -> (i32, i32) {
    %c0_i32 = arith.constant 0 : i32
    %c0_i32_0 = arith.constant 0 : i32
    %c0_i32_1 = arith.constant 0 : i32
    return %c0_i32, %c0_i32_0 : i32, i32
  }
  func.func @transform_2(%arg0: i32) -> (i32, i32) {
    %c0_i32 = arith.constant 0 : i32
    %c0_i32_0 = arith.constant 0 : i32
    %c0_i32_1 = arith.constant 0 : i32
    return %c0_i32, %c0_i32_0 : i32, i32
  }
  func.func @transform_3(%arg0: i32) -> (i32, i32) {
    %c0_i32 = arith.constant 0 : i32
    %c0_i32_0 = arith.constant 0 : i32
    %c0_i32_1 = arith.constant 0 : i32
    return %c0_i32, %c0_i32_0 : i32, i32
  }
  func.func @transform_4(%arg0: i32) -> (i32, i32) {
    %c0_i32 = arith.constant 0 : i32
    %c0_i32_0 = arith.constant 0 : i32
    return %c0_i32, %arg0 : i32, i32
  }
}

</mosaic_0001>

<sc_bundles>
// kernel: kernel.4.cloned.1.call-start
scs
__scs_entry_jumppad:
0x0: {  	(pc) =	sbr.rel $0x88, $3  }
0x1: {  	(tag) =	ssettag $0x0;
	lr =	simm.s32 $0x1  }
0x2: {  	[smem:$0x3F9B] =	sst lr;
	_ =	strace $0xD0000000  }
0x3: {  	_ = 	snop  }
0x4: {  	_ = 	snop  }
0x5: {  	_ = 	snop  }
0x6: {  	_ = 	snop  }
0x7: {  	_ = 	snop  }
__scs_overlays_trampoline_lowered:
0x8: {  	[smem:$0x3FAA] =	sst s0  }
0x9: {  	[smem:$0x3FAB] =	sst s1  }
0xa: {  	[smem:$0x3FAC] =	sst s2  }
0xb: {  	[smem:$0x3FAD] =	sst s3  }
0xc: {  	[smem:$0x3FAE] =	sst s4  }
0xd: {  	[smem:$0x3FAF] =	sst s5  }
0xe: {  	[smem:$0x3FB0] =	sst s6  }
0xf: {  	[smem:$0x3FB1] =	sst s7  }
0x10: {  	[smem:$0x3FB2] =	sst s8  }
0x11: {  	[smem:$0x3FB3] =	sst s9;
	s0 =	simm.s32 @!p0 $0x0  }
0x12: {  	s1 =	sld [smem:$0x3F99];
	s0 =	simm.s32 @p0 $0x1  }
0x13: {  	[smem:$0x3FB4] =	sst s0;
	s0 =	simm.s32 @!p1 $0x0  }
0x14: {  	s2 =	sld [smem:$0x3F98];
	s0 =	simm.s32 @p1 $0x1  }
0x15: {  	[smem:$0x3FB5] =	sst s0;
	s0 =	simm.s32 @!p2 $0x0  }
0x16: {  	s3 =	sld [smem:$0x3FDB];
	s0 =	simm.s32 @p2 $0x1  }
0x17: {  	s4 =	simm.s32 $0x1BF5;
	[smem:$0x3FB7] =	sst s0  }
0x18: {  	s0 =	sld [smem:$0x3F9A];
	_ =	swait.ge [sflag:s4], $0x0  }
0x19: {  	s7 =	sld [smem:$0x3F9B]  }
0x1a: {  	s8 =	sadd.s32 $0xFFFFE003, lr  }
0x1b: {  	s9 =	sadd.s32 $0xFFFFFEF7, lr;
	s5 =	simm.s32 $0xFFFFFFFF;
	p2 =	slt.u32 s8, $0xFFFFF086  }
0x1c: {  	p1 =	slt.u32 s9, $0xF7A;
	s5 =	simm.s32 @!p2 $0x0  }
0x1d: {  	s5 =	simm.s32 @p1 $0x1;
	p0 =	seq.s32 s7, s2  }
0x1e: {  	s7 =	smul.u32 @!p0 $0xF7A, s2;
	p2 =	seq.s32 @!p0 s5, $0x0  }
0x1f: {  	s9 =	smul.u32 $0xF7A, s1;
	s8 =	simm.s32 @!p0 $0x1BF5;
	p2 =	por !p2, p0  }
0x20: {  	[sflag:s8] =	ssyncset.s32 @!p0 $0xFFFFF086;
	s6 =	sadd.s32 @!p0 s3, s7;
	s7 =	simm.s32 @!p0 $0x108  }
0x21: {  	s3 =	sadd.s32 s3, s9;
	s6 =	sadd.s32 @!p0 $0x88, s6;
	s7 =	simm.s32 @p2 $0x1082  }
0x22: {  	[simem:s7], [sflag:s8] =	dma.local @!p0 [hbm:s6], $0xF7A  }
0x23: {  	s9 =	sor.u32 $0xD0000000, s2;
	s6 =	simm.s32 $0x108;
	_ =	swait.ge @!p0 [sflag:s8], $0x0  }
0x24: {  	s3 =	sadd.s32 $0x88, s3;
	s6 =	simm.s32 @!p1 $0x1082;
	[sflag:s4] =	ssyncset.s32 $0xFFFFF086  }
0x25: {  	[simem:s6], [sflag:s4] =	dma.local [hbm:s3], $0xF7A  }
0x26: {  	[smem:$0x3F9B] =	sst s1;
	(tag) =	ssettag s2;
	_ =	strace s9  }
0x27: {  	s1 =	sld [smem:$0x3FAB]  }
0x28: {  	s2 =	sld [smem:$0x3FAC]  }
0x29: {  	s4 =	sld [smem:$0x3FAE]  }
0x2a: {  	p0 =	seq.s32 s5, $0x0;
	s5 =	sld [smem:$0x3FAF]  }
0x2b: {  	s6 =	sld [smem:$0x3FB0]  }
0x2c: {  	s7 =	sld [smem:$0x3FB1]  }
0x2d: {  	s3 =	simm.s32 $0x108;
	s8 =	sld [smem:$0x3FB2]  }
0x2e: {  	s3 =	simm.s32 @!p0 $0x1082;
	s9 =	sld [smem:$0x3FB3]  }
0x2f: {  	lr =	sadd.s32 s0, s3;
	s0 =	sld [smem:$0x3FAA]  }
0x30: {  	s3 =	sld [smem:$0x3FAD]  }
0x31: {  	[smem:$0x3FB6] =	sst s10  }
0x32: {  	s10 =	sld [smem:$0x3FB4];
	_ =	sdelay $0x3  }
0x33: {  	p0 =	seq.s32 s10, $0x1;
	s10 =	sld [smem:$0x3FB6];
	_ =	sdelay $0x3  }
0x34: {  	[smem:$0x3FB6] =	sst s10  }
0x35: {  	s10 =	sld [smem:$0x3FB5];
	_ =	sdelay $0x3  }
0x36: {  	p1 =	seq.s32 s10, $0x1;
	s10 =	sld [smem:$0x3FB6];
	_ =	sdelay $0x3  }
0x37: {  	[smem:$0x3FB6] =	sst s10  }
0x38: {  	s10 =	sld [smem:$0x3FB7]  }
0x39: {  	_ = 	snop;
	(pc) =	sbr.ind lr, $3  }
0x3a: {  	_ = 	snop  }
0x3b: {  	_ = 	snop  }
0x3c: {  	p2 =	seq.s32 s10, $0x1;
	s10 =	sld [smem:$0x3FB6]  }
0x3d: {  	_ =	shalt  }
0x3e: {  	_ =	shalt  }
0x3f: {  	_ =	shalt  }
0x40: {  	_ =	shalt  }
0x41: {  	_ =	shalt  }
0x42: {  	_ =	shalt  }
0x43: {  	_ =	shalt  }
0x44: {  	_ =	shalt  }
0x45: {  	_ =	shalt  }
0x46: {  	_ =	shalt  }
0x47: {  	_ =	shalt  }
0x48: {  	_ =	shalt  }
0x49: {  	_ =	shalt  }
0x4a: {  	_ =	shalt  }
0x4b: {  	_ =	shalt  }
0x4c: {  	_ =	shalt  }
0x4d: {  	_ =	shalt  }
0x4e: {  	_ =	shalt  }
0x4f: {  	_ =	shalt  }
0x50: {  	_ =	shalt  }
0x51: {  	_ =	shalt  }
0x52: {  	_ =	shalt  }
0x53: {  	_ =	shalt  }
0x54: {  	_ =	shalt  }
0x55: {  	_ =	shalt  }
0x56: {  	_ =	shalt  }
0x57: {  	_ =	shalt  }
0x58: {  	_ =	shalt  }
0x59: {  	_ =	shalt  }
0x5a: {  	_ =	shalt  }
0x5b: {  	_ =	shalt  }
0x5c: {  	_ =	shalt  }
0x5d: {  	_ =	shalt  }
0x5e: {  	_ =	shalt  }
0x5f: {  	_ =	shalt  }
0x60: {  	_ =	shalt  }
0x61: {  	_ =	shalt  }
0x62: {  	_ =	shalt  }
0x63: {  	_ =	shalt  }
0x64: {  	_ =	shalt  }
0x65: {  	_ =	shalt  }
0x66: {  	_ =	shalt  }
0x67: {  	_ =	shalt  }
0x68: {  	_ =	shalt  }
0x69: {  	_ =	shalt  }
0x6a: {  	_ =	shalt  }
0x6b: {  	_ =	shalt  }
0x6c: {  	_ =	shalt  }
0x6d: {  	_ =	shalt  }
0x6e: {  	_ =	shalt  }
0x6f: {  	_ =	shalt  }
0x70: {  	_ =	shalt  }
0x71: {  	_ =	shalt  }
0x72: {  	_ =	shalt  }
0x73: {  	_ =	shalt  }
0x74: {  	_ =	shalt  }
0x75: {  	_ =	shalt  }
0x76: {  	_ =	shalt  }
0x77: {  	_ =	shalt  }
0x78: {  	_ =	shalt  }
0x79: {  	_ =	shalt  }
0x7a: {  	_ =	shalt  }
0x7b: {  	_ =	shalt  }
0x7c: {  	_ =	shalt  }
0x7d: {  	_ =	shalt  }
0x7e: {  	_ =	shalt  }
0x7f: {  	_ =	shalt  }
0x80: {  	_ =	shalt  }
0x81: {  	_ =	shalt  }
0x82: {  	_ =	shalt  }
0x83: {  	_ =	shalt  }
0x84: {  	_ =	shalt  }
0x85: {  	_ =	shalt  }
0x86: {  	_ =	shalt  }
0x87: {  	_ =	shalt  }
.Lfunc_end0:
.L_simem_size_0:
called_computation_lowered:
.L_overlay_start_0:
0x88: {  	s2 =	sld [smem:$0x3FD9]  }
0x89: {  	s3 =	sld [smem:$0x3FFE];
	_ =	sdelay $0x1  }
0x8a: {  	s1 =	srdreg.scid  }
0x8b: {  	s0 =	sand.u32 $0x1, s1  }
0x8c: {  	s17 =	sshll.u32 s0, $0xA;
	s2 =	sadd.s32 s3, s2  }
0x8d: {  	s2 =	sadd.s32 s2, s17  }
0x8e: {  	[smem:$0x3FC2] =	sst s2  }
0x8f: {  	_ = 	snop  }
0x90: {  	s2 =	sld [smem:$0x3FD0];
	(tm) =	ssettm $0x1  }
0x91: {  	s18 =	sld [smem:$0x3FFB];
	_ =	sdelay $0x3  }
0x92: {  	_ =	strace s18  }
0x93: {  	s3 =	sld [smem:$0x3FFC];
	_ =	sdelay $0x3  }
0x94: {  	_ =	strace s3  }
0x95: {  	s3 =	sld [smem:$0x3FFD];
	_ =	sdelay $0x3  }
0x96: {  	_ =	strace s3  }
0x97: {  	_ =	strace $0x8FFFFFFF  }
0x98: {  	s19 =	sld [smem:$0x3FDB];
	_ =	sdelay $0x1  }
0x99: {  	s4 =	simm.s32 $_scs_section_size  }
0x9a: {  	s5 =	simm.s32 $_size__tile_overlayer_lowered;
	s6 =	simm.s32 $_tile_overlayer_lowered  }
0x9b: {  	s22 =	simm.s32 $0x1BFF;
	s21 =	sshll.u32 s6, $0x1;
	s3 =	sadd.s32 s4, s19  }
0x9c: {  	s7 =	simm.s32 $0x0;
	s20 =	sshll.u32 s5, $0x1;
	s5 =	sadd.s32 s21, s3  }
0x9d: {  	[timem:s7], [sflag:s22] =	dma.local [hbm:s5], s20  }
0x9e: {  	_ =	swait.ge [sflag:s22], s20  }
0x9f: {  	s4 =	ssub.s32 $0x0, s20;
	[sflag:s22] =	ssyncset.done $0x0  }
0xa0: {  	[sflag:s22] =	ssyncadd.s32 s4;
	_ =	sdelay $0x1  }
0xa1: {  	s23 =	simm.s32 $0x1B8B  }
0xa2: {  	_ =	swait.ge [sflag:s23], $0x1  }
0xa3: {  	[sflag:s23] =	ssyncset.done $0x0  }
0xa4: {  	s25 =	simm.s32 $0x1B8E;
	s24 =	sld [smem:$0x3FFE];
	[sflag:s23] =	ssyncadd.s32 $0xFFFFFFFF  }
0xa5: {  	s26 =	simm.s32 $execute0_lowered;
	[smem:$0x3FD2] =	sst s25  }
0xa6: {  	s5 =	sshll.u32 s26, $0x1;
	_ =	strace $0x80000046;
	[dreg:$0x1] =	wrdreg $0xFFFFFFFF  }
0xa7: {  	s28 =	simm.s32 $_size_execute0_lowered;
	s3 =	sadd.s32 s3, s5;
	[dreg:$0x0] =	wrdreg $0x0  }
0xa8: {  	s5 =	sshll.u32 s28, $0x1;
	[dreg:$0x2] =	wrdreg s3  }
0xa9: {  	[dreg:$0x3] =	wrdreg s5  }
0xaa: {  	[dreg:$0x4] =	wrdreg $0xC0  }
0xab: {  	_ =	task [dreg:s7], $0x5FFFF  }
0xac: {  	[dreg:$0x1] =	wrdreg $0xFFFFFFFF  }
0xad: {  	[dreg:$0x0] =	wrdreg $0x60  }
0xae: {  	[dreg:$0x2] =	wrdreg s24  }
0xaf: {  	[dreg:$0x3] =	wrdreg s2  }
0xb0: {  	[dreg:$0x4] =	wrdreg $0x0  }
0xb1: {  	[dreg:$0x5] =	wrdreg $0x80000  }
0xb2: {  	[dreg:$0x6] =	wrdreg $0x9  }
0xb3: {  	_ =	task.clear_ibuf [dreg:s7], $0x7FFFF;
	_ =	strace $0x90000046  }
0xb4: {  	s29 =	simm.s32 $0x9;
	_ =	strace $0x80000048  }
0xb5: {  	_ =	swait.ge [sflag:s29], $0x1  }
0xb6: {  	[sflag:s29] =	ssyncadd.s32 $0xFFFFFFFF  }
0xb7: {  	_ =	strace $0x90000048  }
0xb8: {  	_ =	sfence  }
0xb9: {  	s30 =	sld [smem:$0x0];
	_ =	sdelay $0x2  }
0xba: {  	s31 =	sshll.u32 s1, $0xD;
	s1 =	sshrl.u32 s1, $0x2  }
0xbb: {  	s3 =	sand.u32 $0x4000, s31;
	s1 =	sadd.s32 s1, s30  }
0xbc: {  	s0 =	sor.u32 s3, s0;
	s1 =	sshll.u32 s1, $0x11  }
0xbd: {  	s0 =	sor.u32 s1, s0  }
0xbe: {  	s0 =	sadd.s32 $0x8F2B, s0  }
0xbf: {  	[sflag:s0] =	ssyncadd.remote.s32 $0x1  }
0xc0: {  	_ =	sfence.sel $0xFFFF  }
0xc1: {  	[dreg:$0x0] =	wrdreg $0xFFFFFFFF;
	(pc) =	sbr.abs _section_cstart, $3  }
0xc2: {  	[dreg:$0x1] =	wrdreg $0xFFFFFFFF  }
0xc3: {  	_ =	task.clear_ibuf [dreg:s7], $0x2FFFF;
	_ =	strace $0x9FFFFFFF  }
0xc4: {  	(tm) =	ssettm $0x7FFFFFFF  }
0xc5: {  	_ =	shalt  }
tec
execute0_lowered:
.L_overlay_start_1:
0x0: {  	(tag) =	ssettag $0x1  }
0x1: {  	s0 =	rddreg [dreg:$0x0]  }
0x2: {  	s1 =	rddreg [dreg:$0x1]  }
0x3: {  	s2 =	rddreg [dreg:$0x2]  }
0x4: {  	s3 =	rddreg [dreg:$0x3];
	s5 =	simm.s32 $0x0;
	s4 =	srdreg.scid  }
0x5: {  	s10 =	stileid.u32;
	s28 =	simm.s32 $0x11000;
	s31 =	simm.s32 $0x12000  }
0x6: {  	s15 =	simm.s32 $0x100;
	[smem:$0x7FF] =	sst s5;
	s4 =	sand.u32 $0x1, s4  }
0x7: {  	s8 =	sshll.u32 s10, $0xF;
	s6 =	sadd.s32 $0x200C00, s0;
	s0 =	sadd.s32 $0xC00, s0  }
0x8: {  	s11 =	sshll.u32 s10, $0x12;
	s26 =	sshll.u32 s10, $0x6;
	s10 =	simm.s32 $0x400  }
0x9: {  	_ =	strace $0x80000047;
	s7 =	ssub.s32 $0x2, s4;
	[dreg:$0x5] =	wrdreg s0  }
0xa: {  	s4 =	sshll.u32 s4, $0xE;
	s20 =	sadd.s32 s8, s2;
	[dreg:$0x6] =	wrdreg s11  }
0xb: {  	s21 =	sor.u32 $0x80, s11;
	s22 =	sadd.s32 s8, s3;
	s11 =	simm.s32 $0x2  }
0xc: {  	s9 =	sshrl.u32 s7, $0x1;
	[dreg:$0x8] =	wrdreg s21;
	s29 =	sshrl.u32 s20, $0x3  }
0xd: {  	s4 =	sor.u32 s4, s8;
	s30 =	sshrl.u32 s22, $0x3;
	[dreg:$0xe] =	wrdreg s29  }
0xe: {  	s18 =	ssub.s32 s7, s9;
	s24 =	sadd.s32 s1, s4;
	[dreg:$0xf] =	wrdreg s30  }
0xf: {  	s19 =	sshrl.u32 s4, $0x1;
	s25 =	sshll.u32 s4, $0x3;
	[dreg:$0xc] =	wrdreg s24  }
0x10: {  	s14 =	sor.u32 $0x600, s4;
	s12 =	sadd.s32 s6, s19;
	[dreg:$0xa] =	wrdreg s25  }
0x11: {  	s0 =	smax.u32 s18, $0x1;
	s19 =	simm.s32 $0x1;
	[dreg:$0x7] =	wrdreg s12  }
0x12: {  	s24 =	simm.s32 $0x3;
	s23 =	sadd.s32 $0x100, s12;
	[dreg:$0xb] =	wrdreg s0  }
0x13: {  	s12 =	sor.u32 $0x400, s4;
	s0 =	sor.u32 $0x1C06, s26;
	[dreg:$0x9] =	wrdreg s23  }
0x14: {  	v0 =	vimm.s32 $0x0;
	s26 =	simm.s32 $0x1000;
	s4 =	simm.s32 $0x0;
	[dreg:$0xd] =	wrdreg s0  }
.LBB2_1:
0x15: {  	[dreg:$0x10] =	wrdreg s4;
	s20 =	simm.s32 $0x0  }
.LBB2_2:
0x16: {  	s0 =	sshll.u32 s20, $0x14;
	s4 =	sshll.u32 s20, $0x8  }
0x17: {  	s18 =	rddreg [dreg:$0x6];
	s30 =	sand.u32 $0xC00000, s0;
	s29 =	sand.u32 $0x300, s4  }
0x18: {  	s21 =	rddreg [dreg:$0x5];
	s13 =	sor.u32 s30, s29  }
0x19: {  	s8 =	rddreg [dreg:$0xd];
	s0 =	sor.u32 s18, s13  }
0x1a: {  	s16 =	simm.s32 $0x10;
	s7 =	rddreg [dreg:$0xe];
	s0 =	sshrl.u32 s0, $0x3  }
0x1b: {  	s9 =	simm.s32 $0x80;
	s17 =	simm.s32 $0x6;
	s0 =	sadd.s32 s21, s0  }
0x1c: {  	[spmem:s7@s16], [sflag:s8] =	dma.strided [hbm:s0@s9], $0x1000, s19, $0x10   }
0x1d: {  	p0 =	seq.s32 s20, $0x0;
	s7 =	simm.f32 $1.600000000e+01;
	_ =	swait.ge [sflag:s17], $0x1000  }
0x1e: {  	s18 =	simm.s32 $0x10000;
	s7 =	simm.s32 @!p0 $0x0;
	s22 =	rddreg [dreg:$0x8]  }
0x1f: {  	p0 =	seq.s32 s20, $0x1;
	[sflag:s17] =	ssyncset.done $0x0;
	s23 =	rddreg [dreg:$0xf]  }
0x20: {  	s7 =	simm.s32 @p0 $0x41B80000;
	p0 =	seq.s32 s20, $0x2;
	s0 =	sor.u32 s22, s13  }
0x21: {  	[sflag:s17] =	ssyncadd.s32 $0xFFFFF000;
	s7 =	simm.s32 @p0 $0x42040000;
	p0 =	seq.s32 s20, $0x3  }
0x22: {  	s0 =	sshrl.u32 s0, $0x3;
	s7 =	simm.s32 @p0 $0x42400000;
	p0 =	seq.s32 s20, $0x4  }
0x23: {  	s0 =	sadd.s32 s21, s0;
	s7 =	simm.s32 @p0 $0x428C0000;
	p0 =	seq.s32 s20, $0x5  }
0x24: {  	[spmem:s23@s16], [sflag:s8] =	dma.strided [hbm:s0@s9], $0x1000, s19, $0x10   }
0x25: {  	s22 =	simm.s32 $0x10800;
	s7 =	simm.s32 @p0 $0x42CA0000;
	_ =	swait.ge [sflag:s17], $0x1000  }
0x26: {  	p0 =	seq.s32 s20, $0x6;
	s23 =	simm.s32 $0x0;
	[sflag:s17] =	ssyncset.done $0x0  }
0x27: {  	s9 =	sand.u32 $0x70, s16;
	s7 =	simm.s32 @p0 $0x43130000;
	[sflag:s17] =	ssyncadd.s32 $0xFFFFF000  }
0x28: {  	p0 =	seq.s32 s20, $0x7;
	s0 =	sand.u32 $0x3FFFFE00, s23;
	[bflag:$0x0] =	sbarrier.arrive $0xFFFF  }
0x29: {  	s7 =	simm.s32 @p0 $0x43540000;
	p0 =	seq.s32 s20, $0x8;
	s17 =	rddreg [dreg:$0x7]  }
0x2a: {  	[tilespmem:s18], [sflag:$0x3] =	stream.linear.gather [hbm4b:s17+s5], $0x800, $0x38;
	[tilespmem:$0x19800] =	vst v63  }
0x2b: {  	s7 =	simm.s32 @p0 $0x43998000;
	p0 =	seq.s32 s20, $0x9;
	_ =	swait.ge [sflag:s24], $0x800  }
0x2c: {  	s4 =	sadd.s32 $0x10000, s0;
	s7 =	simm.s32 @p0 $0x43DE8000;
	[sflag:s24] =	ssyncset.done $0x0  }
0x2d: {  	p0 =	seq.s32 s20, $0xA;
	s21 =	rddreg [dreg:$0x9];
	[sflag:s24] =	ssyncadd.s32 $0xFFFFF800  }
0x2e: {  	[tilespmem:s22], [sflag:$0x3] =	stream.linear.gather [hbm4b:s21+s5], $0x800, $0x38;
	[tilespmem:$0x19800] =	vst v63  }
0x2f: {  	s7 =	simm.s32 @p0 $0x44214000;
	p0 =	seq.s32 s20, $0xB;
	s21 =	sor.u32 s9, s4  }
0x30: {  	s7 =	simm.s32 @p0 $0x44694000;
	p0 =	seq.s32 s20, $0xC;
	s18 =	simm.s32 $0x0;
	v2 =	vld [tilespmem:s21+$0x100]  }
0x31: {  	s7 =	simm.s32 @p0 $0x44A8E000;
	p0 =	seq.s32 s20, $0xD;
	s22 =	sand.u32 $0x60, s18;
	v3 =	vld [tilespmem:s21+$0x0]  }
0x32: {  	s7 =	simm.s32 @p0 $0x44F46000;
	p0 =	seq.s32 s20, $0xE;
	v4 =	vld [tilespmem:s21+$0x80];
	s8 =	sor.u32 s22, s4  }
0x33: {  	s7 =	simm.s32 @p0 $0x4530E000;
	p0 =	seq.s32 s20, $0xF;
	v5 =	vld [tilespmem:s8+$0x0]  }
0x34: {  	s7 =	simm.s32 @p0 $0x457FF000  }
0x35: {  	v1 =	vmov s7  }
0x36: {  	v6 =	vld [tilespmem:s8+$0x80];
	v2 =	vmul.f32 v2, v1  }
0x37: {  	v3 =	vmul.f32 v3, v1;
	v4 =	vmul.f32 v4, v1  }
0x38: {  	v8 =	vmul.f32 v5, v1;
	v5 =	vtrunc.f32 v2  }
0x39: {  	v7 =	vtrunc.f32 v3;
	v9 =	vtrunc.f32 v4  }
0x3a: {  	v7 =	vcvt.f32.s32 v7;
	v5 =	vcvt.f32.s32 v5  }
0x3b: {  	v6 =	vmul.f32 v6, v1;
	v9 =	vcvt.f32.s32 v9  }
0x3c: {  	v10 =	vcvt.s32.f32 v7;
	v11 =	vcvt.s32.f32 v5  }
0x3d: {  	v12 =	vtrunc.f32 v8;
	v13 =	vcvt.s32.f32 v9  }
0x3e: {  	vm0 =	vlt.f32 v3, v10;
	vm1 =	vlt.f32 v2, v11;
	v14 =	vadd.f32 $-1.000000000e+00, v11  }
0x3f: {  	v15 =	vadd.f32 $-1.000000000e+00, v10;
	vm2 =	vlt.f32 v4, v13;
	v16 =	vadd.f32 $-1.000000000e+00, v13  }
0x40: {  	v17 =	vsel vm0, $0xFFFFFFFF, v0;
	v18 =	vsel vm2, $0xFFFFFFFF, v0;
	v19 =	vsel vm1, $0xFFFFFFFF, v0  }
0x41: {  	v7 =	vadd.s32 v7, v17;
	v10 =	vsel vm0, v15, v10;
	v13 =	vsel vm2, v16, v13  }
0x42: {  	v9 =	vadd.s32 v9, v18;
	v5 =	vadd.s32 v5, v19;
	v10 =	vsub.f32 v3, v10  }
0x43: {  	v4 =	vsub.f32 v4, v13;
	v3 =	vsel vm1, v14, v11;
	v9 =	vmul.u32 $0x9E3779B1, v9  }
0x44: {  	v14 =	vtrunc.f32 v6;
	v15 =	vmul.u32 $0x30025795, v5;
	v2 =	vsub.f32 v2, v3  }
0x45: {  	v52 =	vadd.s32 $0x1, v7;
	v11 =	vsub.f32 $1.000000000e+00, v10;
	v13 =	vsub.f32 $1.000000000e+00, v4  }
0x46: {  	v14 =	vcvt.f32.s32 v14;
	v17 =	vxor.u32 v7, v9;
	v20 =	vadd.s32 $0x9E3779B1, v9  }
0x47: {  	s23 =	simm.s32 $0x0;
	v9 =	vxor.u32 v52, v9;
	v53 =	vsub.f32 $1.000000000e+00, v2;
	v54 =	vmul.f32 v13, v11  }
0x48: {  	s7 =	sand.u32 $0x3FFFFC00, s23;
	v5 =	vxor.u32 v15, v17;
	v22 =	vxor.u32 v7, v20;
	v7 =	vxor.u32 v15, v9  }
0x49: {  	s17 =	simm.s32 $0x11810;
	s7 =	sadd.s32 $0x13000, s7;
	v3 =	vld [tilespmem:s8+$0x100];
	v13 =	vmul.f32 v13, v10;
	v5 =	vand.u32 $0x7FFFF, v5;
	v21 =	vmul.f32 v53, v54  }
0x4a: {  	s4 =	sor.u32 s9, s7;
	v58 =	vcvt.s32.f32 v14;
	v11 =	vmul.f32 v4, v11;
	v7 =	vand.u32 $0x7FFFF, v7;
	[tilespmem:s17+$0xFFFFF800] =	vst v5  }
0x4b: {  	v10 =	vmul.f32 v4, v10;
	v4 =	vxor.u32 v15, v22;
	v23 =	vmul.f32 v53, v13;
	[tilespmem:s4+$0x0] =	vst v21  }
0x4c: {  	v5 =	vcvt.f32.s32 v12;
	v12 =	vxor.u32 v52, v20;
	v4 =	vand.u32 $0x7FFFF, v4;
	[tilespmem:s17+$0xFFFFFA00] =	vst v7  }
0x4d: {  	v60 =	vadd.f32 $-1.000000000e+00, v58;
	vm1 =	vlt.f32 v6, v58;
	v7 =	vmul.f32 v53, v11;
	[tilespmem:s4+$0x80] =	vst v23  }
0x4e: {  	v3 =	vmul.f32 v3, v1;
	v20 =	vxor.u32 v15, v12;
	v59 =	vmul.f32 v54, v2;
	[tilespmem:s17+$0xFFFFFC00] =	vst v4  }
0x4f: {  	v56 =	vand.u32 $0x7FFFF, v20;
	v4 =	vadd.s32 $0x30025795, v15;
	v15 =	vmul.f32 v53, v10;
	[tilespmem:s4+$0x100] =	vst v7  }
0x50: {  	v57 =	vcvt.s32.f32 v5;
	v55 =	vtrunc.f32 v3;
	v17 =	vxor.u32 v17, v4;
	[tilespmem:s17+$0xFFFFFE00] =	vst v56  }
0x51: {  	v13 =	vmul.f32 v13, v2;
	v7 =	vcvt.f32.s32 v55;
	v17 =	vand.u32 $0x7FFFF, v17;
	[tilespmem:s4+$0x180] =	vst v15  }
0x52: {  	vm0 =	vlt.f32 v8, v57;
	v11 =	vmul.f32 v2, v11;
	v9 =	vxor.u32 v9, v4;
	[tilespmem:s17+$0x0] =	vst v17  }
0x53: {  	v9 =	vand.u32 $0x7FFFF, v9;
	v15 =	vadd.f32 $-1.000000000e+00, v57;
	v61 =	vcvt.s32.f32 v7;
	[tilespmem:s4+$0x200] =	vst v59  }
0x54: {  	v2 =	vmul.f32 v2, v10;
	v62 =	vxor.u32 v4, v22;
	v12 =	vxor.u32 v4, v12;
	[tilespmem:s17+$0x200] =	vst v9  }
0x55: {  	v63 =	vadd.f32 $-1.000000000e+00, v61;
	v9 =	vsel vm0, v15, v57;
	v15 =	vand.u32 $0x7FFFF, v62;
	[tilespmem:s4+$0x280] =	vst v13  }
0x56: {  	v13 =	vsel vm1, v60, v58;
	v4 =	vsub.f32 v8, v9;
	v8 =	vand.u32 $0x7FFFF, v12;
	[tilespmem:s17+$0x400] =	vst v15  }
0x57: {  	v9 =	vsel vm1, $0xFFFFFFFF, v0;
	vm1 =	vlt.f32 v3, v61;
	v6 =	vsub.f32 v6, v13;
	[tilespmem:s4+$0x300] =	vst v11  }
0x58: {  	v12 =	vsel vm1, v63, v61;
	v11 =	vsel vm1, $0xFFFFFFFF, v0;
	[tilespmem:s17+$0x600] =	vst v8;
	v8 =	vadd.s32 v14, v9  }
0x59: {  	s18 =	sand.u32 $0x1E0, s18;
	s21 =	simm.s32 $0x0;
	s7 =	sor.u32 s22, s7;
	v9 =	vsub.f32 $1.000000000e+00, v4;
	v10 =	vsub.f32 $1.000000000e+00, v6;
	[tilespmem:s4+$0x380] =	vst v2;
	v8 =	vmul.u32 $0x9E3779B1, v8  }
.LBB2_3:
0x5a: {  	s21 =	sadd.s32 $0x2, s21;
	v2 =	vsel vm0, $0xFFFFFFFF, v0;
	v7 =	vadd.s32 v7, v11;
	v3 =	vsub.f32 v3, v12  }
0x5b: {  	s0 =	sshll.u32 s21, $0x6;
	p0 =	slt.u32 s21, $0x1E;
	v2 =	vadd.s32 v5, v2;
	v5 =	vmul.u32 $0x30025795, v7;
	v7 =	vmul.f32 v10, v9  }
0x5c: {  	s16 =	sadd.s32 $0x20, s16;
	v11 =	vadd.s32 $0x9E3779B1, v8;
	v10 =	vmul.f32 v10, v4;
	v9 =	vmul.f32 v6, v9;
	s0 =	sand.u32 $0x3FFFFE00, s0  }
0x5d: {  	s4 =	sadd.s32 $0xFFFFFFF0, s16;
	s22 =	sand.u32 $0x70, s16;
	v4 =	vmul.f32 v6, v4;
	v12 =	vadd.s32 $0x1, v2;
	v13 =	vsub.f32 $1.000000000e+00, v3;
	s8 =	sadd.s32 $0x10000, s0  }
0x5e: {  	s23 =	sand.u32 $0x60, s4;
	v14 =	vxor.u32 v2, v11;
	s0 =	sand.u32 $0x1E0, s4;
	v6 =	vadd.s32 $0x30025795, v5;
	v11 =	vxor.u32 v12, v11;
	s4 =	sor.u32 s22, s8  }
0x5f: {  	v16 =	vxor.u32 v2, v8;
	v8 =	vxor.u32 v12, v8;
	s8 =	sor.u32 s23, s8;
	v12 =	vmul.f32 v13, v7;
	v15 =	vld [tilespmem:s4+$0x100]  }
0x60: {  	v20 =	vxor.u32 v5, v14;
	v18 =	vmul.f32 v13, v10;
	v19 =	vmul.f32 v13, v9;
	v17 =	vld [tilespmem:s4+$0x0]  }
0x61: {  	v7 =	vmul.f32 v7, v3;
	v10 =	vmul.f32 v10, v3;
	v22 =	vxor.u32 v5, v11;
	v21 =	vld [tilespmem:s4+$0x80]  }
0x62: {  	v13 =	vmul.f32 v13, v4;
	v9 =	vmul.f32 v3, v9;
	v14 =	vxor.u32 v6, v14;
	v23 =	vld [tilespmem:s8+$0x0]  }
0x63: {  	v2 =	vmul.f32 v3, v4;
	v3 =	vxor.u32 v5, v16;
	v11 =	vxor.u32 v6, v11;
	v24 =	vld [tilespmem:s8+$0x80]  }
0x64: {  	v5 =	vxor.u32 v5, v8;
	v16 =	vxor.u32 v16, v6;
	v8 =	vxor.u32 v8, v6;
	v25 =	vld [tilespmem:s8+$0x100]  }
0x65: {  	v20 =	vand.u32 $0x7FFFF, v20;
	v22 =	vand.u32 $0x7FFFF, v22;
	v15 =	vmul.f32 v15, v1  }
0x66: {  	v14 =	vand.u32 $0x7FFFF, v14;
	v17 =	vmul.f32 v17, v1;
	v21 =	vmul.f32 v21, v1  }
0x67: {  	v11 =	vand.u32 $0x7FFFF, v11;
	v6 =	vtrunc.f32 v15;
	v4 =	vmul.f32 v23, v1  }
0x68: {  	v3 =	vand.u32 $0x7FFFF, v3;
	v23 =	vtrunc.f32 v17;
	v26 =	vtrunc.f32 v21  }
0x69: {  	v27 =	vcvt.f32.s32 v6;
	v23 =	vcvt.f32.s32 v23;
	[tilespmem:s17+$0xFFFFF7F0] =	vst v3;
	v3 =	vand.u32 $0x7FFFF, v5  }
0x6a: {  	v6 =	vmul.f32 v24, v1;
	v5 =	vcvt.f32.s32 v26;
	[tilespmem:s7+$0x0] =	vst v12;
	v12 =	vand.u32 $0x7FFFF, v16  }
0x6b: {  	v24 =	vcvt.s32.f32 v27;
	v16 =	vcvt.s32.f32 v23;
	[tilespmem:s18+$0x11200] =	vst v3;
	v3 =	vand.u32 $0x7FFFF, v8  }
0x6c: {  	v8 =	vtrunc.f32 v4;
	v26 =	vcvt.s32.f32 v5;
	[tilespmem:s7+$0x80] =	vst v18  }
0x6d: {  	vm1 =	vlt.f32 v15, v24;
	vm0 =	vlt.f32 v17, v16;
	v18 =	vadd.f32 $-1.000000000e+00, v24;
	[tilespmem:s18+$0x11400] =	vst v20  }
0x6e: {  	v20 =	vadd.f32 $-1.000000000e+00, v16;
	vm2 =	vlt.f32 v21, v26;
	v28 =	vadd.f32 $-1.000000000e+00, v26;
	[tilespmem:s7+$0x100] =	vst v19  }
0x6f: {  	v30 =	vsel vm1, $0xFFFFFFFF, v0;
	v19 =	vsel vm0, $0xFFFFFFFF, v0;
	v29 =	vsel vm2, $0xFFFFFFFF, v0;
	[tilespmem:s18+$0x11600] =	vst v22  }
0x70: {  	v19 =	vadd.s32 v23, v19;
	v16 =	vsel vm0, v20, v16;
	v20 =	vsel vm2, v28, v26;
	[tilespmem:s7+$0x180] =	vst v13  }
0x71: {  	v13 =	vsub.f32 v17, v16;
	v16 =	vsub.f32 v21, v20;
	v17 =	vsel vm1, v18, v24;
	[tilespmem:s18+$0x11800] =	vst v12  }
0x72: {  	v5 =	vadd.s32 v5, v29;
	v12 =	vadd.s32 v27, v30;
	v15 =	vsub.f32 v15, v17;
	[tilespmem:s7+$0x200] =	vst v7  }
0x73: {  	v5 =	vmul.u32 $0x9E3779B1, v5;
	v7 =	vsub.f32 $1.000000000e+00, v13;
	v17 =	vsub.f32 $1.000000000e+00, v16;
	[tilespmem:s18+$0x11A00] =	vst v3  }
0x74: {  	v18 =	vtrunc.f32 v6;
	v20 =	vadd.s32 $0x1, v19;
	v12 =	vmul.u32 $0x30025795, v12;
	[tilespmem:s7+$0x280] =	vst v10  }
0x75: {  	s4 =	sshll.u32 s21, $0x7;
	v21 =	vsub.f32 $1.000000000e+00, v15;
	v10 =	vxor.u32 v19, v5;
	v22 =	vmul.f32 v17, v7;
	[tilespmem:s18+$0x11C00] =	vst v14  }
0x76: {  	s4 =	sand.u32 $0x3FFFFC00, s4;
	v23 =	vxor.u32 v20, v5;
	v14 =	vadd.s32 $0x9E3779B1, v5;
	v3 =	vxor.u32 v12, v10;
	[tilespmem:s7+$0x300] =	vst v9  }
0x77: {  	s4 =	sadd.s32 $0x13000, s4;
	s17 =	sadd.s32 $0x20, s17;
	v9 =	vmul.f32 v17, v13;
	v5 =	vmul.f32 v21, v22;
	v17 =	vand.u32 $0x7FFFF, v3;
	[tilespmem:s18+$0x11E00] =	vst v11;
	s18 =	smov.u32 s0  }
0x78: {  	v3 =	vmul.f32 v25, v1;
	s0 =	sor.u32 s23, s4;
	v11 =	vxor.u32 v19, v14;
	s4 =	sor.u32 s22, s4;
	[tilespmem:s17+$0xFFFFF800] =	vst v17;
	v17 =	vxor.u32 v12, v23  }
0x79: {  	v19 =	vmul.f32 v16, v7;
	v7 =	vmul.f32 v21, v9;
	[tilespmem:s4+$0x0] =	vst v5;
	v17 =	vand.u32 $0x7FFFF, v17  }
0x7a: {  	v5 =	vcvt.f32.s32 v8;
	v8 =	vmul.f32 v16, v13;
	v13 =	vxor.u32 v12, v11;
	[tilespmem:s17+$0xFFFFFA00] =	vst v17  }
0x7b: {  	v14 =	vxor.u32 v20, v14;
	v16 =	vmul.f32 v21, v19;
	[tilespmem:s4+$0x80] =	vst v7;
	v7 =	vand.u32 $0x7FFFF, v13  }
0x7c: {  	v17 =	vtrunc.f32 v3;
	v13 =	vcvt.f32.s32 v18;
	[tilespmem:s17+$0xFFFFFC00] =	vst v7;
	v7 =	vxor.u32 v12, v14  }
0x7d: {  	v18 =	vmul.f32 v21, v8;
	v12 =	vadd.s32 $0x30025795, v12;
	[tilespmem:s4+$0x100] =	vst v16;
	v7 =	vand.u32 $0x7FFFF, v7  }
0x7e: {  	v16 =	vcvt.s32.f32 v5;
	v20 =	vcvt.s32.f32 v13;
	v10 =	vxor.u32 v10, v12;
	[tilespmem:s17+$0xFFFFFE00] =	vst v7  }
0x7f: {  	v7 =	vcvt.f32.s32 v17;
	v17 =	vmul.f32 v22, v15;
	v10 =	vand.u32 $0x7FFFF, v10;
	[tilespmem:s4+$0x180] =	vst v18  }
0x80: {  	v18 =	vadd.f32 $-1.000000000e+00, v16;
	v21 =	vadd.f32 $-1.000000000e+00, v20;
	[tilespmem:s17+$0x0] =	vst v10;
	v10 =	vxor.u32 v23, v12  }
0x81: {  	v9 =	vmul.f32 v9, v15;
	v22 =	vcvt.s32.f32 v7;
	[tilespmem:s4+$0x200] =	vst v17;
	v10 =	vand.u32 $0x7FFFF, v10  }
0x82: {  	vm0 =	vlt.f32 v4, v16;
	vm1 =	vlt.f32 v6, v20;
	[tilespmem:s17+$0x200] =	vst v10;
	v10 =	vxor.u32 v12, v11  }
0x83: {  	v11 =	vsel vm0, v18, v16;
	v16 =	vmul.f32 v15, v19;
	[tilespmem:s4+$0x280] =	vst v9;
	v9 =	vand.u32 $0x7FFFF, v10  }
.Ltmp0:
0x84: {  	v17 =	vadd.f32 $-1.000000000e+00, v22;
	v10 =	vsel vm1, v21, v20;
	[tilespmem:s17+$0x400] =	vst v9;
	v9 =	vxor.u32 v12, v14;
	(pc) =	sbr.rel @p0 .LBB2_3-.Ltmp0, $4  }
0x85: {  	v8 =	vmul.f32 v15, v8;
	v4 =	vsub.f32 v4, v11;
	[tilespmem:s4+$0x300] =	vst v16;
	v9 =	vand.u32 $0x7FFFF, v9  }
0x86: {  	v11 =	vsel vm1, $0xFFFFFFFF, v0;
	vm1 =	vlt.f32 v3, v22;
	v6 =	vsub.f32 v6, v10;
	[tilespmem:s17+$0x600] =	vst v9  }
0x87: {  	v12 =	vsel vm1, v17, v22;
	v9 =	vadd.s32 v13, v11;
	v11 =	vsel vm1, $0xFFFFFFFF, v0;
	[tilespmem:s4+$0x380] =	vst v8  }
0x88: {  	v10 =	vsub.f32 $1.000000000e+00, v6;
	v8 =	vmul.u32 $0x9E3779B1, v9;
	v9 =	vsub.f32 $1.000000000e+00, v4;
	[tilespmem:s7+$0x380] =	vst v2;
	s7 =	smov.u32 s0  }
0x89: {  	v2 =	vsel vm0, $0xFFFFFFFF, v0;
	v7 =	vadd.s32 v7, v11;
	v3 =	vsub.f32 v3, v12  }
0x8a: {  	v2 =	vadd.s32 v5, v2;
	v47 =	vmul.u32 $0x30025795, v7  }
0x8b: {  	v48 =	vmul.f32 v10, v9;
	v49 =	vsub.f32 $1.000000000e+00, v3;
	v50 =	vxor.u32 v2, v8  }
0x8c: {  	v51 =	vmul.f32 v10, v4;
	v13 =	vadd.s32 $0x1, v2;
	v14 =	vxor.u32 v47, v50  }
0x8d: {  	v15 =	vxor.u32 v13, v8;
	v16 =	vmul.f32 v49, v48;
	v14 =	vand.u32 $0x7FFFF, v14  }
0x8e: {  	v52 =	vadd.s32 $0x9E3779B1, v8;
	v53 =	vmul.f32 v6, v9;
	v17 =	vxor.u32 v47, v15;
	[tilespmem:s17+$0xFFFFF7F0] =	vst v14  }
0x8f: {  	v2 =	vxor.u32 v2, v52;
	v54 =	vmul.f32 v49, v51;
	v17 =	vand.u32 $0x7FFFF, v17;
	[tilespmem:s7+$0x0] =	vst v16  }
0x90: {  	v55 =	vmul.f32 v6, v4;
	v56 =	vxor.u32 v47, v2;
	[tilespmem:s18+$0x11200] =	vst v17  }
0x91: {  	v8 =	vxor.u32 v13, v52;
	v57 =	vmul.f32 v49, v53;
	v6 =	vand.u32 $0x7FFFF, v56;
	[tilespmem:s7+$0x80] =	vst v54  }
0x92: {  	v58 =	vxor.u32 v47, v8;
	[tilespmem:s18+$0x11400] =	vst v6  }
0x93: {  	v5 =	vadd.s32 $0x30025795, v47;
	v59 =	vmul.f32 v49, v55;
	v60 =	vand.u32 $0x7FFFF, v58;
	[tilespmem:s7+$0x100] =	vst v57  }
0x94: {  	v12 =	vxor.u32 v50, v5;
	[tilespmem:s18+$0x11600] =	vst v60  }
0x95: {  	v7 =	vmul.f32 v48, v3;
	v61 =	vand.u32 $0x7FFFF, v12;
	[tilespmem:s7+$0x180] =	vst v59  }
0x96: {  	v62 =	vxor.u32 v15, v5;
	[tilespmem:s18+$0x11800] =	vst v61  }
0x97: {  	v10 =	vmul.f32 v51, v3;
	v6 =	vand.u32 $0x7FFFF, v62;
	[tilespmem:s7+$0x200] =	vst v7  }
0x98: {  	v2 =	vxor.u32 v5, v2;
	[tilespmem:s18+$0x11A00] =	vst v6  }
0x99: {  	v63 =	vmul.f32 v3, v53;
	v2 =	vand.u32 $0x7FFFF, v2;
	[tilespmem:s7+$0x280] =	vst v10  }
0x9a: {  	v5 =	vxor.u32 v5, v8;
	[tilespmem:s18+$0x11C00] =	vst v2  }
0x9b: {  	v2 =	vmul.f32 v3, v55;
	v3 =	vand.u32 $0x7FFFF, v5;
	[tilespmem:s7+$0x300] =	vst v63  }
0x9c: {  	[tilespmem:s18+$0x11E00] =	vst v3  }
0x9d: {  	s0 =	simm.s32 $0x15000;
	[tilespmem:s7+$0x380] =	vst v2  }
0x9e: {  	[tilespmem:s0], [sflag:$0x1] =	stream.indirect.gather [spmem:s2], $0x1, s28, s26, $0xb8;
	[tilespmem:$0x19800] =	vst v63  }
0x9f: {  	[dreg:$0x11] =	wrdreg s29  }
0xa0: {  	s23 =	simm.s32 $0x16000;
	s29 =	sor.u32 s25, s29;
	[dreg:$0x12] =	wrdreg s30  }
0xa1: {  	s4 =	sshrl.u32 s13, $0x3;
	s13 =	sor.u32 s30, s29;
	s30 =	rddreg [dreg:$0xc]  }
0xa2: {  	[tilespmem:s23], [sflag:$0x1] =	stream.indirect.gather [spmem:s3], $0x1, s28, s26, $0xb8;
	[tilespmem:$0x19800] =	vst v63  }
0xa3: {  	s21 =	simm.s32 $0x0;
	s17 =	sadd.s32 s30, s4  }
.LBB2_5:
0xa4: {  	s0 =	simm.s32 $0x0  }
0xa5: {  	_ =	swait.ge [sflag:s24], $0x800;
	s16 =	simm.s32 $0x10;
	s0 =	sand.u32 $0x3FFFFE00, s0  }
0xa6: {  	[sflag:s24] =	ssyncset.done $0x0;
	s7 =	sand.u32 $0x70, s16;
	s8 =	sadd.s32 $0x10800, s0  }
0xa7: {  	[sflag:s24] =	ssyncadd.s32 $0xFFFFF800;
	s18 =	sor.u32 s7, s8  }
0xa8: {  	s29 =	simm.s32 $0x0;
	v2 =	vld [tilespmem:s18+$0x100]  }
0xa9: {  	s4 =	sand.u32 $0x60, s29;
	v3 =	vld [tilespmem:s18+$0x0]  }
0xaa: {  	s8 =	sor.u32 s4, s8;
	v4 =	vld [tilespmem:s18+$0x80]  }
0xab: {  	v5 =	vld [tilespmem:s8+$0x0];
	_ =	sdelay $0x2  }
0xac: {  	v6 =	vld [tilespmem:s8+$0x80];
	v2 =	vmul.f32 v2, v1  }
0xad: {  	v3 =	vmul.f32 v3, v1;
	v4 =	vmul.f32 v4, v1  }
0xae: {  	v8 =	vmul.f32 v5, v1;
	v5 =	vtrunc.f32 v2  }
0xaf: {  	v7 =	vtrunc.f32 v3;
	v9 =	vtrunc.f32 v4  }
0xb0: {  	v7 =	vcvt.f32.s32 v7;
	v5 =	vcvt.f32.s32 v5  }
0xb1: {  	v6 =	vmul.f32 v6, v1;
	v9 =	vcvt.f32.s32 v9  }
0xb2: {  	v10 =	vcvt.s32.f32 v7;
	v11 =	vcvt.s32.f32 v5  }
0xb3: {  	v12 =	vtrunc.f32 v8;
	v13 =	vcvt.s32.f32 v9  }
0xb4: {  	vm0 =	vlt.f32 v3, v10;
	vm1 =	vlt.f32 v2, v11;
	v14 =	vadd.f32 $-1.000000000e+00, v11  }
0xb5: {  	v15 =	vadd.f32 $-1.000000000e+00, v10;
	vm2 =	vlt.f32 v4, v13;
	v16 =	vadd.f32 $-1.000000000e+00, v13  }
0xb6: {  	v17 =	vsel vm0, $0xFFFFFFFF, v0;
	v18 =	vsel vm2, $0xFFFFFFFF, v0;
	v19 =	vsel vm1, $0xFFFFFFFF, v0  }
0xb7: {  	v7 =	vadd.s32 v7, v17;
	v10 =	vsel vm0, v15, v10;
	v13 =	vsel vm2, v16, v13  }
0xb8: {  	v9 =	vadd.s32 v9, v18;
	v5 =	vadd.s32 v5, v19;
	v10 =	vsub.f32 v3, v10  }
0xb9: {  	v4 =	vsub.f32 v4, v13;
	v3 =	vsel vm1, v14, v11;
	v9 =	vmul.u32 $0x9E3779B1, v9  }
0xba: {  	v14 =	vtrunc.f32 v6;
	v15 =	vmul.u32 $0x30025795, v5;
	v2 =	vsub.f32 v2, v3  }
0xbb: {  	v52 =	vadd.s32 $0x1, v7;
	v11 =	vsub.f32 $1.000000000e+00, v10;
	v13 =	vsub.f32 $1.000000000e+00, v4  }
0xbc: {  	v14 =	vcvt.f32.s32 v14;
	v17 =	vxor.u32 v7, v9;
	v20 =	vadd.s32 $0x9E3779B1, v9  }
0xbd: {  	s30 =	simm.s32 $0x0;
	v9 =	vxor.u32 v52, v9;
	v53 =	vsub.f32 $1.000000000e+00, v2;
	v54 =	vmul.f32 v13, v11  }
0xbe: {  	v3 =	vld [tilespmem:s8+$0x100];
	s8 =	sand.u32 $0x3FFFFC00, s30;
	v5 =	vxor.u32 v15, v17;
	v22 =	vxor.u32 v7, v20;
	v7 =	vxor.u32 v15, v9  }
0xbf: {  	s18 =	simm.s32 $0x12810;
	s8 =	sadd.s32 $0x14000, s8;
	v13 =	vmul.f32 v13, v10;
	v5 =	vand.u32 $0x7FFFF, v5;
	v21 =	vmul.f32 v53, v54  }
0xc0: {  	s25 =	sor.u32 s7, s8;
	v58 =	vcvt.s32.f32 v14;
	v11 =	vmul.f32 v4, v11;
	v7 =	vand.u32 $0x7FFFF, v7;
	[tilespmem:s18+$0xFFFFF800] =	vst v5  }
0xc1: {  	v10 =	vmul.f32 v4, v10;
	v4 =	vxor.u32 v15, v22;
	v23 =	vmul.f32 v53, v13;
	[tilespmem:s25+$0x0] =	vst v21  }
0xc2: {  	v5 =	vcvt.f32.s32 v12;
	v12 =	vxor.u32 v52, v20;
	v4 =	vand.u32 $0x7FFFF, v4;
	[tilespmem:s18+$0xFFFFFA00] =	vst v7  }
0xc3: {  	v60 =	vadd.f32 $-1.000000000e+00, v58;
	vm1 =	vlt.f32 v6, v58;
	v7 =	vmul.f32 v53, v11;
	[tilespmem:s25+$0x80] =	vst v23  }
0xc4: {  	v3 =	vmul.f32 v3, v1;
	v20 =	vxor.u32 v15, v12;
	v59 =	vmul.f32 v54, v2;
	[tilespmem:s18+$0xFFFFFC00] =	vst v4  }
0xc5: {  	v56 =	vand.u32 $0x7FFFF, v20;
	v4 =	vadd.s32 $0x30025795, v15;
	v15 =	vmul.f32 v53, v10;
	[tilespmem:s25+$0x100] =	vst v7  }
0xc6: {  	v57 =	vcvt.s32.f32 v5;
	v55 =	vtrunc.f32 v3;
	v17 =	vxor.u32 v17, v4;
	[tilespmem:s18+$0xFFFFFE00] =	vst v56  }
0xc7: {  	v13 =	vmul.f32 v13, v2;
	v7 =	vcvt.f32.s32 v55;
	v17 =	vand.u32 $0x7FFFF, v17;
	[tilespmem:s25+$0x180] =	vst v15  }
0xc8: {  	vm0 =	vlt.f32 v8, v57;
	v11 =	vmul.f32 v2, v11;
	v9 =	vxor.u32 v9, v4;
	[tilespmem:s18+$0x0] =	vst v17  }
0xc9: {  	v9 =	vand.u32 $0x7FFFF, v9;
	v15 =	vadd.f32 $-1.000000000e+00, v57;
	v61 =	vcvt.s32.f32 v7;
	[tilespmem:s25+$0x200] =	vst v59  }
0xca: {  	v2 =	vmul.f32 v2, v10;
	v62 =	vxor.u32 v4, v22;
	v12 =	vxor.u32 v4, v12;
	[tilespmem:s18+$0x200] =	vst v9  }
0xcb: {  	v63 =	vadd.f32 $-1.000000000e+00, v61;
	v9 =	vsel vm0, v15, v57;
	v15 =	vand.u32 $0x7FFFF, v62;
	[tilespmem:s25+$0x280] =	vst v13  }
0xcc: {  	v13 =	vsel vm1, v60, v58;
	v4 =	vsub.f32 v8, v9;
	v8 =	vand.u32 $0x7FFFF, v12;
	[tilespmem:s18+$0x400] =	vst v15  }
0xcd: {  	v9 =	vsel vm1, $0xFFFFFFFF, v0;
	vm1 =	vlt.f32 v3, v61;
	v6 =	vsub.f32 v6, v13;
	[tilespmem:s25+$0x300] =	vst v11  }
0xce: {  	v12 =	vsel vm1, v63, v61;
	v11 =	vsel vm1, $0xFFFFFFFF, v0;
	[tilespmem:s18+$0x600] =	vst v8;
	v8 =	vadd.s32 v14, v9  }
0xcf: {  	s23 =	simm.s32 $0x0;
	s22 =	sand.u32 $0x1E0, s29;
	s7 =	sor.u32 s4, s8;
	v9 =	vsub.f32 $1.000000000e+00, v4;
	v10 =	vsub.f32 $1.000000000e+00, v6;
	[tilespmem:s25+$0x380] =	vst v2;
	v8 =	vmul.u32 $0x9E3779B1, v8  }
.LBB2_6:
0xd0: {  	s23 =	sadd.s32 $0x2, s23;
	v2 =	vsel vm0, $0xFFFFFFFF, v0;
	v7 =	vadd.s32 v7, v11;
	v3 =	vsub.f32 v3, v12  }
0xd1: {  	s0 =	sshll.u32 s23, $0x6;
	p0 =	slt.u32 s23, $0x1E;
	v2 =	vadd.s32 v5, v2;
	v5 =	vmul.u32 $0x30025795, v7;
	v7 =	vmul.f32 v10, v9  }
0xd2: {  	s16 =	sadd.s32 $0x20, s16;
	v11 =	vadd.s32 $0x9E3779B1, v8;
	v10 =	vmul.f32 v10, v4;
	v9 =	vmul.f32 v6, v9;
	s0 =	sand.u32 $0x3FFFFE00, s0  }
0xd3: {  	s4 =	sadd.s32 $0xFFFFFFF0, s16;
	s25 =	sand.u32 $0x70, s16;
	v4 =	vmul.f32 v6, v4;
	v12 =	vadd.s32 $0x1, v2;
	v13 =	vsub.f32 $1.000000000e+00, v3;
	s8 =	sadd.s32 $0x10800, s0  }
0xd4: {  	s29 =	sand.u32 $0x60, s4;
	v14 =	vxor.u32 v2, v11;
	s0 =	sand.u32 $0x1E0, s4;
	v6 =	vadd.s32 $0x30025795, v5;
	v11 =	vxor.u32 v12, v11;
	s4 =	sor.u32 s25, s8  }
0xd5: {  	v16 =	vxor.u32 v2, v8;
	v8 =	vxor.u32 v12, v8;
	s8 =	sor.u32 s29, s8;
	v12 =	vmul.f32 v13, v7;
	v15 =	vld [tilespmem:s4+$0x100]  }
0xd6: {  	v20 =	vxor.u32 v5, v14;
	v18 =	vmul.f32 v13, v10;
	v19 =	vmul.f32 v13, v9;
	v17 =	vld [tilespmem:s4+$0x0]  }
0xd7: {  	v7 =	vmul.f32 v7, v3;
	v10 =	vmul.f32 v10, v3;
	v22 =	vxor.u32 v5, v11;
	v21 =	vld [tilespmem:s4+$0x80]  }
0xd8: {  	v13 =	vmul.f32 v13, v4;
	v9 =	vmul.f32 v3, v9;
	v14 =	vxor.u32 v6, v14;
	v23 =	vld [tilespmem:s8+$0x0]  }
0xd9: {  	v2 =	vmul.f32 v3, v4;
	v3 =	vxor.u32 v5, v16;
	v11 =	vxor.u32 v6, v11;
	v24 =	vld [tilespmem:s8+$0x80]  }
0xda: {  	v5 =	vxor.u32 v5, v8;
	v16 =	vxor.u32 v16, v6;
	v8 =	vxor.u32 v8, v6;
	v25 =	vld [tilespmem:s8+$0x100]  }
0xdb: {  	v20 =	vand.u32 $0x7FFFF, v20;
	v22 =	vand.u32 $0x7FFFF, v22;
	v15 =	vmul.f32 v15, v1  }
0xdc: {  	v14 =	vand.u32 $0x7FFFF, v14;
	v17 =	vmul.f32 v17, v1;
	v21 =	vmul.f32 v21, v1  }
0xdd: {  	v11 =	vand.u32 $0x7FFFF, v11;
	v6 =	vtrunc.f32 v15;
	v4 =	vmul.f32 v23, v1  }
0xde: {  	v3 =	vand.u32 $0x7FFFF, v3;
	v23 =	vtrunc.f32 v17;
	v26 =	vtrunc.f32 v21  }
0xdf: {  	v27 =	vcvt.f32.s32 v6;
	v23 =	vcvt.f32.s32 v23;
	[tilespmem:s18+$0xFFFFF7F0] =	vst v3;
	v3 =	vand.u32 $0x7FFFF, v5  }
0xe0: {  	v6 =	vmul.f32 v24, v1;
	v5 =	vcvt.f32.s32 v26;
	[tilespmem:s7+$0x0] =	vst v12;
	v12 =	vand.u32 $0x7FFFF, v16  }
0xe1: {  	v24 =	vcvt.s32.f32 v27;
	v16 =	vcvt.s32.f32 v23;
	[tilespmem:s22+$0x12200] =	vst v3;
	v3 =	vand.u32 $0x7FFFF, v8  }
0xe2: {  	v8 =	vtrunc.f32 v4;
	v26 =	vcvt.s32.f32 v5;
	[tilespmem:s7+$0x80] =	vst v18  }
0xe3: {  	vm1 =	vlt.f32 v15, v24;
	vm0 =	vlt.f32 v17, v16;
	v18 =	vadd.f32 $-1.000000000e+00, v24;
	[tilespmem:s22+$0x12400] =	vst v20  }
0xe4: {  	v20 =	vadd.f32 $-1.000000000e+00, v16;
	vm2 =	vlt.f32 v21, v26;
	v28 =	vadd.f32 $-1.000000000e+00, v26;
	[tilespmem:s7+$0x100] =	vst v19  }
0xe5: {  	v30 =	vsel vm1, $0xFFFFFFFF, v0;
	v19 =	vsel vm0, $0xFFFFFFFF, v0;
	v29 =	vsel vm2, $0xFFFFFFFF, v0;
	[tilespmem:s22+$0x12600] =	vst v22  }
0xe6: {  	v19 =	vadd.s32 v23, v19;
	v16 =	vsel vm0, v20, v16;
	v20 =	vsel vm2, v28, v26;
	[tilespmem:s7+$0x180] =	vst v13  }
0xe7: {  	v13 =	vsub.f32 v17, v16;
	v16 =	vsub.f32 v21, v20;
	v17 =	vsel vm1, v18, v24;
	[tilespmem:s22+$0x12800] =	vst v12  }
0xe8: {  	v5 =	vadd.s32 v5, v29;
	v12 =	vadd.s32 v27, v30;
	v15 =	vsub.f32 v15, v17;
	[tilespmem:s7+$0x200] =	vst v7  }
0xe9: {  	v5 =	vmul.u32 $0x9E3779B1, v5;
	v7 =	vsub.f32 $1.000000000e+00, v13;
	v17 =	vsub.f32 $1.000000000e+00, v16;
	[tilespmem:s22+$0x12A00] =	vst v3  }
0xea: {  	v18 =	vtrunc.f32 v6;
	v20 =	vadd.s32 $0x1, v19;
	v12 =	vmul.u32 $0x30025795, v12;
	[tilespmem:s7+$0x280] =	vst v10  }
0xeb: {  	s4 =	sshll.u32 s23, $0x7;
	v21 =	vsub.f32 $1.000000000e+00, v15;
	v10 =	vxor.u32 v19, v5;
	v22 =	vmul.f32 v17, v7;
	[tilespmem:s22+$0x12C00] =	vst v14  }
0xec: {  	s4 =	sand.u32 $0x3FFFFC00, s4;
	v23 =	vxor.u32 v20, v5;
	v14 =	vadd.s32 $0x9E3779B1, v5;
	v3 =	vxor.u32 v12, v10;
	[tilespmem:s7+$0x300] =	vst v9  }
0xed: {  	s4 =	sadd.s32 $0x14000, s4;
	s18 =	sadd.s32 $0x20, s18;
	v9 =	vmul.f32 v17, v13;
	v5 =	vmul.f32 v21, v22;
	v17 =	vand.u32 $0x7FFFF, v3;
	[tilespmem:s22+$0x12E00] =	vst v11;
	s22 =	smov.u32 s0  }
0xee: {  	v3 =	vmul.f32 v25, v1;
	s0 =	sor.u32 s29, s4;
	v11 =	vxor.u32 v19, v14;
	s4 =	sor.u32 s25, s4;
	[tilespmem:s18+$0xFFFFF800] =	vst v17;
	v17 =	vxor.u32 v12, v23  }
0xef: {  	v19 =	vmul.f32 v16, v7;
	v7 =	vmul.f32 v21, v9;
	[tilespmem:s4+$0x0] =	vst v5;
	v17 =	vand.u32 $0x7FFFF, v17  }
0xf0: {  	v5 =	vcvt.f32.s32 v8;
	v8 =	vmul.f32 v16, v13;
	v13 =	vxor.u32 v12, v11;
	[tilespmem:s18+$0xFFFFFA00] =	vst v17  }
0xf1: {  	v14 =	vxor.u32 v20, v14;
	v16 =	vmul.f32 v21, v19;
	[tilespmem:s4+$0x80] =	vst v7;
	v7 =	vand.u32 $0x7FFFF, v13  }
0xf2: {  	v17 =	vtrunc.f32 v3;
	v13 =	vcvt.f32.s32 v18;
	[tilespmem:s18+$0xFFFFFC00] =	vst v7;
	v7 =	vxor.u32 v12, v14  }
0xf3: {  	v18 =	vmul.f32 v21, v8;
	v12 =	vadd.s32 $0x30025795, v12;
	[tilespmem:s4+$0x100] =	vst v16;
	v7 =	vand.u32 $0x7FFFF, v7  }
0xf4: {  	v16 =	vcvt.s32.f32 v5;
	v20 =	vcvt.s32.f32 v13;
	v10 =	vxor.u32 v10, v12;
	[tilespmem:s18+$0xFFFFFE00] =	vst v7  }
0xf5: {  	v7 =	vcvt.f32.s32 v17;
	v17 =	vmul.f32 v22, v15;
	v10 =	vand.u32 $0x7FFFF, v10;
	[tilespmem:s4+$0x180] =	vst v18  }
0xf6: {  	v18 =	vadd.f32 $-1.000000000e+00, v16;
	v21 =	vadd.f32 $-1.000000000e+00, v20;
	[tilespmem:s18+$0x0] =	vst v10;
	v10 =	vxor.u32 v23, v12  }
0xf7: {  	v9 =	vmul.f32 v9, v15;
	v22 =	vcvt.s32.f32 v7;
	[tilespmem:s4+$0x200] =	vst v17;
	v10 =	vand.u32 $0x7FFFF, v10  }
0xf8: {  	vm0 =	vlt.f32 v4, v16;
	vm1 =	vlt.f32 v6, v20;
	[tilespmem:s18+$0x200] =	vst v10;
	v10 =	vxor.u32 v12, v11  }
0xf9: {  	v11 =	vsel vm0, v18, v16;
	v16 =	vmul.f32 v15, v19;
	[tilespmem:s4+$0x280] =	vst v9;
	v9 =	vand.u32 $0x7FFFF, v10  }
.Ltmp1:
0xfa: {  	v17 =	vadd.f32 $-1.000000000e+00, v22;
	v10 =	vsel vm1, v21, v20;
	[tilespmem:s18+$0x400] =	vst v9;
	v9 =	vxor.u32 v12, v14;
	(pc) =	sbr.rel @p0 .LBB2_6-.Ltmp1, $4  }
0xfb: {  	v8 =	vmul.f32 v15, v8;
	v4 =	vsub.f32 v4, v11;
	[tilespmem:s4+$0x300] =	vst v16;
	v9 =	vand.u32 $0x7FFFF, v9  }
0xfc: {  	v11 =	vsel vm1, $0xFFFFFFFF, v0;
	vm1 =	vlt.f32 v3, v22;
	v6 =	vsub.f32 v6, v10;
	[tilespmem:s18+$0x600] =	vst v9  }
0xfd: {  	v12 =	vsel vm1, v17, v22;
	v9 =	vadd.s32 v13, v11;
	v11 =	vsel vm1, $0xFFFFFFFF, v0;
	[tilespmem:s4+$0x380] =	vst v8  }
0xfe: {  	v10 =	vsub.f32 $1.000000000e+00, v6;
	v8 =	vmul.u32 $0x9E3779B1, v9;
	v9 =	vsub.f32 $1.000000000e+00, v4;
	[tilespmem:s7+$0x380] =	vst v2;
	s7 =	smov.u32 s0  }
0xff: {  	v2 =	vsel vm0, $0xFFFFFFFF, v0;
	v7 =	vadd.s32 v7, v11;
	v3 =	vsub.f32 v3, v12  }
0x100: {  	v2 =	vadd.s32 v5, v2;
	v5 =	vmul.u32 $0x30025795, v7  }
0x101: {  	v7 =	vmul.f32 v10, v9;
	v11 =	vsub.f32 $1.000000000e+00, v3;
	v12 =	vxor.u32 v2, v8  }
0x102: {  	v10 =	vmul.f32 v10, v4;
	v13 =	vadd.s32 $0x1, v2;
	v14 =	vxor.u32 v5, v12  }
0x103: {  	v15 =	vxor.u32 v13, v8;
	v16 =	vmul.f32 v11, v7;
	v14 =	vand.u32 $0x7FFFF, v14  }
0x104: {  	v9 =	vmul.f32 v6, v9;
	v8 =	vadd.s32 $0x9E3779B1, v8;
	v17 =	vxor.u32 v5, v15;
	[tilespmem:s18+$0xFFFFF7F0] =	vst v14  }
0x105: {  	v2 =	vxor.u32 v2, v8;
	v14 =	vmul.f32 v11, v10;
	v17 =	vand.u32 $0x7FFFF, v17;
	[tilespmem:s7+$0x0] =	vst v16  }
0x106: {  	v4 =	vmul.f32 v6, v4;
	v6 =	vxor.u32 v5, v2;
	[tilespmem:s22+$0x12200] =	vst v17  }
0x107: {  	v8 =	vxor.u32 v13, v8;
	v13 =	vmul.f32 v11, v9;
	v6 =	vand.u32 $0x7FFFF, v6;
	[tilespmem:s7+$0x80] =	vst v14  }
0x108: {  	v14 =	vxor.u32 v5, v8;
	[tilespmem:s22+$0x12400] =	vst v6  }
0x109: {  	v5 =	vadd.s32 $0x30025795, v5;
	v6 =	vmul.f32 v11, v4;
	v11 =	vand.u32 $0x7FFFF, v14;
	[tilespmem:s7+$0x100] =	vst v13  }
0x10a: {  	v12 =	vxor.u32 v12, v5;
	[tilespmem:s22+$0x12600] =	vst v11  }
0x10b: {  	v7 =	vmul.f32 v7, v3;
	v11 =	vand.u32 $0x7FFFF, v12;
	[tilespmem:s7+$0x180] =	vst v6  }
0x10c: {  	v6 =	vxor.u32 v15, v5;
	[tilespmem:s22+$0x12800] =	vst v11  }
0x10d: {  	v10 =	vmul.f32 v10, v3;
	v6 =	vand.u32 $0x7FFFF, v6;
	[tilespmem:s7+$0x200] =	vst v7  }
0x10e: {  	v2 =	vxor.u32 v5, v2;
	[tilespmem:s22+$0x12A00] =	vst v6  }
0x10f: {  	v2 =	vand.u32 $0x7FFFF, v2;
	v6 =	vmul.f32 v3, v9;
	[tilespmem:s7+$0x280] =	vst v10  }
0x110: {  	v5 =	vxor.u32 v5, v8;
	[tilespmem:s22+$0x12C00] =	vst v2  }
0x111: {  	v2 =	vmul.f32 v3, v4;
	v3 =	vand.u32 $0x7FFFF, v5;
	[tilespmem:s7+$0x300] =	vst v6  }
0x112: {  	s18 =	sshll.u32 s21, $0xA;
	[tilespmem:s22+$0x12E00] =	vst v3  }
0x113: {  	s0 =	simm.s32 $0x17000;
	s22 =	sadd.s32 s18, s12;
	[tilespmem:s7+$0x380] =	vst v2  }
0x114: {  	[tilespmem:s0], [sflag:$0x2] =	stream.indirect.gather [spmem:s2], $0x1, s31, s26, $0xb8;
	[tilespmem:$0x19800] =	vst v63  }
0x115: {  	s16 =	simm.s32 $0x18000;
	s0 =	sshrl.u32 s22, $0x1  }
0x116: {  	[tilespmem:s16], [sflag:$0x2] =	stream.indirect.gather [spmem:s3], $0x1, s31, s26, $0xb8;
	[tilespmem:$0x19800] =	vst v63  }
0x117: {  	s4 =	simm.s32 $0x10000;
	p0 =	seq.s32 s21, $0x0;
	s0 =	sadd.s32 s6, s0  }
0x118: {  	[tilespmem:s4], [sflag:$0x3] =	stream.linear.gather [hbm4b:s0+s5], $0x800, $0x38;
	[tilespmem:$0x19800] =	vst v63  }
0x119: {  	s0 =	simm.s32 @!p0 $0x4  }
0x11a: {  	_ =	swait.ge @!p0 [sflag:s0], $0x400  }
0x11b: {  	[sflag:s0] =	ssyncset.done @!p0 $0x0  }
0x11c: {  	[sflag:s0] =	ssyncadd.s32 @!p0 $0xFFFFFC00  }
0x11d: {  	_ =	swait.ge [sflag:s19], $0x1000  }
0x11e: {  	[sflag:s19] =	ssyncset.done $0x0  }
0x11f: {  	[sflag:s19] =	ssyncadd.s32 $0xFFFFF000  }
0x120: {  	s23 =	simm.s32 $0x0;
	s25 =	simm.s32 $0x10;
	_ =	swait.ge [sflag:s19], $0x1000  }
0x121: {  	s7 =	simm.s32 $0x16800;
	s0 =	sand.u32 $0x3FFFFC00, s23;
	[sflag:s19] =	ssyncset.done $0x0  }
0x122: {  	s4 =	sand.u32 $0x70, s25;
	s8 =	sadd.s32 $0x13000, s0;
	[sflag:s19] =	ssyncadd.s32 $0xFFFFF000  }
0x123: {  	s16 =	sor.u32 s4, s8;
	v2 =	vld [tilespmem:s7+$0xFFFFF810]  }
0x124: {  	v3 =	vld [tilespmem:s16+$0x0]  }
0x125: {  	v4 =	vld [tilespmem:s7+$0xFFFFFA10]  }
0x126: {  	v5 =	vld [tilespmem:s16+$0x80]  }
0x127: {  	v6 =	vld [tilespmem:s7+$0xFFFFFC10]  }
0x128: {  	v7 =	vld [tilespmem:s16+$0x100]  }
0x129: {  	v8 =	vld [tilespmem:s7+$0xFFFFFE10]  }
0x12a: {  	v9 =	vld [tilespmem:s16+$0x180]  }
0x12b: {  	v10 =	vld [tilespmem:s7+$0x10]  }
0x12c: {  	v11 =	vld [tilespmem:s16+$0x200]  }
0x12d: {  	v12 =	vld [tilespmem:s7+$0x210]  }
0x12e: {  	v13 =	vld [tilespmem:s16+$0x280]  }
0x12f: {  	v14 =	vld [tilespmem:s7+$0x410]  }
0x130: {  	s22 =	simm.s32 $0x0;
	v15 =	vld [tilespmem:s16+$0x300]  }
0x131: {  	s9 =	sand.u32 $0x60, s22;
	v56 =	vld [tilespmem:s7+$0x610]  }
0x132: {  	s25 =	sor.u32 s9, s8;
	v57 =	vld [tilespmem:s16+$0x380]  }
0x133: {  	s23 =	simm.s32 $0x15800;
	v18 =	vld [tilespmem:s25+$0x0]  }
0x134: {  	v19 =	vld [tilespmem:s23+$0x610]  }
0x135: {  	v20 =	vld [tilespmem:s23+$0x410]  }
0x136: {  	v21 =	vld [tilespmem:s23+$0x210]  }
0x137: {  	v22 =	vld [tilespmem:s23+$0x10];
	v2 =	vmul.f32 v2, v3  }
0x138: {  	v23 =	vld [tilespmem:s23+$0xFFFFFE10]  }
0x139: {  	v24 =	vld [tilespmem:s23+$0xFFFFFC10];
	v4 =	vmul.f32 v4, v5;
	v2 =	vadd.f32 $0.0e+00, v2  }
0x13a: {  	v25 =	vld [tilespmem:s23+$0xFFFFFA10]  }
0x13b: {  	v2 =	vadd.f32 v4, v2;
	v4 =	vmul.f32 v6, v7;
	v6 =	vld [tilespmem:s23+$0xFFFFF810]  }
0x13c: {  	v26 =	vld [tilespmem:s23+$0xFFFFF800]  }
0x13d: {  	v27 =	vld [tilespmem:s25+$0x80]  }
0x13e: {  	v58 =	vld [tilespmem:s23+$0xFFFFFC00];
	v2 =	vadd.f32 v4, v2;
	v4 =	vmul.f32 v8, v9  }
0x13f: {  	v8 =	vld [tilespmem:s7+$0xFFFFF800]  }
0x140: {  	v2 =	vadd.f32 v4, v2;
	v4 =	vmul.f32 v10, v11;
	v10 =	vld [tilespmem:s23+$0xFFFFFA00];
	v3 =	vmul.f32 v6, v3  }
0x141: {  	v61 =	vld [tilespmem:s25+$0x200];
	v5 =	vmul.f32 v25, v5;
	v59 =	vmul.f32 v26, v18  }
0x142: {  	v6 =	vld [tilespmem:s7+$0xFFFFFA00];
	v2 =	vadd.f32 v4, v2;
	v4 =	vmul.f32 v12, v13;
	v3 =	vadd.f32 $0.0e+00, v3  }
0x143: {  	v7 =	vmul.f32 v24, v7;
	v11 =	vmul.f32 v22, v11;
	v12 =	vld [tilespmem:s25+$0x100]  }
0x144: {  	v2 =	vadd.f32 v4, v2;
	v4 =	vmul.f32 v14, v15;
	v14 =	vld [tilespmem:s7+$0xFFFFFC00];
	v3 =	vadd.f32 v5, v3  }
0x145: {  	v60 =	vadd.f32 $0.0e+00, v59;
	v8 =	vmul.f32 v8, v18;
	v5 =	vld [tilespmem:s25+$0x180];
	v10 =	vmul.f32 v10, v27  }
0x146: {  	v2 =	vadd.f32 v4, v2;
	v4 =	vmul.f32 v23, v9;
	v9 =	vld [tilespmem:s23+$0xFFFFFE00];
	v3 =	vadd.f32 v7, v3  }
0x147: {  	v8 =	vadd.f32 $0.0e+00, v8;
	v6 =	vmul.f32 v6, v27;
	v7 =	vld [tilespmem:s7+$0xFFFFFE00];
	v10 =	vadd.f32 v10, v60  }
0x148: {  	v63 =	vld [tilespmem:s23+$0x0];
	v62 =	vmul.f32 v58, v12;
	v3 =	vadd.f32 v4, v3;
	v4 =	vmul.f32 v21, v13  }
0x149: {  	s16 =	simm.s32 $0x0;
	v6 =	vadd.f32 v6, v8;
	v8 =	vmul.f32 v14, v12;
	v13 =	vld [tilespmem:s7+$0x0];
	v12 =	vmul.f32 v56, v57  }
0x14a: {  	s8 =	sand.u32 $0x3FFFFF00, s16;
	v10 =	vadd.f32 v62, v10;
	v11 =	vadd.f32 v11, v3;
	v3 =	vld [tilespmem:s25+$0x280]  }
0x14b: {  	s8 =	sadd.s32 $0x19000, s8;
	v8 =	vadd.f32 v8, v6;
	v9 =	vmul.f32 v9, v5;
	v6 =	vld [tilespmem:s23+$0x200];
	v12 =	vadd.f32 v12, v2  }
0x14c: {  	s0 =	sor.u32 s4, s8;
	v14 =	vmul.f32 v20, v15;
	v7 =	vmul.f32 v7, v5;
	v5 =	vld [tilespmem:s7+$0x200];
	v15 =	vadd.f32 v4, v11  }
0x14d: {  	v2 =	vmul.f32 v19, v57;
	v9 =	vadd.f32 v9, v10;
	v4 =	vld [tilespmem:s25+$0x300];
	[tilespmem:s0+$0x80] =	vst v12;
	v12 =	vmul.f32 v63, v61  }
0x14e: {  	s29 =	simm.s32 $0x0;
	s16 =	sor.u32 $0x200, s18;
	s30 =	sor.u32 s9, s8;
	v8 =	vadd.f32 v7, v8;
	v11 =	vmul.f32 v13, v61;
	v7 =	vld [tilespmem:s23+$0x400];
	v10 =	vadd.f32 v14, v15  }
.LBB2_8:
0x14f: {  	s29 =	sadd.s32 $0x2, s29;
	v9 =	vadd.f32 v12, v9;
	v12 =	vld [tilespmem:s7+$0x400]  }
0x150: {  	s22 =	sadd.s32 $0x20, s22;
	s8 =	sshll.u32 s29, $0x7;
	p1 =	slt.u32 s29, $0x1E;
	v8 =	vadd.f32 v11, v8;
	v6 =	vmul.f32 v6, v3;
	v11 =	vld [tilespmem:s25+$0x380];
	v2 =	vadd.f32 v2, v10  }
0x151: {  	s4 =	sand.u32 $0x60, s22;
	s25 =	sadd.s32 $0x10, s22;
	s8 =	sand.u32 $0x3FFFFC00, s8;
	v3 =	vmul.f32 v5, v3;
	v5 =	vld [tilespmem:s23+$0x600]  }
0x152: {  	s9 =	sadd.s32 $0x13000, s8;
	s8 =	sand.u32 $0x70, s25;
	v6 =	vadd.f32 v6, v9;
	v9 =	vld [tilespmem:s7+$0x600];
	[tilespmem:s0+$0x0] =	vst v2;
	s7 =	sadd.s32 $0x20, s7  }
0x153: {  	s25 =	sor.u32 s4, s9;
	s0 =	sor.u32 s8, s9;
	v2 =	vld [tilespmem:s7+$0xFFFFF810];
	v3 =	vadd.f32 v3, v8;
	v7 =	vmul.f32 v7, v4  }
0x154: {  	v8 =	vld [tilespmem:s0+$0x0];
	v4 =	vmul.f32 v12, v4  }
0x155: {  	v10 =	vld [tilespmem:s7+$0xFFFFFA10];
	v6 =	vadd.f32 v7, v6  }
0x156: {  	v7 =	vld [tilespmem:s0+$0x80];
	v3 =	vadd.f32 v4, v3;
	v4 =	vmul.f32 v5, v11  }
0x157: {  	v5 =	vld [tilespmem:s7+$0xFFFFFC10];
	v9 =	vmul.f32 v9, v11  }
0x158: {  	v11 =	vld [tilespmem:s0+$0x100];
	v4 =	vadd.f32 v4, v6  }
0x159: {  	v2 =	vmul.f32 v2, v8;
	v6 =	vld [tilespmem:s7+$0xFFFFFE10];
	v3 =	vadd.f32 v9, v3  }
0x15a: {  	v9 =	vld [tilespmem:s0+$0x180];
	[tilespmem:s30+$0x0] =	vst v4  }
0x15b: {  	v2 =	vadd.f32 $0.0e+00, v2;
	v4 =	vmul.f32 v10, v7;
	v10 =	vld [tilespmem:s7+$0x10];
	[tilespmem:s30+$0x80] =	vst v3  }
0x15c: {  	v3 =	vld [tilespmem:s0+$0x200]  }
0x15d: {  	v2 =	vadd.f32 v4, v2;
	v4 =	vmul.f32 v5, v11;
	v5 =	vld [tilespmem:s7+$0x210]  }
0x15e: {  	v12 =	vld [tilespmem:s0+$0x280]  }
0x15f: {  	v2 =	vadd.f32 v4, v2;
	v4 =	vmul.f32 v6, v9;
	v6 =	vld [tilespmem:s7+$0x410]  }
0x160: {  	v13 =	vld [tilespmem:s0+$0x300]  }
0x161: {  	v2 =	vadd.f32 v4, v2;
	v4 =	vmul.f32 v10, v3;
	v10 =	vld [tilespmem:s7+$0x610]  }
0x162: {  	v14 =	vld [tilespmem:s0+$0x380]  }
0x163: {  	s23 =	sadd.s32 $0x20, s23;
	v15 =	vld [tilespmem:s25+$0x0];
	v2 =	vadd.f32 v4, v2;
	v4 =	vmul.f32 v5, v12  }
0x164: {  	v5 =	vld [tilespmem:s23+$0x610]  }
0x165: {  	v2 =	vadd.f32 v4, v2;
	v4 =	vld [tilespmem:s23+$0x410];
	v6 =	vmul.f32 v6, v13  }
0x166: {  	v16 =	vld [tilespmem:s23+$0x210]  }
0x167: {  	s0 =	sshll.u32 s29, $0x5;
	v17 =	vld [tilespmem:s23+$0x10];
	v6 =	vadd.f32 v6, v2;
	v10 =	vmul.f32 v10, v14  }
0x168: {  	s0 =	sand.u32 $0x3FFFFF00, s0;
	v18 =	vld [tilespmem:s23+$0xFFFFFE10]  }
0x169: {  	s0 =	sadd.s32 $0x19000, s0;
	v19 =	vld [tilespmem:s23+$0xFFFFFC10];
	v2 =	vmul.f32 v5, v14;
	v5 =	vadd.f32 v10, v6  }
0x16a: {  	s30 =	sor.u32 s4, s0;
	s0 =	sor.u32 s8, s0;
	v6 =	vld [tilespmem:s23+$0xFFFFFA10];
	v10 =	vmul.f32 v4, v13  }
0x16b: {  	v4 =	vld [tilespmem:s23+$0xFFFFF810];
	v12 =	vmul.f32 v16, v12;
	[tilespmem:s0+$0x80] =	vst v5  }
0x16c: {  	v5 =	vld [tilespmem:s23+$0xFFFFF800];
	v13 =	vmul.f32 v17, v3  }
0x16d: {  	v3 =	vld [tilespmem:s7+$0xFFFFF800];
	v9 =	vmul.f32 v18, v9  }
0x16e: {  	v14 =	vld [tilespmem:s25+$0x80];
	v11 =	vmul.f32 v19, v11  }
0x16f: {  	v16 =	vld [tilespmem:s23+$0xFFFFFA00];
	v6 =	vmul.f32 v6, v7  }
0x170: {  	v7 =	vld [tilespmem:s7+$0xFFFFFA00];
	v4 =	vmul.f32 v4, v8  }
0x171: {  	v5 =	vmul.f32 v5, v15;
	v8 =	vld [tilespmem:s25+$0x100]  }
0x172: {  	v3 =	vmul.f32 v3, v15;
	v15 =	vld [tilespmem:s23+$0xFFFFFC00];
	v4 =	vadd.f32 $0.0e+00, v4  }
0x173: {  	v5 =	vadd.f32 $0.0e+00, v5;
	v17 =	vld [tilespmem:s7+$0xFFFFFC00]  }
0x174: {  	v3 =	vadd.f32 $0.0e+00, v3;
	v16 =	vmul.f32 v16, v14;
	v18 =	vld [tilespmem:s25+$0x180];
	v4 =	vadd.f32 v6, v4  }
0x175: {  	v6 =	vmul.f32 v7, v14;
	v7 =	vld [tilespmem:s23+$0xFFFFFE00]  }
0x176: {  	v5 =	vadd.f32 v16, v5;
	v14 =	vld [tilespmem:s7+$0xFFFFFE00];
	v4 =	vadd.f32 v11, v4  }
0x177: {  	v3 =	vadd.f32 v6, v3;
	v6 =	vmul.f32 v15, v8;
	v11 =	vld [tilespmem:s25+$0x200]  }
0x178: {  	v8 =	vmul.f32 v17, v8;
	v15 =	vld [tilespmem:s23+$0x0];
	v4 =	vadd.f32 v9, v4  }
0x179: {  	v5 =	vadd.f32 v6, v5;
	v16 =	vld [tilespmem:s7+$0x0]  }
.Ltmp2:
0x17a: {  	v8 =	vadd.f32 v8, v3;
	v7 =	vmul.f32 v7, v18;
	v3 =	vld [tilespmem:s25+$0x280];
	v4 =	vadd.f32 v13, v4;
	(pc) =	sbr.rel @p1 .LBB2_8-.Ltmp2, $4  }
0x17b: {  	v13 =	vmul.f32 v14, v18;
	v6 =	vld [tilespmem:s23+$0x200]  }
0x17c: {  	v9 =	vadd.f32 v7, v5;
	v5 =	vld [tilespmem:s7+$0x200];
	v14 =	vadd.f32 v12, v4  }
0x17d: {  	v8 =	vadd.f32 v13, v8;
	v12 =	vmul.f32 v15, v11;
	v4 =	vld [tilespmem:s25+$0x300]  }
0x17e: {  	v11 =	vmul.f32 v16, v11;
	v7 =	vld [tilespmem:s23+$0x400];
	v10 =	vadd.f32 v10, v14  }
0x17f: {  	v13 =	vld [tilespmem:s7+$0x400]  }
0x180: {  	v14 =	vld [tilespmem:s25+$0x380]  }
0x181: {  	v15 =	vld [tilespmem:s23+$0x600]  }
0x182: {  	v9 =	vadd.f32 v12, v9;
	v12 =	vld [tilespmem:s7+$0x600];
	v6 =	vmul.f32 v6, v3  }
0x183: {  	v8 =	vadd.f32 v11, v8;
	v3 =	vmul.f32 v5, v3  }
0x184: {  	v5 =	vadd.f32 v6, v9;
	v6 =	vmul.f32 v7, v4  }
0x185: {  	v3 =	vadd.f32 v3, v8;
	v4 =	vmul.f32 v13, v4  }
0x186: {  	v5 =	vadd.f32 v6, v5;
	v6 =	vmul.f32 v15, v14  }
0x187: {  	v2 =	vadd.f32 v2, v10;
	v3 =	vadd.f32 v4, v3;
	v4 =	vmul.f32 v12, v14  }
0x188: {  	s4 =	sshll.u32 s21, $0xD;
	v5 =	vadd.f32 v6, v5  }
0x189: {  	s22 =	sadd.s32 s13, s4;
	[tilespmem:s0+$0x0] =	vst v2;
	v2 =	vadd.f32 v4, v3  }
0x18a: {  	s0 =	sshrl.u32 s22, $0x3;
	[tilespmem:s30+$0x0] =	vst v5  }
0x18b: {  	s23 =	simm.s32 $0x19000;
	s25 =	simm.s32 $0x0;
	s0 =	sadd.s32 s1, s0;
	[tilespmem:s30+$0x80] =	vst v2  }
0x18c: {  	[hbm4b:s0+s15] =	stream.strided.scatter [tilespmem:s23], [sflag:$0x4], $0x400, s10, s15, $0x38;
	[tilespmem:$0x19800] =	vst v63  }
0x18d: {  	s22 =	simm.s32 $0x10;
	s0 =	sand.u32 $0x3FFFFE00, s25;
	_ =	swait.ge [sflag:s24], $0x800  }
0x18e: {  	s8 =	sand.u32 $0x70, s22;
	s30 =	sadd.s32 $0x10000, s0;
	[sflag:s24] =	ssyncset.done $0x0  }
0x18f: {  	s9 =	sor.u32 s8, s30;
	[sflag:s24] =	ssyncadd.s32 $0xFFFFF800  }
0x190: {  	s0 =	simm.s32 $0x0;
	v2 =	vld [tilespmem:s9+$0x100]  }
0x191: {  	s4 =	sand.u32 $0x60, s0;
	v3 =	vld [tilespmem:s9+$0x0]  }
0x192: {  	s7 =	sor.u32 s4, s30;
	v4 =	vld [tilespmem:s9+$0x80]  }
0x193: {  	v5 =	vld [tilespmem:s7+$0x0];
	_ =	sdelay $0x2  }
0x194: {  	v6 =	vld [tilespmem:s7+$0x80];
	v2 =	vmul.f32 v2, v1  }
0x195: {  	v3 =	vmul.f32 v3, v1;
	v4 =	vmul.f32 v4, v1  }
0x196: {  	v8 =	vmul.f32 v5, v1;
	v5 =	vtrunc.f32 v2  }
0x197: {  	v7 =	vtrunc.f32 v3;
	v9 =	vtrunc.f32 v4  }
0x198: {  	v7 =	vcvt.f32.s32 v7;
	v5 =	vcvt.f32.s32 v5  }
0x199: {  	v6 =	vmul.f32 v6, v1;
	v9 =	vcvt.f32.s32 v9  }
0x19a: {  	v10 =	vcvt.s32.f32 v7;
	v11 =	vcvt.s32.f32 v5  }
0x19b: {  	v12 =	vtrunc.f32 v8;
	v13 =	vcvt.s32.f32 v9  }
0x19c: {  	vm0 =	vlt.f32 v3, v10;
	vm1 =	vlt.f32 v2, v11;
	v14 =	vadd.f32 $-1.000000000e+00, v11  }
0x19d: {  	v15 =	vadd.f32 $-1.000000000e+00, v10;
	vm2 =	vlt.f32 v4, v13;
	v16 =	vadd.f32 $-1.000000000e+00, v13  }
0x19e: {  	v17 =	vsel vm0, $0xFFFFFFFF, v0;
	v18 =	vsel vm2, $0xFFFFFFFF, v0;
	v19 =	vsel vm1, $0xFFFFFFFF, v0  }
0x19f: {  	v7 =	vadd.s32 v7, v17;
	v10 =	vsel vm0, v15, v10;
	v13 =	vsel vm2, v16, v13  }
0x1a0: {  	v9 =	vadd.s32 v9, v18;
	v5 =	vadd.s32 v5, v19;
	v10 =	vsub.f32 v3, v10  }
0x1a1: {  	v4 =	vsub.f32 v4, v13;
	v3 =	vsel vm1, v14, v11;
	v9 =	vmul.u32 $0x9E3779B1, v9  }
0x1a2: {  	v14 =	vtrunc.f32 v6;
	v15 =	vmul.u32 $0x30025795, v5;
	v2 =	vsub.f32 v2, v3  }
0x1a3: {  	v52 =	vadd.s32 $0x1, v7;
	v11 =	vsub.f32 $1.000000000e+00, v10;
	v13 =	vsub.f32 $1.000000000e+00, v4  }
0x1a4: {  	v14 =	vcvt.f32.s32 v14;
	v17 =	vxor.u32 v7, v9;
	v20 =	vadd.s32 $0x9E3779B1, v9  }
0x1a5: {  	s23 =	simm.s32 $0x0;
	v9 =	vxor.u32 v52, v9;
	v53 =	vsub.f32 $1.000000000e+00, v2;
	v54 =	vmul.f32 v13, v11  }
0x1a6: {  	s25 =	sand.u32 $0x3FFFFC00, s23;
	v5 =	vxor.u32 v15, v17;
	v22 =	vxor.u32 v7, v20;
	v7 =	vxor.u32 v15, v9  }
0x1a7: {  	s30 =	sadd.s32 $0x13000, s25;
	v3 =	vld [tilespmem:s7+$0x100];
	s7 =	simm.s32 $0x11810;
	v13 =	vmul.f32 v13, v10;
	v5 =	vand.u32 $0x7FFFF, v5;
	v21 =	vmul.f32 v53, v54  }
0x1a8: {  	s8 =	sor.u32 s8, s30;
	v58 =	vcvt.s32.f32 v14;
	v11 =	vmul.f32 v4, v11;
	v7 =	vand.u32 $0x7FFFF, v7;
	[tilespmem:s7+$0xFFFFF800] =	vst v5  }
0x1a9: {  	v10 =	vmul.f32 v4, v10;
	v4 =	vxor.u32 v15, v22;
	v23 =	vmul.f32 v53, v13;
	[tilespmem:s8+$0x0] =	vst v21  }
0x1aa: {  	v5 =	vcvt.f32.s32 v12;
	v12 =	vxor.u32 v52, v20;
	v4 =	vand.u32 $0x7FFFF, v4;
	[tilespmem:s7+$0xFFFFFA00] =	vst v7  }
0x1ab: {  	v60 =	vadd.f32 $-1.000000000e+00, v58;
	vm1 =	vlt.f32 v6, v58;
	v7 =	vmul.f32 v53, v11;
	[tilespmem:s8+$0x80] =	vst v23  }
0x1ac: {  	v3 =	vmul.f32 v3, v1;
	v20 =	vxor.u32 v15, v12;
	v59 =	vmul.f32 v54, v2;
	[tilespmem:s7+$0xFFFFFC00] =	vst v4  }
0x1ad: {  	v56 =	vand.u32 $0x7FFFF, v20;
	v4 =	vadd.s32 $0x30025795, v15;
	v15 =	vmul.f32 v53, v10;
	[tilespmem:s8+$0x100] =	vst v7  }
0x1ae: {  	v57 =	vcvt.s32.f32 v5;
	v55 =	vtrunc.f32 v3;
	v17 =	vxor.u32 v17, v4;
	[tilespmem:s7+$0xFFFFFE00] =	vst v56  }
0x1af: {  	v13 =	vmul.f32 v13, v2;
	v7 =	vcvt.f32.s32 v55;
	v17 =	vand.u32 $0x7FFFF, v17;
	[tilespmem:s8+$0x180] =	vst v15  }
0x1b0: {  	vm0 =	vlt.f32 v8, v57;
	v11 =	vmul.f32 v2, v11;
	v9 =	vxor.u32 v9, v4;
	[tilespmem:s7+$0x0] =	vst v17  }
0x1b1: {  	v9 =	vand.u32 $0x7FFFF, v9;
	v15 =	vadd.f32 $-1.000000000e+00, v57;
	v61 =	vcvt.s32.f32 v7;
	[tilespmem:s8+$0x200] =	vst v59  }
0x1b2: {  	v2 =	vmul.f32 v2, v10;
	v62 =	vxor.u32 v4, v22;
	v12 =	vxor.u32 v4, v12;
	[tilespmem:s7+$0x200] =	vst v9  }
0x1b3: {  	v63 =	vadd.f32 $-1.000000000e+00, v61;
	v9 =	vsel vm0, v15, v57;
	v15 =	vand.u32 $0x7FFFF, v62;
	[tilespmem:s8+$0x280] =	vst v13  }
0x1b4: {  	v13 =	vsel vm1, v60, v58;
	v4 =	vsub.f32 v8, v9;
	v8 =	vand.u32 $0x7FFFF, v12;
	[tilespmem:s7+$0x400] =	vst v15  }
0x1b5: {  	v9 =	vsel vm1, $0xFFFFFFFF, v0;
	vm1 =	vlt.f32 v3, v61;
	v6 =	vsub.f32 v6, v13;
	[tilespmem:s8+$0x300] =	vst v11  }
0x1b6: {  	v12 =	vsel vm1, v63, v61;
	v11 =	vsel vm1, $0xFFFFFFFF, v0;
	[tilespmem:s7+$0x600] =	vst v8;
	v8 =	vadd.s32 v14, v9  }
0x1b7: {  	s29 =	simm.s32 $0x0;
	s25 =	sand.u32 $0x1E0, s0;
	s23 =	sor.u32 s4, s30;
	v9 =	vsub.f32 $1.000000000e+00, v4;
	v10 =	vsub.f32 $1.000000000e+00, v6;
	[tilespmem:s8+$0x380] =	vst v2;
	v8 =	vmul.u32 $0x9E3779B1, v8  }
.LBB2_10:
0x1b8: {  	s29 =	sadd.s32 $0x2, s29;
	v2 =	vsel vm0, $0xFFFFFFFF, v0;
	v7 =	vadd.s32 v7, v11;
	v3 =	vsub.f32 v3, v12  }
0x1b9: {  	s0 =	sshll.u32 s29, $0x6;
	p1 =	slt.u32 s29, $0x1E;
	v2 =	vadd.s32 v5, v2;
	v5 =	vmul.u32 $0x30025795, v7;
	v7 =	vmul.f32 v10, v9  }
0x1ba: {  	s22 =	sadd.s32 $0x20, s22;
	v11 =	vadd.s32 $0x9E3779B1, v8;
	v10 =	vmul.f32 v10, v4;
	v9 =	vmul.f32 v6, v9;
	s0 =	sand.u32 $0x3FFFFE00, s0  }
0x1bb: {  	s4 =	sadd.s32 $0xFFFFFFF0, s22;
	s30 =	sand.u32 $0x70, s22;
	v4 =	vmul.f32 v6, v4;
	v12 =	vadd.s32 $0x1, v2;
	v13 =	vsub.f32 $1.000000000e+00, v3;
	s8 =	sadd.s32 $0x10000, s0  }
0x1bc: {  	v14 =	vxor.u32 v2, v11;
	s0 =	sand.u32 $0x60, s4;
	s4 =	sand.u32 $0x1E0, s4;
	v6 =	vadd.s32 $0x30025795, v5;
	v11 =	vxor.u32 v12, v11;
	s9 =	sor.u32 s30, s8  }
0x1bd: {  	v16 =	vxor.u32 v2, v8;
	v8 =	vxor.u32 v12, v8;
	s8 =	sor.u32 s0, s8;
	v12 =	vmul.f32 v13, v7;
	v15 =	vld [tilespmem:s9+$0x100]  }
0x1be: {  	v20 =	vxor.u32 v5, v14;
	v18 =	vmul.f32 v13, v10;
	v19 =	vmul.f32 v13, v9;
	v17 =	vld [tilespmem:s9+$0x0]  }
0x1bf: {  	v7 =	vmul.f32 v7, v3;
	v10 =	vmul.f32 v10, v3;
	v22 =	vxor.u32 v5, v11;
	v21 =	vld [tilespmem:s9+$0x80]  }
0x1c0: {  	v13 =	vmul.f32 v13, v4;
	v9 =	vmul.f32 v3, v9;
	v14 =	vxor.u32 v6, v14;
	v23 =	vld [tilespmem:s8+$0x0]  }
0x1c1: {  	v2 =	vmul.f32 v3, v4;
	v3 =	vxor.u32 v5, v16;
	v11 =	vxor.u32 v6, v11;
	v24 =	vld [tilespmem:s8+$0x80]  }
0x1c2: {  	v5 =	vxor.u32 v5, v8;
	v16 =	vxor.u32 v16, v6;
	v8 =	vxor.u32 v8, v6;
	v25 =	vld [tilespmem:s8+$0x100]  }
0x1c3: {  	v20 =	vand.u32 $0x7FFFF, v20;
	v22 =	vand.u32 $0x7FFFF, v22;
	v15 =	vmul.f32 v15, v1  }
0x1c4: {  	v14 =	vand.u32 $0x7FFFF, v14;
	v17 =	vmul.f32 v17, v1;
	v21 =	vmul.f32 v21, v1  }
0x1c5: {  	v11 =	vand.u32 $0x7FFFF, v11;
	v6 =	vtrunc.f32 v15;
	v4 =	vmul.f32 v23, v1  }
0x1c6: {  	v3 =	vand.u32 $0x7FFFF, v3;
	v23 =	vtrunc.f32 v17;
	v26 =	vtrunc.f32 v21  }
0x1c7: {  	v27 =	vcvt.f32.s32 v6;
	v23 =	vcvt.f32.s32 v23;
	[tilespmem:s7+$0xFFFFF7F0] =	vst v3;
	v3 =	vand.u32 $0x7FFFF, v5  }
0x1c8: {  	v6 =	vmul.f32 v24, v1;
	v5 =	vcvt.f32.s32 v26;
	[tilespmem:s23+$0x0] =	vst v12;
	v12 =	vand.u32 $0x7FFFF, v16  }
0x1c9: {  	v24 =	vcvt.s32.f32 v27;
	v16 =	vcvt.s32.f32 v23;
	[tilespmem:s25+$0x11200] =	vst v3;
	v3 =	vand.u32 $0x7FFFF, v8  }
0x1ca: {  	v8 =	vtrunc.f32 v4;
	v26 =	vcvt.s32.f32 v5;
	[tilespmem:s23+$0x80] =	vst v18  }
0x1cb: {  	vm1 =	vlt.f32 v15, v24;
	vm0 =	vlt.f32 v17, v16;
	v18 =	vadd.f32 $-1.000000000e+00, v24;
	[tilespmem:s25+$0x11400] =	vst v20  }
0x1cc: {  	v20 =	vadd.f32 $-1.000000000e+00, v16;
	vm2 =	vlt.f32 v21, v26;
	v28 =	vadd.f32 $-1.000000000e+00, v26;
	[tilespmem:s23+$0x100] =	vst v19  }
0x1cd: {  	v30 =	vsel vm1, $0xFFFFFFFF, v0;
	v19 =	vsel vm0, $0xFFFFFFFF, v0;
	v29 =	vsel vm2, $0xFFFFFFFF, v0;
	[tilespmem:s25+$0x11600] =	vst v22  }
0x1ce: {  	v19 =	vadd.s32 v23, v19;
	v16 =	vsel vm0, v20, v16;
	v20 =	vsel vm2, v28, v26;
	[tilespmem:s23+$0x180] =	vst v13  }
0x1cf: {  	v13 =	vsub.f32 v17, v16;
	v16 =	vsub.f32 v21, v20;
	v17 =	vsel vm1, v18, v24;
	[tilespmem:s25+$0x11800] =	vst v12  }
0x1d0: {  	v5 =	vadd.s32 v5, v29;
	v12 =	vadd.s32 v27, v30;
	v15 =	vsub.f32 v15, v17;
	[tilespmem:s23+$0x200] =	vst v7  }
0x1d1: {  	v5 =	vmul.u32 $0x9E3779B1, v5;
	v7 =	vsub.f32 $1.000000000e+00, v13;
	v17 =	vsub.f32 $1.000000000e+00, v16;
	[tilespmem:s25+$0x11A00] =	vst v3  }
0x1d2: {  	v18 =	vtrunc.f32 v6;
	v20 =	vadd.s32 $0x1, v19;
	v12 =	vmul.u32 $0x30025795, v12;
	[tilespmem:s23+$0x280] =	vst v10  }
0x1d3: {  	s8 =	sshll.u32 s29, $0x7;
	v21 =	vsub.f32 $1.000000000e+00, v15;
	v10 =	vxor.u32 v19, v5;
	v22 =	vmul.f32 v17, v7;
	[tilespmem:s25+$0x11C00] =	vst v14  }
0x1d4: {  	s8 =	sand.u32 $0x3FFFFC00, s8;
	v23 =	vxor.u32 v20, v5;
	v14 =	vadd.s32 $0x9E3779B1, v5;
	v3 =	vxor.u32 v12, v10;
	[tilespmem:s23+$0x300] =	vst v9  }
0x1d5: {  	s8 =	sadd.s32 $0x13000, s8;
	s7 =	sadd.s32 $0x20, s7;
	v9 =	vmul.f32 v17, v13;
	v5 =	vmul.f32 v21, v22;
	v17 =	vand.u32 $0x7FFFF, v3;
	[tilespmem:s25+$0x11E00] =	vst v11;
	s25 =	smov.u32 s4  }
0x1d6: {  	s0 =	sor.u32 s0, s8;
	v3 =	vmul.f32 v25, v1;
	v11 =	vxor.u32 v19, v14;
	s4 =	sor.u32 s30, s8;
	[tilespmem:s7+$0xFFFFF800] =	vst v17;
	v17 =	vxor.u32 v12, v23  }
0x1d7: {  	v19 =	vmul.f32 v16, v7;
	v7 =	vmul.f32 v21, v9;
	[tilespmem:s4+$0x0] =	vst v5;
	v17 =	vand.u32 $0x7FFFF, v17  }
0x1d8: {  	v5 =	vcvt.f32.s32 v8;
	v8 =	vmul.f32 v16, v13;
	v13 =	vxor.u32 v12, v11;
	[tilespmem:s7+$0xFFFFFA00] =	vst v17  }
0x1d9: {  	v14 =	vxor.u32 v20, v14;
	v16 =	vmul.f32 v21, v19;
	[tilespmem:s4+$0x80] =	vst v7;
	v7 =	vand.u32 $0x7FFFF, v13  }
0x1da: {  	v17 =	vtrunc.f32 v3;
	v13 =	vcvt.f32.s32 v18;
	[tilespmem:s7+$0xFFFFFC00] =	vst v7;
	v7 =	vxor.u32 v12, v14  }
0x1db: {  	v18 =	vmul.f32 v21, v8;
	v12 =	vadd.s32 $0x30025795, v12;
	[tilespmem:s4+$0x100] =	vst v16;
	v7 =	vand.u32 $0x7FFFF, v7  }
0x1dc: {  	v16 =	vcvt.s32.f32 v5;
	v20 =	vcvt.s32.f32 v13;
	v10 =	vxor.u32 v10, v12;
	[tilespmem:s7+$0xFFFFFE00] =	vst v7  }
0x1dd: {  	v7 =	vcvt.f32.s32 v17;
	v17 =	vmul.f32 v22, v15;
	v10 =	vand.u32 $0x7FFFF, v10;
	[tilespmem:s4+$0x180] =	vst v18  }
0x1de: {  	v18 =	vadd.f32 $-1.000000000e+00, v16;
	v21 =	vadd.f32 $-1.000000000e+00, v20;
	[tilespmem:s7+$0x0] =	vst v10;
	v10 =	vxor.u32 v23, v12  }
0x1df: {  	v9 =	vmul.f32 v9, v15;
	v22 =	vcvt.s32.f32 v7;
	[tilespmem:s4+$0x200] =	vst v17;
	v10 =	vand.u32 $0x7FFFF, v10  }
0x1e0: {  	vm0 =	vlt.f32 v4, v16;
	vm1 =	vlt.f32 v6, v20;
	[tilespmem:s7+$0x200] =	vst v10;
	v10 =	vxor.u32 v12, v11  }
0x1e1: {  	v11 =	vsel vm0, v18, v16;
	v16 =	vmul.f32 v15, v19;
	[tilespmem:s4+$0x280] =	vst v9;
	v9 =	vand.u32 $0x7FFFF, v10  }
.Ltmp3:
0x1e2: {  	v17 =	vadd.f32 $-1.000000000e+00, v22;
	v10 =	vsel vm1, v21, v20;
	[tilespmem:s7+$0x400] =	vst v9;
	v9 =	vxor.u32 v12, v14;
	(pc) =	sbr.rel @p1 .LBB2_10-.Ltmp3, $4  }
0x1e3: {  	v8 =	vmul.f32 v15, v8;
	v4 =	vsub.f32 v4, v11;
	[tilespmem:s4+$0x300] =	vst v16;
	v9 =	vand.u32 $0x7FFFF, v9  }
0x1e4: {  	v11 =	vsel vm1, $0xFFFFFFFF, v0;
	vm1 =	vlt.f32 v3, v22;
	v6 =	vsub.f32 v6, v10;
	[tilespmem:s7+$0x600] =	vst v9  }
0x1e5: {  	v12 =	vsel vm1, v17, v22;
	v9 =	vadd.s32 v13, v11;
	v11 =	vsel vm1, $0xFFFFFFFF, v0;
	[tilespmem:s4+$0x380] =	vst v8  }
0x1e6: {  	v10 =	vsub.f32 $1.000000000e+00, v6;
	v8 =	vmul.u32 $0x9E3779B1, v9;
	v9 =	vsub.f32 $1.000000000e+00, v4;
	[tilespmem:s23+$0x380] =	vst v2;
	s23 =	smov.u32 s0  }
0x1e7: {  	v2 =	vsel vm0, $0xFFFFFFFF, v0;
	v7 =	vadd.s32 v7, v11;
	v3 =	vsub.f32 v3, v12  }
0x1e8: {  	v2 =	vadd.s32 v5, v2;
	v5 =	vmul.u32 $0x30025795, v7  }
0x1e9: {  	v7 =	vmul.f32 v10, v9;
	v11 =	vsub.f32 $1.000000000e+00, v3;
	v12 =	vxor.u32 v2, v8  }
0x1ea: {  	v10 =	vmul.f32 v10, v4;
	v13 =	vadd.s32 $0x1, v2;
	v14 =	vxor.u32 v5, v12  }
0x1eb: {  	v15 =	vxor.u32 v13, v8;
	v16 =	vmul.f32 v11, v7;
	v14 =	vand.u32 $0x7FFFF, v14  }
0x1ec: {  	v9 =	vmul.f32 v6, v9;
	v8 =	vadd.s32 $0x9E3779B1, v8;
	v17 =	vxor.u32 v5, v15;
	[tilespmem:s7+$0xFFFFF7F0] =	vst v14  }
0x1ed: {  	v2 =	vxor.u32 v2, v8;
	v14 =	vmul.f32 v11, v10;
	v17 =	vand.u32 $0x7FFFF, v17;
	[tilespmem:s23+$0x0] =	vst v16  }
0x1ee: {  	v4 =	vmul.f32 v6, v4;
	v6 =	vxor.u32 v5, v2;
	[tilespmem:s25+$0x11200] =	vst v17  }
0x1ef: {  	v8 =	vxor.u32 v13, v8;
	v13 =	vmul.f32 v11, v9;
	v6 =	vand.u32 $0x7FFFF, v6;
	[tilespmem:s23+$0x80] =	vst v14  }
0x1f0: {  	v14 =	vxor.u32 v5, v8;
	[tilespmem:s25+$0x11400] =	vst v6  }
0x1f1: {  	v5 =	vadd.s32 $0x30025795, v5;
	v6 =	vmul.f32 v11, v4;
	v11 =	vand.u32 $0x7FFFF, v14;
	[tilespmem:s23+$0x100] =	vst v13  }
0x1f2: {  	v12 =	vxor.u32 v12, v5;
	[tilespmem:s25+$0x11600] =	vst v11  }
0x1f3: {  	v7 =	vmul.f32 v7, v3;
	v11 =	vand.u32 $0x7FFFF, v12;
	[tilespmem:s23+$0x180] =	vst v6  }
0x1f4: {  	v6 =	vxor.u32 v15, v5;
	[tilespmem:s25+$0x11800] =	vst v11  }
0x1f5: {  	v10 =	vmul.f32 v10, v3;
	v6 =	vand.u32 $0x7FFFF, v6;
	[tilespmem:s23+$0x200] =	vst v7  }
0x1f6: {  	v2 =	vxor.u32 v5, v2;
	[tilespmem:s25+$0x11A00] =	vst v6  }
0x1f7: {  	v2 =	vand.u32 $0x7FFFF, v2;
	v6 =	vmul.f32 v3, v9;
	[tilespmem:s23+$0x280] =	vst v10  }
0x1f8: {  	v5 =	vxor.u32 v5, v8;
	[tilespmem:s25+$0x11C00] =	vst v2  }
0x1f9: {  	v2 =	vmul.f32 v3, v4;
	v3 =	vand.u32 $0x7FFFF, v5;
	[tilespmem:s23+$0x300] =	vst v6  }
0x1fa: {  	[tilespmem:s25+$0x11E00] =	vst v3  }
0x1fb: {  	s0 =	simm.s32 $0x15000;
	s18 =	sadd.s32 s18, s14;
	[tilespmem:s23+$0x380] =	vst v2  }
0x1fc: {  	[tilespmem:s0], [sflag:$0x1] =	stream.indirect.gather [spmem:s2], $0x1, s28, s26, $0xb8;
	[tilespmem:$0x19800] =	vst v63  }
0x1fd: {  	s9 =	simm.s32 $0x16000;
	s0 =	sshrl.u32 s18, $0x1  }
0x1fe: {  	[tilespmem:s9], [sflag:$0x1] =	stream.indirect.gather [spmem:s3], $0x1, s28, s26, $0xb8;
	[tilespmem:$0x19800] =	vst v63  }
0x1ff: {  	s4 =	simm.s32 $0x10800;
	s0 =	sadd.s32 s6, s0  }
0x200: {  	[tilespmem:s4], [sflag:$0x3] =	stream.linear.gather [hbm4b:s0+s5], $0x800, $0x38;
	[tilespmem:$0x19800] =	vst v63  }
0x201: {  	s0 =	simm.s32 @!p0 $0x5  }
0x202: {  	_ =	swait.ge @!p0 [sflag:s0], $0x400  }
0x203: {  	[sflag:s0] =	ssyncset.done @!p0 $0x0  }
0x204: {  	[sflag:s0] =	ssyncadd.s32 @!p0 $0xFFFFFC00  }
0x205: {  	_ =	swait.ge [sflag:s11], $0x1000  }
0x206: {  	[sflag:s11] =	ssyncset.done $0x0  }
0x207: {  	[sflag:s11] =	ssyncadd.s32 $0xFFFFF000  }
0x208: {  	s22 =	simm.s32 $0x0;
	s7 =	simm.s32 $0x18800;
	_ =	swait.ge [sflag:s11], $0x1000  }
0x209: {  	s23 =	simm.s32 $0x10;
	s0 =	sand.u32 $0x3FFFFC00, s22;
	[sflag:s11] =	ssyncset.done $0x0  }
0x20a: {  	s25 =	sand.u32 $0x70, s23;
	s8 =	sadd.s32 $0x14000, s0;
	[sflag:s11] =	ssyncadd.s32 $0xFFFFF000  }
0x20b: {  	s9 =	sor.u32 s25, s8;
	v2 =	vld [tilespmem:s7+$0xFFFFF810]  }
0x20c: {  	v3 =	vld [tilespmem:s9+$0x0]  }
0x20d: {  	v4 =	vld [tilespmem:s7+$0xFFFFFA10]  }
0x20e: {  	v5 =	vld [tilespmem:s9+$0x80]  }
0x20f: {  	v6 =	vld [tilespmem:s7+$0xFFFFFC10]  }
0x210: {  	v7 =	vld [tilespmem:s9+$0x100]  }
0x211: {  	v8 =	vld [tilespmem:s7+$0xFFFFFE10]  }
0x212: {  	v9 =	vld [tilespmem:s9+$0x180]  }
0x213: {  	v10 =	vld [tilespmem:s7+$0x10]  }
0x214: {  	v11 =	vld [tilespmem:s9+$0x200]  }
0x215: {  	v12 =	vld [tilespmem:s7+$0x210]  }
0x216: {  	v13 =	vld [tilespmem:s9+$0x280]  }
0x217: {  	v14 =	vld [tilespmem:s7+$0x410]  }
0x218: {  	s18 =	simm.s32 $0x0;
	v15 =	vld [tilespmem:s9+$0x300]  }
0x219: {  	s4 =	sand.u32 $0x60, s18;
	v56 =	vld [tilespmem:s7+$0x610]  }
0x21a: {  	s23 =	sor.u32 s4, s8;
	v57 =	vld [tilespmem:s9+$0x380]  }
0x21b: {  	s22 =	simm.s32 $0x17800;
	v18 =	vld [tilespmem:s23+$0x0]  }
0x21c: {  	v19 =	vld [tilespmem:s22+$0x610]  }
0x21d: {  	v20 =	vld [tilespmem:s22+$0x410]  }
0x21e: {  	v21 =	vld [tilespmem:s22+$0x210]  }
0x21f: {  	v22 =	vld [tilespmem:s22+$0x10];
	v2 =	vmul.f32 v2, v3  }
0x220: {  	v23 =	vld [tilespmem:s22+$0xFFFFFE10]  }
0x221: {  	v24 =	vld [tilespmem:s22+$0xFFFFFC10];
	v4 =	vmul.f32 v4, v5;
	v2 =	vadd.f32 $0.0e+00, v2  }
0x222: {  	v25 =	vld [tilespmem:s22+$0xFFFFFA10]  }
0x223: {  	v2 =	vadd.f32 v4, v2;
	v4 =	vmul.f32 v6, v7;
	v6 =	vld [tilespmem:s22+$0xFFFFF810]  }
0x224: {  	v26 =	vld [tilespmem:s22+$0xFFFFF800]  }
0x225: {  	v27 =	vld [tilespmem:s23+$0x80]  }
0x226: {  	v58 =	vld [tilespmem:s22+$0xFFFFFC00];
	v2 =	vadd.f32 v4, v2;
	v4 =	vmul.f32 v8, v9  }
0x227: {  	v8 =	vld [tilespmem:s7+$0xFFFFF800]  }
0x228: {  	v2 =	vadd.f32 v4, v2;
	v4 =	vmul.f32 v10, v11;
	v10 =	vld [tilespmem:s22+$0xFFFFFA00];
	v3 =	vmul.f32 v6, v3  }
0x229: {  	v61 =	vld [tilespmem:s23+$0x200];
	v5 =	vmul.f32 v25, v5;
	v59 =	vmul.f32 v26, v18  }
0x22a: {  	v6 =	vld [tilespmem:s7+$0xFFFFFA00];
	v2 =	vadd.f32 v4, v2;
	v4 =	vmul.f32 v12, v13;
	v3 =	vadd.f32 $0.0e+00, v3  }
0x22b: {  	v7 =	vmul.f32 v24, v7;
	v11 =	vmul.f32 v22, v11;
	v12 =	vld [tilespmem:s23+$0x100]  }
0x22c: {  	v2 =	vadd.f32 v4, v2;
	v4 =	vmul.f32 v14, v15;
	v14 =	vld [tilespmem:s7+$0xFFFFFC00];
	v3 =	vadd.f32 v5, v3  }
0x22d: {  	v60 =	vadd.f32 $0.0e+00, v59;
	v8 =	vmul.f32 v8, v18;
	v5 =	vld [tilespmem:s23+$0x180];
	v10 =	vmul.f32 v10, v27  }
0x22e: {  	v2 =	vadd.f32 v4, v2;
	v4 =	vmul.f32 v23, v9;
	v9 =	vld [tilespmem:s22+$0xFFFFFE00];
	v3 =	vadd.f32 v7, v3  }
0x22f: {  	v8 =	vadd.f32 $0.0e+00, v8;
	v6 =	vmul.f32 v6, v27;
	v7 =	vld [tilespmem:s7+$0xFFFFFE00];
	v10 =	vadd.f32 v10, v60  }
0x230: {  	v63 =	vld [tilespmem:s22+$0x0];
	v62 =	vmul.f32 v58, v12;
	v3 =	vadd.f32 v4, v3;
	v4 =	vmul.f32 v21, v13  }
0x231: {  	s30 =	simm.s32 $0x0;
	v6 =	vadd.f32 v6, v8;
	v8 =	vmul.f32 v14, v12;
	v13 =	vld [tilespmem:s7+$0x0];
	v12 =	vmul.f32 v56, v57  }
0x232: {  	s8 =	sand.u32 $0x3FFFFF00, s30;
	v10 =	vadd.f32 v62, v10;
	v11 =	vadd.f32 v11, v3;
	v3 =	vld [tilespmem:s23+$0x280]  }
0x233: {  	s8 =	sadd.s32 $0x19400, s8;
	v8 =	vadd.f32 v8, v6;
	v9 =	vmul.f32 v9, v5;
	v6 =	vld [tilespmem:s22+$0x200];
	v12 =	vadd.f32 v12, v2  }
0x234: {  	s0 =	sor.u32 s25, s8;
	v14 =	vmul.f32 v20, v15;
	v7 =	vmul.f32 v7, v5;
	v5 =	vld [tilespmem:s7+$0x200];
	v15 =	vadd.f32 v4, v11  }
0x235: {  	v2 =	vmul.f32 v19, v57;
	v9 =	vadd.f32 v9, v10;
	v4 =	vld [tilespmem:s23+$0x300];
	[tilespmem:s0+$0x80] =	vst v12;
	v12 =	vmul.f32 v63, v61  }
0x236: {  	s25 =	simm.s32 $0x0;
	s29 =	sor.u32 s4, s8;
	v8 =	vadd.f32 v7, v8;
	v11 =	vmul.f32 v13, v61;
	v7 =	vld [tilespmem:s22+$0x400];
	v10 =	vadd.f32 v14, v15  }
.LBB2_12:
0x237: {  	s25 =	sadd.s32 $0x2, s25;
	v9 =	vadd.f32 v12, v9;
	v12 =	vld [tilespmem:s7+$0x400]  }
0x238: {  	s18 =	sadd.s32 $0x20, s18;
	s8 =	sshll.u32 s25, $0x7;
	p0 =	slt.u32 s25, $0x1E;
	v8 =	vadd.f32 v11, v8;
	v6 =	vmul.f32 v6, v3;
	v11 =	vld [tilespmem:s23+$0x380];
	v2 =	vadd.f32 v2, v10  }
0x239: {  	s4 =	sand.u32 $0x60, s18;
	s9 =	sadd.s32 $0x10, s18;
	s8 =	sand.u32 $0x3FFFFC00, s8;
	v3 =	vmul.f32 v5, v3;
	v5 =	vld [tilespmem:s22+$0x600]  }
0x23a: {  	s30 =	sadd.s32 $0x14000, s8;
	s8 =	sand.u32 $0x70, s9;
	v6 =	vadd.f32 v6, v9;
	v9 =	vld [tilespmem:s7+$0x600];
	[tilespmem:s0+$0x0] =	vst v2;
	s7 =	sadd.s32 $0x20, s7  }
0x23b: {  	s23 =	sor.u32 s4, s30;
	s0 =	sor.u32 s8, s30;
	v2 =	vld [tilespmem:s7+$0xFFFFF810];
	v3 =	vadd.f32 v3, v8;
	v7 =	vmul.f32 v7, v4  }
0x23c: {  	v8 =	vld [tilespmem:s0+$0x0];
	v4 =	vmul.f32 v12, v4  }
0x23d: {  	v10 =	vld [tilespmem:s7+$0xFFFFFA10];
	v6 =	vadd.f32 v7, v6  }
0x23e: {  	v7 =	vld [tilespmem:s0+$0x80];
	v3 =	vadd.f32 v4, v3;
	v4 =	vmul.f32 v5, v11  }
0x23f: {  	v5 =	vld [tilespmem:s7+$0xFFFFFC10];
	v9 =	vmul.f32 v9, v11  }
0x240: {  	v11 =	vld [tilespmem:s0+$0x100];
	v4 =	vadd.f32 v4, v6  }
0x241: {  	v2 =	vmul.f32 v2, v8;
	v6 =	vld [tilespmem:s7+$0xFFFFFE10];
	v3 =	vadd.f32 v9, v3  }
0x242: {  	v9 =	vld [tilespmem:s0+$0x180];
	[tilespmem:s29+$0x0] =	vst v4  }
0x243: {  	v2 =	vadd.f32 $0.0e+00, v2;
	v4 =	vmul.f32 v10, v7;
	v10 =	vld [tilespmem:s7+$0x10];
	[tilespmem:s29+$0x80] =	vst v3  }
0x244: {  	v3 =	vld [tilespmem:s0+$0x200]  }
0x245: {  	v2 =	vadd.f32 v4, v2;
	v4 =	vmul.f32 v5, v11;
	v5 =	vld [tilespmem:s7+$0x210]  }
0x246: {  	v12 =	vld [tilespmem:s0+$0x280]  }
0x247: {  	v2 =	vadd.f32 v4, v2;
	v4 =	vmul.f32 v6, v9;
	v6 =	vld [tilespmem:s7+$0x410]  }
0x248: {  	v13 =	vld [tilespmem:s0+$0x300]  }
0x249: {  	v2 =	vadd.f32 v4, v2;
	v4 =	vmul.f32 v10, v3;
	v10 =	vld [tilespmem:s7+$0x610]  }
0x24a: {  	v14 =	vld [tilespmem:s0+$0x380]  }
0x24b: {  	s22 =	sadd.s32 $0x20, s22;
	v15 =	vld [tilespmem:s23+$0x0];
	v2 =	vadd.f32 v4, v2;
	v4 =	vmul.f32 v5, v12  }
0x24c: {  	v5 =	vld [tilespmem:s22+$0x610]  }
0x24d: {  	v2 =	vadd.f32 v4, v2;
	v4 =	vld [tilespmem:s22+$0x410];
	v6 =	vmul.f32 v6, v13  }
0x24e: {  	v16 =	vld [tilespmem:s22+$0x210]  }
0x24f: {  	s0 =	sshll.u32 s25, $0x5;
	v17 =	vld [tilespmem:s22+$0x10];
	v6 =	vadd.f32 v6, v2;
	v10 =	vmul.f32 v10, v14  }
0x250: {  	s0 =	sand.u32 $0x3FFFFF00, s0;
	v18 =	vld [tilespmem:s22+$0xFFFFFE10]  }
0x251: {  	s0 =	sadd.s32 $0x19400, s0;
	v19 =	vld [tilespmem:s22+$0xFFFFFC10];
	v2 =	vmul.f32 v5, v14;
	v5 =	vadd.f32 v10, v6  }
0x252: {  	s29 =	sor.u32 s4, s0;
	s0 =	sor.u32 s8, s0;
	v6 =	vld [tilespmem:s22+$0xFFFFFA10];
	v10 =	vmul.f32 v4, v13  }
0x253: {  	v4 =	vld [tilespmem:s22+$0xFFFFF810];
	v12 =	vmul.f32 v16, v12;
	[tilespmem:s0+$0x80] =	vst v5  }
0x254: {  	v5 =	vld [tilespmem:s22+$0xFFFFF800];
	v13 =	vmul.f32 v17, v3  }
0x255: {  	v3 =	vld [tilespmem:s7+$0xFFFFF800];
	v9 =	vmul.f32 v18, v9  }
0x256: {  	v14 =	vld [tilespmem:s23+$0x80];
	v11 =	vmul.f32 v19, v11  }
0x257: {  	v16 =	vld [tilespmem:s22+$0xFFFFFA00];
	v6 =	vmul.f32 v6, v7  }
0x258: {  	v7 =	vld [tilespmem:s7+$0xFFFFFA00];
	v4 =	vmul.f32 v4, v8  }
0x259: {  	v5 =	vmul.f32 v5, v15;
	v8 =	vld [tilespmem:s23+$0x100]  }
0x25a: {  	v3 =	vmul.f32 v3, v15;
	v15 =	vld [tilespmem:s22+$0xFFFFFC00];
	v4 =	vadd.f32 $0.0e+00, v4  }
0x25b: {  	v5 =	vadd.f32 $0.0e+00, v5;
	v17 =	vld [tilespmem:s7+$0xFFFFFC00]  }
0x25c: {  	v3 =	vadd.f32 $0.0e+00, v3;
	v16 =	vmul.f32 v16, v14;
	v18 =	vld [tilespmem:s23+$0x180];
	v4 =	vadd.f32 v6, v4  }
0x25d: {  	v6 =	vmul.f32 v7, v14;
	v7 =	vld [tilespmem:s22+$0xFFFFFE00]  }
0x25e: {  	v5 =	vadd.f32 v16, v5;
	v14 =	vld [tilespmem:s7+$0xFFFFFE00];
	v4 =	vadd.f32 v11, v4  }
0x25f: {  	v3 =	vadd.f32 v6, v3;
	v6 =	vmul.f32 v15, v8;
	v11 =	vld [tilespmem:s23+$0x200]  }
0x260: {  	v8 =	vmul.f32 v17, v8;
	v15 =	vld [tilespmem:s22+$0x0];
	v4 =	vadd.f32 v9, v4  }
0x261: {  	v5 =	vadd.f32 v6, v5;
	v16 =	vld [tilespmem:s7+$0x0]  }
.Ltmp4:
0x262: {  	v8 =	vadd.f32 v8, v3;
	v7 =	vmul.f32 v7, v18;
	v3 =	vld [tilespmem:s23+$0x280];
	v4 =	vadd.f32 v13, v4;
	(pc) =	sbr.rel @p0 .LBB2_12-.Ltmp4, $4  }
0x263: {  	v13 =	vmul.f32 v14, v18;
	v6 =	vld [tilespmem:s22+$0x200]  }
0x264: {  	v9 =	vadd.f32 v7, v5;
	v5 =	vld [tilespmem:s7+$0x200];
	v14 =	vadd.f32 v12, v4  }
0x265: {  	v8 =	vadd.f32 v13, v8;
	v12 =	vmul.f32 v15, v11;
	v4 =	vld [tilespmem:s23+$0x300]  }
0x266: {  	v11 =	vmul.f32 v16, v11;
	v7 =	vld [tilespmem:s22+$0x400];
	v10 =	vadd.f32 v10, v14  }
0x267: {  	v13 =	vld [tilespmem:s7+$0x400]  }
0x268: {  	v14 =	vld [tilespmem:s23+$0x380]  }
0x269: {  	v15 =	vld [tilespmem:s22+$0x600]  }
0x26a: {  	v9 =	vadd.f32 v12, v9;
	v58 =	vld [tilespmem:s7+$0x600];
	v6 =	vmul.f32 v6, v3  }
0x26b: {  	v8 =	vadd.f32 v11, v8;
	v3 =	vmul.f32 v5, v3  }
0x26c: {  	v59 =	vadd.f32 v6, v9;
	v60 =	vmul.f32 v7, v4  }
0x26d: {  	v3 =	vadd.f32 v3, v8;
	v61 =	vmul.f32 v13, v4  }
0x26e: {  	s21 =	sadd.s32 $0x1, s21;
	v62 =	vmul.f32 v15, v14;
	v5 =	vadd.f32 v60, v59  }
0x26f: {  	v2 =	vadd.f32 v2, v10;
	p0 =	sne.s32 s21, $0xF;
	v63 =	vmul.f32 v58, v14;
	v3 =	vadd.f32 v61, v3  }
.Ltmp5:
0x270: {  	v5 =	vadd.f32 v62, v5;
	(pc) =	sbr.rel @p0 .LBB2_5-.Ltmp5, $4  }
0x271: {  	[tilespmem:s0+$0x0] =	vst v2;
	v2 =	vadd.f32 v63, v3  }
0x272: {  	[tilespmem:s29+$0x0] =	vst v5  }
0x273: {  	s30 =	sadd.s32 s17, s16;
	s4 =	simm.s32 $0x19400;
	[tilespmem:s29+$0x80] =	vst v2  }
0x274: {  	[hbm4b:s30+s15] =	stream.strided.scatter [tilespmem:s4], [sflag:$0x5], $0x400, s10, s15, $0x38;
	[tilespmem:$0x19800] =	vst v63  }
0x275: {  	s0 =	simm.s32 $0x0  }
0x276: {  	_ =	swait.ge [sflag:s24], $0x800;
	s13 =	simm.s32 $0x10;
	s0 =	sand.u32 $0x3FFFFE00, s0  }
0x277: {  	[sflag:s24] =	ssyncset.done $0x0;
	s8 =	sand.u32 $0x70, s13;
	s7 =	sadd.s32 $0x10800, s0  }
0x278: {  	[sflag:s24] =	ssyncadd.s32 $0xFFFFF800;
	s9 =	sor.u32 s8, s7  }
0x279: {  	s25 =	simm.s32 $0x0;
	v2 =	vld [tilespmem:s9+$0x100]  }
0x27a: {  	s4 =	sand.u32 $0x60, s25;
	v3 =	vld [tilespmem:s9+$0x0]  }
0x27b: {  	s7 =	sor.u32 s4, s7;
	v4 =	vld [tilespmem:s9+$0x80]  }
0x27c: {  	v5 =	vld [tilespmem:s7+$0x0];
	_ =	sdelay $0x2  }
0x27d: {  	v6 =	vld [tilespmem:s7+$0x80];
	v2 =	vmul.f32 v2, v1  }
0x27e: {  	v3 =	vmul.f32 v3, v1;
	v4 =	vmul.f32 v4, v1  }
0x27f: {  	v8 =	vmul.f32 v5, v1;
	v5 =	vtrunc.f32 v2  }
0x280: {  	v7 =	vtrunc.f32 v3;
	v9 =	vtrunc.f32 v4  }
0x281: {  	v7 =	vcvt.f32.s32 v7;
	v5 =	vcvt.f32.s32 v5  }
0x282: {  	v6 =	vmul.f32 v6, v1;
	v9 =	vcvt.f32.s32 v9  }
0x283: {  	v10 =	vcvt.s32.f32 v7;
	v11 =	vcvt.s32.f32 v5  }
0x284: {  	v12 =	vtrunc.f32 v8;
	v13 =	vcvt.s32.f32 v9  }
0x285: {  	vm0 =	vlt.f32 v3, v10;
	vm1 =	vlt.f32 v2, v11;
	v14 =	vadd.f32 $-1.000000000e+00, v11  }
0x286: {  	v15 =	vadd.f32 $-1.000000000e+00, v10;
	vm2 =	vlt.f32 v4, v13;
	v16 =	vadd.f32 $-1.000000000e+00, v13  }
0x287: {  	v17 =	vsel vm0, $0xFFFFFFFF, v0;
	v18 =	vsel vm2, $0xFFFFFFFF, v0;
	v19 =	vsel vm1, $0xFFFFFFFF, v0  }
0x288: {  	v7 =	vadd.s32 v7, v17;
	v10 =	vsel vm0, v15, v10;
	v13 =	vsel vm2, v16, v13  }
0x289: {  	v9 =	vadd.s32 v9, v18;
	v5 =	vadd.s32 v5, v19;
	v10 =	vsub.f32 v3, v10  }
0x28a: {  	v4 =	vsub.f32 v4, v13;
	v3 =	vsel vm1, v14, v11;
	v9 =	vmul.u32 $0x9E3779B1, v9  }
0x28b: {  	v14 =	vtrunc.f32 v6;
	v15 =	vmul.u32 $0x30025795, v5;
	v2 =	vsub.f32 v2, v3  }
0x28c: {  	v52 =	vadd.s32 $0x1, v7;
	v11 =	vsub.f32 $1.000000000e+00, v10;
	v13 =	vsub.f32 $1.000000000e+00, v4  }
0x28d: {  	v14 =	vcvt.f32.s32 v14;
	v17 =	vxor.u32 v7, v9;
	v20 =	vadd.s32 $0x9E3779B1, v9  }
0x28e: {  	s29 =	simm.s32 $0x0;
	v9 =	vxor.u32 v52, v9;
	v53 =	vsub.f32 $1.000000000e+00, v2;
	v54 =	vmul.f32 v13, v11  }
0x28f: {  	s30 =	sand.u32 $0x3FFFFC00, s29;
	v5 =	vxor.u32 v15, v17;
	v22 =	vxor.u32 v7, v20;
	v7 =	vxor.u32 v15, v9  }
0x290: {  	s16 =	sadd.s32 $0x14000, s30;
	v3 =	vld [tilespmem:s7+$0x100];
	s7 =	simm.s32 $0x12810;
	v13 =	vmul.f32 v13, v10;
	v5 =	vand.u32 $0x7FFFF, v5;
	v21 =	vmul.f32 v53, v54  }
0x291: {  	s8 =	sor.u32 s8, s16;
	v58 =	vcvt.s32.f32 v14;
	v11 =	vmul.f32 v4, v11;
	v7 =	vand.u32 $0x7FFFF, v7;
	[tilespmem:s7+$0xFFFFF800] =	vst v5  }
0x292: {  	v10 =	vmul.f32 v4, v10;
	v4 =	vxor.u32 v15, v22;
	v23 =	vmul.f32 v53, v13;
	[tilespmem:s8+$0x0] =	vst v21  }
0x293: {  	v5 =	vcvt.f32.s32 v12;
	v12 =	vxor.u32 v52, v20;
	v4 =	vand.u32 $0x7FFFF, v4;
	[tilespmem:s7+$0xFFFFFA00] =	vst v7  }
0x294: {  	v60 =	vadd.f32 $-1.000000000e+00, v58;
	vm1 =	vlt.f32 v6, v58;
	v7 =	vmul.f32 v53, v11;
	[tilespmem:s8+$0x80] =	vst v23  }
0x295: {  	v3 =	vmul.f32 v3, v1;
	v20 =	vxor.u32 v15, v12;
	v59 =	vmul.f32 v54, v2;
	[tilespmem:s7+$0xFFFFFC00] =	vst v4  }
0x296: {  	v56 =	vand.u32 $0x7FFFF, v20;
	v4 =	vadd.s32 $0x30025795, v15;
	v15 =	vmul.f32 v53, v10;
	[tilespmem:s8+$0x100] =	vst v7  }
0x297: {  	v57 =	vcvt.s32.f32 v5;
	v55 =	vtrunc.f32 v3;
	v17 =	vxor.u32 v17, v4;
	[tilespmem:s7+$0xFFFFFE00] =	vst v56  }
0x298: {  	v13 =	vmul.f32 v13, v2;
	v7 =	vcvt.f32.s32 v55;
	v17 =	vand.u32 $0x7FFFF, v17;
	[tilespmem:s8+$0x180] =	vst v15  }
0x299: {  	vm0 =	vlt.f32 v8, v57;
	v11 =	vmul.f32 v2, v11;
	v9 =	vxor.u32 v9, v4;
	[tilespmem:s7+$0x0] =	vst v17  }
0x29a: {  	v9 =	vand.u32 $0x7FFFF, v9;
	v15 =	vadd.f32 $-1.000000000e+00, v57;
	v61 =	vcvt.s32.f32 v7;
	[tilespmem:s8+$0x200] =	vst v59  }
0x29b: {  	v2 =	vmul.f32 v2, v10;
	v62 =	vxor.u32 v4, v22;
	v12 =	vxor.u32 v4, v12;
	[tilespmem:s7+$0x200] =	vst v9  }
0x29c: {  	v63 =	vadd.f32 $-1.000000000e+00, v61;
	v9 =	vsel vm0, v15, v57;
	v15 =	vand.u32 $0x7FFFF, v62;
	[tilespmem:s8+$0x280] =	vst v13  }
0x29d: {  	v13 =	vsel vm1, v60, v58;
	v4 =	vsub.f32 v8, v9;
	v8 =	vand.u32 $0x7FFFF, v12;
	[tilespmem:s7+$0x400] =	vst v15  }
0x29e: {  	v9 =	vsel vm1, $0xFFFFFFFF, v0;
	vm1 =	vlt.f32 v3, v61;
	v6 =	vsub.f32 v6, v13;
	[tilespmem:s8+$0x300] =	vst v11  }
0x29f: {  	v12 =	vsel vm1, v63, v61;
	v11 =	vsel vm1, $0xFFFFFFFF, v0;
	[tilespmem:s7+$0x600] =	vst v8;
	v8 =	vadd.s32 v14, v9  }
0x2a0: {  	s18 =	simm.s32 $0x0;
	s17 =	sand.u32 $0x1E0, s25;
	s16 =	sor.u32 s4, s16;
	v9 =	vsub.f32 $1.000000000e+00, v4;
	v10 =	vsub.f32 $1.000000000e+00, v6;
	[tilespmem:s8+$0x380] =	vst v2;
	v8 =	vmul.u32 $0x9E3779B1, v8  }
.LBB2_15:
0x2a1: {  	s18 =	sadd.s32 $0x2, s18;
	v2 =	vsel vm0, $0xFFFFFFFF, v0;
	v7 =	vadd.s32 v7, v11;
	v3 =	vsub.f32 v3, v12  }
0x2a2: {  	s0 =	sshll.u32 s18, $0x6;
	p0 =	slt.u32 s18, $0x1E;
	v2 =	vadd.s32 v5, v2;
	v5 =	vmul.u32 $0x30025795, v7;
	v7 =	vmul.f32 v10, v9  }
0x2a3: {  	s13 =	sadd.s32 $0x20, s13;
	v11 =	vadd.s32 $0x9E3779B1, v8;
	v10 =	vmul.f32 v10, v4;
	v9 =	vmul.f32 v6, v9;
	s0 =	sand.u32 $0x3FFFFE00, s0  }
0x2a4: {  	s4 =	sadd.s32 $0xFFFFFFF0, s13;
	s21 =	sand.u32 $0x70, s13;
	v4 =	vmul.f32 v6, v4;
	v12 =	vadd.s32 $0x1, v2;
	v13 =	vsub.f32 $1.000000000e+00, v3;
	s8 =	sadd.s32 $0x10800, s0  }
0x2a5: {  	v14 =	vxor.u32 v2, v11;
	s0 =	sand.u32 $0x60, s4;
	s4 =	sand.u32 $0x1E0, s4;
	v6 =	vadd.s32 $0x30025795, v5;
	v11 =	vxor.u32 v12, v11;
	s9 =	sor.u32 s21, s8  }
0x2a6: {  	v16 =	vxor.u32 v2, v8;
	v8 =	vxor.u32 v12, v8;
	s8 =	sor.u32 s0, s8;
	v12 =	vmul.f32 v13, v7;
	v15 =	vld [tilespmem:s9+$0x100]  }
0x2a7: {  	v20 =	vxor.u32 v5, v14;
	v18 =	vmul.f32 v13, v10;
	v19 =	vmul.f32 v13, v9;
	v17 =	vld [tilespmem:s9+$0x0]  }
0x2a8: {  	v7 =	vmul.f32 v7, v3;
	v10 =	vmul.f32 v10, v3;
	v22 =	vxor.u32 v5, v11;
	v21 =	vld [tilespmem:s9+$0x80]  }
0x2a9: {  	v13 =	vmul.f32 v13, v4;
	v9 =	vmul.f32 v3, v9;
	v14 =	vxor.u32 v6, v14;
	v23 =	vld [tilespmem:s8+$0x0]  }
0x2aa: {  	v2 =	vmul.f32 v3, v4;
	v3 =	vxor.u32 v5, v16;
	v11 =	vxor.u32 v6, v11;
	v24 =	vld [tilespmem:s8+$0x80]  }
0x2ab: {  	v5 =	vxor.u32 v5, v8;
	v16 =	vxor.u32 v16, v6;
	v8 =	vxor.u32 v8, v6;
	v25 =	vld [tilespmem:s8+$0x100]  }
0x2ac: {  	v20 =	vand.u32 $0x7FFFF, v20;
	v22 =	vand.u32 $0x7FFFF, v22;
	v15 =	vmul.f32 v15, v1  }
0x2ad: {  	v14 =	vand.u32 $0x7FFFF, v14;
	v17 =	vmul.f32 v17, v1;
	v21 =	vmul.f32 v21, v1  }
0x2ae: {  	v11 =	vand.u32 $0x7FFFF, v11;
	v6 =	vtrunc.f32 v15;
	v4 =	vmul.f32 v23, v1  }
0x2af: {  	v3 =	vand.u32 $0x7FFFF, v3;
	v23 =	vtrunc.f32 v17;
	v26 =	vtrunc.f32 v21  }
0x2b0: {  	v27 =	vcvt.f32.s32 v6;
	v23 =	vcvt.f32.s32 v23;
	[tilespmem:s7+$0xFFFFF7F0] =	vst v3;
	v3 =	vand.u32 $0x7FFFF, v5  }
0x2b1: {  	v6 =	vmul.f32 v24, v1;
	v5 =	vcvt.f32.s32 v26;
	[tilespmem:s16+$0x0] =	vst v12;
	v12 =	vand.u32 $0x7FFFF, v16  }
0x2b2: {  	v24 =	vcvt.s32.f32 v27;
	v16 =	vcvt.s32.f32 v23;
	[tilespmem:s17+$0x12200] =	vst v3;
	v3 =	vand.u32 $0x7FFFF, v8  }
0x2b3: {  	v8 =	vtrunc.f32 v4;
	v26 =	vcvt.s32.f32 v5;
	[tilespmem:s16+$0x80] =	vst v18  }
0x2b4: {  	vm1 =	vlt.f32 v15, v24;
	vm0 =	vlt.f32 v17, v16;
	v18 =	vadd.f32 $-1.000000000e+00, v24;
	[tilespmem:s17+$0x12400] =	vst v20  }
0x2b5: {  	v20 =	vadd.f32 $-1.000000000e+00, v16;
	vm2 =	vlt.f32 v21, v26;
	v28 =	vadd.f32 $-1.000000000e+00, v26;
	[tilespmem:s16+$0x100] =	vst v19  }
0x2b6: {  	v30 =	vsel vm1, $0xFFFFFFFF, v0;
	v19 =	vsel vm0, $0xFFFFFFFF, v0;
	v29 =	vsel vm2, $0xFFFFFFFF, v0;
	[tilespmem:s17+$0x12600] =	vst v22  }
0x2b7: {  	v19 =	vadd.s32 v23, v19;
	v16 =	vsel vm0, v20, v16;
	v20 =	vsel vm2, v28, v26;
	[tilespmem:s16+$0x180] =	vst v13  }
0x2b8: {  	v13 =	vsub.f32 v17, v16;
	v16 =	vsub.f32 v21, v20;
	v17 =	vsel vm1, v18, v24;
	[tilespmem:s17+$0x12800] =	vst v12  }
0x2b9: {  	v5 =	vadd.s32 v5, v29;
	v12 =	vadd.s32 v27, v30;
	v15 =	vsub.f32 v15, v17;
	[tilespmem:s16+$0x200] =	vst v7  }
0x2ba: {  	v5 =	vmul.u32 $0x9E3779B1, v5;
	v7 =	vsub.f32 $1.000000000e+00, v13;
	v17 =	vsub.f32 $1.000000000e+00, v16;
	[tilespmem:s17+$0x12A00] =	vst v3  }
0x2bb: {  	v18 =	vtrunc.f32 v6;
	v20 =	vadd.s32 $0x1, v19;
	v12 =	vmul.u32 $0x30025795, v12;
	[tilespmem:s16+$0x280] =	vst v10  }
0x2bc: {  	s8 =	sshll.u32 s18, $0x7;
	v21 =	vsub.f32 $1.000000000e+00, v15;
	v10 =	vxor.u32 v19, v5;
	v22 =	vmul.f32 v17, v7;
	[tilespmem:s17+$0x12C00] =	vst v14  }
0x2bd: {  	s8 =	sand.u32 $0x3FFFFC00, s8;
	v23 =	vxor.u32 v20, v5;
	v14 =	vadd.s32 $0x9E3779B1, v5;
	v3 =	vxor.u32 v12, v10;
	[tilespmem:s16+$0x300] =	vst v9  }
0x2be: {  	s8 =	sadd.s32 $0x14000, s8;
	s7 =	sadd.s32 $0x20, s7;
	v9 =	vmul.f32 v17, v13;
	v5 =	vmul.f32 v21, v22;
	v17 =	vand.u32 $0x7FFFF, v3;
	[tilespmem:s17+$0x12E00] =	vst v11;
	s17 =	smov.u32 s4  }
0x2bf: {  	s0 =	sor.u32 s0, s8;
	v3 =	vmul.f32 v25, v1;
	v11 =	vxor.u32 v19, v14;
	s4 =	sor.u32 s21, s8;
	[tilespmem:s7+$0xFFFFF800] =	vst v17;
	v17 =	vxor.u32 v12, v23  }
0x2c0: {  	v19 =	vmul.f32 v16, v7;
	v7 =	vmul.f32 v21, v9;
	[tilespmem:s4+$0x0] =	vst v5;
	v17 =	vand.u32 $0x7FFFF, v17  }
0x2c1: {  	v5 =	vcvt.f32.s32 v8;
	v8 =	vmul.f32 v16, v13;
	v13 =	vxor.u32 v12, v11;
	[tilespmem:s7+$0xFFFFFA00] =	vst v17  }
0x2c2: {  	v14 =	vxor.u32 v20, v14;
	v16 =	vmul.f32 v21, v19;
	[tilespmem:s4+$0x80] =	vst v7;
	v7 =	vand.u32 $0x7FFFF, v13  }
0x2c3: {  	v17 =	vtrunc.f32 v3;
	v13 =	vcvt.f32.s32 v18;
	[tilespmem:s7+$0xFFFFFC00] =	vst v7;
	v7 =	vxor.u32 v12, v14  }
0x2c4: {  	v18 =	vmul.f32 v21, v8;
	v12 =	vadd.s32 $0x30025795, v12;
	[tilespmem:s4+$0x100] =	vst v16;
	v7 =	vand.u32 $0x7FFFF, v7  }
0x2c5: {  	v16 =	vcvt.s32.f32 v5;
	v20 =	vcvt.s32.f32 v13;
	v10 =	vxor.u32 v10, v12;
	[tilespmem:s7+$0xFFFFFE00] =	vst v7  }
0x2c6: {  	v7 =	vcvt.f32.s32 v17;
	v17 =	vmul.f32 v22, v15;
	v10 =	vand.u32 $0x7FFFF, v10;
	[tilespmem:s4+$0x180] =	vst v18  }
0x2c7: {  	v18 =	vadd.f32 $-1.000000000e+00, v16;
	v21 =	vadd.f32 $-1.000000000e+00, v20;
	[tilespmem:s7+$0x0] =	vst v10;
	v10 =	vxor.u32 v23, v12  }
0x2c8: {  	v9 =	vmul.f32 v9, v15;
	v22 =	vcvt.s32.f32 v7;
	[tilespmem:s4+$0x200] =	vst v17;
	v10 =	vand.u32 $0x7FFFF, v10  }
0x2c9: {  	vm0 =	vlt.f32 v4, v16;
	vm1 =	vlt.f32 v6, v20;
	[tilespmem:s7+$0x200] =	vst v10;
	v10 =	vxor.u32 v12, v11  }
0x2ca: {  	v11 =	vsel vm0, v18, v16;
	v16 =	vmul.f32 v15, v19;
	[tilespmem:s4+$0x280] =	vst v9;
	v9 =	vand.u32 $0x7FFFF, v10  }
.Ltmp6:
0x2cb: {  	v17 =	vadd.f32 $-1.000000000e+00, v22;
	v10 =	vsel vm1, v21, v20;
	[tilespmem:s7+$0x400] =	vst v9;
	v9 =	vxor.u32 v12, v14;
	(pc) =	sbr.rel @p0 .LBB2_15-.Ltmp6, $4  }
0x2cc: {  	v8 =	vmul.f32 v15, v8;
	v4 =	vsub.f32 v4, v11;
	[tilespmem:s4+$0x300] =	vst v16;
	v9 =	vand.u32 $0x7FFFF, v9  }
0x2cd: {  	v11 =	vsel vm1, $0xFFFFFFFF, v0;
	vm1 =	vlt.f32 v3, v22;
	v6 =	vsub.f32 v6, v10;
	[tilespmem:s7+$0x600] =	vst v9  }
0x2ce: {  	v12 =	vsel vm1, v17, v22;
	v9 =	vadd.s32 v13, v11;
	v11 =	vsel vm1, $0xFFFFFFFF, v0;
	[tilespmem:s4+$0x380] =	vst v8  }
0x2cf: {  	v10 =	vsub.f32 $1.000000000e+00, v6;
	v8 =	vmul.u32 $0x9E3779B1, v9;
	v9 =	vsub.f32 $1.000000000e+00, v4;
	[tilespmem:s16+$0x380] =	vst v2;
	s16 =	smov.u32 s0  }
0x2d0: {  	v1 =	vsel vm0, $0xFFFFFFFF, v0;
	v2 =	vadd.s32 v7, v11;
	v3 =	vsub.f32 v3, v12  }
0x2d1: {  	v1 =	vadd.s32 v5, v1;
	v2 =	vmul.u32 $0x30025795, v2  }
0x2d2: {  	v5 =	vmul.f32 v10, v9;
	v7 =	vsub.f32 $1.000000000e+00, v3;
	v11 =	vxor.u32 v1, v8  }
0x2d3: {  	v10 =	vmul.f32 v10, v4;
	v45 =	vadd.s32 $0x1, v1;
	v13 =	vxor.u32 v2, v11  }
0x2d4: {  	v14 =	vxor.u32 v45, v8;
	v15 =	vmul.f32 v7, v5;
	v13 =	vand.u32 $0x7FFFF, v13  }
0x2d5: {  	v9 =	vmul.f32 v6, v9;
	v8 =	vadd.s32 $0x9E3779B1, v8;
	v16 =	vxor.u32 v2, v14;
	[tilespmem:s7+$0xFFFFF7F0] =	vst v13  }
0x2d6: {  	v1 =	vxor.u32 v1, v8;
	v46 =	vmul.f32 v7, v10;
	v16 =	vand.u32 $0x7FFFF, v16;
	[tilespmem:s16+$0x0] =	vst v15  }
0x2d7: {  	v4 =	vmul.f32 v6, v4;
	v6 =	vxor.u32 v2, v1;
	[tilespmem:s17+$0x12200] =	vst v16  }
0x2d8: {  	v8 =	vxor.u32 v45, v8;
	v47 =	vmul.f32 v7, v9;
	v6 =	vand.u32 $0x7FFFF, v6;
	[tilespmem:s16+$0x80] =	vst v46  }
0x2d9: {  	v48 =	vxor.u32 v2, v8;
	[tilespmem:s17+$0x12400] =	vst v6  }
0x2da: {  	v2 =	vadd.s32 $0x30025795, v2;
	v6 =	vmul.f32 v7, v4;
	v7 =	vand.u32 $0x7FFFF, v48;
	[tilespmem:s16+$0x100] =	vst v47  }
0x2db: {  	v11 =	vxor.u32 v11, v2;
	[tilespmem:s17+$0x12600] =	vst v7  }
0x2dc: {  	v5 =	vmul.f32 v5, v3;
	v7 =	vand.u32 $0x7FFFF, v11;
	[tilespmem:s16+$0x180] =	vst v6  }
0x2dd: {  	v6 =	vxor.u32 v14, v2;
	[tilespmem:s17+$0x12800] =	vst v7  }
0x2de: {  	v7 =	vmul.f32 v10, v3;
	v6 =	vand.u32 $0x7FFFF, v6;
	[tilespmem:s16+$0x200] =	vst v5  }
0x2df: {  	v1 =	vxor.u32 v2, v1;
	[tilespmem:s17+$0x12A00] =	vst v6  }
0x2e0: {  	v1 =	vand.u32 $0x7FFFF, v1;
	v5 =	vmul.f32 v3, v9;
	[tilespmem:s16+$0x280] =	vst v7  }
0x2e1: {  	v2 =	vxor.u32 v2, v8;
	[tilespmem:s17+$0x12C00] =	vst v1  }
0x2e2: {  	v2 =	vand.u32 $0x7FFFF, v2;
	v1 =	vmul.f32 v3, v4;
	[tilespmem:s16+$0x300] =	vst v5  }
0x2e3: {  	[tilespmem:s17+$0x12E00] =	vst v2  }
0x2e4: {  	s0 =	simm.s32 $0x17000;
	[tilespmem:s16+$0x380] =	vst v1  }
0x2e5: {  	[tilespmem:s0], [sflag:$0x2] =	stream.indirect.gather [spmem:s2], $0x1, s31, s26, $0xb8;
	[tilespmem:$0x19800] =	vst v63  }
0x2e6: {  	s18 =	simm.s32 $0x18000;
	s29 =	simm.s32 $0x4  }
0x2e7: {  	[tilespmem:s18], [sflag:$0x2] =	stream.indirect.gather [spmem:s3], $0x1, s31, s26, $0xb8;
	[tilespmem:$0x19800] =	vst v63  }
0x2e8: {  	_ =	swait.ge [sflag:s29], $0x400  }
0x2e9: {  	[sflag:s29] =	ssyncset.done $0x0  }
0x2ea: {  	[sflag:s29] =	ssyncadd.s32 $0xFFFFFC00  }
0x2eb: {  	_ =	swait.ge [sflag:s19], $0x1000  }
0x2ec: {  	[sflag:s19] =	ssyncset.done $0x0  }
0x2ed: {  	[sflag:s19] =	ssyncadd.s32 $0xFFFFF000  }
0x2ee: {  	s21 =	simm.s32 $0x0;
	s4 =	simm.s32 $0x10;
	_ =	swait.ge [sflag:s19], $0x1000  }
0x2ef: {  	s22 =	sand.u32 $0x70, s4;
	s0 =	sand.u32 $0x3FFFFC00, s21;
	[sflag:s19] =	ssyncset.done $0x0  }
0x2f0: {  	s7 =	simm.s32 $0x16800;
	s8 =	sadd.s32 $0x13000, s0;
	[sflag:s19] =	ssyncadd.s32 $0xFFFFF000  }
0x2f1: {  	s9 =	sor.u32 s22, s8;
	v1 =	vld [tilespmem:s7+$0xFFFFF810]  }
0x2f2: {  	v2 =	vld [tilespmem:s9+$0x0]  }
0x2f3: {  	v3 =	vld [tilespmem:s7+$0xFFFFFA10]  }
0x2f4: {  	v4 =	vld [tilespmem:s9+$0x80]  }
0x2f5: {  	v5 =	vld [tilespmem:s7+$0xFFFFFC10]  }
0x2f6: {  	v6 =	vld [tilespmem:s9+$0x100]  }
0x2f7: {  	v7 =	vld [tilespmem:s7+$0xFFFFFE10]  }
0x2f8: {  	v8 =	vld [tilespmem:s9+$0x180]  }
0x2f9: {  	v9 =	vld [tilespmem:s7+$0x10]  }
0x2fa: {  	v10 =	vld [tilespmem:s9+$0x200]  }
0x2fb: {  	v11 =	vld [tilespmem:s7+$0x210]  }
0x2fc: {  	v49 =	vld [tilespmem:s9+$0x280]  }
0x2fd: {  	v50 =	vld [tilespmem:s7+$0x410]  }
0x2fe: {  	s13 =	simm.s32 $0x0;
	v51 =	vld [tilespmem:s9+$0x300]  }
0x2ff: {  	s23 =	sand.u32 $0x60, s13;
	v52 =	vld [tilespmem:s7+$0x610]  }
0x300: {  	s17 =	sor.u32 s23, s8;
	v53 =	vld [tilespmem:s9+$0x380]  }
0x301: {  	s16 =	simm.s32 $0x15800;
	v17 =	vld [tilespmem:s17+$0x0]  }
0x302: {  	v18 =	vld [tilespmem:s16+$0x610]  }
0x303: {  	v19 =	vld [tilespmem:s16+$0x410]  }
0x304: {  	v20 =	vld [tilespmem:s16+$0x210]  }
0x305: {  	v21 =	vld [tilespmem:s16+$0x10];
	v1 =	vmul.f32 v1, v2  }
0x306: {  	v22 =	vld [tilespmem:s16+$0xFFFFFE10]  }
0x307: {  	v23 =	vld [tilespmem:s16+$0xFFFFFC10];
	v3 =	vmul.f32 v3, v4;
	v1 =	vadd.f32 $0.0e+00, v1  }
0x308: {  	v24 =	vld [tilespmem:s16+$0xFFFFFA10]  }
0x309: {  	v1 =	vadd.f32 v3, v1;
	v3 =	vmul.f32 v5, v6;
	v5 =	vld [tilespmem:s16+$0xFFFFF810]  }
0x30a: {  	v25 =	vld [tilespmem:s16+$0xFFFFF800]  }
0x30b: {  	v26 =	vld [tilespmem:s17+$0x80];
	v1 =	vadd.f32 v3, v1;
	v3 =	vmul.f32 v7, v8  }
0x30c: {  	v7 =	vld [tilespmem:s7+$0xFFFFF800]  }
0x30d: {  	v54 =	vld [tilespmem:s16+$0xFFFFFC00];
	v1 =	vadd.f32 v3, v1;
	v3 =	vmul.f32 v9, v10  }
0x30e: {  	v55 =	vld [tilespmem:s7+$0xFFFFFC00];
	v2 =	vmul.f32 v5, v2  }
0x30f: {  	v5 =	vld [tilespmem:s7+$0xFFFFFA00];
	v1 =	vadd.f32 v3, v1;
	v3 =	vmul.f32 v11, v49  }
0x310: {  	v4 =	vmul.f32 v24, v4;
	v9 =	vld [tilespmem:s16+$0xFFFFFA00];
	v2 =	vadd.f32 $0.0e+00, v2  }
0x311: {  	v11 =	vld [tilespmem:s17+$0x100];
	v7 =	vmul.f32 v7, v17;
	v1 =	vadd.f32 v3, v1;
	v3 =	vmul.f32 v50, v51  }
0x312: {  	v58 =	vld [tilespmem:s17+$0x200];
	v6 =	vmul.f32 v23, v6;
	v2 =	vadd.f32 v4, v2  }
0x313: {  	v56 =	vmul.f32 v25, v17;
	v4 =	vld [tilespmem:s17+$0x180];
	v7 =	vadd.f32 $0.0e+00, v7;
	v1 =	vadd.f32 v3, v1  }
0x314: {  	v3 =	vmul.f32 v22, v8;
	v8 =	vld [tilespmem:s16+$0xFFFFFE00];
	v5 =	vmul.f32 v5, v26;
	v2 =	vadd.f32 v6, v2  }
0x315: {  	v57 =	vadd.f32 $0.0e+00, v56;
	v10 =	vmul.f32 v21, v10;
	v9 =	vmul.f32 v9, v26;
	v6 =	vld [tilespmem:s7+$0xFFFFFE00]  }
0x316: {  	v60 =	vld [tilespmem:s16+$0x0];
	v5 =	vadd.f32 v5, v7;
	v7 =	vmul.f32 v55, v11;
	v2 =	vadd.f32 v3, v2  }
0x317: {  	s25 =	simm.s32 $0x0;
	v61 =	vld [tilespmem:s7+$0x0];
	v9 =	vadd.f32 v9, v57;
	v59 =	vmul.f32 v54, v11;
	v11 =	vmul.f32 v52, v53  }
0x318: {  	s8 =	sand.u32 $0x3FFFFF00, s25;
	v3 =	vmul.f32 v20, v49;
	v7 =	vadd.f32 v7, v5;
	v5 =	vld [tilespmem:s16+$0x200];
	v10 =	vadd.f32 v10, v2  }
0x319: {  	s8 =	sadd.s32 $0x19000, s8;
	v9 =	vadd.f32 v59, v9;
	v11 =	vadd.f32 v11, v1;
	v2 =	vld [tilespmem:s17+$0x280];
	v8 =	vmul.f32 v8, v4  }
0x31a: {  	s0 =	sor.u32 s22, s8;
	v62 =	vmul.f32 v19, v51;
	v6 =	vmul.f32 v6, v4;
	v4 =	vld [tilespmem:s7+$0x200];
	v63 =	vadd.f32 v3, v10  }
0x31b: {  	s30 =	simm.s32 $0x5;
	v1 =	vmul.f32 v18, v53;
	[tilespmem:s0+$0x80] =	vst v11;
	v11 =	vmul.f32 v60, v58;
	v8 =	vadd.f32 v8, v9;
	v3 =	vld [tilespmem:s17+$0x300]  }
0x31c: {  	s18 =	simm.s32 $0x0;
	s21 =	sor.u32 s23, s8;
	v10 =	vmul.f32 v61, v58;
	s25 =	rddreg [dreg:$0xa];
	v7 =	vadd.f32 v6, v7;
	v6 =	vld [tilespmem:s16+$0x400];
	v9 =	vadd.f32 v62, v63  }
.LBB2_17:
0x31d: {  	s18 =	sadd.s32 $0x2, s18;
	v8 =	vadd.f32 v11, v8;
	v11 =	vld [tilespmem:s7+$0x400]  }
0x31e: {  	s13 =	sadd.s32 $0x20, s13;
	s8 =	sshll.u32 s18, $0x7;
	p0 =	slt.u32 s18, $0x1E;
	v7 =	vadd.f32 v10, v7;
	v5 =	vmul.f32 v5, v2;
	v10 =	vld [tilespmem:s17+$0x380];
	v1 =	vadd.f32 v1, v9  }
0x31f: {  	s4 =	sand.u32 $0x60, s13;
	s9 =	sadd.s32 $0x10, s13;
	s8 =	sand.u32 $0x3FFFFC00, s8;
	v2 =	vmul.f32 v4, v2;
	v4 =	vld [tilespmem:s16+$0x600]  }
0x320: {  	s22 =	sadd.s32 $0x13000, s8;
	s8 =	sand.u32 $0x70, s9;
	v5 =	vadd.f32 v5, v8;
	v8 =	vld [tilespmem:s7+$0x600];
	[tilespmem:s0+$0x0] =	vst v1;
	s7 =	sadd.s32 $0x20, s7  }
0x321: {  	s17 =	sor.u32 s4, s22;
	s0 =	sor.u32 s8, s22;
	v1 =	vld [tilespmem:s7+$0xFFFFF810];
	v2 =	vadd.f32 v2, v7;
	v6 =	vmul.f32 v6, v3  }
0x322: {  	v7 =	vld [tilespmem:s0+$0x0];
	v3 =	vmul.f32 v11, v3  }
0x323: {  	v9 =	vld [tilespmem:s7+$0xFFFFFA10];
	v5 =	vadd.f32 v6, v5  }
0x324: {  	v6 =	vld [tilespmem:s0+$0x80];
	v2 =	vadd.f32 v3, v2;
	v3 =	vmul.f32 v4, v10  }
0x325: {  	v4 =	vld [tilespmem:s7+$0xFFFFFC10];
	v8 =	vmul.f32 v8, v10  }
0x326: {  	v10 =	vld [tilespmem:s0+$0x100];
	v3 =	vadd.f32 v3, v5  }
0x327: {  	v1 =	vmul.f32 v1, v7;
	v5 =	vld [tilespmem:s7+$0xFFFFFE10];
	v2 =	vadd.f32 v8, v2  }
0x328: {  	v8 =	vld [tilespmem:s0+$0x180];
	[tilespmem:s21+$0x0] =	vst v3  }
0x329: {  	v1 =	vadd.f32 $0.0e+00, v1;
	v3 =	vmul.f32 v9, v6;
	v9 =	vld [tilespmem:s7+$0x10];
	[tilespmem:s21+$0x80] =	vst v2  }
0x32a: {  	v2 =	vld [tilespmem:s0+$0x200]  }
0x32b: {  	v1 =	vadd.f32 v3, v1;
	v3 =	vmul.f32 v4, v10;
	v4 =	vld [tilespmem:s7+$0x210]  }
0x32c: {  	v11 =	vld [tilespmem:s0+$0x280]  }
0x32d: {  	v1 =	vadd.f32 v3, v1;
	v3 =	vmul.f32 v5, v8;
	v5 =	vld [tilespmem:s7+$0x410]  }
0x32e: {  	v12 =	vld [tilespmem:s0+$0x300]  }
0x32f: {  	v1 =	vadd.f32 v3, v1;
	v3 =	vmul.f32 v9, v2;
	v9 =	vld [tilespmem:s7+$0x610]  }
0x330: {  	v13 =	vld [tilespmem:s0+$0x380]  }
0x331: {  	s16 =	sadd.s32 $0x20, s16;
	v14 =	vld [tilespmem:s17+$0x0];
	v1 =	vadd.f32 v3, v1;
	v3 =	vmul.f32 v4, v11  }
0x332: {  	v4 =	vld [tilespmem:s16+$0x610]  }
0x333: {  	v1 =	vadd.f32 v3, v1;
	v3 =	vld [tilespmem:s16+$0x410];
	v5 =	vmul.f32 v5, v12  }
0x334: {  	v15 =	vld [tilespmem:s16+$0x210]  }
0x335: {  	s0 =	sshll.u32 s18, $0x5;
	v16 =	vld [tilespmem:s16+$0x10];
	v5 =	vadd.f32 v5, v1;
	v9 =	vmul.f32 v9, v13  }
0x336: {  	s0 =	sand.u32 $0x3FFFFF00, s0;
	v17 =	vld [tilespmem:s16+$0xFFFFFE10]  }
0x337: {  	s0 =	sadd.s32 $0x19000, s0;
	v18 =	vld [tilespmem:s16+$0xFFFFFC10];
	v1 =	vmul.f32 v4, v13;
	v4 =	vadd.f32 v9, v5  }
0x338: {  	s21 =	sor.u32 s4, s0;
	s0 =	sor.u32 s8, s0;
	v5 =	vld [tilespmem:s16+$0xFFFFFA10];
	v9 =	vmul.f32 v3, v12  }
0x339: {  	v3 =	vld [tilespmem:s16+$0xFFFFF810];
	v11 =	vmul.f32 v15, v11;
	[tilespmem:s0+$0x80] =	vst v4  }
0x33a: {  	v4 =	vld [tilespmem:s16+$0xFFFFF800];
	v12 =	vmul.f32 v16, v2  }
0x33b: {  	v2 =	vld [tilespmem:s7+$0xFFFFF800];
	v8 =	vmul.f32 v17, v8  }
0x33c: {  	v13 =	vld [tilespmem:s17+$0x80];
	v10 =	vmul.f32 v18, v10  }
0x33d: {  	v15 =	vld [tilespmem:s16+$0xFFFFFA00];
	v5 =	vmul.f32 v5, v6  }
0x33e: {  	v6 =	vld [tilespmem:s7+$0xFFFFFA00];
	v3 =	vmul.f32 v3, v7  }
0x33f: {  	v4 =	vmul.f32 v4, v14;
	v7 =	vld [tilespmem:s17+$0x100]  }
0x340: {  	v2 =	vmul.f32 v2, v14;
	v14 =	vld [tilespmem:s16+$0xFFFFFC00];
	v3 =	vadd.f32 $0.0e+00, v3  }
0x341: {  	v4 =	vadd.f32 $0.0e+00, v4;
	v16 =	vld [tilespmem:s7+$0xFFFFFC00]  }
0x342: {  	v2 =	vadd.f32 $0.0e+00, v2;
	v15 =	vmul.f32 v15, v13;
	v17 =	vld [tilespmem:s17+$0x180];
	v3 =	vadd.f32 v5, v3  }
0x343: {  	v5 =	vmul.f32 v6, v13;
	v6 =	vld [tilespmem:s16+$0xFFFFFE00]  }
0x344: {  	v4 =	vadd.f32 v15, v4;
	v13 =	vld [tilespmem:s7+$0xFFFFFE00];
	v3 =	vadd.f32 v10, v3  }
0x345: {  	v2 =	vadd.f32 v5, v2;
	v5 =	vmul.f32 v14, v7;
	v10 =	vld [tilespmem:s17+$0x200]  }
0x346: {  	v7 =	vmul.f32 v16, v7;
	v14 =	vld [tilespmem:s16+$0x0];
	v3 =	vadd.f32 v8, v3  }
0x347: {  	v4 =	vadd.f32 v5, v4;
	v15 =	vld [tilespmem:s7+$0x0]  }
.Ltmp7:
0x348: {  	v7 =	vadd.f32 v7, v2;
	v6 =	vmul.f32 v6, v17;
	v2 =	vld [tilespmem:s17+$0x280];
	v3 =	vadd.f32 v12, v3;
	(pc) =	sbr.rel @p0 .LBB2_17-.Ltmp7, $4  }
0x349: {  	v12 =	vmul.f32 v13, v17;
	v5 =	vld [tilespmem:s16+$0x200]  }
0x34a: {  	v8 =	vadd.f32 v6, v4;
	v4 =	vld [tilespmem:s7+$0x200];
	v13 =	vadd.f32 v11, v3  }
0x34b: {  	v7 =	vadd.f32 v12, v7;
	v11 =	vmul.f32 v14, v10;
	v3 =	vld [tilespmem:s17+$0x300]  }
0x34c: {  	v10 =	vmul.f32 v15, v10;
	v6 =	vld [tilespmem:s16+$0x400];
	v9 =	vadd.f32 v9, v13  }
0x34d: {  	v12 =	vld [tilespmem:s7+$0x400]  }
0x34e: {  	v13 =	vld [tilespmem:s17+$0x380]  }
0x34f: {  	v14 =	vld [tilespmem:s16+$0x600]  }
0x350: {  	v8 =	vadd.f32 v11, v8;
	v11 =	vld [tilespmem:s7+$0x600];
	v5 =	vmul.f32 v5, v2  }
0x351: {  	v7 =	vadd.f32 v10, v7;
	v2 =	vmul.f32 v4, v2  }
0x352: {  	v4 =	vadd.f32 v5, v8;
	v5 =	vmul.f32 v6, v3  }
0x353: {  	v2 =	vadd.f32 v2, v7;
	v3 =	vmul.f32 v12, v3  }
0x354: {  	s4 =	rddreg [dreg:$0x12];
	v4 =	vadd.f32 v5, v4;
	v5 =	vmul.f32 v14, v13  }
0x355: {  	s9 =	rddreg [dreg:$0x11];
	v1 =	vadd.f32 v1, v9;
	s4 =	sor.u32 s4, s25;
	v2 =	vadd.f32 v3, v2;
	v3 =	vmul.f32 v11, v13  }
0x356: {  	s4 =	sor.u32 s9, s4;
	v4 =	vadd.f32 v5, v4  }
0x357: {  	[tilespmem:s0+$0x0] =	vst v1;
	s7 =	sshrl.u32 s4, $0x3;
	v1 =	vadd.f32 v3, v2  }
0x358: {  	s13 =	sor.u32 $0x3C00, s7;
	[tilespmem:s21+$0x0] =	vst v4  }
0x359: {  	s16 =	simm.s32 $0x19000;
	s0 =	sadd.s32 s1, s13;
	[tilespmem:s21+$0x80] =	vst v1  }
0x35a: {  	[hbm4b:s0+s15] =	stream.strided.scatter [tilespmem:s16], [sflag:$0x4], $0x400, s10, s15, $0x38;
	[tilespmem:$0x19800] =	vst v63  }
0x35b: {  	_ =	swait.ge [sflag:s30], $0x400  }
0x35c: {  	[sflag:s30] =	ssyncset.done $0x0  }
0x35d: {  	[sflag:s30] =	ssyncadd.s32 $0xFFFFFC00  }
0x35e: {  	_ =	swait.ge [sflag:s11], $0x1000  }
0x35f: {  	[sflag:s11] =	ssyncset.done $0x0  }
0x360: {  	[sflag:s11] =	ssyncadd.s32 $0xFFFFF000  }
0x361: {  	s17 =	simm.s32 $0x0;
	s18 =	simm.s32 $0x10;
	_ =	swait.ge [sflag:s11], $0x1000  }
0x362: {  	s13 =	simm.s32 $0x18800;
	s0 =	sand.u32 $0x3FFFFC00, s17;
	[sflag:s11] =	ssyncset.done $0x0  }
0x363: {  	s21 =	sand.u32 $0x70, s18;
	s8 =	sadd.s32 $0x14000, s0;
	[sflag:s11] =	ssyncadd.s32 $0xFFFFF000  }
0x364: {  	s9 =	sor.u32 s21, s8;
	v1 =	vld [tilespmem:s13+$0xFFFFF810]  }
0x365: {  	v2 =	vld [tilespmem:s9+$0x0]  }
0x366: {  	v3 =	vld [tilespmem:s13+$0xFFFFFA10]  }
0x367: {  	v4 =	vld [tilespmem:s9+$0x80]  }
0x368: {  	v5 =	vld [tilespmem:s13+$0xFFFFFC10]  }
0x369: {  	v6 =	vld [tilespmem:s9+$0x100]  }
0x36a: {  	v7 =	vld [tilespmem:s13+$0xFFFFFE10]  }
0x36b: {  	v8 =	vld [tilespmem:s9+$0x180]  }
0x36c: {  	v9 =	vld [tilespmem:s13+$0x10]  }
0x36d: {  	v10 =	vld [tilespmem:s9+$0x200]  }
0x36e: {  	v11 =	vld [tilespmem:s13+$0x210]  }
0x36f: {  	v51 =	vld [tilespmem:s9+$0x280]  }
0x370: {  	v52 =	vld [tilespmem:s13+$0x410]  }
0x371: {  	s16 =	simm.s32 $0x0;
	v53 =	vld [tilespmem:s9+$0x300]  }
0x372: {  	s22 =	sand.u32 $0x60, s16;
	v15 =	vld [tilespmem:s13+$0x610]  }
0x373: {  	s18 =	sor.u32 s22, s8;
	v16 =	vld [tilespmem:s9+$0x380]  }
0x374: {  	s17 =	simm.s32 $0x17800;
	v17 =	vld [tilespmem:s18+$0x0]  }
0x375: {  	v18 =	vld [tilespmem:s17+$0x610]  }
0x376: {  	v19 =	vld [tilespmem:s17+$0x410]  }
0x377: {  	v20 =	vld [tilespmem:s17+$0x210]  }
0x378: {  	v21 =	vld [tilespmem:s17+$0x10];
	v1 =	vmul.f32 v1, v2  }
0x379: {  	v22 =	vld [tilespmem:s17+$0xFFFFFE10]  }
0x37a: {  	v23 =	vld [tilespmem:s17+$0xFFFFFC10];
	v3 =	vmul.f32 v3, v4;
	v1 =	vadd.f32 $0.0e+00, v1  }
0x37b: {  	v24 =	vld [tilespmem:s17+$0xFFFFFA10]  }
0x37c: {  	v1 =	vadd.f32 v3, v1;
	v3 =	vmul.f32 v5, v6;
	v5 =	vld [tilespmem:s17+$0xFFFFF810]  }
0x37d: {  	v25 =	vld [tilespmem:s17+$0xFFFFF800]  }
0x37e: {  	v26 =	vld [tilespmem:s18+$0x80];
	v1 =	vadd.f32 v3, v1;
	v3 =	vmul.f32 v7, v8  }
0x37f: {  	v7 =	vld [tilespmem:s13+$0xFFFFF800]  }
0x380: {  	v54 =	vld [tilespmem:s17+$0xFFFFFC00];
	v1 =	vadd.f32 v3, v1;
	v3 =	vmul.f32 v9, v10  }
0x381: {  	v55 =	vld [tilespmem:s13+$0xFFFFFC00];
	v2 =	vmul.f32 v5, v2  }
0x382: {  	v5 =	vld [tilespmem:s13+$0xFFFFFA00];
	v1 =	vadd.f32 v3, v1;
	v3 =	vmul.f32 v11, v51  }
0x383: {  	v4 =	vmul.f32 v24, v4;
	v9 =	vld [tilespmem:s17+$0xFFFFFA00];
	v2 =	vadd.f32 $0.0e+00, v2  }
0x384: {  	v11 =	vld [tilespmem:s18+$0x100];
	v7 =	vmul.f32 v7, v17;
	v1 =	vadd.f32 v3, v1;
	v3 =	vmul.f32 v52, v53  }
0x385: {  	v58 =	vld [tilespmem:s18+$0x200];
	v6 =	vmul.f32 v23, v6;
	v2 =	vadd.f32 v4, v2  }
0x386: {  	v56 =	vmul.f32 v25, v17;
	v4 =	vld [tilespmem:s18+$0x180];
	v7 =	vadd.f32 $0.0e+00, v7;
	v1 =	vadd.f32 v3, v1  }
0x387: {  	v3 =	vmul.f32 v22, v8;
	v8 =	vld [tilespmem:s17+$0xFFFFFE00];
	v5 =	vmul.f32 v5, v26;
	v2 =	vadd.f32 v6, v2  }
0x388: {  	v57 =	vadd.f32 $0.0e+00, v56;
	v10 =	vmul.f32 v21, v10;
	v9 =	vmul.f32 v9, v26;
	v6 =	vld [tilespmem:s13+$0xFFFFFE00]  }
0x389: {  	v60 =	vld [tilespmem:s17+$0x0];
	v5 =	vadd.f32 v5, v7;
	v7 =	vmul.f32 v55, v11;
	v2 =	vadd.f32 v3, v2  }
0x38a: {  	s23 =	simm.s32 $0x0;
	v61 =	vld [tilespmem:s13+$0x0];
	v9 =	vadd.f32 v9, v57;
	v59 =	vmul.f32 v54, v11;
	v11 =	vmul.f32 v15, v16  }
0x38b: {  	s8 =	sand.u32 $0x3FFFFF00, s23;
	v3 =	vmul.f32 v20, v51;
	v7 =	vadd.f32 v7, v5;
	v5 =	vld [tilespmem:s17+$0x200];
	v10 =	vadd.f32 v10, v2  }
0x38c: {  	s8 =	sadd.s32 $0x19400, s8;
	v9 =	vadd.f32 v59, v9;
	v11 =	vadd.f32 v11, v1;
	v2 =	vld [tilespmem:s18+$0x280];
	v8 =	vmul.f32 v8, v4  }
0x38d: {  	s0 =	sor.u32 s21, s8;
	v62 =	vmul.f32 v19, v53;
	v6 =	vmul.f32 v6, v4;
	v4 =	vld [tilespmem:s13+$0x200];
	v63 =	vadd.f32 v3, v10  }
0x38e: {  	v1 =	vmul.f32 v18, v16;
	[tilespmem:s0+$0x80] =	vst v11;
	v11 =	vmul.f32 v60, v58;
	v8 =	vadd.f32 v8, v9;
	v3 =	vld [tilespmem:s18+$0x300]  }
0x38f: {  	s21 =	simm.s32 $0x0;
	s22 =	sor.u32 s22, s8;
	v10 =	vmul.f32 v61, v58;
	v7 =	vadd.f32 v6, v7;
	v6 =	vld [tilespmem:s17+$0x400];
	v9 =	vadd.f32 v62, v63  }
.LBB2_19:
0x390: {  	s21 =	sadd.s32 $0x2, s21;
	v8 =	vadd.f32 v11, v8;
	v11 =	vld [tilespmem:s13+$0x400]  }
0x391: {  	s16 =	sadd.s32 $0x20, s16;
	s8 =	sshll.u32 s21, $0x7;
	p0 =	slt.u32 s21, $0x1E;
	v7 =	vadd.f32 v10, v7;
	v5 =	vmul.f32 v5, v2;
	v10 =	vld [tilespmem:s18+$0x380];
	v1 =	vadd.f32 v1, v9  }
0x392: {  	s4 =	sand.u32 $0x60, s16;
	s9 =	sadd.s32 $0x10, s16;
	s8 =	sand.u32 $0x3FFFFC00, s8;
	v2 =	vmul.f32 v4, v2;
	v4 =	vld [tilespmem:s17+$0x600]  }
0x393: {  	s23 =	sadd.s32 $0x14000, s8;
	s8 =	sand.u32 $0x70, s9;
	v5 =	vadd.f32 v5, v8;
	v8 =	vld [tilespmem:s13+$0x600];
	[tilespmem:s0+$0x0] =	vst v1;
	s13 =	sadd.s32 $0x20, s13  }
0x394: {  	s18 =	sor.u32 s4, s23;
	s0 =	sor.u32 s8, s23;
	v1 =	vld [tilespmem:s13+$0xFFFFF810];
	v2 =	vadd.f32 v2, v7;
	v6 =	vmul.f32 v6, v3  }
0x395: {  	v7 =	vld [tilespmem:s0+$0x0];
	v3 =	vmul.f32 v11, v3  }
0x396: {  	v9 =	vld [tilespmem:s13+$0xFFFFFA10];
	v5 =	vadd.f32 v6, v5  }
0x397: {  	v6 =	vld [tilespmem:s0+$0x80];
	v2 =	vadd.f32 v3, v2;
	v3 =	vmul.f32 v4, v10  }
0x398: {  	v4 =	vld [tilespmem:s13+$0xFFFFFC10];
	v8 =	vmul.f32 v8, v10  }
0x399: {  	v10 =	vld [tilespmem:s0+$0x100];
	v3 =	vadd.f32 v3, v5  }
0x39a: {  	v1 =	vmul.f32 v1, v7;
	v5 =	vld [tilespmem:s13+$0xFFFFFE10];
	v2 =	vadd.f32 v8, v2  }
0x39b: {  	v8 =	vld [tilespmem:s0+$0x180];
	[tilespmem:s22+$0x0] =	vst v3  }
0x39c: {  	v1 =	vadd.f32 $0.0e+00, v1;
	v3 =	vmul.f32 v9, v6;
	v9 =	vld [tilespmem:s13+$0x10];
	[tilespmem:s22+$0x80] =	vst v2  }
0x39d: {  	v2 =	vld [tilespmem:s0+$0x200]  }
0x39e: {  	v1 =	vadd.f32 v3, v1;
	v3 =	vmul.f32 v4, v10;
	v4 =	vld [tilespmem:s13+$0x210]  }
0x39f: {  	v11 =	vld [tilespmem:s0+$0x280]  }
0x3a0: {  	v1 =	vadd.f32 v3, v1;
	v3 =	vmul.f32 v5, v8;
	v5 =	vld [tilespmem:s13+$0x410]  }
0x3a1: {  	v12 =	vld [tilespmem:s0+$0x300]  }
0x3a2: {  	v1 =	vadd.f32 v3, v1;
	v3 =	vmul.f32 v9, v2;
	v9 =	vld [tilespmem:s13+$0x610]  }
0x3a3: {  	v13 =	vld [tilespmem:s0+$0x380]  }
0x3a4: {  	s17 =	sadd.s32 $0x20, s17;
	v14 =	vld [tilespmem:s18+$0x0];
	v1 =	vadd.f32 v3, v1;
	v3 =	vmul.f32 v4, v11  }
0x3a5: {  	v4 =	vld [tilespmem:s17+$0x610]  }
0x3a6: {  	v1 =	vadd.f32 v3, v1;
	v3 =	vld [tilespmem:s17+$0x410];
	v5 =	vmul.f32 v5, v12  }
0x3a7: {  	v15 =	vld [tilespmem:s17+$0x210]  }
0x3a8: {  	s0 =	sshll.u32 s21, $0x5;
	v16 =	vld [tilespmem:s17+$0x10];
	v5 =	vadd.f32 v5, v1;
	v9 =	vmul.f32 v9, v13  }
0x3a9: {  	s0 =	sand.u32 $0x3FFFFF00, s0;
	v17 =	vld [tilespmem:s17+$0xFFFFFE10]  }
0x3aa: {  	s0 =	sadd.s32 $0x19400, s0;
	v18 =	vld [tilespmem:s17+$0xFFFFFC10];
	v1 =	vmul.f32 v4, v13;
	v4 =	vadd.f32 v9, v5  }
0x3ab: {  	s22 =	sor.u32 s4, s0;
	s0 =	sor.u32 s8, s0;
	v5 =	vld [tilespmem:s17+$0xFFFFFA10];
	v9 =	vmul.f32 v3, v12  }
0x3ac: {  	v3 =	vld [tilespmem:s17+$0xFFFFF810];
	v11 =	vmul.f32 v15, v11;
	[tilespmem:s0+$0x80] =	vst v4  }
0x3ad: {  	v4 =	vld [tilespmem:s17+$0xFFFFF800];
	v12 =	vmul.f32 v16, v2  }
0x3ae: {  	v2 =	vld [tilespmem:s13+$0xFFFFF800];
	v8 =	vmul.f32 v17, v8  }
0x3af: {  	v13 =	vld [tilespmem:s18+$0x80];
	v10 =	vmul.f32 v18, v10  }
0x3b0: {  	v15 =	vld [tilespmem:s17+$0xFFFFFA00];
	v5 =	vmul.f32 v5, v6  }
0x3b1: {  	v6 =	vld [tilespmem:s13+$0xFFFFFA00];
	v3 =	vmul.f32 v3, v7  }
0x3b2: {  	v4 =	vmul.f32 v4, v14;
	v7 =	vld [tilespmem:s18+$0x100]  }
0x3b3: {  	v2 =	vmul.f32 v2, v14;
	v14 =	vld [tilespmem:s17+$0xFFFFFC00];
	v3 =	vadd.f32 $0.0e+00, v3  }
0x3b4: {  	v4 =	vadd.f32 $0.0e+00, v4;
	v16 =	vld [tilespmem:s13+$0xFFFFFC00]  }
0x3b5: {  	v2 =	vadd.f32 $0.0e+00, v2;
	v15 =	vmul.f32 v15, v13;
	v17 =	vld [tilespmem:s18+$0x180];
	v3 =	vadd.f32 v5, v3  }
0x3b6: {  	v5 =	vmul.f32 v6, v13;
	v6 =	vld [tilespmem:s17+$0xFFFFFE00]  }
0x3b7: {  	v4 =	vadd.f32 v15, v4;
	v13 =	vld [tilespmem:s13+$0xFFFFFE00];
	v3 =	vadd.f32 v10, v3  }
0x3b8: {  	v2 =	vadd.f32 v5, v2;
	v5 =	vmul.f32 v14, v7;
	v10 =	vld [tilespmem:s18+$0x200]  }
0x3b9: {  	v7 =	vmul.f32 v16, v7;
	v14 =	vld [tilespmem:s17+$0x0];
	v3 =	vadd.f32 v8, v3  }
0x3ba: {  	v4 =	vadd.f32 v5, v4;
	v15 =	vld [tilespmem:s13+$0x0]  }
.Ltmp8:
0x3bb: {  	v7 =	vadd.f32 v7, v2;
	v6 =	vmul.f32 v6, v17;
	v2 =	vld [tilespmem:s18+$0x280];
	v3 =	vadd.f32 v12, v3;
	(pc) =	sbr.rel @p0 .LBB2_19-.Ltmp8, $4  }
0x3bc: {  	v12 =	vmul.f32 v13, v17;
	v5 =	vld [tilespmem:s17+$0x200]  }
0x3bd: {  	v8 =	vadd.f32 v6, v4;
	v4 =	vld [tilespmem:s13+$0x200];
	v13 =	vadd.f32 v11, v3  }
0x3be: {  	v7 =	vadd.f32 v12, v7;
	v11 =	vmul.f32 v14, v10;
	v3 =	vld [tilespmem:s18+$0x300]  }
0x3bf: {  	v10 =	vmul.f32 v15, v10;
	v6 =	vld [tilespmem:s17+$0x400];
	v9 =	vadd.f32 v9, v13  }
0x3c0: {  	v12 =	vld [tilespmem:s13+$0x400]  }
0x3c1: {  	v13 =	vld [tilespmem:s18+$0x380]  }
0x3c2: {  	v14 =	vld [tilespmem:s17+$0x600]  }
0x3c3: {  	v8 =	vadd.f32 v11, v8;
	v60 =	vld [tilespmem:s13+$0x600];
	v5 =	vmul.f32 v5, v2  }
0x3c4: {  	v7 =	vadd.f32 v10, v7;
	v2 =	vmul.f32 v4, v2  }
0x3c5: {  	v61 =	vadd.f32 v5, v8;
	v62 =	vmul.f32 v6, v3  }
0x3c6: {  	v2 =	vadd.f32 v2, v7;
	v3 =	vmul.f32 v12, v3  }
0x3c7: {  	v63 =	vmul.f32 v14, v13;
	v4 =	vadd.f32 v62, v61  }
0x3c8: {  	v1 =	vadd.f32 v1, v9;
	v2 =	vadd.f32 v3, v2;
	v3 =	vmul.f32 v60, v13  }
0x3c9: {  	v4 =	vadd.f32 v63, v4  }
0x3ca: {  	[tilespmem:s0+$0x0] =	vst v1;
	v1 =	vadd.f32 v3, v2  }
0x3cb: {  	s23 =	sor.u32 $0x3E00, s7;
	[tilespmem:s22+$0x0] =	vst v4  }
0x3cc: {  	s4 =	simm.s32 $0x19400;
	s0 =	sadd.s32 s1, s23;
	[tilespmem:s22+$0x80] =	vst v1  }
0x3cd: {  	[hbm4b:s0+s15] =	stream.strided.scatter [tilespmem:s4], [sflag:$0x5], $0x400, s10, s15, $0x38;
	[tilespmem:$0x19800] =	vst v63  }
0x3ce: {  	_ =	swait.ge [sflag:s29], $0x400  }
0x3cf: {  	s20 =	sadd.s32 $0x1, s20;
	[sflag:s29] =	ssyncset.done $0x0  }
0x3d0: {  	p0 =	sne.s32 s20, $0x10;
	[sflag:s29] =	ssyncadd.s32 $0xFFFFFC00  }
.Ltmp9:
0x3d1: {  	_ =	swait.ge [sflag:s30], $0x400;
	(pc) =	sbr.rel @p0 .LBB2_2-.Ltmp9, $3  }
0x3d2: {  	[sflag:s30] =	ssyncset.done $0x0  }
0x3d3: {  	[sflag:s30] =	ssyncadd.s32 $0xFFFFFC00  }
0x3d4: {  	[bflag:$0x0] =	sbarrier.arrive $0xFFFF;
	_ =	sdelay $0x1  }
0x3d5: {  	s4 =	rddreg [dreg:$0x10]  }
0x3d6: {  	s0 =	rddreg [dreg:$0xb];
	s4 =	sadd.s32 $0x1, s4  }
0x3d7: {  	p0 =	sne.s32 s4, s0  }
.Ltmp10:
0x3d8: {  	_ = 	snop;
	(pc) =	sbr.rel @p0 .LBB2_1-.Ltmp10, $1  }
0x3d9: {  	_ =	sdelay $0x3  }
0x3da: {  	_ =	sfence.sel $0x180000  }
0x3db: {  	[bflag:$0x0] =	sbarrier.arrive $0xFFFF  }
0x3dc: {  	_ =	strace $0x90000047  }
0x3dd: {  	s0 =	stileid.u32;
	[bflag:$0x2] =	sbarrier.arrive $0xFFFF  }
0x3de: {  	p0 =	sne.s32 s0, $0x0;
	s0 =	rddreg [dreg:$0x4]  }
0x3df: {  	s0 =	sadd.s32 @!p0 $0x100000, s0  }
0x3e0: {  	[sflag:s0] =	ssyncadd.tile.s32 @!p0 $0x1;
	_ =	shalt  }
.Lfunc_end2:
_tile_overlayer_lowered:
.L_overlay_start_2:
0x3e1: {  	(tag) =	ssettag $0x2  }
0x3e2: {  	s0 =	rddreg [dreg:$0x0];
	s2 =	stileid.u32  }
0x3e3: {  	s1 =	rddreg [dreg:$0x1];
	p0 =	sne.s32 s2, $0x0  }
0x3e4: {  	s3 =	rddreg [dreg:$0x2];
	[bflag:$0x3] =	sbarrier.arrive $0xFFFF;
	s2 =	simm.s32 @!p0 $0x1C06  }
0x3e5: {  	[timem:s3], [sflag:s2] =	dma.local @!p0 [hbm:s0], s1  }
0x3e6: {  	s0 =	simm.s32 @!p0 $0x6  }
0x3e7: {  	_ =	swait.ge @!p0 [sflag:s0], s1  }
0x3e8: {  	s1 =	ssub.s32 @!p0 $0x0, s1;
	[sflag:s0] =	ssyncset.done @!p0 $0x0  }
0x3e9: {  	[sflag:s0] =	ssyncadd.s32 @!p0 s1  }
0x3ea: {  	[bflag:$0x3] =	sbarrier.arrive $0xFFFF  }
0x3eb: {  	_ =	shalt  }

</sc_bundles>
